<compile_context>
chip_gen: v7x
topology: tpu7x:2x2x1
jax: 0.10.2.dev20260603
libtpu: 0.0.44.dev20260713+nightly
codegen_flags: <defaults>
</compile_context>

<pallas_src>
import functools

import jax
import jax.numpy as jnp
from jax import lax
from jax.experimental import pallas as pl
from jax.experimental.pallas import tpu as pltpu
from jax.experimental.pallas import tpu_sc as plsc

_N = 10000
_D = 128
_E = 320000
_NC = 2
_NS = 16
_NW = _NC * _NS
_CHUNK = 96
_NCHUNK = 108
_EPW = _NCHUNK * _CHUNK
_NACC = _N + 16
_NBUF = 3
_IB = 6
_OWN = 624
_REM = _N - _NS * _OWN
_LANES = 16


def _seg_body(h_hbm, src_hbm, dst_hbm, out_hbm, acc, *sc):
    rows = list(sc[0:_NBUF])
    gsem = list(sc[_NBUF:2 * _NBUF])
    sidx = list(sc[2 * _NBUF:2 * _NBUF + _IB])
    didx = list(sc[2 * _NBUF + _IB:2 * _NBUF + 2 * _IB])
    isem = list(sc[2 * _NBUF + 2 * _IB:2 * _NBUF + 3 * _IB])
    r0 = rows[0]
    cid = lax.axis_index("c")
    sid = lax.axis_index("s")
    wid = sid * _NC + cid
    ebase = wid * _EPW

    def fire_idx(c, k):
        base = pl.multiple_of(ebase + c * _CHUNK, 8)
        pltpu.async_copy(src_hbm.at[pl.ds(base, _CHUNK)], sidx[k], isem[k])
        pltpu.async_copy(dst_hbm.at[pl.ds(base, _CHUNK)], didx[k], isem[k])

    def wait_idx(k):
        pltpu.make_async_copy(src_hbm.at[pl.ds(0, _CHUNK)], sidx[k],
                              isem[k]).wait()
        pltpu.make_async_copy(src_hbm.at[pl.ds(0, _CHUNK)], didx[k],
                              isem[k]).wait()

    def wait_gather(b):
        pltpu.make_async_copy(h_hbm.at[pl.ds(0, _CHUNK)], rows[b],
                              gsem[b]).wait()

    for k in range(_IB):
        fire_idx(jnp.int32(k), k)

    def zrow(i, carry):
        for j in range(_D // _LANES):
            r0[i, pl.ds(j * _LANES, _LANES)] = jnp.zeros((_LANES,), jnp.float32)
        return carry

    lax.fori_loop(0, _CHUNK, zrow, 0)
    rbase = sid * _OWN
    nfull = _OWN // _CHUNK
    tail = _OWN - nfull * _CHUNK
    for j in range(nfull):
        off = pl.multiple_of(rbase + j * _CHUNK, 8)
        pltpu.sync_copy(r0, acc.at[pl.ds(off, _CHUNK)])
    off = pl.multiple_of(rbase + nfull * _CHUNK, 8)
    pltpu.sync_copy(r0.at[pl.ds(0, tail)], acc.at[pl.ds(off, tail)])

    @pl.when(sid == _NS - 1)
    def _zero_rem():
        pltpu.sync_copy(r0.at[pl.ds(0, _REM)],
                        acc.at[pl.ds(_NS * _OWN, _REM)])

    for b in range(_NBUF):
        wait_idx(b)
        pltpu.async_copy(h_hbm.at[sidx[b]], rows[b], gsem[b])
    plsc.subcore_barrier()

    def body(i, carry):
        for k in range(_IB):
            c = i * _IB + k
            b = k % _NBUF
            k4 = (k + _NBUF) % _IB
            wait_gather(b)
            pltpu.sync_copy(rows[b], acc.at[didx[k]], add=True)
            wait_idx(k4)
            pltpu.async_copy(h_hbm.at[sidx[k4]], rows[b], gsem[b])
            fire_idx(c + _IB, k)
        return carry

    lax.fori_loop(0, _NCHUNK // _IB, body, 0)
    for j in range(_NBUF):
        wait_idx((_NCHUNK + _NBUF + j) % _IB)
        wait_gather((_NCHUNK + j) % _NBUF)
    plsc.subcore_barrier()

    obase = cid * _N + rbase
    nfull = _OWN // _CHUNK
    for j in range(nfull + 1):
        w = _CHUNK if j < nfull else tail
        buf = rows[j % _NBUF]
        aoff = pl.multiple_of(rbase + j * _CHUNK, 8)
        ooff = pl.multiple_of(obase + j * _CHUNK, 8)
        pltpu.sync_copy(acc.at[pl.ds(aoff, w)], buf.at[pl.ds(0, w)])
        pltpu.sync_copy(buf.at[pl.ds(0, w)], out_hbm.at[pl.ds(ooff, w)])

    @pl.when(sid == _NS - 1)
    def _wb_rem():
        pltpu.sync_copy(acc.at[pl.ds(_NS * _OWN, _REM)], r0.at[pl.ds(0, _REM)])
        ooff = pl.multiple_of(cid * _N + _NS * _OWN, 8)
        pltpu.sync_copy(r0.at[pl.ds(0, _REM)], out_hbm.at[pl.ds(ooff, _REM)])


_segsum = functools.partial(
    pl.kernel,
    out_type=jax.ShapeDtypeStruct((_NC * _N, _D), jnp.float32),
    mesh=plsc.VectorSubcoreMesh(core_axis_name="c", subcore_axis_name="s"),
    scratch_types=(
        [pltpu.VMEM_SHARED((_NACC, _D), jnp.float32)]
        + [pltpu.VMEM((_CHUNK, _D), jnp.float32)] * _NBUF
        + [pltpu.SemaphoreType.DMA] * _NBUF
        + [pltpu.VMEM((_CHUNK,), jnp.int32)] * _IB
        + [pltpu.VMEM((_CHUNK,), jnp.int32)] * _IB
        + [pltpu.SemaphoreType.DMA] * _IB
    ),
)(_seg_body)


def _mlp1_body(s_ref, x_ref, p_ref, W1_ref, b1_ref, g1_ref, be1_ref, W2_ref,
               b2_ref, o_ref):
    h = x_ref[...] * s_ref[0, 0] + p_ref[0] + p_ref[1]
    z = jnp.dot(h, W1_ref[...], preferred_element_type=jnp.float32) + b1_ref[...]
    mu = jnp.mean(z, axis=0, keepdims=True)
    zc = z - mu
    var = jnp.mean(zc * zc, axis=0, keepdims=True)
    z = zc * lax.rsqrt(var + 1e-5) * g1_ref[...] + be1_ref[...]
    z = jnp.maximum(z, 0.0)
    z = jnp.dot(z, W2_ref[...], preferred_element_type=jnp.float32) + b2_ref[...]
    o_ref[...] = jnp.maximum(z, 0.0)


def _mlp2_body(s_ref, h_ref, p_ref, W3_ref, b3_ref, g2_ref, be2_ref, W4_ref,
               b4_ref, g3_ref, be3_ref, Wfc_ref, bfc_ref, o_ref):
    h = h_ref[...] * s_ref[0, 0] + p_ref[0] + p_ref[1]
    z = jnp.dot(h, W3_ref[...], preferred_element_type=jnp.float32) + b3_ref[...]
    mu = jnp.mean(z, axis=0, keepdims=True)
    zc = z - mu
    var = jnp.mean(zc * zc, axis=0, keepdims=True)
    z = zc * lax.rsqrt(var + 1e-5) * g2_ref[...] + be2_ref[...]
    z = jnp.maximum(z, 0.0)
    z = jnp.dot(z, W4_ref[...], preferred_element_type=jnp.float32) + b4_ref[...]
    mu2 = jnp.mean(z, axis=0, keepdims=True)
    zc2 = z - mu2
    var2 = jnp.mean(zc2 * zc2, axis=0, keepdims=True)
    z = zc2 * lax.rsqrt(var2 + 1e-5) * g3_ref[...] + be3_ref[...]
    z = jnp.maximum(z, 0.0)
    o_ref[...] = (jnp.dot(z, Wfc_ref[...], preferred_element_type=jnp.float32)
                  + bfc_ref[...])


def kernel(x, edge_index, eps1, W1, b1, g1, be1, W2, b2, eps2, W3, b3, g2,
           be2, W4, b4, g3, be3, Wfc, bfc):
    src = edge_index[0]
    dst = edge_index[1]

    npad = _EPW - _E // _NW
    src_p = jnp.concatenate(
        [jnp.concatenate(
            [src.reshape(_NW, _E // _NW),
             jnp.zeros((_NW, npad), jnp.int32)], axis=1).reshape(_NW * _EPW),
         jnp.zeros((_IB * _CHUNK,), jnp.int32)])
    dst_p = jnp.concatenate(
        [jnp.concatenate(
            [dst.reshape(_NW, _E // _NW),
             jnp.full((_NW, npad), _N, jnp.int32)], axis=1).reshape(_NW * _EPW),
         jnp.full((_IB * _CHUNK,), _N, jnp.int32)])

    p1 = _segsum(x, src_p, dst_p).reshape(2, _N, _D)
    h1 = pl.pallas_call(
        _mlp1_body,
        out_shape=jax.ShapeDtypeStruct((_N, _D), jnp.float32),
    )(
        (1.0 + eps1).reshape(1, 1), x, p1, W1, b1.reshape(1, _D),
        g1.reshape(1, _D), be1.reshape(1, _D), W2, b2.reshape(1, _D),
    )

    p2 = _segsum(h1, src_p, dst_p).reshape(2, _N, _D)
    out = pl.pallas_call(
        _mlp2_body,
        out_shape=jax.ShapeDtypeStruct((_N, Wfc.shape[1]), jnp.float32),
    )(
        (1.0 + eps2).reshape(1, 1), h1, p2, W3, b3.reshape(1, _D),
        g2.reshape(1, _D), be2.reshape(1, _D), W4, b4.reshape(1, _D),
        g3.reshape(1, _D), be3.reshape(1, _D), Wfc,
        bfc.reshape(1, bfc.shape[0]),
    )
    return out

# --- scband reference (transcript-rebuilt; emitter-appended) ---
"""Pipeline reference for scband-gin-36696200577384 (READ-ONLY COPY).

The authoritative reference and input builder live on the scoring server;
editing this copy changes nothing except your own understanding.
"""

import jax, jax.numpy as jnp
import numpy as np

N = 10000
E = 320000
D = 128
H = 128
C = 40


def _linear_init(key, fan_in, fan_out):
    k1, k2 = jax.random.split(key)
    bound = 1.0 / np.sqrt(fan_in)
    W = jax.random.uniform(k1, (fan_in, fan_out), minval=-bound, maxval=bound, dtype=jnp.float32)
    b = jax.random.uniform(k2, (fan_out,), minval=-bound, maxval=bound, dtype=jnp.float32)
    return W, b


def setup_inputs(seed: int = 0) -> dict:
    key = jax.random.key(seed)
    ks = jax.random.split(key, 12)
    inp = {}
    inp['x'] = jax.random.normal(ks[0], (N, D), dtype=jnp.float32)
    inp['edge_index'] = jax.random.randint(ks[1], (2, E), 0, N, dtype=jnp.int32)
    # conv1 MLP: Linear(D,H) -> BN(H) -> ReLU -> Linear(H,H), train_eps (init 0)
    inp['eps1'] = jnp.zeros((), dtype=jnp.float32)
    inp['W1'], inp['b1'] = _linear_init(ks[2], D, H)
    inp['g1'] = jnp.ones((H,), dtype=jnp.float32)
    inp['be1'] = jnp.zeros((H,), dtype=jnp.float32)
    inp['W2'], inp['b2'] = _linear_init(ks[3], H, H)
    # conv2 MLP
    inp['eps2'] = jnp.zeros((), dtype=jnp.float32)
    inp['W3'], inp['b3'] = _linear_init(ks[4], H, H)
    inp['g2'] = jnp.ones((H,), dtype=jnp.float32)
    inp['be2'] = jnp.zeros((H,), dtype=jnp.float32)
    inp['W4'], inp['b4'] = _linear_init(ks[5], H, H)
    # bn2
    inp['g3'] = jnp.ones((H,), dtype=jnp.float32)
    inp['be3'] = jnp.zeros((H,), dtype=jnp.float32)
    # fc
    inp['Wfc'], inp['bfc'] = _linear_init(ks[6], H, C)
    return inp


def _bn(h, g, b):
    mu = jnp.mean(h, axis=0)
    var = jnp.var(h, axis=0)
    return (h - mu) / jnp.sqrt(var + 1e-5) * g + b


def reference(x, edge_index, eps1, W1, b1, g1, be1, W2, b2, eps2, W3, b3, g2, be2, W4, b4, g3, be3, Wfc, bfc):
    src = edge_index[0]
    dst = edge_index[1]

    def gin_conv(h, eps, Wa, ba, g, be, Wb, bb):
        # sum-aggregate neighbor features (scatter-add over dst)
        agg = jax.ops.segment_sum(h[src], dst, num_segments=N)
        out = (1.0 + eps) * h + agg
        out = out @ Wa + ba
        out = _bn(out, g, be)
        out = jax.nn.relu(out)
        out = out @ Wb + bb
        return out

    h = gin_conv(x, eps1, W1, b1, g1, be1, W2, b2)
    h = jax.nn.relu(h)
    # dropout p=0.0 -> identity
    h = gin_conv(h, eps2, W3, b3, g2, be2, W4, b4)
    h = _bn(h, g3, be3)
    h = jax.nn.relu(h)
    return h @ Wfc + bfc

if __name__ == "__main__":
    import jax
    _d = setup_inputs()
    print(jax.jit(kernel)(*tuple(_d.values())))

</pallas_src>

<mosaic_0001>
#map = affine_map<(d0, d1) -> (0, 0)>
#map1 = affine_map<(d0, d1) -> (0)>
module attributes {stable_mosaic.version = 14 : i64} {
  func.func @_seg_body(%arg0: i32, %arg1: i32, %arg2: memref<10000x128xf32, #tpu.memory_space<hbm>>, %arg3: memref<332352xi32, #tpu.memory_space<hbm>>, %arg4: memref<332352xi32, #tpu.memory_space<hbm>>, %arg5: memref<20000x128xf32, #tpu.memory_space<hbm>>, %arg6: memref<10016x128xf32, #tpu.memory_space<vmem_shared>>, %arg7: memref<96x128xf32, #tpu.memory_space<vmem>>, %arg8: memref<96x128xf32, #tpu.memory_space<vmem>>, %arg9: memref<96x128xf32, #tpu.memory_space<vmem>>, %arg10: memref<!tpu.dma_semaphore, #tpu.memory_space<semaphore_mem>>, %arg11: memref<!tpu.dma_semaphore, #tpu.memory_space<semaphore_mem>>, %arg12: memref<!tpu.dma_semaphore, #tpu.memory_space<semaphore_mem>>, %arg13: memref<96xi32, #tpu.memory_space<vmem>>, %arg14: memref<96xi32, #tpu.memory_space<vmem>>, %arg15: memref<96xi32, #tpu.memory_space<vmem>>, %arg16: memref<96xi32, #tpu.memory_space<vmem>>, %arg17: memref<96xi32, #tpu.memory_space<vmem>>, %arg18: memref<96xi32, #tpu.memory_space<vmem>>, %arg19: memref<96xi32, #tpu.memory_space<vmem>>, %arg20: memref<96xi32, #tpu.memory_space<vmem>>, %arg21: memref<96xi32, #tpu.memory_space<vmem>>, %arg22: memref<96xi32, #tpu.memory_space<vmem>>, %arg23: memref<96xi32, #tpu.memory_space<vmem>>, %arg24: memref<96xi32, #tpu.memory_space<vmem>>, %arg25: memref<!tpu.dma_semaphore, #tpu.memory_space<semaphore_mem>>, %arg26: memref<!tpu.dma_semaphore, #tpu.memory_space<semaphore_mem>>, %arg27: memref<!tpu.dma_semaphore, #tpu.memory_space<semaphore_mem>>, %arg28: memref<!tpu.dma_semaphore, #tpu.memory_space<semaphore_mem>>, %arg29: memref<!tpu.dma_semaphore, #tpu.memory_space<semaphore_mem>>, %arg30: memref<!tpu.dma_semaphore, #tpu.memory_space<semaphore_mem>>) attributes {dimension_semantics = [#tpu.dimension_semantics<core_parallel>, #tpu.dimension_semantics<subcore_parallel>], iteration_bounds = array<i64: 2, 16>, scalar_prefetch = 0 : i64, scratch_operands = 25 : i64, tpu.core_type = #tpu.core_type<sc_vector_subcore>, window_params = [{transform_indices = #map}, {transform_indices = #map1}, {transform_indices = #map1}, {transform_indices = #map}]} {
    %mul3A = arith.constant 2 : i32
    %mul3A_0 = arith.muli %arg1, %mul3A : i32
    %add3A = arith.addi %mul3A_0, %arg0 : i32
    %mul3A_1 = arith.constant 10368 : i32
    %mul3A_2 = arith.muli %add3A, %mul3A_1 : i32
    %mul3A_3 = arith.constant 0 : i32
    %mul3A_4 = arith.constant 96 : i32
    %mul3A_5 = arith.muli %mul3A_3, %mul3A_4 : i32
    %add3A_6 = arith.addi %mul3A_2, %mul3A_5 : i32
    %multiple_of3A = tpu.assume_multiple %add3A_6, 8 : i32
    %dma_start3A = tpu.memref_slice %arg3[%multiple_of3A] : memref<332352xi32, #tpu.memory_space<hbm>> -> memref<96xi32, #tpu.memory_space<hbm>>
    %dma_start3A_7 = tpu.memref_slice %arg3[%multiple_of3A] : memref<332352xi32, #tpu.memory_space<hbm>> -> memref<96xi32, #tpu.memory_space<hbm>>
    tpu.enqueue_dma source(%dma_start3A_7 : memref<96xi32, #tpu.memory_space<hbm>>) target(%arg13 : memref<96xi32, #tpu.memory_space<vmem>>) target_semaphore(%arg25 : memref<!tpu.dma_semaphore, #tpu.memory_space<semaphore_mem>>)
    %dma_start3A_8 = tpu.memref_slice %arg4[%multiple_of3A] : memref<332352xi32, #tpu.memory_space<hbm>> -> memref<96xi32, #tpu.memory_space<hbm>>
    %dma_start3A_9 = tpu.memref_slice %arg4[%multiple_of3A] : memref<332352xi32, #tpu.memory_space<hbm>> -> memref<96xi32, #tpu.memory_space<hbm>>
    tpu.enqueue_dma source(%dma_start3A_9 : memref<96xi32, #tpu.memory_space<hbm>>) target(%arg19 : memref<96xi32, #tpu.memory_space<vmem>>) target_semaphore(%arg25 : memref<!tpu.dma_semaphore, #tpu.memory_space<semaphore_mem>>)
    %mul3A_10 = arith.constant 1 : i32
    %mul3A_11 = arith.constant 96 : i32
    %mul3A_12 = arith.muli %mul3A_10, %mul3A_11 : i32
    %add3A_13 = arith.addi %mul3A_2, %mul3A_12 : i32
    %multiple_of3A_14 = tpu.assume_multiple %add3A_13, 8 : i32
    %dma_start3A_15 = tpu.memref_slice %arg3[%multiple_of3A_14] : memref<332352xi32, #tpu.memory_space<hbm>> -> memref<96xi32, #tpu.memory_space<hbm>>
    %dma_start3A_16 = tpu.memref_slice %arg3[%multiple_of3A_14] : memref<332352xi32, #tpu.memory_space<hbm>> -> memref<96xi32, #tpu.memory_space<hbm>>
    tpu.enqueue_dma source(%dma_start3A_16 : memref<96xi32, #tpu.memory_space<hbm>>) target(%arg14 : memref<96xi32, #tpu.memory_space<vmem>>) target_semaphore(%arg26 : memref<!tpu.dma_semaphore, #tpu.memory_space<semaphore_mem>>)
    %dma_start3A_17 = tpu.memref_slice %arg4[%multiple_of3A_14] : memref<332352xi32, #tpu.memory_space<hbm>> -> memref<96xi32, #tpu.memory_space<hbm>>
    %dma_start3A_18 = tpu.memref_slice %arg4[%multiple_of3A_14] : memref<332352xi32, #tpu.memory_space<hbm>> -> memref<96xi32, #tpu.memory_space<hbm>>
    tpu.enqueue_dma source(%dma_start3A_18 : memref<96xi32, #tpu.memory_space<hbm>>) target(%arg20 : memref<96xi32, #tpu.memory_space<vmem>>) target_semaphore(%arg26 : memref<!tpu.dma_semaphore, #tpu.memory_space<semaphore_mem>>)
    %mul3A_19 = arith.constant 2 : i32
    %mul3A_20 = arith.constant 96 : i32
    %mul3A_21 = arith.muli %mul3A_19, %mul3A_20 : i32
    %add3A_22 = arith.addi %mul3A_2, %mul3A_21 : i32
    %multiple_of3A_23 = tpu.assume_multiple %add3A_22, 8 : i32
    %dma_start3A_24 = tpu.memref_slice %arg3[%multiple_of3A_23] : memref<332352xi32, #tpu.memory_space<hbm>> -> memref<96xi32, #tpu.memory_space<hbm>>
    %dma_start3A_25 = tpu.memref_slice %arg3[%multiple_of3A_23] : memref<332352xi32, #tpu.memory_space<hbm>> -> memref<96xi32, #tpu.memory_space<hbm>>
    tpu.enqueue_dma source(%dma_start3A_25 : memref<96xi32, #tpu.memory_space<hbm>>) target(%arg15 : memref<96xi32, #tpu.memory_space<vmem>>) target_semaphore(%arg27 : memref<!tpu.dma_semaphore, #tpu.memory_space<semaphore_mem>>)
    %dma_start3A_26 = tpu.memref_slice %arg4[%multiple_of3A_23] : memref<332352xi32, #tpu.memory_space<hbm>> -> memref<96xi32, #tpu.memory_space<hbm>>
    %dma_start3A_27 = tpu.memref_slice %arg4[%multiple_of3A_23] : memref<332352xi32, #tpu.memory_space<hbm>> -> memref<96xi32, #tpu.memory_space<hbm>>
    tpu.enqueue_dma source(%dma_start3A_27 : memref<96xi32, #tpu.memory_space<hbm>>) target(%arg21 : memref<96xi32, #tpu.memory_space<vmem>>) target_semaphore(%arg27 : memref<!tpu.dma_semaphore, #tpu.memory_space<semaphore_mem>>)
    %mul3A_28 = arith.constant 3 : i32
    %mul3A_29 = arith.constant 96 : i32
    %mul3A_30 = arith.muli %mul3A_28, %mul3A_29 : i32
    %add3A_31 = arith.addi %mul3A_2, %mul3A_30 : i32
    %multiple_of3A_32 = tpu.assume_multiple %add3A_31, 8 : i32
    %dma_start3A_33 = tpu.memref_slice %arg3[%multiple_of3A_32] : memref<332352xi32, #tpu.memory_space<hbm>> -> memref<96xi32, #tpu.memory_space<hbm>>
    %dma_start3A_34 = tpu.memref_slice %arg3[%multiple_of3A_32] : memref<332352xi32, #tpu.memory_space<hbm>> -> memref<96xi32, #tpu.memory_space<hbm>>
    tpu.enqueue_dma source(%dma_start3A_34 : memref<96xi32, #tpu.memory_space<hbm>>) target(%arg16 : memref<96xi32, #tpu.memory_space<vmem>>) target_semaphore(%arg28 : memref<!tpu.dma_semaphore, #tpu.memory_space<semaphore_mem>>)
    %dma_start3A_35 = tpu.memref_slice %arg4[%multiple_of3A_32] : memref<332352xi32, #tpu.memory_space<hbm>> -> memref<96xi32, #tpu.memory_space<hbm>>
    %dma_start3A_36 = tpu.memref_slice %arg4[%multiple_of3A_32] : memref<332352xi32, #tpu.memory_space<hbm>> -> memref<96xi32, #tpu.memory_space<hbm>>
    tpu.enqueue_dma source(%dma_start3A_36 : memref<96xi32, #tpu.memory_space<hbm>>) target(%arg22 : memref<96xi32, #tpu.memory_space<vmem>>) target_semaphore(%arg28 : memref<!tpu.dma_semaphore, #tpu.memory_space<semaphore_mem>>)
    %mul3A_37 = arith.constant 4 : i32
    %mul3A_38 = arith.constant 96 : i32
    %mul3A_39 = arith.muli %mul3A_37, %mul3A_38 : i32
    %add3A_40 = arith.addi %mul3A_2, %mul3A_39 : i32
    %multiple_of3A_41 = tpu.assume_multiple %add3A_40, 8 : i32
    %dma_start3A_42 = tpu.memref_slice %arg3[%multiple_of3A_41] : memref<332352xi32, #tpu.memory_space<hbm>> -> memref<96xi32, #tpu.memory_space<hbm>>
    %dma_start3A_43 = tpu.memref_slice %arg3[%multiple_of3A_41] : memref<332352xi32, #tpu.memory_space<hbm>> -> memref<96xi32, #tpu.memory_space<hbm>>
    tpu.enqueue_dma source(%dma_start3A_43 : memref<96xi32, #tpu.memory_space<hbm>>) target(%arg17 : memref<96xi32, #tpu.memory_space<vmem>>) target_semaphore(%arg29 : memref<!tpu.dma_semaphore, #tpu.memory_space<semaphore_mem>>)
    %dma_start3A_44 = tpu.memref_slice %arg4[%multiple_of3A_41] : memref<332352xi32, #tpu.memory_space<hbm>> -> memref<96xi32, #tpu.memory_space<hbm>>
    %dma_start3A_45 = tpu.memref_slice %arg4[%multiple_of3A_41] : memref<332352xi32, #tpu.memory_space<hbm>> -> memref<96xi32, #tpu.memory_space<hbm>>
    tpu.enqueue_dma source(%dma_start3A_45 : memref<96xi32, #tpu.memory_space<hbm>>) target(%arg23 : memref<96xi32, #tpu.memory_space<vmem>>) target_semaphore(%arg29 : memref<!tpu.dma_semaphore, #tpu.memory_space<semaphore_mem>>)
    %mul3A_46 = arith.constant 5 : i32
    %mul3A_47 = arith.constant 96 : i32
    %mul3A_48 = arith.muli %mul3A_46, %mul3A_47 : i32
    %add3A_49 = arith.addi %mul3A_2, %mul3A_48 : i32
    %multiple_of3A_50 = tpu.assume_multiple %add3A_49, 8 : i32
    %dma_start3A_51 = tpu.memref_slice %arg3[%multiple_of3A_50] : memref<332352xi32, #tpu.memory_space<hbm>> -> memref<96xi32, #tpu.memory_space<hbm>>
    %dma_start3A_52 = tpu.memref_slice %arg3[%multiple_of3A_50] : memref<332352xi32, #tpu.memory_space<hbm>> -> memref<96xi32, #tpu.memory_space<hbm>>
    tpu.enqueue_dma source(%dma_start3A_52 : memref<96xi32, #tpu.memory_space<hbm>>) target(%arg18 : memref<96xi32, #tpu.memory_space<vmem>>) target_semaphore(%arg30 : memref<!tpu.dma_semaphore, #tpu.memory_space<semaphore_mem>>)
    %dma_start3A_53 = tpu.memref_slice %arg4[%multiple_of3A_50] : memref<332352xi32, #tpu.memory_space<hbm>> -> memref<96xi32, #tpu.memory_space<hbm>>
    %dma_start3A_54 = tpu.memref_slice %arg4[%multiple_of3A_50] : memref<332352xi32, #tpu.memory_space<hbm>> -> memref<96xi32, #tpu.memory_space<hbm>>
    tpu.enqueue_dma source(%dma_start3A_54 : memref<96xi32, #tpu.memory_space<hbm>>) target(%arg24 : memref<96xi32, #tpu.memory_space<vmem>>) target_semaphore(%arg30 : memref<!tpu.dma_semaphore, #tpu.memory_space<semaphore_mem>>)
    %scan3A = arith.constant 0 : i32
    %scan3A_55 = arith.constant 0 : i32
    %scan3A_56 = arith.constant 96 : i32
    %scan3A_57 = arith.addi %scan3A_55, %scan3A_56 : i32
    %scan3A_58 = arith.constant 1 : i32
    scf.for %scan3A_216 = %scan3A_55 to %scan3A_57 step %scan3A_58  : i32 {
      %broadcast_in_dim3A = arith.constant 0.000000e+00 : f32
      %broadcast_in_dim3A_217 = vector.broadcast %broadcast_in_dim3A : f32 to vector<16xf32>
      %swap3A = arith.index_cast %scan3A_216 : i32 to index
      %swap3A_218 = arith.constant 0 : index
      %swap3A_219 = tpu.vector_load %arg7[%swap3A, %swap3A_218] {strides = array<i32>} : memref<96x128xf32, #tpu.memory_space<vmem>>, vector<1x16xf32>,
      %swap3A_220 = vector.shape_cast %swap3A_219 : vector<1x16xf32> to vector<16xf32>
      %swap3A_221 = vector.shape_cast %broadcast_in_dim3A_217 : vector<16xf32> to vector<1x16xf32>
      tpu.vector_store %arg7[%swap3A, %swap3A_218], %swap3A_221 {strides = array<i32>} : memref<96x128xf32, #tpu.memory_space<vmem>>, vector<1x16xf32>,
      %broadcast_in_dim3A_222 = arith.constant 0.000000e+00 : f32
      %broadcast_in_dim3A_223 = vector.broadcast %broadcast_in_dim3A_222 : f32 to vector<16xf32>
      %swap3A_224 = arith.index_cast %scan3A_216 : i32 to index
      %swap3A_225 = arith.constant 16 : index
      %swap3A_226 = tpu.vector_load %arg7[%swap3A_224, %swap3A_225] {strides = array<i32>} : memref<96x128xf32, #tpu.memory_space<vmem>>, vector<1x16xf32>,
      %swap3A_227 = vector.shape_cast %swap3A_226 : vector<1x16xf32> to vector<16xf32>
      %swap3A_228 = vector.shape_cast %broadcast_in_dim3A_223 : vector<16xf32> to vector<1x16xf32>
      tpu.vector_store %arg7[%swap3A_224, %swap3A_225], %swap3A_228 {strides = array<i32>} : memref<96x128xf32, #tpu.memory_space<vmem>>, vector<1x16xf32>,
      %broadcast_in_dim3A_229 = arith.constant 0.000000e+00 : f32
      %broadcast_in_dim3A_230 = vector.broadcast %broadcast_in_dim3A_229 : f32 to vector<16xf32>
      %swap3A_231 = arith.index_cast %scan3A_216 : i32 to index
      %swap3A_232 = arith.constant 32 : index
      %swap3A_233 = tpu.vector_load %arg7[%swap3A_231, %swap3A_232] {strides = array<i32>} : memref<96x128xf32, #tpu.memory_space<vmem>>, vector<1x16xf32>,
      %swap3A_234 = vector.shape_cast %swap3A_233 : vector<1x16xf32> to vector<16xf32>
      %swap3A_235 = vector.shape_cast %broadcast_in_dim3A_230 : vector<16xf32> to vector<1x16xf32>
      tpu.vector_store %arg7[%swap3A_231, %swap3A_232], %swap3A_235 {strides = array<i32>} : memref<96x128xf32, #tpu.memory_space<vmem>>, vector<1x16xf32>,
      %broadcast_in_dim3A_236 = arith.constant 0.000000e+00 : f32
      %broadcast_in_dim3A_237 = vector.broadcast %broadcast_in_dim3A_236 : f32 to vector<16xf32>
      %swap3A_238 = arith.index_cast %scan3A_216 : i32 to index
      %swap3A_239 = arith.constant 48 : index
      %swap3A_240 = tpu.vector_load %arg7[%swap3A_238, %swap3A_239] {strides = array<i32>} : memref<96x128xf32, #tpu.memory_space<vmem>>, vector<1x16xf32>,
      %swap3A_241 = vector.shape_cast %swap3A_240 : vector<1x16xf32> to vector<16xf32>
      %swap3A_242 = vector.shape_cast %broadcast_in_dim3A_237 : vector<16xf32> to vector<1x16xf32>
      tpu.vector_store %arg7[%swap3A_238, %swap3A_239], %swap3A_242 {strides = array<i32>} : memref<96x128xf32, #tpu.memory_space<vmem>>, vector<1x16xf32>,
      %broadcast_in_dim3A_243 = arith.constant 0.000000e+00 : f32
      %broadcast_in_dim3A_244 = vector.broadcast %broadcast_in_dim3A_243 : f32 to vector<16xf32>
      %swap3A_245 = arith.index_cast %scan3A_216 : i32 to index
      %swap3A_246 = arith.constant 64 : index
      %swap3A_247 = tpu.vector_load %arg7[%swap3A_245, %swap3A_246] {strides = array<i32>} : memref<96x128xf32, #tpu.memory_space<vmem>>, vector<1x16xf32>,
      %swap3A_248 = vector.shape_cast %swap3A_247 : vector<1x16xf32> to vector<16xf32>
      %swap3A_249 = vector.shape_cast %broadcast_in_dim3A_244 : vector<16xf32> to vector<1x16xf32>
      tpu.vector_store %arg7[%swap3A_245, %swap3A_246], %swap3A_249 {strides = array<i32>} : memref<96x128xf32, #tpu.memory_space<vmem>>, vector<1x16xf32>,
      %broadcast_in_dim3A_250 = arith.constant 0.000000e+00 : f32
      %broadcast_in_dim3A_251 = vector.broadcast %broadcast_in_dim3A_250 : f32 to vector<16xf32>
      %swap3A_252 = arith.index_cast %scan3A_216 : i32 to index
      %swap3A_253 = arith.constant 80 : index
      %swap3A_254 = tpu.vector_load %arg7[%swap3A_252, %swap3A_253] {strides = array<i32>} : memref<96x128xf32, #tpu.memory_space<vmem>>, vector<1x16xf32>,
      %swap3A_255 = vector.shape_cast %swap3A_254 : vector<1x16xf32> to vector<16xf32>
      %swap3A_256 = vector.shape_cast %broadcast_in_dim3A_251 : vector<16xf32> to vector<1x16xf32>
      tpu.vector_store %arg7[%swap3A_252, %swap3A_253], %swap3A_256 {strides = array<i32>} : memref<96x128xf32, #tpu.memory_space<vmem>>, vector<1x16xf32>,
      %broadcast_in_dim3A_257 = arith.constant 0.000000e+00 : f32
      %broadcast_in_dim3A_258 = vector.broadcast %broadcast_in_dim3A_257 : f32 to vector<16xf32>
      %swap3A_259 = arith.index_cast %scan3A_216 : i32 to index
      %swap3A_260 = arith.constant 96 : index
      %swap3A_261 = tpu.vector_load %arg7[%swap3A_259, %swap3A_260] {strides = array<i32>} : memref<96x128xf32, #tpu.memory_space<vmem>>, vector<1x16xf32>,
      %swap3A_262 = vector.shape_cast %swap3A_261 : vector<1x16xf32> to vector<16xf32>
      %swap3A_263 = vector.shape_cast %broadcast_in_dim3A_258 : vector<16xf32> to vector<1x16xf32>
      tpu.vector_store %arg7[%swap3A_259, %swap3A_260], %swap3A_263 {strides = array<i32>} : memref<96x128xf32, #tpu.memory_space<vmem>>, vector<1x16xf32>,
      %broadcast_in_dim3A_264 = arith.constant 0.000000e+00 : f32
      %broadcast_in_dim3A_265 = vector.broadcast %broadcast_in_dim3A_264 : f32 to vector<16xf32>
      %swap3A_266 = arith.index_cast %scan3A_216 : i32 to index
      %swap3A_267 = arith.constant 112 : index
      %swap3A_268 = tpu.vector_load %arg7[%swap3A_266, %swap3A_267] {strides = array<i32>} : memref<96x128xf32, #tpu.memory_space<vmem>>, vector<1x16xf32>,
      %swap3A_269 = vector.shape_cast %swap3A_268 : vector<1x16xf32> to vector<16xf32>
      %swap3A_270 = vector.shape_cast %broadcast_in_dim3A_265 : vector<16xf32> to vector<1x16xf32>
      tpu.vector_store %arg7[%swap3A_266, %swap3A_267], %swap3A_270 {strides = array<i32>} : memref<96x128xf32, #tpu.memory_space<vmem>>, vector<1x16xf32>,
    }
    %scan3A_59 = arith.constant 96 : i32
    %mul3A_60 = arith.constant 624 : i32
    %mul3A_61 = arith.muli %arg1, %mul3A_60 : i32
    %add3A_62 = arith.constant 0 : i32
    %add3A_63 = arith.addi %mul3A_61, %add3A_62 : i32
    %multiple_of3A_64 = tpu.assume_multiple %add3A_63, 8 : i32
    "tpu.region"() ({
      %run_scoped3A = tpu.sem_alloc : memref<!tpu.dma_semaphore, #tpu.memory_space<semaphore_mem>>
      %dma_start3A_216 = arith.constant 0 : i32
      %dma_start3A_217 = tpu.memref_slice %arg6[%multiple_of3A_64, %dma_start3A_216] : memref<10016x128xf32, #tpu.memory_space<vmem_shared>> -> memref<96x128xf32, #tpu.memory_space<vmem_shared>>
      %dma_start3A_218 = arith.constant 0 : i32
      %dma_start3A_219 = tpu.memref_slice %arg6[%multiple_of3A_64, %dma_start3A_218] : memref<10016x128xf32, #tpu.memory_space<vmem_shared>> -> memref<96x128xf32, #tpu.memory_space<vmem_shared>>
      tpu.enqueue_dma source(%arg7 : memref<96x128xf32, #tpu.memory_space<vmem>>) target(%dma_start3A_219 : memref<96x128xf32, #tpu.memory_space<vmem_shared>>) target_semaphore(%run_scoped3A : memref<!tpu.dma_semaphore, #tpu.memory_space<semaphore_mem>>)
      %dma_wait3A_220 = arith.constant 0 : i32
      %dma_wait3A_221 = tpu.memref_slice %arg6[%multiple_of3A_64, %dma_wait3A_220] : memref<10016x128xf32, #tpu.memory_space<vmem_shared>> -> memref<96x128xf32, #tpu.memory_space<vmem_shared>>
      %dma_wait3A_222 = arith.constant 0 : i32
      %dma_wait3A_223 = tpu.memref_slice %arg6[%multiple_of3A_64, %dma_wait3A_222] : memref<10016x128xf32, #tpu.memory_space<vmem_shared>> -> memref<96x128xf32, #tpu.memory_space<vmem_shared>>
      tpu.wait_dma2 semaphore(%run_scoped3A : memref<!tpu.dma_semaphore, #tpu.memory_space<semaphore_mem>>) src(%arg7 : memref<96x128xf32, #tpu.memory_space<vmem>>) dst(%dma_wait3A_223 : memref<96x128xf32, #tpu.memory_space<vmem_shared>>)
      tpu.yield
    }) : () -> ()
    %add3A_65 = arith.constant 96 : i32
    %add3A_66 = arith.addi %mul3A_61, %add3A_65 : i32
    %multiple_of3A_67 = tpu.assume_multiple %add3A_66, 8 : i32
    "tpu.region"() ({
      %run_scoped3A = tpu.sem_alloc : memref<!tpu.dma_semaphore, #tpu.memory_space<semaphore_mem>>
      %dma_start3A_216 = arith.constant 0 : i32
      %dma_start3A_217 = tpu.memref_slice %arg6[%multiple_of3A_67, %dma_start3A_216] : memref<10016x128xf32, #tpu.memory_space<vmem_shared>> -> memref<96x128xf32, #tpu.memory_space<vmem_shared>>
      %dma_start3A_218 = arith.constant 0 : i32
      %dma_start3A_219 = tpu.memref_slice %arg6[%multiple_of3A_67, %dma_start3A_218] : memref<10016x128xf32, #tpu.memory_space<vmem_shared>> -> memref<96x128xf32, #tpu.memory_space<vmem_shared>>
      tpu.enqueue_dma source(%arg7 : memref<96x128xf32, #tpu.memory_space<vmem>>) target(%dma_start3A_219 : memref<96x128xf32, #tpu.memory_space<vmem_shared>>) target_semaphore(%run_scoped3A : memref<!tpu.dma_semaphore, #tpu.memory_space<semaphore_mem>>)
      %dma_wait3A_220 = arith.constant 0 : i32
      %dma_wait3A_221 = tpu.memref_slice %arg6[%multiple_of3A_67, %dma_wait3A_220] : memref<10016x128xf32, #tpu.memory_space<vmem_shared>> -> memref<96x128xf32, #tpu.memory_space<vmem_shared>>
      %dma_wait3A_222 = arith.constant 0 : i32
      %dma_wait3A_223 = tpu.memref_slice %arg6[%multiple_of3A_67, %dma_wait3A_222] : memref<10016x128xf32, #tpu.memory_space<vmem_shared>> -> memref<96x128xf32, #tpu.memory_space<vmem_shared>>
      tpu.wait_dma2 semaphore(%run_scoped3A : memref<!tpu.dma_semaphore, #tpu.memory_space<semaphore_mem>>) src(%arg7 : memref<96x128xf32, #tpu.memory_space<vmem>>) dst(%dma_wait3A_223 : memref<96x128xf32, #tpu.memory_space<vmem_shared>>)
      tpu.yield
    }) : () -> ()
    %add3A_68 = arith.constant 192 : i32
    %add3A_69 = arith.addi %mul3A_61, %add3A_68 : i32
    %multiple_of3A_70 = tpu.assume_multiple %add3A_69, 8 : i32
    "tpu.region"() ({
      %run_scoped3A = tpu.sem_alloc : memref<!tpu.dma_semaphore, #tpu.memory_space<semaphore_mem>>
      %dma_start3A_216 = arith.constant 0 : i32
      %dma_start3A_217 = tpu.memref_slice %arg6[%multiple_of3A_70, %dma_start3A_216] : memref<10016x128xf32, #tpu.memory_space<vmem_shared>> -> memref<96x128xf32, #tpu.memory_space<vmem_shared>>
      %dma_start3A_218 = arith.constant 0 : i32
      %dma_start3A_219 = tpu.memref_slice %arg6[%multiple_of3A_70, %dma_start3A_218] : memref<10016x128xf32, #tpu.memory_space<vmem_shared>> -> memref<96x128xf32, #tpu.memory_space<vmem_shared>>
      tpu.enqueue_dma source(%arg7 : memref<96x128xf32, #tpu.memory_space<vmem>>) target(%dma_start3A_219 : memref<96x128xf32, #tpu.memory_space<vmem_shared>>) target_semaphore(%run_scoped3A : memref<!tpu.dma_semaphore, #tpu.memory_space<semaphore_mem>>)
      %dma_wait3A_220 = arith.constant 0 : i32
      %dma_wait3A_221 = tpu.memref_slice %arg6[%multiple_of3A_70, %dma_wait3A_220] : memref<10016x128xf32, #tpu.memory_space<vmem_shared>> -> memref<96x128xf32, #tpu.memory_space<vmem_shared>>
      %dma_wait3A_222 = arith.constant 0 : i32
      %dma_wait3A_223 = tpu.memref_slice %arg6[%multiple_of3A_70, %dma_wait3A_222] : memref<10016x128xf32, #tpu.memory_space<vmem_shared>> -> memref<96x128xf32, #tpu.memory_space<vmem_shared>>
      tpu.wait_dma2 semaphore(%run_scoped3A : memref<!tpu.dma_semaphore, #tpu.memory_space<semaphore_mem>>) src(%arg7 : memref<96x128xf32, #tpu.memory_space<vmem>>) dst(%dma_wait3A_223 : memref<96x128xf32, #tpu.memory_space<vmem_shared>>)
      tpu.yield
    }) : () -> ()
    %add3A_71 = arith.constant 288 : i32
    %add3A_72 = arith.addi %mul3A_61, %add3A_71 : i32
    %multiple_of3A_73 = tpu.assume_multiple %add3A_72, 8 : i32
    "tpu.region"() ({
      %run_scoped3A = tpu.sem_alloc : memref<!tpu.dma_semaphore, #tpu.memory_space<semaphore_mem>>
      %dma_start3A_216 = arith.constant 0 : i32
      %dma_start3A_217 = tpu.memref_slice %arg6[%multiple_of3A_73, %dma_start3A_216] : memref<10016x128xf32, #tpu.memory_space<vmem_shared>> -> memref<96x128xf32, #tpu.memory_space<vmem_shared>>
      %dma_start3A_218 = arith.constant 0 : i32
      %dma_start3A_219 = tpu.memref_slice %arg6[%multiple_of3A_73, %dma_start3A_218] : memref<10016x128xf32, #tpu.memory_space<vmem_shared>> -> memref<96x128xf32, #tpu.memory_space<vmem_shared>>
      tpu.enqueue_dma source(%arg7 : memref<96x128xf32, #tpu.memory_space<vmem>>) target(%dma_start3A_219 : memref<96x128xf32, #tpu.memory_space<vmem_shared>>) target_semaphore(%run_scoped3A : memref<!tpu.dma_semaphore, #tpu.memory_space<semaphore_mem>>)
      %dma_wait3A_220 = arith.constant 0 : i32
      %dma_wait3A_221 = tpu.memref_slice %arg6[%multiple_of3A_73, %dma_wait3A_220] : memref<10016x128xf32, #tpu.memory_space<vmem_shared>> -> memref<96x128xf32, #tpu.memory_space<vmem_shared>>
      %dma_wait3A_222 = arith.constant 0 : i32
      %dma_wait3A_223 = tpu.memref_slice %arg6[%multiple_of3A_73, %dma_wait3A_222] : memref<10016x128xf32, #tpu.memory_space<vmem_shared>> -> memref<96x128xf32, #tpu.memory_space<vmem_shared>>
      tpu.wait_dma2 semaphore(%run_scoped3A : memref<!tpu.dma_semaphore, #tpu.memory_space<semaphore_mem>>) src(%arg7 : memref<96x128xf32, #tpu.memory_space<vmem>>) dst(%dma_wait3A_223 : memref<96x128xf32, #tpu.memory_space<vmem_shared>>)
      tpu.yield
    }) : () -> ()
    %add3A_74 = arith.constant 384 : i32
    %add3A_75 = arith.addi %mul3A_61, %add3A_74 : i32
    %multiple_of3A_76 = tpu.assume_multiple %add3A_75, 8 : i32
    "tpu.region"() ({
      %run_scoped3A = tpu.sem_alloc : memref<!tpu.dma_semaphore, #tpu.memory_space<semaphore_mem>>
      %dma_start3A_216 = arith.constant 0 : i32
      %dma_start3A_217 = tpu.memref_slice %arg6[%multiple_of3A_76, %dma_start3A_216] : memref<10016x128xf32, #tpu.memory_space<vmem_shared>> -> memref<96x128xf32, #tpu.memory_space<vmem_shared>>
      %dma_start3A_218 = arith.constant 0 : i32
      %dma_start3A_219 = tpu.memref_slice %arg6[%multiple_of3A_76, %dma_start3A_218] : memref<10016x128xf32, #tpu.memory_space<vmem_shared>> -> memref<96x128xf32, #tpu.memory_space<vmem_shared>>
      tpu.enqueue_dma source(%arg7 : memref<96x128xf32, #tpu.memory_space<vmem>>) target(%dma_start3A_219 : memref<96x128xf32, #tpu.memory_space<vmem_shared>>) target_semaphore(%run_scoped3A : memref<!tpu.dma_semaphore, #tpu.memory_space<semaphore_mem>>)
      %dma_wait3A_220 = arith.constant 0 : i32
      %dma_wait3A_221 = tpu.memref_slice %arg6[%multiple_of3A_76, %dma_wait3A_220] : memref<10016x128xf32, #tpu.memory_space<vmem_shared>> -> memref<96x128xf32, #tpu.memory_space<vmem_shared>>
      %dma_wait3A_222 = arith.constant 0 : i32
      %dma_wait3A_223 = tpu.memref_slice %arg6[%multiple_of3A_76, %dma_wait3A_222] : memref<10016x128xf32, #tpu.memory_space<vmem_shared>> -> memref<96x128xf32, #tpu.memory_space<vmem_shared>>
      tpu.wait_dma2 semaphore(%run_scoped3A : memref<!tpu.dma_semaphore, #tpu.memory_space<semaphore_mem>>) src(%arg7 : memref<96x128xf32, #tpu.memory_space<vmem>>) dst(%dma_wait3A_223 : memref<96x128xf32, #tpu.memory_space<vmem_shared>>)
      tpu.yield
    }) : () -> ()
    %add3A_77 = arith.constant 480 : i32
    %add3A_78 = arith.addi %mul3A_61, %add3A_77 : i32
    %multiple_of3A_79 = tpu.assume_multiple %add3A_78, 8 : i32
    "tpu.region"() ({
      %run_scoped3A = tpu.sem_alloc : memref<!tpu.dma_semaphore, #tpu.memory_space<semaphore_mem>>
      %dma_start3A_216 = arith.constant 0 : i32
      %dma_start3A_217 = tpu.memref_slice %arg6[%multiple_of3A_79, %dma_start3A_216] : memref<10016x128xf32, #tpu.memory_space<vmem_shared>> -> memref<96x128xf32, #tpu.memory_space<vmem_shared>>
      %dma_start3A_218 = arith.constant 0 : i32
      %dma_start3A_219 = tpu.memref_slice %arg6[%multiple_of3A_79, %dma_start3A_218] : memref<10016x128xf32, #tpu.memory_space<vmem_shared>> -> memref<96x128xf32, #tpu.memory_space<vmem_shared>>
      tpu.enqueue_dma source(%arg7 : memref<96x128xf32, #tpu.memory_space<vmem>>) target(%dma_start3A_219 : memref<96x128xf32, #tpu.memory_space<vmem_shared>>) target_semaphore(%run_scoped3A : memref<!tpu.dma_semaphore, #tpu.memory_space<semaphore_mem>>)
      %dma_wait3A_220 = arith.constant 0 : i32
      %dma_wait3A_221 = tpu.memref_slice %arg6[%multiple_of3A_79, %dma_wait3A_220] : memref<10016x128xf32, #tpu.memory_space<vmem_shared>> -> memref<96x128xf32, #tpu.memory_space<vmem_shared>>
      %dma_wait3A_222 = arith.constant 0 : i32
      %dma_wait3A_223 = tpu.memref_slice %arg6[%multiple_of3A_79, %dma_wait3A_222] : memref<10016x128xf32, #tpu.memory_space<vmem_shared>> -> memref<96x128xf32, #tpu.memory_space<vmem_shared>>
      tpu.wait_dma2 semaphore(%run_scoped3A : memref<!tpu.dma_semaphore, #tpu.memory_space<semaphore_mem>>) src(%arg7 : memref<96x128xf32, #tpu.memory_space<vmem>>) dst(%dma_wait3A_223 : memref<96x128xf32, #tpu.memory_space<vmem_shared>>)
      tpu.yield
    }) : () -> ()
    %add3A_80 = arith.constant 576 : i32
    %add3A_81 = arith.addi %mul3A_61, %add3A_80 : i32
    %multiple_of3A_82 = tpu.assume_multiple %add3A_81, 8 : i32
    "tpu.region"() ({
      %run_scoped3A = tpu.sem_alloc : memref<!tpu.dma_semaphore, #tpu.memory_space<semaphore_mem>>
      %dma_start3A_216 = arith.constant 0 : i32
      %dma_start3A_217 = arith.constant 0 : i32
      %dma_start3A_218 = tpu.memref_slice %arg7[%dma_start3A_216, %dma_start3A_217] : memref<96x128xf32, #tpu.memory_space<vmem>> -> memref<48x128xf32, #tpu.memory_space<vmem>>
      %dma_start3A_219 = arith.constant 0 : i32
      %dma_start3A_220 = tpu.memref_slice %arg6[%multiple_of3A_82, %dma_start3A_219] : memref<10016x128xf32, #tpu.memory_space<vmem_shared>> -> memref<48x128xf32, #tpu.memory_space<vmem_shared>>
      %dma_start3A_221 = arith.constant 0 : i32
      %dma_start3A_222 = tpu.memref_slice %arg6[%multiple_of3A_82, %dma_start3A_221] : memref<10016x128xf32, #tpu.memory_space<vmem_shared>> -> memref<48x128xf32, #tpu.memory_space<vmem_shared>>
      %dma_start3A_223 = arith.constant 0 : i32
      %dma_start3A_224 = arith.constant 0 : i32
      %dma_start3A_225 = tpu.memref_slice %arg7[%dma_start3A_223, %dma_start3A_224] : memref<96x128xf32, #tpu.memory_space<vmem>> -> memref<48x128xf32, #tpu.memory_space<vmem>>
      tpu.enqueue_dma source(%dma_start3A_225 : memref<48x128xf32, #tpu.memory_space<vmem>>) target(%dma_start3A_222 : memref<48x128xf32, #tpu.memory_space<vmem_shared>>) target_semaphore(%run_scoped3A : memref<!tpu.dma_semaphore, #tpu.memory_space<semaphore_mem>>)
      %dma_wait3A_226 = arith.constant 0 : i32
      %dma_wait3A_227 = arith.constant 0 : i32
      %dma_wait3A_228 = tpu.memref_slice %arg7[%dma_wait3A_226, %dma_wait3A_227] : memref<96x128xf32, #tpu.memory_space<vmem>> -> memref<48x128xf32, #tpu.memory_space<vmem>>
      %dma_wait3A_229 = arith.constant 0 : i32
      %dma_wait3A_230 = tpu.memref_slice %arg6[%multiple_of3A_82, %dma_wait3A_229] : memref<10016x128xf32, #tpu.memory_space<vmem_shared>> -> memref<48x128xf32, #tpu.memory_space<vmem_shared>>
      %dma_wait3A_231 = arith.constant 0 : i32
      %dma_wait3A_232 = tpu.memref_slice %arg6[%multiple_of3A_82, %dma_wait3A_231] : memref<10016x128xf32, #tpu.memory_space<vmem_shared>> -> memref<48x128xf32, #tpu.memory_space<vmem_shared>>
      %dma_wait3A_233 = arith.constant 0 : i32
      %dma_wait3A_234 = arith.constant 0 : i32
      %dma_wait3A_235 = tpu.memref_slice %arg7[%dma_wait3A_233, %dma_wait3A_234] : memref<96x128xf32, #tpu.memory_space<vmem>> -> memref<48x128xf32, #tpu.memory_space<vmem>>
      tpu.wait_dma2 semaphore(%run_scoped3A : memref<!tpu.dma_semaphore, #tpu.memory_space<semaphore_mem>>) src(%dma_wait3A_235 : memref<48x128xf32, #tpu.memory_space<vmem>>) dst(%dma_wait3A_232 : memref<48x128xf32, #tpu.memory_space<vmem_shared>>)
      tpu.yield
    }) : () -> ()
    %eq3A = arith.constant 15 : i32
    %eq3A_83 = arith.cmpi eq, %arg1, %eq3A : i32
    %convert_element_type3A = arith.extui %eq3A_83 : i1 to i32
    %cond3A = arith.constant 0 : i32
    %cond3A_84 = arith.cmpi ne, %convert_element_type3A, %cond3A : i32
    scf.if %cond3A_84 {
      "tpu.region"() ({
        %run_scoped3A = tpu.sem_alloc : memref<!tpu.dma_semaphore, #tpu.memory_space<semaphore_mem>>
        %dma_start3A_216 = arith.constant 0 : i32
        %dma_start3A_217 = arith.constant 0 : i32
        %dma_start3A_218 = tpu.memref_slice %arg7[%dma_start3A_216, %dma_start3A_217] : memref<96x128xf32, #tpu.memory_space<vmem>> -> memref<16x128xf32, #tpu.memory_space<vmem>>
        %dma_start3A_219 = arith.constant 9984 : i32
        %dma_start3A_220 = arith.constant 0 : i32
        %dma_start3A_221 = tpu.memref_slice %arg6[%dma_start3A_219, %dma_start3A_220] : memref<10016x128xf32, #tpu.memory_space<vmem_shared>> -> memref<16x128xf32, #tpu.memory_space<vmem_shared>>
        %dma_start3A_222 = arith.constant 9984 : i32
        %dma_start3A_223 = arith.constant 0 : i32
        %dma_start3A_224 = tpu.memref_slice %arg6[%dma_start3A_222, %dma_start3A_223] : memref<10016x128xf32, #tpu.memory_space<vmem_shared>> -> memref<16x128xf32, #tpu.memory_space<vmem_shared>>
        %dma_start3A_225 = arith.constant 0 : i32
        %dma_start3A_226 = arith.constant 0 : i32
        %dma_start3A_227 = tpu.memref_slice %arg7[%dma_start3A_225, %dma_start3A_226] : memref<96x128xf32, #tpu.memory_space<vmem>> -> memref<16x128xf32, #tpu.memory_space<vmem>>
        tpu.enqueue_dma source(%dma_start3A_227 : memref<16x128xf32, #tpu.memory_space<vmem>>) target(%dma_start3A_224 : memref<16x128xf32, #tpu.memory_space<vmem_shared>>) target_semaphore(%run_scoped3A : memref<!tpu.dma_semaphore, #tpu.memory_space<semaphore_mem>>)
        %dma_wait3A_228 = arith.constant 0 : i32
        %dma_wait3A_229 = arith.constant 0 : i32
        %dma_wait3A_230 = tpu.memref_slice %arg7[%dma_wait3A_228, %dma_wait3A_229] : memref<96x128xf32, #tpu.memory_space<vmem>> -> memref<16x128xf32, #tpu.memory_space<vmem>>
        %dma_wait3A_231 = arith.constant 9984 : i32
        %dma_wait3A_232 = arith.constant 0 : i32
        %dma_wait3A_233 = tpu.memref_slice %arg6[%dma_wait3A_231, %dma_wait3A_232] : memref<10016x128xf32, #tpu.memory_space<vmem_shared>> -> memref<16x128xf32, #tpu.memory_space<vmem_shared>>
        %dma_wait3A_234 = arith.constant 9984 : i32
        %dma_wait3A_235 = arith.constant 0 : i32
        %dma_wait3A_236 = tpu.memref_slice %arg6[%dma_wait3A_234, %dma_wait3A_235] : memref<10016x128xf32, #tpu.memory_space<vmem_shared>> -> memref<16x128xf32, #tpu.memory_space<vmem_shared>>
        %dma_wait3A_237 = arith.constant 0 : i32
        %dma_wait3A_238 = arith.constant 0 : i32
        %dma_wait3A_239 = tpu.memref_slice %arg7[%dma_wait3A_237, %dma_wait3A_238] : memref<96x128xf32, #tpu.memory_space<vmem>> -> memref<16x128xf32, #tpu.memory_space<vmem>>
        tpu.wait_dma2 semaphore(%run_scoped3A : memref<!tpu.dma_semaphore, #tpu.memory_space<semaphore_mem>>) src(%dma_wait3A_239 : memref<16x128xf32, #tpu.memory_space<vmem>>) dst(%dma_wait3A_236 : memref<16x128xf32, #tpu.memory_space<vmem_shared>>)
        tpu.yield
      }) : () -> ()
    } else {
    }
    %dma_wait3A = arith.constant 0 : i32
    %dma_wait3A_85 = tpu.memref_slice %arg3[%dma_wait3A] : memref<332352xi32, #tpu.memory_space<hbm>> -> memref<96xi32, #tpu.memory_space<hbm>>
    %dma_wait3A_86 = arith.constant 0 : i32
    %dma_wait3A_87 = tpu.memref_slice %arg3[%dma_wait3A_86] : memref<332352xi32, #tpu.memory_space<hbm>> -> memref<96xi32, #tpu.memory_space<hbm>>
    tpu.wait_dma2 semaphore(%arg25 : memref<!tpu.dma_semaphore, #tpu.memory_space<semaphore_mem>>) src(%dma_wait3A_87 : memref<96xi32, #tpu.memory_space<hbm>>) dst(%arg13 : memref<96xi32, #tpu.memory_space<vmem>>)
    %dma_wait3A_88 = arith.constant 0 : i32
    %dma_wait3A_89 = tpu.memref_slice %arg3[%dma_wait3A_88] : memref<332352xi32, #tpu.memory_space<hbm>> -> memref<96xi32, #tpu.memory_space<hbm>>
    %dma_wait3A_90 = arith.constant 0 : i32
    %dma_wait3A_91 = tpu.memref_slice %arg3[%dma_wait3A_90] : memref<332352xi32, #tpu.memory_space<hbm>> -> memref<96xi32, #tpu.memory_space<hbm>>
    tpu.wait_dma2 semaphore(%arg25 : memref<!tpu.dma_semaphore, #tpu.memory_space<semaphore_mem>>) src(%dma_wait3A_91 : memref<96xi32, #tpu.memory_space<hbm>>) dst(%arg19 : memref<96xi32, #tpu.memory_space<vmem>>)
    %dma_start3A_92 = arith.constant 0 : i32
    %dma_start3A_93 = arith.constant 0 : i32
    %dma_start3A_94 = tpu.memref_slice %arg2[%dma_start3A_92, %dma_start3A_93] : memref<10000x128xf32, #tpu.memory_space<hbm>> -> memref<10000x128xf32, #tpu.memory_space<hbm>>
    tpu.enqueue_indirect_dma source(%dma_start3A_94 : memref<10000x128xf32, #tpu.memory_space<hbm>>) target(%arg7 : memref<96x128xf32, #tpu.memory_space<vmem>>) offsets(%arg13 : memref<96xi32, #tpu.memory_space<vmem>>) semaphore(%arg10 : memref<!tpu.dma_semaphore, #tpu.memory_space<semaphore_mem>>)
    %dma_wait3A_95 = arith.constant 0 : i32
    %dma_wait3A_96 = tpu.memref_slice %arg3[%dma_wait3A_95] : memref<332352xi32, #tpu.memory_space<hbm>> -> memref<96xi32, #tpu.memory_space<hbm>>
    %dma_wait3A_97 = arith.constant 0 : i32
    %dma_wait3A_98 = tpu.memref_slice %arg3[%dma_wait3A_97] : memref<332352xi32, #tpu.memory_space<hbm>> -> memref<96xi32, #tpu.memory_space<hbm>>
    tpu.wait_dma2 semaphore(%arg26 : memref<!tpu.dma_semaphore, #tpu.memory_space<semaphore_mem>>) src(%dma_wait3A_98 : memref<96xi32, #tpu.memory_space<hbm>>) dst(%arg14 : memref<96xi32, #tpu.memory_space<vmem>>)
    %dma_wait3A_99 = arith.constant 0 : i32
    %dma_wait3A_100 = tpu.memref_slice %arg3[%dma_wait3A_99] : memref<332352xi32, #tpu.memory_space<hbm>> -> memref<96xi32, #tpu.memory_space<hbm>>
    %dma_wait3A_101 = arith.constant 0 : i32
    %dma_wait3A_102 = tpu.memref_slice %arg3[%dma_wait3A_101] : memref<332352xi32, #tpu.memory_space<hbm>> -> memref<96xi32, #tpu.memory_space<hbm>>
    tpu.wait_dma2 semaphore(%arg26 : memref<!tpu.dma_semaphore, #tpu.memory_space<semaphore_mem>>) src(%dma_wait3A_102 : memref<96xi32, #tpu.memory_space<hbm>>) dst(%arg20 : memref<96xi32, #tpu.memory_space<vmem>>)
    %dma_start3A_103 = arith.constant 0 : i32
    %dma_start3A_104 = arith.constant 0 : i32
    %dma_start3A_105 = tpu.memref_slice %arg2[%dma_start3A_103, %dma_start3A_104] : memref<10000x128xf32, #tpu.memory_space<hbm>> -> memref<10000x128xf32, #tpu.memory_space<hbm>>
    tpu.enqueue_indirect_dma source(%dma_start3A_105 : memref<10000x128xf32, #tpu.memory_space<hbm>>) target(%arg8 : memref<96x128xf32, #tpu.memory_space<vmem>>) offsets(%arg14 : memref<96xi32, #tpu.memory_space<vmem>>) semaphore(%arg11 : memref<!tpu.dma_semaphore, #tpu.memory_space<semaphore_mem>>)
    %dma_wait3A_106 = arith.constant 0 : i32
    %dma_wait3A_107 = tpu.memref_slice %arg3[%dma_wait3A_106] : memref<332352xi32, #tpu.memory_space<hbm>> -> memref<96xi32, #tpu.memory_space<hbm>>
    %dma_wait3A_108 = arith.constant 0 : i32
    %dma_wait3A_109 = tpu.memref_slice %arg3[%dma_wait3A_108] : memref<332352xi32, #tpu.memory_space<hbm>> -> memref<96xi32, #tpu.memory_space<hbm>>
    tpu.wait_dma2 semaphore(%arg27 : memref<!tpu.dma_semaphore, #tpu.memory_space<semaphore_mem>>) src(%dma_wait3A_109 : memref<96xi32, #tpu.memory_space<hbm>>) dst(%arg15 : memref<96xi32, #tpu.memory_space<vmem>>)
    %dma_wait3A_110 = arith.constant 0 : i32
    %dma_wait3A_111 = tpu.memref_slice %arg3[%dma_wait3A_110] : memref<332352xi32, #tpu.memory_space<hbm>> -> memref<96xi32, #tpu.memory_space<hbm>>
    %dma_wait3A_112 = arith.constant 0 : i32
    %dma_wait3A_113 = tpu.memref_slice %arg3[%dma_wait3A_112] : memref<332352xi32, #tpu.memory_space<hbm>> -> memref<96xi32, #tpu.memory_space<hbm>>
    tpu.wait_dma2 semaphore(%arg27 : memref<!tpu.dma_semaphore, #tpu.memory_space<semaphore_mem>>) src(%dma_wait3A_113 : memref<96xi32, #tpu.memory_space<hbm>>) dst(%arg21 : memref<96xi32, #tpu.memory_space<vmem>>)
    %dma_start3A_114 = arith.constant 0 : i32
    %dma_start3A_115 = arith.constant 0 : i32
    %dma_start3A_116 = tpu.memref_slice %arg2[%dma_start3A_114, %dma_start3A_115] : memref<10000x128xf32, #tpu.memory_space<hbm>> -> memref<10000x128xf32, #tpu.memory_space<hbm>>
    tpu.enqueue_indirect_dma source(%dma_start3A_116 : memref<10000x128xf32, #tpu.memory_space<hbm>>) target(%arg9 : memref<96x128xf32, #tpu.memory_space<vmem>>) offsets(%arg15 : memref<96xi32, #tpu.memory_space<vmem>>) semaphore(%arg12 : memref<!tpu.dma_semaphore, #tpu.memory_space<semaphore_mem>>)
    %barrier3A = arith.constant 0 : index
    tpu.barrier barrier_id(%barrier3A)
    %scan3A_117 = arith.constant 0 : i32
    %scan3A_118 = arith.constant 0 : i32
    %scan3A_119 = arith.constant 18 : i32
    %scan3A_120 = arith.addi %scan3A_118, %scan3A_119 : i32
    %scan3A_121 = arith.constant 1 : i32
    scf.for %scan3A_216 = %scan3A_118 to %scan3A_120 step %scan3A_121  : i32 {
      %mul3A_217 = arith.constant 6 : i32
      %mul3A_218 = arith.muli %scan3A_216, %mul3A_217 : i32
      %add3A_219 = arith.constant 0 : i32
      %add3A_220 = arith.addi %mul3A_218, %add3A_219 : i32
      %dma_wait3A_221 = arith.constant 0 : i32
      %dma_wait3A_222 = arith.constant 0 : i32
      %dma_wait3A_223 = tpu.memref_slice %arg2[%dma_wait3A_221, %dma_wait3A_222] : memref<10000x128xf32, #tpu.memory_space<hbm>> -> memref<96x128xf32, #tpu.memory_space<hbm>>
      %dma_wait3A_224 = arith.constant 0 : i32
      %dma_wait3A_225 = arith.constant 0 : i32
      %dma_wait3A_226 = tpu.memref_slice %arg2[%dma_wait3A_224, %dma_wait3A_225] : memref<10000x128xf32, #tpu.memory_space<hbm>> -> memref<96x128xf32, #tpu.memory_space<hbm>>
      tpu.wait_dma2 semaphore(%arg10 : memref<!tpu.dma_semaphore, #tpu.memory_space<semaphore_mem>>) src(%dma_wait3A_226 : memref<96x128xf32, #tpu.memory_space<hbm>>) dst(%arg7 : memref<96x128xf32, #tpu.memory_space<vmem>>)
      "tpu.region"() ({
        %run_scoped3A = tpu.sem_alloc : memref<!tpu.dma_semaphore, #tpu.memory_space<semaphore_mem>>
        %dma_start3A_403 = arith.constant 0 : i32
        %dma_start3A_404 = arith.constant 0 : i32
        %dma_start3A_405 = tpu.memref_slice %arg6[%dma_start3A_403, %dma_start3A_404] : memref<10016x128xf32, #tpu.memory_space<vmem_shared>> -> memref<10016x128xf32, #tpu.memory_space<vmem_shared>>
        tpu.enqueue_indirect_dma source(%arg7 : memref<96x128xf32, #tpu.memory_space<vmem>>) target(%dma_start3A_405 : memref<10016x128xf32, #tpu.memory_space<vmem_shared>>) offsets(%arg19 : memref<96xi32, #tpu.memory_space<vmem>>) semaphore(%run_scoped3A : memref<!tpu.dma_semaphore, #tpu.memory_space<semaphore_mem>>) {add = true}
        %dma_wait3A_406 = arith.constant 0 : i32
        %dma_wait3A_407 = arith.constant 0 : i32
        %dma_wait3A_408 = tpu.memref_slice %arg6[%dma_wait3A_406, %dma_wait3A_407] : memref<10016x128xf32, #tpu.memory_space<vmem_shared>> -> memref<10016x128xf32, #tpu.memory_space<vmem_shared>>
        tpu.wait_indirect_dma semaphore(%run_scoped3A : memref<!tpu.dma_semaphore, #tpu.memory_space<semaphore_mem>>) src(%arg7 : memref<96x128xf32, #tpu.memory_space<vmem>>) dst(%dma_wait3A_408 : memref<10016x128xf32, #tpu.memory_space<vmem_shared>>)
        tpu.yield
      }) : () -> ()
      %dma_wait3A_227 = arith.constant 0 : i32
      %dma_wait3A_228 = tpu.memref_slice %arg3[%dma_wait3A_227] : memref<332352xi32, #tpu.memory_space<hbm>> -> memref<96xi32, #tpu.memory_space<hbm>>
      %dma_wait3A_229 = arith.constant 0 : i32
      %dma_wait3A_230 = tpu.memref_slice %arg3[%dma_wait3A_229] : memref<332352xi32, #tpu.memory_space<hbm>> -> memref<96xi32, #tpu.memory_space<hbm>>
      tpu.wait_dma2 semaphore(%arg28 : memref<!tpu.dma_semaphore, #tpu.memory_space<semaphore_mem>>) src(%dma_wait3A_230 : memref<96xi32, #tpu.memory_space<hbm>>) dst(%arg16 : memref<96xi32, #tpu.memory_space<vmem>>)
      %dma_wait3A_231 = arith.constant 0 : i32
      %dma_wait3A_232 = tpu.memref_slice %arg3[%dma_wait3A_231] : memref<332352xi32, #tpu.memory_space<hbm>> -> memref<96xi32, #tpu.memory_space<hbm>>
      %dma_wait3A_233 = arith.constant 0 : i32
      %dma_wait3A_234 = tpu.memref_slice %arg3[%dma_wait3A_233] : memref<332352xi32, #tpu.memory_space<hbm>> -> memref<96xi32, #tpu.memory_space<hbm>>
      tpu.wait_dma2 semaphore(%arg28 : memref<!tpu.dma_semaphore, #tpu.memory_space<semaphore_mem>>) src(%dma_wait3A_234 : memref<96xi32, #tpu.memory_space<hbm>>) dst(%arg22 : memref<96xi32, #tpu.memory_space<vmem>>)
      %dma_start3A_235 = arith.constant 0 : i32
      %dma_start3A_236 = arith.constant 0 : i32
      %dma_start3A_237 = tpu.memref_slice %arg2[%dma_start3A_235, %dma_start3A_236] : memref<10000x128xf32, #tpu.memory_space<hbm>> -> memref<10000x128xf32, #tpu.memory_space<hbm>>
      tpu.enqueue_indirect_dma source(%dma_start3A_237 : memref<10000x128xf32, #tpu.memory_space<hbm>>) target(%arg7 : memref<96x128xf32, #tpu.memory_space<vmem>>) offsets(%arg16 : memref<96xi32, #tpu.memory_space<vmem>>) semaphore(%arg10 : memref<!tpu.dma_semaphore, #tpu.memory_space<semaphore_mem>>)
      %add3A_238 = arith.constant 6 : i32
      %add3A_239 = arith.addi %add3A_220, %add3A_238 : i32
      %mul3A_240 = arith.constant 96 : i32
      %mul3A_241 = arith.muli %add3A_239, %mul3A_240 : i32
      %add3A_242 = arith.addi %mul3A_2, %mul3A_241 : i32
      %multiple_of3A_243 = tpu.assume_multiple %add3A_242, 8 : i32
      %dma_start3A_244 = tpu.memref_slice %arg3[%multiple_of3A_243] : memref<332352xi32, #tpu.memory_space<hbm>> -> memref<96xi32, #tpu.memory_space<hbm>>
      %dma_start3A_245 = tpu.memref_slice %arg3[%multiple_of3A_243] : memref<332352xi32, #tpu.memory_space<hbm>> -> memref<96xi32, #tpu.memory_space<hbm>>
      tpu.enqueue_dma source(%dma_start3A_245 : memref<96xi32, #tpu.memory_space<hbm>>) target(%arg13 : memref<96xi32, #tpu.memory_space<vmem>>) target_semaphore(%arg25 : memref<!tpu.dma_semaphore, #tpu.memory_space<semaphore_mem>>)
      %dma_start3A_246 = tpu.memref_slice %arg4[%multiple_of3A_243] : memref<332352xi32, #tpu.memory_space<hbm>> -> memref<96xi32, #tpu.memory_space<hbm>>
      %dma_start3A_247 = tpu.memref_slice %arg4[%multiple_of3A_243] : memref<332352xi32, #tpu.memory_space<hbm>> -> memref<96xi32, #tpu.memory_space<hbm>>
      tpu.enqueue_dma source(%dma_start3A_247 : memref<96xi32, #tpu.memory_space<hbm>>) target(%arg19 : memref<96xi32, #tpu.memory_space<vmem>>) target_semaphore(%arg25 : memref<!tpu.dma_semaphore, #tpu.memory_space<semaphore_mem>>)
      %mul3A_248 = arith.constant 6 : i32
      %mul3A_249 = arith.muli %scan3A_216, %mul3A_248 : i32
      %add3A_250 = arith.constant 1 : i32
      %add3A_251 = arith.addi %mul3A_249, %add3A_250 : i32
      %dma_wait3A_252 = arith.constant 0 : i32
      %dma_wait3A_253 = arith.constant 0 : i32
      %dma_wait3A_254 = tpu.memref_slice %arg2[%dma_wait3A_252, %dma_wait3A_253] : memref<10000x128xf32, #tpu.memory_space<hbm>> -> memref<96x128xf32, #tpu.memory_space<hbm>>
      %dma_wait3A_255 = arith.constant 0 : i32
      %dma_wait3A_256 = arith.constant 0 : i32
      %dma_wait3A_257 = tpu.memref_slice %arg2[%dma_wait3A_255, %dma_wait3A_256] : memref<10000x128xf32, #tpu.memory_space<hbm>> -> memref<96x128xf32, #tpu.memory_space<hbm>>
      tpu.wait_dma2 semaphore(%arg11 : memref<!tpu.dma_semaphore, #tpu.memory_space<semaphore_mem>>) src(%dma_wait3A_257 : memref<96x128xf32, #tpu.memory_space<hbm>>) dst(%arg8 : memref<96x128xf32, #tpu.memory_space<vmem>>)
      "tpu.region"() ({
        %run_scoped3A = tpu.sem_alloc : memref<!tpu.dma_semaphore, #tpu.memory_space<semaphore_mem>>
        %dma_start3A_403 = arith.constant 0 : i32
        %dma_start3A_404 = arith.constant 0 : i32
        %dma_start3A_405 = tpu.memref_slice %arg6[%dma_start3A_403, %dma_start3A_404] : memref<10016x128xf32, #tpu.memory_space<vmem_shared>> -> memref<10016x128xf32, #tpu.memory_space<vmem_shared>>
        tpu.enqueue_indirect_dma source(%arg8 : memref<96x128xf32, #tpu.memory_space<vmem>>) target(%dma_start3A_405 : memref<10016x128xf32, #tpu.memory_space<vmem_shared>>) offsets(%arg20 : memref<96xi32, #tpu.memory_space<vmem>>) semaphore(%run_scoped3A : memref<!tpu.dma_semaphore, #tpu.memory_space<semaphore_mem>>) {add = true}
        %dma_wait3A_406 = arith.constant 0 : i32
        %dma_wait3A_407 = arith.constant 0 : i32
        %dma_wait3A_408 = tpu.memref_slice %arg6[%dma_wait3A_406, %dma_wait3A_407] : memref<10016x128xf32, #tpu.memory_space<vmem_shared>> -> memref<10016x128xf32, #tpu.memory_space<vmem_shared>>
        tpu.wait_indirect_dma semaphore(%run_scoped3A : memref<!tpu.dma_semaphore, #tpu.memory_space<semaphore_mem>>) src(%arg8 : memref<96x128xf32, #tpu.memory_space<vmem>>) dst(%dma_wait3A_408 : memref<10016x128xf32, #tpu.memory_space<vmem_shared>>)
        tpu.yield
      }) : () -> ()
      %dma_wait3A_258 = arith.constant 0 : i32
      %dma_wait3A_259 = tpu.memref_slice %arg3[%dma_wait3A_258] : memref<332352xi32, #tpu.memory_space<hbm>> -> memref<96xi32, #tpu.memory_space<hbm>>
      %dma_wait3A_260 = arith.constant 0 : i32
      %dma_wait3A_261 = tpu.memref_slice %arg3[%dma_wait3A_260] : memref<332352xi32, #tpu.memory_space<hbm>> -> memref<96xi32, #tpu.memory_space<hbm>>
      tpu.wait_dma2 semaphore(%arg29 : memref<!tpu.dma_semaphore, #tpu.memory_space<semaphore_mem>>) src(%dma_wait3A_261 : memref<96xi32, #tpu.memory_space<hbm>>) dst(%arg17 : memref<96xi32, #tpu.memory_space<vmem>>)
      %dma_wait3A_262 = arith.constant 0 : i32
      %dma_wait3A_263 = tpu.memref_slice %arg3[%dma_wait3A_262] : memref<332352xi32, #tpu.memory_space<hbm>> -> memref<96xi32, #tpu.memory_space<hbm>>
      %dma_wait3A_264 = arith.constant 0 : i32
      %dma_wait3A_265 = tpu.memref_slice %arg3[%dma_wait3A_264] : memref<332352xi32, #tpu.memory_space<hbm>> -> memref<96xi32, #tpu.memory_space<hbm>>
      tpu.wait_dma2 semaphore(%arg29 : memref<!tpu.dma_semaphore, #tpu.memory_space<semaphore_mem>>) src(%dma_wait3A_265 : memref<96xi32, #tpu.memory_space<hbm>>) dst(%arg23 : memref<96xi32, #tpu.memory_space<vmem>>)
      %dma_start3A_266 = arith.constant 0 : i32
      %dma_start3A_267 = arith.constant 0 : i32
      %dma_start3A_268 = tpu.memref_slice %arg2[%dma_start3A_266, %dma_start3A_267] : memref<10000x128xf32, #tpu.memory_space<hbm>> -> memref<10000x128xf32, #tpu.memory_space<hbm>>
      tpu.enqueue_indirect_dma source(%dma_start3A_268 : memref<10000x128xf32, #tpu.memory_space<hbm>>) target(%arg8 : memref<96x128xf32, #tpu.memory_space<vmem>>) offsets(%arg17 : memref<96xi32, #tpu.memory_space<vmem>>) semaphore(%arg11 : memref<!tpu.dma_semaphore, #tpu.memory_space<semaphore_mem>>)
      %add3A_269 = arith.constant 6 : i32
      %add3A_270 = arith.addi %add3A_251, %add3A_269 : i32
      %mul3A_271 = arith.constant 96 : i32
      %mul3A_272 = arith.muli %add3A_270, %mul3A_271 : i32
      %add3A_273 = arith.addi %mul3A_2, %mul3A_272 : i32
      %multiple_of3A_274 = tpu.assume_multiple %add3A_273, 8 : i32
      %dma_start3A_275 = tpu.memref_slice %arg3[%multiple_of3A_274] : memref<332352xi32, #tpu.memory_space<hbm>> -> memref<96xi32, #tpu.memory_space<hbm>>
      %dma_start3A_276 = tpu.memref_slice %arg3[%multiple_of3A_274] : memref<332352xi32, #tpu.memory_space<hbm>> -> memref<96xi32, #tpu.memory_space<hbm>>
      tpu.enqueue_dma source(%dma_start3A_276 : memref<96xi32, #tpu.memory_space<hbm>>) target(%arg14 : memref<96xi32, #tpu.memory_space<vmem>>) target_semaphore(%arg26 : memref<!tpu.dma_semaphore, #tpu.memory_space<semaphore_mem>>)
      %dma_start3A_277 = tpu.memref_slice %arg4[%multiple_of3A_274] : memref<332352xi32, #tpu.memory_space<hbm>> -> memref<96xi32, #tpu.memory_space<hbm>>
      %dma_start3A_278 = tpu.memref_slice %arg4[%multiple_of3A_274] : memref<332352xi32, #tpu.memory_space<hbm>> -> memref<96xi32, #tpu.memory_space<hbm>>
      tpu.enqueue_dma source(%dma_start3A_278 : memref<96xi32, #tpu.memory_space<hbm>>) target(%arg20 : memref<96xi32, #tpu.memory_space<vmem>>) target_semaphore(%arg26 : memref<!tpu.dma_semaphore, #tpu.memory_space<semaphore_mem>>)
      %mul3A_279 = arith.constant 6 : i32
      %mul3A_280 = arith.muli %scan3A_216, %mul3A_279 : i32
      %add3A_281 = arith.constant 2 : i32
      %add3A_282 = arith.addi %mul3A_280, %add3A_281 : i32
      %dma_wait3A_283 = arith.constant 0 : i32
      %dma_wait3A_284 = arith.constant 0 : i32
      %dma_wait3A_285 = tpu.memref_slice %arg2[%dma_wait3A_283, %dma_wait3A_284] : memref<10000x128xf32, #tpu.memory_space<hbm>> -> memref<96x128xf32, #tpu.memory_space<hbm>>
      %dma_wait3A_286 = arith.constant 0 : i32
      %dma_wait3A_287 = arith.constant 0 : i32
      %dma_wait3A_288 = tpu.memref_slice %arg2[%dma_wait3A_286, %dma_wait3A_287] : memref<10000x128xf32, #tpu.memory_space<hbm>> -> memref<96x128xf32, #tpu.memory_space<hbm>>
      tpu.wait_dma2 semaphore(%arg12 : memref<!tpu.dma_semaphore, #tpu.memory_space<semaphore_mem>>) src(%dma_wait3A_288 : memref<96x128xf32, #tpu.memory_space<hbm>>) dst(%arg9 : memref<96x128xf32, #tpu.memory_space<vmem>>)
      "tpu.region"() ({
        %run_scoped3A = tpu.sem_alloc : memref<!tpu.dma_semaphore, #tpu.memory_space<semaphore_mem>>
        %dma_start3A_403 = arith.constant 0 : i32
        %dma_start3A_404 = arith.constant 0 : i32
        %dma_start3A_405 = tpu.memref_slice %arg6[%dma_start3A_403, %dma_start3A_404] : memref<10016x128xf32, #tpu.memory_space<vmem_shared>> -> memref<10016x128xf32, #tpu.memory_space<vmem_shared>>
        tpu.enqueue_indirect_dma source(%arg9 : memref<96x128xf32, #tpu.memory_space<vmem>>) target(%dma_start3A_405 : memref<10016x128xf32, #tpu.memory_space<vmem_shared>>) offsets(%arg21 : memref<96xi32, #tpu.memory_space<vmem>>) semaphore(%run_scoped3A : memref<!tpu.dma_semaphore, #tpu.memory_space<semaphore_mem>>) {add = true}
        %dma_wait3A_406 = arith.constant 0 : i32
        %dma_wait3A_407 = arith.constant 0 : i32
        %dma_wait3A_408 = tpu.memref_slice %arg6[%dma_wait3A_406, %dma_wait3A_407] : memref<10016x128xf32, #tpu.memory_space<vmem_shared>> -> memref<10016x128xf32, #tpu.memory_space<vmem_shared>>
        tpu.wait_indirect_dma semaphore(%run_scoped3A : memref<!tpu.dma_semaphore, #tpu.memory_space<semaphore_mem>>) src(%arg9 : memref<96x128xf32, #tpu.memory_space<vmem>>) dst(%dma_wait3A_408 : memref<10016x128xf32, #tpu.memory_space<vmem_shared>>)
        tpu.yield
      }) : () -> ()
      %dma_wait3A_289 = arith.constant 0 : i32
      %dma_wait3A_290 = tpu.memref_slice %arg3[%dma_wait3A_289] : memref<332352xi32, #tpu.memory_space<hbm>> -> memref<96xi32, #tpu.memory_space<hbm>>
      %dma_wait3A_291 = arith.constant 0 : i32
      %dma_wait3A_292 = tpu.memref_slice %arg3[%dma_wait3A_291] : memref<332352xi32, #tpu.memory_space<hbm>> -> memref<96xi32, #tpu.memory_space<hbm>>
      tpu.wait_dma2 semaphore(%arg30 : memref<!tpu.dma_semaphore, #tpu.memory_space<semaphore_mem>>) src(%dma_wait3A_292 : memref<96xi32, #tpu.memory_space<hbm>>) dst(%arg18 : memref<96xi32, #tpu.memory_space<vmem>>)
      %dma_wait3A_293 = arith.constant 0 : i32
      %dma_wait3A_294 = tpu.memref_slice %arg3[%dma_wait3A_293] : memref<332352xi32, #tpu.memory_space<hbm>> -> memref<96xi32, #tpu.memory_space<hbm>>
      %dma_wait3A_295 = arith.constant 0 : i32
      %dma_wait3A_296 = tpu.memref_slice %arg3[%dma_wait3A_295] : memref<332352xi32, #tpu.memory_space<hbm>> -> memref<96xi32, #tpu.memory_space<hbm>>
      tpu.wait_dma2 semaphore(%arg30 : memref<!tpu.dma_semaphore, #tpu.memory_space<semaphore_mem>>) src(%dma_wait3A_296 : memref<96xi32, #tpu.memory_space<hbm>>) dst(%arg24 : memref<96xi32, #tpu.memory_space<vmem>>)
      %dma_start3A_297 = arith.constant 0 : i32
      %dma_start3A_298 = arith.constant 0 : i32
      %dma_start3A_299 = tpu.memref_slice %arg2[%dma_start3A_297, %dma_start3A_298] : memref<10000x128xf32, #tpu.memory_space<hbm>> -> memref<10000x128xf32, #tpu.memory_space<hbm>>
      tpu.enqueue_indirect_dma source(%dma_start3A_299 : memref<10000x128xf32, #tpu.memory_space<hbm>>) target(%arg9 : memref<96x128xf32, #tpu.memory_space<vmem>>) offsets(%arg18 : memref<96xi32, #tpu.memory_space<vmem>>) semaphore(%arg12 : memref<!tpu.dma_semaphore, #tpu.memory_space<semaphore_mem>>)
      %add3A_300 = arith.constant 6 : i32
      %add3A_301 = arith.addi %add3A_282, %add3A_300 : i32
      %mul3A_302 = arith.constant 96 : i32
      %mul3A_303 = arith.muli %add3A_301, %mul3A_302 : i32
      %add3A_304 = arith.addi %mul3A_2, %mul3A_303 : i32
      %multiple_of3A_305 = tpu.assume_multiple %add3A_304, 8 : i32
      %dma_start3A_306 = tpu.memref_slice %arg3[%multiple_of3A_305] : memref<332352xi32, #tpu.memory_space<hbm>> -> memref<96xi32, #tpu.memory_space<hbm>>
      %dma_start3A_307 = tpu.memref_slice %arg3[%multiple_of3A_305] : memref<332352xi32, #tpu.memory_space<hbm>> -> memref<96xi32, #tpu.memory_space<hbm>>
      tpu.enqueue_dma source(%dma_start3A_307 : memref<96xi32, #tpu.memory_space<hbm>>) target(%arg15 : memref<96xi32, #tpu.memory_space<vmem>>) target_semaphore(%arg27 : memref<!tpu.dma_semaphore, #tpu.memory_space<semaphore_mem>>)
      %dma_start3A_308 = tpu.memref_slice %arg4[%multiple_of3A_305] : memref<332352xi32, #tpu.memory_space<hbm>> -> memref<96xi32, #tpu.memory_space<hbm>>
      %dma_start3A_309 = tpu.memref_slice %arg4[%multiple_of3A_305] : memref<332352xi32, #tpu.memory_space<hbm>> -> memref<96xi32, #tpu.memory_space<hbm>>
      tpu.enqueue_dma source(%dma_start3A_309 : memref<96xi32, #tpu.memory_space<hbm>>) target(%arg21 : memref<96xi32, #tpu.memory_space<vmem>>) target_semaphore(%arg27 : memref<!tpu.dma_semaphore, #tpu.memory_space<semaphore_mem>>)
      %mul3A_310 = arith.constant 6 : i32
      %mul3A_311 = arith.muli %scan3A_216, %mul3A_310 : i32
      %add3A_312 = arith.constant 3 : i32
      %add3A_313 = arith.addi %mul3A_311, %add3A_312 : i32
      %dma_wait3A_314 = arith.constant 0 : i32
      %dma_wait3A_315 = arith.constant 0 : i32
      %dma_wait3A_316 = tpu.memref_slice %arg2[%dma_wait3A_314, %dma_wait3A_315] : memref<10000x128xf32, #tpu.memory_space<hbm>> -> memref<96x128xf32, #tpu.memory_space<hbm>>
      %dma_wait3A_317 = arith.constant 0 : i32
      %dma_wait3A_318 = arith.constant 0 : i32
      %dma_wait3A_319 = tpu.memref_slice %arg2[%dma_wait3A_317, %dma_wait3A_318] : memref<10000x128xf32, #tpu.memory_space<hbm>> -> memref<96x128xf32, #tpu.memory_space<hbm>>
      tpu.wait_dma2 semaphore(%arg10 : memref<!tpu.dma_semaphore, #tpu.memory_space<semaphore_mem>>) src(%dma_wait3A_319 : memref<96x128xf32, #tpu.memory_space<hbm>>) dst(%arg7 : memref<96x128xf32, #tpu.memory_space<vmem>>)
      "tpu.region"() ({
        %run_scoped3A = tpu.sem_alloc : memref<!tpu.dma_semaphore, #tpu.memory_space<semaphore_mem>>
        %dma_start3A_403 = arith.constant 0 : i32
        %dma_start3A_404 = arith.constant 0 : i32
        %dma_start3A_405 = tpu.memref_slice %arg6[%dma_start3A_403, %dma_start3A_404] : memref<10016x128xf32, #tpu.memory_space<vmem_shared>> -> memref<10016x128xf32, #tpu.memory_space<vmem_shared>>
        tpu.enqueue_indirect_dma source(%arg7 : memref<96x128xf32, #tpu.memory_space<vmem>>) target(%dma_start3A_405 : memref<10016x128xf32, #tpu.memory_space<vmem_shared>>) offsets(%arg22 : memref<96xi32, #tpu.memory_space<vmem>>) semaphore(%run_scoped3A : memref<!tpu.dma_semaphore, #tpu.memory_space<semaphore_mem>>) {add = true}
        %dma_wait3A_406 = arith.constant 0 : i32
        %dma_wait3A_407 = arith.constant 0 : i32
        %dma_wait3A_408 = tpu.memref_slice %arg6[%dma_wait3A_406, %dma_wait3A_407] : memref<10016x128xf32, #tpu.memory_space<vmem_shared>> -> memref<10016x128xf32, #tpu.memory_space<vmem_shared>>
        tpu.wait_indirect_dma semaphore(%run_scoped3A : memref<!tpu.dma_semaphore, #tpu.memory_space<semaphore_mem>>) src(%arg7 : memref<96x128xf32, #tpu.memory_space<vmem>>) dst(%dma_wait3A_408 : memref<10016x128xf32, #tpu.memory_space<vmem_shared>>)
        tpu.yield
      }) : () -> ()
      %dma_wait3A_320 = arith.constant 0 : i32
      %dma_wait3A_321 = tpu.memref_slice %arg3[%dma_wait3A_320] : memref<332352xi32, #tpu.memory_space<hbm>> -> memref<96xi32, #tpu.memory_space<hbm>>
      %dma_wait3A_322 = arith.constant 0 : i32
      %dma_wait3A_323 = tpu.memref_slice %arg3[%dma_wait3A_322] : memref<332352xi32, #tpu.memory_space<hbm>> -> memref<96xi32, #tpu.memory_space<hbm>>
      tpu.wait_dma2 semaphore(%arg25 : memref<!tpu.dma_semaphore, #tpu.memory_space<semaphore_mem>>) src(%dma_wait3A_323 : memref<96xi32, #tpu.memory_space<hbm>>) dst(%arg13 : memref<96xi32, #tpu.memory_space<vmem>>)
      %dma_wait3A_324 = arith.constant 0 : i32
      %dma_wait3A_325 = tpu.memref_slice %arg3[%dma_wait3A_324] : memref<332352xi32, #tpu.memory_space<hbm>> -> memref<96xi32, #tpu.memory_space<hbm>>
      %dma_wait3A_326 = arith.constant 0 : i32
      %dma_wait3A_327 = tpu.memref_slice %arg3[%dma_wait3A_326] : memref<332352xi32, #tpu.memory_space<hbm>> -> memref<96xi32, #tpu.memory_space<hbm>>
      tpu.wait_dma2 semaphore(%arg25 : memref<!tpu.dma_semaphore, #tpu.memory_space<semaphore_mem>>) src(%dma_wait3A_327 : memref<96xi32, #tpu.memory_space<hbm>>) dst(%arg19 : memref<96xi32, #tpu.memory_space<vmem>>)
      %dma_start3A_328 = arith.constant 0 : i32
      %dma_start3A_329 = arith.constant 0 : i32
      %dma_start3A_330 = tpu.memref_slice %arg2[%dma_start3A_328, %dma_start3A_329] : memref<10000x128xf32, #tpu.memory_space<hbm>> -> memref<10000x128xf32, #tpu.memory_space<hbm>>
      tpu.enqueue_indirect_dma source(%dma_start3A_330 : memref<10000x128xf32, #tpu.memory_space<hbm>>) target(%arg7 : memref<96x128xf32, #tpu.memory_space<vmem>>) offsets(%arg13 : memref<96xi32, #tpu.memory_space<vmem>>) semaphore(%arg10 : memref<!tpu.dma_semaphore, #tpu.memory_space<semaphore_mem>>)
      %add3A_331 = arith.constant 6 : i32
      %add3A_332 = arith.addi %add3A_313, %add3A_331 : i32
      %mul3A_333 = arith.constant 96 : i32
      %mul3A_334 = arith.muli %add3A_332, %mul3A_333 : i32
      %add3A_335 = arith.addi %mul3A_2, %mul3A_334 : i32
      %multiple_of3A_336 = tpu.assume_multiple %add3A_335, 8 : i32
      %dma_start3A_337 = tpu.memref_slice %arg3[%multiple_of3A_336] : memref<332352xi32, #tpu.memory_space<hbm>> -> memref<96xi32, #tpu.memory_space<hbm>>
      %dma_start3A_338 = tpu.memref_slice %arg3[%multiple_of3A_336] : memref<332352xi32, #tpu.memory_space<hbm>> -> memref<96xi32, #tpu.memory_space<hbm>>
      tpu.enqueue_dma source(%dma_start3A_338 : memref<96xi32, #tpu.memory_space<hbm>>) target(%arg16 : memref<96xi32, #tpu.memory_space<vmem>>) target_semaphore(%arg28 : memref<!tpu.dma_semaphore, #tpu.memory_space<semaphore_mem>>)
      %dma_start3A_339 = tpu.memref_slice %arg4[%multiple_of3A_336] : memref<332352xi32, #tpu.memory_space<hbm>> -> memref<96xi32, #tpu.memory_space<hbm>>
      %dma_start3A_340 = tpu.memref_slice %arg4[%multiple_of3A_336] : memref<332352xi32, #tpu.memory_space<hbm>> -> memref<96xi32, #tpu.memory_space<hbm>>
      tpu.enqueue_dma source(%dma_start3A_340 : memref<96xi32, #tpu.memory_space<hbm>>) target(%arg22 : memref<96xi32, #tpu.memory_space<vmem>>) target_semaphore(%arg28 : memref<!tpu.dma_semaphore, #tpu.memory_space<semaphore_mem>>)
      %mul3A_341 = arith.constant 6 : i32
      %mul3A_342 = arith.muli %scan3A_216, %mul3A_341 : i32
      %add3A_343 = arith.constant 4 : i32
      %add3A_344 = arith.addi %mul3A_342, %add3A_343 : i32
      %dma_wait3A_345 = arith.constant 0 : i32
      %dma_wait3A_346 = arith.constant 0 : i32
      %dma_wait3A_347 = tpu.memref_slice %arg2[%dma_wait3A_345, %dma_wait3A_346] : memref<10000x128xf32, #tpu.memory_space<hbm>> -> memref<96x128xf32, #tpu.memory_space<hbm>>
      %dma_wait3A_348 = arith.constant 0 : i32
      %dma_wait3A_349 = arith.constant 0 : i32
      %dma_wait3A_350 = tpu.memref_slice %arg2[%dma_wait3A_348, %dma_wait3A_349] : memref<10000x128xf32, #tpu.memory_space<hbm>> -> memref<96x128xf32, #tpu.memory_space<hbm>>
      tpu.wait_dma2 semaphore(%arg11 : memref<!tpu.dma_semaphore, #tpu.memory_space<semaphore_mem>>) src(%dma_wait3A_350 : memref<96x128xf32, #tpu.memory_space<hbm>>) dst(%arg8 : memref<96x128xf32, #tpu.memory_space<vmem>>)
      "tpu.region"() ({
        %run_scoped3A = tpu.sem_alloc : memref<!tpu.dma_semaphore, #tpu.memory_space<semaphore_mem>>
        %dma_start3A_403 = arith.constant 0 : i32
        %dma_start3A_404 = arith.constant 0 : i32
        %dma_start3A_405 = tpu.memref_slice %arg6[%dma_start3A_403, %dma_start3A_404] : memref<10016x128xf32, #tpu.memory_space<vmem_shared>> -> memref<10016x128xf32, #tpu.memory_space<vmem_shared>>
        tpu.enqueue_indirect_dma source(%arg8 : memref<96x128xf32, #tpu.memory_space<vmem>>) target(%dma_start3A_405 : memref<10016x128xf32, #tpu.memory_space<vmem_shared>>) offsets(%arg23 : memref<96xi32, #tpu.memory_space<vmem>>) semaphore(%run_scoped3A : memref<!tpu.dma_semaphore, #tpu.memory_space<semaphore_mem>>) {add = true}
        %dma_wait3A_406 = arith.constant 0 : i32
        %dma_wait3A_407 = arith.constant 0 : i32
        %dma_wait3A_408 = tpu.memref_slice %arg6[%dma_wait3A_406, %dma_wait3A_407] : memref<10016x128xf32, #tpu.memory_space<vmem_shared>> -> memref<10016x128xf32, #tpu.memory_space<vmem_shared>>
        tpu.wait_indirect_dma semaphore(%run_scoped3A : memref<!tpu.dma_semaphore, #tpu.memory_space<semaphore_mem>>) src(%arg8 : memref<96x128xf32, #tpu.memory_space<vmem>>) dst(%dma_wait3A_408 : memref<10016x128xf32, #tpu.memory_space<vmem_shared>>)
        tpu.yield
      }) : () -> ()
      %dma_wait3A_351 = arith.constant 0 : i32
      %dma_wait3A_352 = tpu.memref_slice %arg3[%dma_wait3A_351] : memref<332352xi32, #tpu.memory_space<hbm>> -> memref<96xi32, #tpu.memory_space<hbm>>
      %dma_wait3A_353 = arith.constant 0 : i32
      %dma_wait3A_354 = tpu.memref_slice %arg3[%dma_wait3A_353] : memref<332352xi32, #tpu.memory_space<hbm>> -> memref<96xi32, #tpu.memory_space<hbm>>
      tpu.wait_dma2 semaphore(%arg26 : memref<!tpu.dma_semaphore, #tpu.memory_space<semaphore_mem>>) src(%dma_wait3A_354 : memref<96xi32, #tpu.memory_space<hbm>>) dst(%arg14 : memref<96xi32, #tpu.memory_space<vmem>>)
      %dma_wait3A_355 = arith.constant 0 : i32
      %dma_wait3A_356 = tpu.memref_slice %arg3[%dma_wait3A_355] : memref<332352xi32, #tpu.memory_space<hbm>> -> memref<96xi32, #tpu.memory_space<hbm>>
      %dma_wait3A_357 = arith.constant 0 : i32
      %dma_wait3A_358 = tpu.memref_slice %arg3[%dma_wait3A_357] : memref<332352xi32, #tpu.memory_space<hbm>> -> memref<96xi32, #tpu.memory_space<hbm>>
      tpu.wait_dma2 semaphore(%arg26 : memref<!tpu.dma_semaphore, #tpu.memory_space<semaphore_mem>>) src(%dma_wait3A_358 : memref<96xi32, #tpu.memory_space<hbm>>) dst(%arg20 : memref<96xi32, #tpu.memory_space<vmem>>)
      %dma_start3A_359 = arith.constant 0 : i32
      %dma_start3A_360 = arith.constant 0 : i32
      %dma_start3A_361 = tpu.memref_slice %arg2[%dma_start3A_359, %dma_start3A_360] : memref<10000x128xf32, #tpu.memory_space<hbm>> -> memref<10000x128xf32, #tpu.memory_space<hbm>>
      tpu.enqueue_indirect_dma source(%dma_start3A_361 : memref<10000x128xf32, #tpu.memory_space<hbm>>) target(%arg8 : memref<96x128xf32, #tpu.memory_space<vmem>>) offsets(%arg14 : memref<96xi32, #tpu.memory_space<vmem>>) semaphore(%arg11 : memref<!tpu.dma_semaphore, #tpu.memory_space<semaphore_mem>>)
      %add3A_362 = arith.constant 6 : i32
      %add3A_363 = arith.addi %add3A_344, %add3A_362 : i32
      %mul3A_364 = arith.constant 96 : i32
      %mul3A_365 = arith.muli %add3A_363, %mul3A_364 : i32
      %add3A_366 = arith.addi %mul3A_2, %mul3A_365 : i32
      %multiple_of3A_367 = tpu.assume_multiple %add3A_366, 8 : i32
      %dma_start3A_368 = tpu.memref_slice %arg3[%multiple_of3A_367] : memref<332352xi32, #tpu.memory_space<hbm>> -> memref<96xi32, #tpu.memory_space<hbm>>
      %dma_start3A_369 = tpu.memref_slice %arg3[%multiple_of3A_367] : memref<332352xi32, #tpu.memory_space<hbm>> -> memref<96xi32, #tpu.memory_space<hbm>>
      tpu.enqueue_dma source(%dma_start3A_369 : memref<96xi32, #tpu.memory_space<hbm>>) target(%arg17 : memref<96xi32, #tpu.memory_space<vmem>>) target_semaphore(%arg29 : memref<!tpu.dma_semaphore, #tpu.memory_space<semaphore_mem>>)
      %dma_start3A_370 = tpu.memref_slice %arg4[%multiple_of3A_367] : memref<332352xi32, #tpu.memory_space<hbm>> -> memref<96xi32, #tpu.memory_space<hbm>>
      %dma_start3A_371 = tpu.memref_slice %arg4[%multiple_of3A_367] : memref<332352xi32, #tpu.memory_space<hbm>> -> memref<96xi32, #tpu.memory_space<hbm>>
      tpu.enqueue_dma source(%dma_start3A_371 : memref<96xi32, #tpu.memory_space<hbm>>) target(%arg23 : memref<96xi32, #tpu.memory_space<vmem>>) target_semaphore(%arg29 : memref<!tpu.dma_semaphore, #tpu.memory_space<semaphore_mem>>)
      %mul3A_372 = arith.constant 6 : i32
      %mul3A_373 = arith.muli %scan3A_216, %mul3A_372 : i32
      %add3A_374 = arith.constant 5 : i32
      %add3A_375 = arith.addi %mul3A_373, %add3A_374 : i32
      %dma_wait3A_376 = arith.constant 0 : i32
      %dma_wait3A_377 = arith.constant 0 : i32
      %dma_wait3A_378 = tpu.memref_slice %arg2[%dma_wait3A_376, %dma_wait3A_377] : memref<10000x128xf32, #tpu.memory_space<hbm>> -> memref<96x128xf32, #tpu.memory_space<hbm>>
      %dma_wait3A_379 = arith.constant 0 : i32
      %dma_wait3A_380 = arith.constant 0 : i32
      %dma_wait3A_381 = tpu.memref_slice %arg2[%dma_wait3A_379, %dma_wait3A_380] : memref<10000x128xf32, #tpu.memory_space<hbm>> -> memref<96x128xf32, #tpu.memory_space<hbm>>
      tpu.wait_dma2 semaphore(%arg12 : memref<!tpu.dma_semaphore, #tpu.memory_space<semaphore_mem>>) src(%dma_wait3A_381 : memref<96x128xf32, #tpu.memory_space<hbm>>) dst(%arg9 : memref<96x128xf32, #tpu.memory_space<vmem>>)
      "tpu.region"() ({
        %run_scoped3A = tpu.sem_alloc : memref<!tpu.dma_semaphore, #tpu.memory_space<semaphore_mem>>
        %dma_start3A_403 = arith.constant 0 : i32
        %dma_start3A_404 = arith.constant 0 : i32
        %dma_start3A_405 = tpu.memref_slice %arg6[%dma_start3A_403, %dma_start3A_404] : memref<10016x128xf32, #tpu.memory_space<vmem_shared>> -> memref<10016x128xf32, #tpu.memory_space<vmem_shared>>
        tpu.enqueue_indirect_dma source(%arg9 : memref<96x128xf32, #tpu.memory_space<vmem>>) target(%dma_start3A_405 : memref<10016x128xf32, #tpu.memory_space<vmem_shared>>) offsets(%arg24 : memref<96xi32, #tpu.memory_space<vmem>>) semaphore(%run_scoped3A : memref<!tpu.dma_semaphore, #tpu.memory_space<semaphore_mem>>) {add = true}
        %dma_wait3A_406 = arith.constant 0 : i32
        %dma_wait3A_407 = arith.constant 0 : i32
        %dma_wait3A_408 = tpu.memref_slice %arg6[%dma_wait3A_406, %dma_wait3A_407] : memref<10016x128xf32, #tpu.memory_space<vmem_shared>> -> memref<10016x128xf32, #tpu.memory_space<vmem_shared>>
        tpu.wait_indirect_dma semaphore(%run_scoped3A : memref<!tpu.dma_semaphore, #tpu.memory_space<semaphore_mem>>) src(%arg9 : memref<96x128xf32, #tpu.memory_space<vmem>>) dst(%dma_wait3A_408 : memref<10016x128xf32, #tpu.memory_space<vmem_shared>>)
        tpu.yield
      }) : () -> ()
      %dma_wait3A_382 = arith.constant 0 : i32
      %dma_wait3A_383 = tpu.memref_slice %arg3[%dma_wait3A_382] : memref<332352xi32, #tpu.memory_space<hbm>> -> memref<96xi32, #tpu.memory_space<hbm>>
      %dma_wait3A_384 = arith.constant 0 : i32
      %dma_wait3A_385 = tpu.memref_slice %arg3[%dma_wait3A_384] : memref<332352xi32, #tpu.memory_space<hbm>> -> memref<96xi32, #tpu.memory_space<hbm>>
      tpu.wait_dma2 semaphore(%arg27 : memref<!tpu.dma_semaphore, #tpu.memory_space<semaphore_mem>>) src(%dma_wait3A_385 : memref<96xi32, #tpu.memory_space<hbm>>) dst(%arg15 : memref<96xi32, #tpu.memory_space<vmem>>)
      %dma_wait3A_386 = arith.constant 0 : i32
      %dma_wait3A_387 = tpu.memref_slice %arg3[%dma_wait3A_386] : memref<332352xi32, #tpu.memory_space<hbm>> -> memref<96xi32, #tpu.memory_space<hbm>>
      %dma_wait3A_388 = arith.constant 0 : i32
      %dma_wait3A_389 = tpu.memref_slice %arg3[%dma_wait3A_388] : memref<332352xi32, #tpu.memory_space<hbm>> -> memref<96xi32, #tpu.memory_space<hbm>>
      tpu.wait_dma2 semaphore(%arg27 : memref<!tpu.dma_semaphore, #tpu.memory_space<semaphore_mem>>) src(%dma_wait3A_389 : memref<96xi32, #tpu.memory_space<hbm>>) dst(%arg21 : memref<96xi32, #tpu.memory_space<vmem>>)
      %dma_start3A_390 = arith.constant 0 : i32
      %dma_start3A_391 = arith.constant 0 : i32
      %dma_start3A_392 = tpu.memref_slice %arg2[%dma_start3A_390, %dma_start3A_391] : memref<10000x128xf32, #tpu.memory_space<hbm>> -> memref<10000x128xf32, #tpu.memory_space<hbm>>
      tpu.enqueue_indirect_dma source(%dma_start3A_392 : memref<10000x128xf32, #tpu.memory_space<hbm>>) target(%arg9 : memref<96x128xf32, #tpu.memory_space<vmem>>) offsets(%arg15 : memref<96xi32, #tpu.memory_space<vmem>>) semaphore(%arg12 : memref<!tpu.dma_semaphore, #tpu.memory_space<semaphore_mem>>)
      %add3A_393 = arith.constant 6 : i32
      %add3A_394 = arith.addi %add3A_375, %add3A_393 : i32
      %mul3A_395 = arith.constant 96 : i32
      %mul3A_396 = arith.muli %add3A_394, %mul3A_395 : i32
      %add3A_397 = arith.addi %mul3A_2, %mul3A_396 : i32
      %multiple_of3A_398 = tpu.assume_multiple %add3A_397, 8 : i32
      %dma_start3A_399 = tpu.memref_slice %arg3[%multiple_of3A_398] : memref<332352xi32, #tpu.memory_space<hbm>> -> memref<96xi32, #tpu.memory_space<hbm>>
      %dma_start3A_400 = tpu.memref_slice %arg3[%multiple_of3A_398] : memref<332352xi32, #tpu.memory_space<hbm>> -> memref<96xi32, #tpu.memory_space<hbm>>
      tpu.enqueue_dma source(%dma_start3A_400 : memref<96xi32, #tpu.memory_space<hbm>>) target(%arg18 : memref<96xi32, #tpu.memory_space<vmem>>) target_semaphore(%arg30 : memref<!tpu.dma_semaphore, #tpu.memory_space<semaphore_mem>>)
      %dma_start3A_401 = tpu.memref_slice %arg4[%multiple_of3A_398] : memref<332352xi32, #tpu.memory_space<hbm>> -> memref<96xi32, #tpu.memory_space<hbm>>
      %dma_start3A_402 = tpu.memref_slice %arg4[%multiple_of3A_398] : memref<332352xi32, #tpu.memory_space<hbm>> -> memref<96xi32, #tpu.memory_space<hbm>>
      tpu.enqueue_dma source(%dma_start3A_402 : memref<96xi32, #tpu.memory_space<hbm>>) target(%arg24 : memref<96xi32, #tpu.memory_space<vmem>>) target_semaphore(%arg30 : memref<!tpu.dma_semaphore, #tpu.memory_space<semaphore_mem>>)
    }
    %scan3A_122 = arith.constant 18 : i32
    %dma_wait3A_123 = arith.constant 0 : i32
    %dma_wait3A_124 = tpu.memref_slice %arg3[%dma_wait3A_123] : memref<332352xi32, #tpu.memory_space<hbm>> -> memref<96xi32, #tpu.memory_space<hbm>>
    %dma_wait3A_125 = arith.constant 0 : i32
    %dma_wait3A_126 = tpu.memref_slice %arg3[%dma_wait3A_125] : memref<332352xi32, #tpu.memory_space<hbm>> -> memref<96xi32, #tpu.memory_space<hbm>>
    tpu.wait_dma2 semaphore(%arg28 : memref<!tpu.dma_semaphore, #tpu.memory_space<semaphore_mem>>) src(%dma_wait3A_126 : memref<96xi32, #tpu.memory_space<hbm>>) dst(%arg16 : memref<96xi32, #tpu.memory_space<vmem>>)
    %dma_wait3A_127 = arith.constant 0 : i32
    %dma_wait3A_128 = tpu.memref_slice %arg3[%dma_wait3A_127] : memref<332352xi32, #tpu.memory_space<hbm>> -> memref<96xi32, #tpu.memory_space<hbm>>
    %dma_wait3A_129 = arith.constant 0 : i32
    %dma_wait3A_130 = tpu.memref_slice %arg3[%dma_wait3A_129] : memref<332352xi32, #tpu.memory_space<hbm>> -> memref<96xi32, #tpu.memory_space<hbm>>
    tpu.wait_dma2 semaphore(%arg28 : memref<!tpu.dma_semaphore, #tpu.memory_space<semaphore_mem>>) src(%dma_wait3A_130 : memref<96xi32, #tpu.memory_space<hbm>>) dst(%arg22 : memref<96xi32, #tpu.memory_space<vmem>>)
    %dma_wait3A_131 = arith.constant 0 : i32
    %dma_wait3A_132 = arith.constant 0 : i32
    %dma_wait3A_133 = tpu.memref_slice %arg2[%dma_wait3A_131, %dma_wait3A_132] : memref<10000x128xf32, #tpu.memory_space<hbm>> -> memref<96x128xf32, #tpu.memory_space<hbm>>
    %dma_wait3A_134 = arith.constant 0 : i32
    %dma_wait3A_135 = arith.constant 0 : i32
    %dma_wait3A_136 = tpu.memref_slice %arg2[%dma_wait3A_134, %dma_wait3A_135] : memref<10000x128xf32, #tpu.memory_space<hbm>> -> memref<96x128xf32, #tpu.memory_space<hbm>>
    tpu.wait_dma2 semaphore(%arg10 : memref<!tpu.dma_semaphore, #tpu.memory_space<semaphore_mem>>) src(%dma_wait3A_136 : memref<96x128xf32, #tpu.memory_space<hbm>>) dst(%arg7 : memref<96x128xf32, #tpu.memory_space<vmem>>)
    %dma_wait3A_137 = arith.constant 0 : i32
    %dma_wait3A_138 = tpu.memref_slice %arg3[%dma_wait3A_137] : memref<332352xi32, #tpu.memory_space<hbm>> -> memref<96xi32, #tpu.memory_space<hbm>>
    %dma_wait3A_139 = arith.constant 0 : i32
    %dma_wait3A_140 = tpu.memref_slice %arg3[%dma_wait3A_139] : memref<332352xi32, #tpu.memory_space<hbm>> -> memref<96xi32, #tpu.memory_space<hbm>>
    tpu.wait_dma2 semaphore(%arg29 : memref<!tpu.dma_semaphore, #tpu.memory_space<semaphore_mem>>) src(%dma_wait3A_140 : memref<96xi32, #tpu.memory_space<hbm>>) dst(%arg17 : memref<96xi32, #tpu.memory_space<vmem>>)
    %dma_wait3A_141 = arith.constant 0 : i32
    %dma_wait3A_142 = tpu.memref_slice %arg3[%dma_wait3A_141] : memref<332352xi32, #tpu.memory_space<hbm>> -> memref<96xi32, #tpu.memory_space<hbm>>
    %dma_wait3A_143 = arith.constant 0 : i32
    %dma_wait3A_144 = tpu.memref_slice %arg3[%dma_wait3A_143] : memref<332352xi32, #tpu.memory_space<hbm>> -> memref<96xi32, #tpu.memory_space<hbm>>
    tpu.wait_dma2 semaphore(%arg29 : memref<!tpu.dma_semaphore, #tpu.memory_space<semaphore_mem>>) src(%dma_wait3A_144 : memref<96xi32, #tpu.memory_space<hbm>>) dst(%arg23 : memref<96xi32, #tpu.memory_space<vmem>>)
    %dma_wait3A_145 = arith.constant 0 : i32
    %dma_wait3A_146 = arith.constant 0 : i32
    %dma_wait3A_147 = tpu.memref_slice %arg2[%dma_wait3A_145, %dma_wait3A_146] : memref<10000x128xf32, #tpu.memory_space<hbm>> -> memref<96x128xf32, #tpu.memory_space<hbm>>
    %dma_wait3A_148 = arith.constant 0 : i32
    %dma_wait3A_149 = arith.constant 0 : i32
    %dma_wait3A_150 = tpu.memref_slice %arg2[%dma_wait3A_148, %dma_wait3A_149] : memref<10000x128xf32, #tpu.memory_space<hbm>> -> memref<96x128xf32, #tpu.memory_space<hbm>>
    tpu.wait_dma2 semaphore(%arg11 : memref<!tpu.dma_semaphore, #tpu.memory_space<semaphore_mem>>) src(%dma_wait3A_150 : memref<96x128xf32, #tpu.memory_space<hbm>>) dst(%arg8 : memref<96x128xf32, #tpu.memory_space<vmem>>)
    %dma_wait3A_151 = arith.constant 0 : i32
    %dma_wait3A_152 = tpu.memref_slice %arg3[%dma_wait3A_151] : memref<332352xi32, #tpu.memory_space<hbm>> -> memref<96xi32, #tpu.memory_space<hbm>>
    %dma_wait3A_153 = arith.constant 0 : i32
    %dma_wait3A_154 = tpu.memref_slice %arg3[%dma_wait3A_153] : memref<332352xi32, #tpu.memory_space<hbm>> -> memref<96xi32, #tpu.memory_space<hbm>>
    tpu.wait_dma2 semaphore(%arg30 : memref<!tpu.dma_semaphore, #tpu.memory_space<semaphore_mem>>) src(%dma_wait3A_154 : memref<96xi32, #tpu.memory_space<hbm>>) dst(%arg18 : memref<96xi32, #tpu.memory_space<vmem>>)
    %dma_wait3A_155 = arith.constant 0 : i32
    %dma_wait3A_156 = tpu.memref_slice %arg3[%dma_wait3A_155] : memref<332352xi32, #tpu.memory_space<hbm>> -> memref<96xi32, #tpu.memory_space<hbm>>
    %dma_wait3A_157 = arith.constant 0 : i32
    %dma_wait3A_158 = tpu.memref_slice %arg3[%dma_wait3A_157] : memref<332352xi32, #tpu.memory_space<hbm>> -> memref<96xi32, #tpu.memory_space<hbm>>
    tpu.wait_dma2 semaphore(%arg30 : memref<!tpu.dma_semaphore, #tpu.memory_space<semaphore_mem>>) src(%dma_wait3A_158 : memref<96xi32, #tpu.memory_space<hbm>>) dst(%arg24 : memref<96xi32, #tpu.memory_space<vmem>>)
    %dma_wait3A_159 = arith.constant 0 : i32
    %dma_wait3A_160 = arith.constant 0 : i32
    %dma_wait3A_161 = tpu.memref_slice %arg2[%dma_wait3A_159, %dma_wait3A_160] : memref<10000x128xf32, #tpu.memory_space<hbm>> -> memref<96x128xf32, #tpu.memory_space<hbm>>
    %dma_wait3A_162 = arith.constant 0 : i32
    %dma_wait3A_163 = arith.constant 0 : i32
    %dma_wait3A_164 = tpu.memref_slice %arg2[%dma_wait3A_162, %dma_wait3A_163] : memref<10000x128xf32, #tpu.memory_space<hbm>> -> memref<96x128xf32, #tpu.memory_space<hbm>>
    tpu.wait_dma2 semaphore(%arg12 : memref<!tpu.dma_semaphore, #tpu.memory_space<semaphore_mem>>) src(%dma_wait3A_164 : memref<96x128xf32, #tpu.memory_space<hbm>>) dst(%arg9 : memref<96x128xf32, #tpu.memory_space<vmem>>)
    %barrier3A_165 = arith.constant 0 : index
    tpu.barrier barrier_id(%barrier3A_165)
    %mul3A_166 = arith.constant 10000 : i32
    %mul3A_167 = arith.muli %arg0, %mul3A_166 : i32
    %add3A_168 = arith.addi %mul3A_167, %mul3A_61 : i32
    %add3A_169 = arith.constant 0 : i32
    %add3A_170 = arith.addi %mul3A_61, %add3A_169 : i32
    %multiple_of3A_171 = tpu.assume_multiple %add3A_170, 8 : i32
    %add3A_172 = arith.constant 0 : i32
    %add3A_173 = arith.addi %add3A_168, %add3A_172 : i32
    %multiple_of3A_174 = tpu.assume_multiple %add3A_173, 8 : i32
    "tpu.region"() ({
      %run_scoped3A = tpu.sem_alloc : memref<!tpu.dma_semaphore, #tpu.memory_space<semaphore_mem>>
      %dma_start3A_216 = arith.constant 0 : i32
      %dma_start3A_217 = arith.constant 0 : i32
      %dma_start3A_218 = tpu.memref_slice %arg7[%dma_start3A_216, %dma_start3A_217] : memref<96x128xf32, #tpu.memory_space<vmem>> -> memref<96x128xf32, #tpu.memory_space<vmem>>
      %dma_start3A_219 = arith.constant 0 : i32
      %dma_start3A_220 = tpu.memref_slice %arg6[%multiple_of3A_171, %dma_start3A_219] : memref<10016x128xf32, #tpu.memory_space<vmem_shared>> -> memref<96x128xf32, #tpu.memory_space<vmem_shared>>
      %dma_start3A_221 = arith.constant 0 : i32
      %dma_start3A_222 = arith.constant 0 : i32
      %dma_start3A_223 = tpu.memref_slice %arg7[%dma_start3A_221, %dma_start3A_222] : memref<96x128xf32, #tpu.memory_space<vmem>> -> memref<96x128xf32, #tpu.memory_space<vmem>>
      %dma_start3A_224 = arith.constant 0 : i32
      %dma_start3A_225 = tpu.memref_slice %arg6[%multiple_of3A_171, %dma_start3A_224] : memref<10016x128xf32, #tpu.memory_space<vmem_shared>> -> memref<96x128xf32, #tpu.memory_space<vmem_shared>>
      tpu.enqueue_dma source(%dma_start3A_225 : memref<96x128xf32, #tpu.memory_space<vmem_shared>>) target(%dma_start3A_223 : memref<96x128xf32, #tpu.memory_space<vmem>>) target_semaphore(%run_scoped3A : memref<!tpu.dma_semaphore, #tpu.memory_space<semaphore_mem>>)
      %dma_wait3A_226 = arith.constant 0 : i32
      %dma_wait3A_227 = arith.constant 0 : i32
      %dma_wait3A_228 = tpu.memref_slice %arg7[%dma_wait3A_226, %dma_wait3A_227] : memref<96x128xf32, #tpu.memory_space<vmem>> -> memref<96x128xf32, #tpu.memory_space<vmem>>
      %dma_wait3A_229 = arith.constant 0 : i32
      %dma_wait3A_230 = tpu.memref_slice %arg6[%multiple_of3A_171, %dma_wait3A_229] : memref<10016x128xf32, #tpu.memory_space<vmem_shared>> -> memref<96x128xf32, #tpu.memory_space<vmem_shared>>
      %dma_wait3A_231 = arith.constant 0 : i32
      %dma_wait3A_232 = arith.constant 0 : i32
      %dma_wait3A_233 = tpu.memref_slice %arg7[%dma_wait3A_231, %dma_wait3A_232] : memref<96x128xf32, #tpu.memory_space<vmem>> -> memref<96x128xf32, #tpu.memory_space<vmem>>
      %dma_wait3A_234 = arith.constant 0 : i32
      %dma_wait3A_235 = tpu.memref_slice %arg6[%multiple_of3A_171, %dma_wait3A_234] : memref<10016x128xf32, #tpu.memory_space<vmem_shared>> -> memref<96x128xf32, #tpu.memory_space<vmem_shared>>
      tpu.wait_dma2 semaphore(%run_scoped3A : memref<!tpu.dma_semaphore, #tpu.memory_space<semaphore_mem>>) src(%dma_wait3A_235 : memref<96x128xf32, #tpu.memory_space<vmem_shared>>) dst(%dma_wait3A_233 : memref<96x128xf32, #tpu.memory_space<vmem>>)
      tpu.yield
    }) : () -> ()
    "tpu.region"() ({
      %run_scoped3A = tpu.sem_alloc : memref<!tpu.dma_semaphore, #tpu.memory_space<semaphore_mem>>
      %dma_start3A_216 = arith.constant 0 : i32
      %dma_start3A_217 = arith.constant 0 : i32
      %dma_start3A_218 = tpu.memref_slice %arg7[%dma_start3A_216, %dma_start3A_217] : memref<96x128xf32, #tpu.memory_space<vmem>> -> memref<96x128xf32, #tpu.memory_space<vmem>>
      %dma_start3A_219 = arith.constant 0 : i32
      %dma_start3A_220 = tpu.memref_slice %arg5[%multiple_of3A_174, %dma_start3A_219] : memref<20000x128xf32, #tpu.memory_space<hbm>> -> memref<96x128xf32, #tpu.memory_space<hbm>>
      %dma_start3A_221 = arith.constant 0 : i32
      %dma_start3A_222 = tpu.memref_slice %arg5[%multiple_of3A_174, %dma_start3A_221] : memref<20000x128xf32, #tpu.memory_space<hbm>> -> memref<96x128xf32, #tpu.memory_space<hbm>>
      %dma_start3A_223 = arith.constant 0 : i32
      %dma_start3A_224 = arith.constant 0 : i32
      %dma_start3A_225 = tpu.memref_slice %arg7[%dma_start3A_223, %dma_start3A_224] : memref<96x128xf32, #tpu.memory_space<vmem>> -> memref<96x128xf32, #tpu.memory_space<vmem>>
      tpu.enqueue_dma source(%dma_start3A_225 : memref<96x128xf32, #tpu.memory_space<vmem>>) target(%dma_start3A_222 : memref<96x128xf32, #tpu.memory_space<hbm>>) target_semaphore(%run_scoped3A : memref<!tpu.dma_semaphore, #tpu.memory_space<semaphore_mem>>)
      %dma_wait3A_226 = arith.constant 0 : i32
      %dma_wait3A_227 = arith.constant 0 : i32
      %dma_wait3A_228 = tpu.memref_slice %arg7[%dma_wait3A_226, %dma_wait3A_227] : memref<96x128xf32, #tpu.memory_space<vmem>> -> memref<96x128xf32, #tpu.memory_space<vmem>>
      %dma_wait3A_229 = arith.constant 0 : i32
      %dma_wait3A_230 = tpu.memref_slice %arg5[%multiple_of3A_174, %dma_wait3A_229] : memref<20000x128xf32, #tpu.memory_space<hbm>> -> memref<96x128xf32, #tpu.memory_space<hbm>>
      %dma_wait3A_231 = arith.constant 0 : i32
      %dma_wait3A_232 = tpu.memref_slice %arg5[%multiple_of3A_174, %dma_wait3A_231] : memref<20000x128xf32, #tpu.memory_space<hbm>> -> memref<96x128xf32, #tpu.memory_space<hbm>>
      %dma_wait3A_233 = arith.constant 0 : i32
      %dma_wait3A_234 = arith.constant 0 : i32
      %dma_wait3A_235 = tpu.memref_slice %arg7[%dma_wait3A_233, %dma_wait3A_234] : memref<96x128xf32, #tpu.memory_space<vmem>> -> memref<96x128xf32, #tpu.memory_space<vmem>>
      tpu.wait_dma2 semaphore(%run_scoped3A : memref<!tpu.dma_semaphore, #tpu.memory_space<semaphore_mem>>) src(%dma_wait3A_235 : memref<96x128xf32, #tpu.memory_space<vmem>>) dst(%dma_wait3A_232 : memref<96x128xf32, #tpu.memory_space<hbm>>)
      tpu.yield
    }) : () -> ()
    %add3A_175 = arith.constant 96 : i32
    %add3A_176 = arith.addi %mul3A_61, %add3A_175 : i32
    %multiple_of3A_177 = tpu.assume_multiple %add3A_176, 8 : i32
    %add3A_178 = arith.constant 96 : i32
    %add3A_179 = arith.addi %add3A_168, %add3A_178 : i32
    %multiple_of3A_180 = tpu.assume_multiple %add3A_179, 8 : i32
    "tpu.region"() ({
      %run_scoped3A = tpu.sem_alloc : memref<!tpu.dma_semaphore, #tpu.memory_space<semaphore_mem>>
      %dma_start3A_216 = arith.constant 0 : i32
      %dma_start3A_217 = arith.constant 0 : i32
      %dma_start3A_218 = tpu.memref_slice %arg8[%dma_start3A_216, %dma_start3A_217] : memref<96x128xf32, #tpu.memory_space<vmem>> -> memref<96x128xf32, #tpu.memory_space<vmem>>
      %dma_start3A_219 = arith.constant 0 : i32
      %dma_start3A_220 = tpu.memref_slice %arg6[%multiple_of3A_177, %dma_start3A_219] : memref<10016x128xf32, #tpu.memory_space<vmem_shared>> -> memref<96x128xf32, #tpu.memory_space<vmem_shared>>
      %dma_start3A_221 = arith.constant 0 : i32
      %dma_start3A_222 = arith.constant 0 : i32
      %dma_start3A_223 = tpu.memref_slice %arg8[%dma_start3A_221, %dma_start3A_222] : memref<96x128xf32, #tpu.memory_space<vmem>> -> memref<96x128xf32, #tpu.memory_space<vmem>>
      %dma_start3A_224 = arith.constant 0 : i32
      %dma_start3A_225 = tpu.memref_slice %arg6[%multiple_of3A_177, %dma_start3A_224] : memref<10016x128xf32, #tpu.memory_space<vmem_shared>> -> memref<96x128xf32, #tpu.memory_space<vmem_shared>>
      tpu.enqueue_dma source(%dma_start3A_225 : memref<96x128xf32, #tpu.memory_space<vmem_shared>>) target(%dma_start3A_223 : memref<96x128xf32, #tpu.memory_space<vmem>>) target_semaphore(%run_scoped3A : memref<!tpu.dma_semaphore, #tpu.memory_space<semaphore_mem>>)
      %dma_wait3A_226 = arith.constant 0 : i32
      %dma_wait3A_227 = arith.constant 0 : i32
      %dma_wait3A_228 = tpu.memref_slice %arg8[%dma_wait3A_226, %dma_wait3A_227] : memref<96x128xf32, #tpu.memory_space<vmem>> -> memref<96x128xf32, #tpu.memory_space<vmem>>
      %dma_wait3A_229 = arith.constant 0 : i32
      %dma_wait3A_230 = tpu.memref_slice %arg6[%multiple_of3A_177, %dma_wait3A_229] : memref<10016x128xf32, #tpu.memory_space<vmem_shared>> -> memref<96x128xf32, #tpu.memory_space<vmem_shared>>
      %dma_wait3A_231 = arith.constant 0 : i32
      %dma_wait3A_232 = arith.constant 0 : i32
      %dma_wait3A_233 = tpu.memref_slice %arg8[%dma_wait3A_231, %dma_wait3A_232] : memref<96x128xf32, #tpu.memory_space<vmem>> -> memref<96x128xf32, #tpu.memory_space<vmem>>
      %dma_wait3A_234 = arith.constant 0 : i32
      %dma_wait3A_235 = tpu.memref_slice %arg6[%multiple_of3A_177, %dma_wait3A_234] : memref<10016x128xf32, #tpu.memory_space<vmem_shared>> -> memref<96x128xf32, #tpu.memory_space<vmem_shared>>
      tpu.wait_dma2 semaphore(%run_scoped3A : memref<!tpu.dma_semaphore, #tpu.memory_space<semaphore_mem>>) src(%dma_wait3A_235 : memref<96x128xf32, #tpu.memory_space<vmem_shared>>) dst(%dma_wait3A_233 : memref<96x128xf32, #tpu.memory_space<vmem>>)
      tpu.yield
    }) : () -> ()
    "tpu.region"() ({
      %run_scoped3A = tpu.sem_alloc : memref<!tpu.dma_semaphore, #tpu.memory_space<semaphore_mem>>
      %dma_start3A_216 = arith.constant 0 : i32
      %dma_start3A_217 = arith.constant 0 : i32
      %dma_start3A_218 = tpu.memref_slice %arg8[%dma_start3A_216, %dma_start3A_217] : memref<96x128xf32, #tpu.memory_space<vmem>> -> memref<96x128xf32, #tpu.memory_space<vmem>>
      %dma_start3A_219 = arith.constant 0 : i32
      %dma_start3A_220 = tpu.memref_slice %arg5[%multiple_of3A_180, %dma_start3A_219] : memref<20000x128xf32, #tpu.memory_space<hbm>> -> memref<96x128xf32, #tpu.memory_space<hbm>>
      %dma_start3A_221 = arith.constant 0 : i32
      %dma_start3A_222 = tpu.memref_slice %arg5[%multiple_of3A_180, %dma_start3A_221] : memref<20000x128xf32, #tpu.memory_space<hbm>> -> memref<96x128xf32, #tpu.memory_space<hbm>>
      %dma_start3A_223 = arith.constant 0 : i32
      %dma_start3A_224 = arith.constant 0 : i32
      %dma_start3A_225 = tpu.memref_slice %arg8[%dma_start3A_223, %dma_start3A_224] : memref<96x128xf32, #tpu.memory_space<vmem>> -> memref<96x128xf32, #tpu.memory_space<vmem>>
      tpu.enqueue_dma source(%dma_start3A_225 : memref<96x128xf32, #tpu.memory_space<vmem>>) target(%dma_start3A_222 : memref<96x128xf32, #tpu.memory_space<hbm>>) target_semaphore(%run_scoped3A : memref<!tpu.dma_semaphore, #tpu.memory_space<semaphore_mem>>)
      %dma_wait3A_226 = arith.constant 0 : i32
      %dma_wait3A_227 = arith.constant 0 : i32
      %dma_wait3A_228 = tpu.memref_slice %arg8[%dma_wait3A_226, %dma_wait3A_227] : memref<96x128xf32, #tpu.memory_space<vmem>> -> memref<96x128xf32, #tpu.memory_space<vmem>>
      %dma_wait3A_229 = arith.constant 0 : i32
      %dma_wait3A_230 = tpu.memref_slice %arg5[%multiple_of3A_180, %dma_wait3A_229] : memref<20000x128xf32, #tpu.memory_space<hbm>> -> memref<96x128xf32, #tpu.memory_space<hbm>>
      %dma_wait3A_231 = arith.constant 0 : i32
      %dma_wait3A_232 = tpu.memref_slice %arg5[%multiple_of3A_180, %dma_wait3A_231] : memref<20000x128xf32, #tpu.memory_space<hbm>> -> memref<96x128xf32, #tpu.memory_space<hbm>>
      %dma_wait3A_233 = arith.constant 0 : i32
      %dma_wait3A_234 = arith.constant 0 : i32
      %dma_wait3A_235 = tpu.memref_slice %arg8[%dma_wait3A_233, %dma_wait3A_234] : memref<96x128xf32, #tpu.memory_space<vmem>> -> memref<96x128xf32, #tpu.memory_space<vmem>>
      tpu.wait_dma2 semaphore(%run_scoped3A : memref<!tpu.dma_semaphore, #tpu.memory_space<semaphore_mem>>) src(%dma_wait3A_235 : memref<96x128xf32, #tpu.memory_space<vmem>>) dst(%dma_wait3A_232 : memref<96x128xf32, #tpu.memory_space<hbm>>)
      tpu.yield
    }) : () -> ()
    %add3A_181 = arith.constant 192 : i32
    %add3A_182 = arith.addi %mul3A_61, %add3A_181 : i32
    %multiple_of3A_183 = tpu.assume_multiple %add3A_182, 8 : i32
    %add3A_184 = arith.constant 192 : i32
    %add3A_185 = arith.addi %add3A_168, %add3A_184 : i32
    %multiple_of3A_186 = tpu.assume_multiple %add3A_185, 8 : i32
    "tpu.region"() ({
      %run_scoped3A = tpu.sem_alloc : memref<!tpu.dma_semaphore, #tpu.memory_space<semaphore_mem>>
      %dma_start3A_216 = arith.constant 0 : i32
      %dma_start3A_217 = arith.constant 0 : i32
      %dma_start3A_218 = tpu.memref_slice %arg9[%dma_start3A_216, %dma_start3A_217] : memref<96x128xf32, #tpu.memory_space<vmem>> -> memref<96x128xf32, #tpu.memory_space<vmem>>
      %dma_start3A_219 = arith.constant 0 : i32
      %dma_start3A_220 = tpu.memref_slice %arg6[%multiple_of3A_183, %dma_start3A_219] : memref<10016x128xf32, #tpu.memory_space<vmem_shared>> -> memref<96x128xf32, #tpu.memory_space<vmem_shared>>
      %dma_start3A_221 = arith.constant 0 : i32
      %dma_start3A_222 = arith.constant 0 : i32
      %dma_start3A_223 = tpu.memref_slice %arg9[%dma_start3A_221, %dma_start3A_222] : memref<96x128xf32, #tpu.memory_space<vmem>> -> memref<96x128xf32, #tpu.memory_space<vmem>>
      %dma_start3A_224 = arith.constant 0 : i32
      %dma_start3A_225 = tpu.memref_slice %arg6[%multiple_of3A_183, %dma_start3A_224] : memref<10016x128xf32, #tpu.memory_space<vmem_shared>> -> memref<96x128xf32, #tpu.memory_space<vmem_shared>>
      tpu.enqueue_dma source(%dma_start3A_225 : memref<96x128xf32, #tpu.memory_space<vmem_shared>>) target(%dma_start3A_223 : memref<96x128xf32, #tpu.memory_space<vmem>>) target_semaphore(%run_scoped3A : memref<!tpu.dma_semaphore, #tpu.memory_space<semaphore_mem>>)
      %dma_wait3A_226 = arith.constant 0 : i32
      %dma_wait3A_227 = arith.constant 0 : i32
      %dma_wait3A_228 = tpu.memref_slice %arg9[%dma_wait3A_226, %dma_wait3A_227] : memref<96x128xf32, #tpu.memory_space<vmem>> -> memref<96x128xf32, #tpu.memory_space<vmem>>
      %dma_wait3A_229 = arith.constant 0 : i32
      %dma_wait3A_230 = tpu.memref_slice %arg6[%multiple_of3A_183, %dma_wait3A_229] : memref<10016x128xf32, #tpu.memory_space<vmem_shared>> -> memref<96x128xf32, #tpu.memory_space<vmem_shared>>
      %dma_wait3A_231 = arith.constant 0 : i32
      %dma_wait3A_232 = arith.constant 0 : i32
      %dma_wait3A_233 = tpu.memref_slice %arg9[%dma_wait3A_231, %dma_wait3A_232] : memref<96x128xf32, #tpu.memory_space<vmem>> -> memref<96x128xf32, #tpu.memory_space<vmem>>
      %dma_wait3A_234 = arith.constant 0 : i32
      %dma_wait3A_235 = tpu.memref_slice %arg6[%multiple_of3A_183, %dma_wait3A_234] : memref<10016x128xf32, #tpu.memory_space<vmem_shared>> -> memref<96x128xf32, #tpu.memory_space<vmem_shared>>
      tpu.wait_dma2 semaphore(%run_scoped3A : memref<!tpu.dma_semaphore, #tpu.memory_space<semaphore_mem>>) src(%dma_wait3A_235 : memref<96x128xf32, #tpu.memory_space<vmem_shared>>) dst(%dma_wait3A_233 : memref<96x128xf32, #tpu.memory_space<vmem>>)
      tpu.yield
    }) : () -> ()
    "tpu.region"() ({
      %run_scoped3A = tpu.sem_alloc : memref<!tpu.dma_semaphore, #tpu.memory_space<semaphore_mem>>
      %dma_start3A_216 = arith.constant 0 : i32
      %dma_start3A_217 = arith.constant 0 : i32
      %dma_start3A_218 = tpu.memref_slice %arg9[%dma_start3A_216, %dma_start3A_217] : memref<96x128xf32, #tpu.memory_space<vmem>> -> memref<96x128xf32, #tpu.memory_space<vmem>>
      %dma_start3A_219 = arith.constant 0 : i32
      %dma_start3A_220 = tpu.memref_slice %arg5[%multiple_of3A_186, %dma_start3A_219] : memref<20000x128xf32, #tpu.memory_space<hbm>> -> memref<96x128xf32, #tpu.memory_space<hbm>>
      %dma_start3A_221 = arith.constant 0 : i32
      %dma_start3A_222 = tpu.memref_slice %arg5[%multiple_of3A_186, %dma_start3A_221] : memref<20000x128xf32, #tpu.memory_space<hbm>> -> memref<96x128xf32, #tpu.memory_space<hbm>>
      %dma_start3A_223 = arith.constant 0 : i32
      %dma_start3A_224 = arith.constant 0 : i32
      %dma_start3A_225 = tpu.memref_slice %arg9[%dma_start3A_223, %dma_start3A_224] : memref<96x128xf32, #tpu.memory_space<vmem>> -> memref<96x128xf32, #tpu.memory_space<vmem>>
      tpu.enqueue_dma source(%dma_start3A_225 : memref<96x128xf32, #tpu.memory_space<vmem>>) target(%dma_start3A_222 : memref<96x128xf32, #tpu.memory_space<hbm>>) target_semaphore(%run_scoped3A : memref<!tpu.dma_semaphore, #tpu.memory_space<semaphore_mem>>)
      %dma_wait3A_226 = arith.constant 0 : i32
      %dma_wait3A_227 = arith.constant 0 : i32
      %dma_wait3A_228 = tpu.memref_slice %arg9[%dma_wait3A_226, %dma_wait3A_227] : memref<96x128xf32, #tpu.memory_space<vmem>> -> memref<96x128xf32, #tpu.memory_space<vmem>>
      %dma_wait3A_229 = arith.constant 0 : i32
      %dma_wait3A_230 = tpu.memref_slice %arg5[%multiple_of3A_186, %dma_wait3A_229] : memref<20000x128xf32, #tpu.memory_space<hbm>> -> memref<96x128xf32, #tpu.memory_space<hbm>>
      %dma_wait3A_231 = arith.constant 0 : i32
      %dma_wait3A_232 = tpu.memref_slice %arg5[%multiple_of3A_186, %dma_wait3A_231] : memref<20000x128xf32, #tpu.memory_space<hbm>> -> memref<96x128xf32, #tpu.memory_space<hbm>>
      %dma_wait3A_233 = arith.constant 0 : i32
      %dma_wait3A_234 = arith.constant 0 : i32
      %dma_wait3A_235 = tpu.memref_slice %arg9[%dma_wait3A_233, %dma_wait3A_234] : memref<96x128xf32, #tpu.memory_space<vmem>> -> memref<96x128xf32, #tpu.memory_space<vmem>>
      tpu.wait_dma2 semaphore(%run_scoped3A : memref<!tpu.dma_semaphore, #tpu.memory_space<semaphore_mem>>) src(%dma_wait3A_235 : memref<96x128xf32, #tpu.memory_space<vmem>>) dst(%dma_wait3A_232 : memref<96x128xf32, #tpu.memory_space<hbm>>)
      tpu.yield
    }) : () -> ()
    %add3A_187 = arith.constant 288 : i32
    %add3A_188 = arith.addi %mul3A_61, %add3A_187 : i32
    %multiple_of3A_189 = tpu.assume_multiple %add3A_188, 8 : i32
    %add3A_190 = arith.constant 288 : i32
    %add3A_191 = arith.addi %add3A_168, %add3A_190 : i32
    %multiple_of3A_192 = tpu.assume_multiple %add3A_191, 8 : i32
    "tpu.region"() ({
      %run_scoped3A = tpu.sem_alloc : memref<!tpu.dma_semaphore, #tpu.memory_space<semaphore_mem>>
      %dma_start3A_216 = arith.constant 0 : i32
      %dma_start3A_217 = arith.constant 0 : i32
      %dma_start3A_218 = tpu.memref_slice %arg7[%dma_start3A_216, %dma_start3A_217] : memref<96x128xf32, #tpu.memory_space<vmem>> -> memref<96x128xf32, #tpu.memory_space<vmem>>
      %dma_start3A_219 = arith.constant 0 : i32
      %dma_start3A_220 = tpu.memref_slice %arg6[%multiple_of3A_189, %dma_start3A_219] : memref<10016x128xf32, #tpu.memory_space<vmem_shared>> -> memref<96x128xf32, #tpu.memory_space<vmem_shared>>
      %dma_start3A_221 = arith.constant 0 : i32
      %dma_start3A_222 = arith.constant 0 : i32
      %dma_start3A_223 = tpu.memref_slice %arg7[%dma_start3A_221, %dma_start3A_222] : memref<96x128xf32, #tpu.memory_space<vmem>> -> memref<96x128xf32, #tpu.memory_space<vmem>>
      %dma_start3A_224 = arith.constant 0 : i32
      %dma_start3A_225 = tpu.memref_slice %arg6[%multiple_of3A_189, %dma_start3A_224] : memref<10016x128xf32, #tpu.memory_space<vmem_shared>> -> memref<96x128xf32, #tpu.memory_space<vmem_shared>>
      tpu.enqueue_dma source(%dma_start3A_225 : memref<96x128xf32, #tpu.memory_space<vmem_shared>>) target(%dma_start3A_223 : memref<96x128xf32, #tpu.memory_space<vmem>>) target_semaphore(%run_scoped3A : memref<!tpu.dma_semaphore, #tpu.memory_space<semaphore_mem>>)
      %dma_wait3A_226 = arith.constant 0 : i32
      %dma_wait3A_227 = arith.constant 0 : i32
      %dma_wait3A_228 = tpu.memref_slice %arg7[%dma_wait3A_226, %dma_wait3A_227] : memref<96x128xf32, #tpu.memory_space<vmem>> -> memref<96x128xf32, #tpu.memory_space<vmem>>
      %dma_wait3A_229 = arith.constant 0 : i32
      %dma_wait3A_230 = tpu.memref_slice %arg6[%multiple_of3A_189, %dma_wait3A_229] : memref<10016x128xf32, #tpu.memory_space<vmem_shared>> -> memref<96x128xf32, #tpu.memory_space<vmem_shared>>
      %dma_wait3A_231 = arith.constant 0 : i32
      %dma_wait3A_232 = arith.constant 0 : i32
      %dma_wait3A_233 = tpu.memref_slice %arg7[%dma_wait3A_231, %dma_wait3A_232] : memref<96x128xf32, #tpu.memory_space<vmem>> -> memref<96x128xf32, #tpu.memory_space<vmem>>
      %dma_wait3A_234 = arith.constant 0 : i32
      %dma_wait3A_235 = tpu.memref_slice %arg6[%multiple_of3A_189, %dma_wait3A_234] : memref<10016x128xf32, #tpu.memory_space<vmem_shared>> -> memref<96x128xf32, #tpu.memory_space<vmem_shared>>
      tpu.wait_dma2 semaphore(%run_scoped3A : memref<!tpu.dma_semaphore, #tpu.memory_space<semaphore_mem>>) src(%dma_wait3A_235 : memref<96x128xf32, #tpu.memory_space<vmem_shared>>) dst(%dma_wait3A_233 : memref<96x128xf32, #tpu.memory_space<vmem>>)
      tpu.yield
    }) : () -> ()
    "tpu.region"() ({
      %run_scoped3A = tpu.sem_alloc : memref<!tpu.dma_semaphore, #tpu.memory_space<semaphore_mem>>
      %dma_start3A_216 = arith.constant 0 : i32
      %dma_start3A_217 = arith.constant 0 : i32
      %dma_start3A_218 = tpu.memref_slice %arg7[%dma_start3A_216, %dma_start3A_217] : memref<96x128xf32, #tpu.memory_space<vmem>> -> memref<96x128xf32, #tpu.memory_space<vmem>>
      %dma_start3A_219 = arith.constant 0 : i32
      %dma_start3A_220 = tpu.memref_slice %arg5[%multiple_of3A_192, %dma_start3A_219] : memref<20000x128xf32, #tpu.memory_space<hbm>> -> memref<96x128xf32, #tpu.memory_space<hbm>>
      %dma_start3A_221 = arith.constant 0 : i32
      %dma_start3A_222 = tpu.memref_slice %arg5[%multiple_of3A_192, %dma_start3A_221] : memref<20000x128xf32, #tpu.memory_space<hbm>> -> memref<96x128xf32, #tpu.memory_space<hbm>>
      %dma_start3A_223 = arith.constant 0 : i32
      %dma_start3A_224 = arith.constant 0 : i32
      %dma_start3A_225 = tpu.memref_slice %arg7[%dma_start3A_223, %dma_start3A_224] : memref<96x128xf32, #tpu.memory_space<vmem>> -> memref<96x128xf32, #tpu.memory_space<vmem>>
      tpu.enqueue_dma source(%dma_start3A_225 : memref<96x128xf32, #tpu.memory_space<vmem>>) target(%dma_start3A_222 : memref<96x128xf32, #tpu.memory_space<hbm>>) target_semaphore(%run_scoped3A : memref<!tpu.dma_semaphore, #tpu.memory_space<semaphore_mem>>)
      %dma_wait3A_226 = arith.constant 0 : i32
      %dma_wait3A_227 = arith.constant 0 : i32
      %dma_wait3A_228 = tpu.memref_slice %arg7[%dma_wait3A_226, %dma_wait3A_227] : memref<96x128xf32, #tpu.memory_space<vmem>> -> memref<96x128xf32, #tpu.memory_space<vmem>>
      %dma_wait3A_229 = arith.constant 0 : i32
      %dma_wait3A_230 = tpu.memref_slice %arg5[%multiple_of3A_192, %dma_wait3A_229] : memref<20000x128xf32, #tpu.memory_space<hbm>> -> memref<96x128xf32, #tpu.memory_space<hbm>>
      %dma_wait3A_231 = arith.constant 0 : i32
      %dma_wait3A_232 = tpu.memref_slice %arg5[%multiple_of3A_192, %dma_wait3A_231] : memref<20000x128xf32, #tpu.memory_space<hbm>> -> memref<96x128xf32, #tpu.memory_space<hbm>>
      %dma_wait3A_233 = arith.constant 0 : i32
      %dma_wait3A_234 = arith.constant 0 : i32
      %dma_wait3A_235 = tpu.memref_slice %arg7[%dma_wait3A_233, %dma_wait3A_234] : memref<96x128xf32, #tpu.memory_space<vmem>> -> memref<96x128xf32, #tpu.memory_space<vmem>>
      tpu.wait_dma2 semaphore(%run_scoped3A : memref<!tpu.dma_semaphore, #tpu.memory_space<semaphore_mem>>) src(%dma_wait3A_235 : memref<96x128xf32, #tpu.memory_space<vmem>>) dst(%dma_wait3A_232 : memref<96x128xf32, #tpu.memory_space<hbm>>)
      tpu.yield
    }) : () -> ()
    %add3A_193 = arith.constant 384 : i32
    %add3A_194 = arith.addi %mul3A_61, %add3A_193 : i32
    %multiple_of3A_195 = tpu.assume_multiple %add3A_194, 8 : i32
    %add3A_196 = arith.constant 384 : i32
    %add3A_197 = arith.addi %add3A_168, %add3A_196 : i32
    %multiple_of3A_198 = tpu.assume_multiple %add3A_197, 8 : i32
    "tpu.region"() ({
      %run_scoped3A = tpu.sem_alloc : memref<!tpu.dma_semaphore, #tpu.memory_space<semaphore_mem>>
      %dma_start3A_216 = arith.constant 0 : i32
      %dma_start3A_217 = arith.constant 0 : i32
      %dma_start3A_218 = tpu.memref_slice %arg8[%dma_start3A_216, %dma_start3A_217] : memref<96x128xf32, #tpu.memory_space<vmem>> -> memref<96x128xf32, #tpu.memory_space<vmem>>
      %dma_start3A_219 = arith.constant 0 : i32
      %dma_start3A_220 = tpu.memref_slice %arg6[%multiple_of3A_195, %dma_start3A_219] : memref<10016x128xf32, #tpu.memory_space<vmem_shared>> -> memref<96x128xf32, #tpu.memory_space<vmem_shared>>
      %dma_start3A_221 = arith.constant 0 : i32
      %dma_start3A_222 = arith.constant 0 : i32
      %dma_start3A_223 = tpu.memref_slice %arg8[%dma_start3A_221, %dma_start3A_222] : memref<96x128xf32, #tpu.memory_space<vmem>> -> memref<96x128xf32, #tpu.memory_space<vmem>>
      %dma_start3A_224 = arith.constant 0 : i32
      %dma_start3A_225 = tpu.memref_slice %arg6[%multiple_of3A_195, %dma_start3A_224] : memref<10016x128xf32, #tpu.memory_space<vmem_shared>> -> memref<96x128xf32, #tpu.memory_space<vmem_shared>>
      tpu.enqueue_dma source(%dma_start3A_225 : memref<96x128xf32, #tpu.memory_space<vmem_shared>>) target(%dma_start3A_223 : memref<96x128xf32, #tpu.memory_space<vmem>>) target_semaphore(%run_scoped3A : memref<!tpu.dma_semaphore, #tpu.memory_space<semaphore_mem>>)
      %dma_wait3A_226 = arith.constant 0 : i32
      %dma_wait3A_227 = arith.constant 0 : i32
      %dma_wait3A_228 = tpu.memref_slice %arg8[%dma_wait3A_226, %dma_wait3A_227] : memref<96x128xf32, #tpu.memory_space<vmem>> -> memref<96x128xf32, #tpu.memory_space<vmem>>
      %dma_wait3A_229 = arith.constant 0 : i32
      %dma_wait3A_230 = tpu.memref_slice %arg6[%multiple_of3A_195, %dma_wait3A_229] : memref<10016x128xf32, #tpu.memory_space<vmem_shared>> -> memref<96x128xf32, #tpu.memory_space<vmem_shared>>
      %dma_wait3A_231 = arith.constant 0 : i32
      %dma_wait3A_232 = arith.constant 0 : i32
      %dma_wait3A_233 = tpu.memref_slice %arg8[%dma_wait3A_231, %dma_wait3A_232] : memref<96x128xf32, #tpu.memory_space<vmem>> -> memref<96x128xf32, #tpu.memory_space<vmem>>
      %dma_wait3A_234 = arith.constant 0 : i32
      %dma_wait3A_235 = tpu.memref_slice %arg6[%multiple_of3A_195, %dma_wait3A_234] : memref<10016x128xf32, #tpu.memory_space<vmem_shared>> -> memref<96x128xf32, #tpu.memory_space<vmem_shared>>
      tpu.wait_dma2 semaphore(%run_scoped3A : memref<!tpu.dma_semaphore, #tpu.memory_space<semaphore_mem>>) src(%dma_wait3A_235 : memref<96x128xf32, #tpu.memory_space<vmem_shared>>) dst(%dma_wait3A_233 : memref<96x128xf32, #tpu.memory_space<vmem>>)
      tpu.yield
    }) : () -> ()
    "tpu.region"() ({
      %run_scoped3A = tpu.sem_alloc : memref<!tpu.dma_semaphore, #tpu.memory_space<semaphore_mem>>
      %dma_start3A_216 = arith.constant 0 : i32
      %dma_start3A_217 = arith.constant 0 : i32
      %dma_start3A_218 = tpu.memref_slice %arg8[%dma_start3A_216, %dma_start3A_217] : memref<96x128xf32, #tpu.memory_space<vmem>> -> memref<96x128xf32, #tpu.memory_space<vmem>>
      %dma_start3A_219 = arith.constant 0 : i32
      %dma_start3A_220 = tpu.memref_slice %arg5[%multiple_of3A_198, %dma_start3A_219] : memref<20000x128xf32, #tpu.memory_space<hbm>> -> memref<96x128xf32, #tpu.memory_space<hbm>>
      %dma_start3A_221 = arith.constant 0 : i32
      %dma_start3A_222 = tpu.memref_slice %arg5[%multiple_of3A_198, %dma_start3A_221] : memref<20000x128xf32, #tpu.memory_space<hbm>> -> memref<96x128xf32, #tpu.memory_space<hbm>>
      %dma_start3A_223 = arith.constant 0 : i32
      %dma_start3A_224 = arith.constant 0 : i32
      %dma_start3A_225 = tpu.memref_slice %arg8[%dma_start3A_223, %dma_start3A_224] : memref<96x128xf32, #tpu.memory_space<vmem>> -> memref<96x128xf32, #tpu.memory_space<vmem>>
      tpu.enqueue_dma source(%dma_start3A_225 : memref<96x128xf32, #tpu.memory_space<vmem>>) target(%dma_start3A_222 : memref<96x128xf32, #tpu.memory_space<hbm>>) target_semaphore(%run_scoped3A : memref<!tpu.dma_semaphore, #tpu.memory_space<semaphore_mem>>)
      %dma_wait3A_226 = arith.constant 0 : i32
      %dma_wait3A_227 = arith.constant 0 : i32
      %dma_wait3A_228 = tpu.memref_slice %arg8[%dma_wait3A_226, %dma_wait3A_227] : memref<96x128xf32, #tpu.memory_space<vmem>> -> memref<96x128xf32, #tpu.memory_space<vmem>>
      %dma_wait3A_229 = arith.constant 0 : i32
      %dma_wait3A_230 = tpu.memref_slice %arg5[%multiple_of3A_198, %dma_wait3A_229] : memref<20000x128xf32, #tpu.memory_space<hbm>> -> memref<96x128xf32, #tpu.memory_space<hbm>>
      %dma_wait3A_231 = arith.constant 0 : i32
      %dma_wait3A_232 = tpu.memref_slice %arg5[%multiple_of3A_198, %dma_wait3A_231] : memref<20000x128xf32, #tpu.memory_space<hbm>> -> memref<96x128xf32, #tpu.memory_space<hbm>>
      %dma_wait3A_233 = arith.constant 0 : i32
      %dma_wait3A_234 = arith.constant 0 : i32
      %dma_wait3A_235 = tpu.memref_slice %arg8[%dma_wait3A_233, %dma_wait3A_234] : memref<96x128xf32, #tpu.memory_space<vmem>> -> memref<96x128xf32, #tpu.memory_space<vmem>>
      tpu.wait_dma2 semaphore(%run_scoped3A : memref<!tpu.dma_semaphore, #tpu.memory_space<semaphore_mem>>) src(%dma_wait3A_235 : memref<96x128xf32, #tpu.memory_space<vmem>>) dst(%dma_wait3A_232 : memref<96x128xf32, #tpu.memory_space<hbm>>)
      tpu.yield
    }) : () -> ()
    %add3A_199 = arith.constant 480 : i32
    %add3A_200 = arith.addi %mul3A_61, %add3A_199 : i32
    %multiple_of3A_201 = tpu.assume_multiple %add3A_200, 8 : i32
    %add3A_202 = arith.constant 480 : i32
    %add3A_203 = arith.addi %add3A_168, %add3A_202 : i32
    %multiple_of3A_204 = tpu.assume_multiple %add3A_203, 8 : i32
    "tpu.region"() ({
      %run_scoped3A = tpu.sem_alloc : memref<!tpu.dma_semaphore, #tpu.memory_space<semaphore_mem>>
      %dma_start3A_216 = arith.constant 0 : i32
      %dma_start3A_217 = arith.constant 0 : i32
      %dma_start3A_218 = tpu.memref_slice %arg9[%dma_start3A_216, %dma_start3A_217] : memref<96x128xf32, #tpu.memory_space<vmem>> -> memref<96x128xf32, #tpu.memory_space<vmem>>
      %dma_start3A_219 = arith.constant 0 : i32
      %dma_start3A_220 = tpu.memref_slice %arg6[%multiple_of3A_201, %dma_start3A_219] : memref<10016x128xf32, #tpu.memory_space<vmem_shared>> -> memref<96x128xf32, #tpu.memory_space<vmem_shared>>
      %dma_start3A_221 = arith.constant 0 : i32
      %dma_start3A_222 = arith.constant 0 : i32
      %dma_start3A_223 = tpu.memref_slice %arg9[%dma_start3A_221, %dma_start3A_222] : memref<96x128xf32, #tpu.memory_space<vmem>> -> memref<96x128xf32, #tpu.memory_space<vmem>>
      %dma_start3A_224 = arith.constant 0 : i32
      %dma_start3A_225 = tpu.memref_slice %arg6[%multiple_of3A_201, %dma_start3A_224] : memref<10016x128xf32, #tpu.memory_space<vmem_shared>> -> memref<96x128xf32, #tpu.memory_space<vmem_shared>>
      tpu.enqueue_dma source(%dma_start3A_225 : memref<96x128xf32, #tpu.memory_space<vmem_shared>>) target(%dma_start3A_223 : memref<96x128xf32, #tpu.memory_space<vmem>>) target_semaphore(%run_scoped3A : memref<!tpu.dma_semaphore, #tpu.memory_space<semaphore_mem>>)
      %dma_wait3A_226 = arith.constant 0 : i32
      %dma_wait3A_227 = arith.constant 0 : i32
      %dma_wait3A_228 = tpu.memref_slice %arg9[%dma_wait3A_226, %dma_wait3A_227] : memref<96x128xf32, #tpu.memory_space<vmem>> -> memref<96x128xf32, #tpu.memory_space<vmem>>
      %dma_wait3A_229 = arith.constant 0 : i32
      %dma_wait3A_230 = tpu.memref_slice %arg6[%multiple_of3A_201, %dma_wait3A_229] : memref<10016x128xf32, #tpu.memory_space<vmem_shared>> -> memref<96x128xf32, #tpu.memory_space<vmem_shared>>
      %dma_wait3A_231 = arith.constant 0 : i32
      %dma_wait3A_232 = arith.constant 0 : i32
      %dma_wait3A_233 = tpu.memref_slice %arg9[%dma_wait3A_231, %dma_wait3A_232] : memref<96x128xf32, #tpu.memory_space<vmem>> -> memref<96x128xf32, #tpu.memory_space<vmem>>
      %dma_wait3A_234 = arith.constant 0 : i32
      %dma_wait3A_235 = tpu.memref_slice %arg6[%multiple_of3A_201, %dma_wait3A_234] : memref<10016x128xf32, #tpu.memory_space<vmem_shared>> -> memref<96x128xf32, #tpu.memory_space<vmem_shared>>
      tpu.wait_dma2 semaphore(%run_scoped3A : memref<!tpu.dma_semaphore, #tpu.memory_space<semaphore_mem>>) src(%dma_wait3A_235 : memref<96x128xf32, #tpu.memory_space<vmem_shared>>) dst(%dma_wait3A_233 : memref<96x128xf32, #tpu.memory_space<vmem>>)
      tpu.yield
    }) : () -> ()
    "tpu.region"() ({
      %run_scoped3A = tpu.sem_alloc : memref<!tpu.dma_semaphore, #tpu.memory_space<semaphore_mem>>
      %dma_start3A_216 = arith.constant 0 : i32
      %dma_start3A_217 = arith.constant 0 : i32
      %dma_start3A_218 = tpu.memref_slice %arg9[%dma_start3A_216, %dma_start3A_217] : memref<96x128xf32, #tpu.memory_space<vmem>> -> memref<96x128xf32, #tpu.memory_space<vmem>>
      %dma_start3A_219 = arith.constant 0 : i32
      %dma_start3A_220 = tpu.memref_slice %arg5[%multiple_of3A_204, %dma_start3A_219] : memref<20000x128xf32, #tpu.memory_space<hbm>> -> memref<96x128xf32, #tpu.memory_space<hbm>>
      %dma_start3A_221 = arith.constant 0 : i32
      %dma_start3A_222 = tpu.memref_slice %arg5[%multiple_of3A_204, %dma_start3A_221] : memref<20000x128xf32, #tpu.memory_space<hbm>> -> memref<96x128xf32, #tpu.memory_space<hbm>>
      %dma_start3A_223 = arith.constant 0 : i32
      %dma_start3A_224 = arith.constant 0 : i32
      %dma_start3A_225 = tpu.memref_slice %arg9[%dma_start3A_223, %dma_start3A_224] : memref<96x128xf32, #tpu.memory_space<vmem>> -> memref<96x128xf32, #tpu.memory_space<vmem>>
      tpu.enqueue_dma source(%dma_start3A_225 : memref<96x128xf32, #tpu.memory_space<vmem>>) target(%dma_start3A_222 : memref<96x128xf32, #tpu.memory_space<hbm>>) target_semaphore(%run_scoped3A : memref<!tpu.dma_semaphore, #tpu.memory_space<semaphore_mem>>)
      %dma_wait3A_226 = arith.constant 0 : i32
      %dma_wait3A_227 = arith.constant 0 : i32
      %dma_wait3A_228 = tpu.memref_slice %arg9[%dma_wait3A_226, %dma_wait3A_227] : memref<96x128xf32, #tpu.memory_space<vmem>> -> memref<96x128xf32, #tpu.memory_space<vmem>>
      %dma_wait3A_229 = arith.constant 0 : i32
      %dma_wait3A_230 = tpu.memref_slice %arg5[%multiple_of3A_204, %dma_wait3A_229] : memref<20000x128xf32, #tpu.memory_space<hbm>> -> memref<96x128xf32, #tpu.memory_space<hbm>>
      %dma_wait3A_231 = arith.constant 0 : i32
      %dma_wait3A_232 = tpu.memref_slice %arg5[%multiple_of3A_204, %dma_wait3A_231] : memref<20000x128xf32, #tpu.memory_space<hbm>> -> memref<96x128xf32, #tpu.memory_space<hbm>>
      %dma_wait3A_233 = arith.constant 0 : i32
      %dma_wait3A_234 = arith.constant 0 : i32
      %dma_wait3A_235 = tpu.memref_slice %arg9[%dma_wait3A_233, %dma_wait3A_234] : memref<96x128xf32, #tpu.memory_space<vmem>> -> memref<96x128xf32, #tpu.memory_space<vmem>>
      tpu.wait_dma2 semaphore(%run_scoped3A : memref<!tpu.dma_semaphore, #tpu.memory_space<semaphore_mem>>) src(%dma_wait3A_235 : memref<96x128xf32, #tpu.memory_space<vmem>>) dst(%dma_wait3A_232 : memref<96x128xf32, #tpu.memory_space<hbm>>)
      tpu.yield
    }) : () -> ()
    %add3A_205 = arith.constant 576 : i32
    %add3A_206 = arith.addi %mul3A_61, %add3A_205 : i32
    %multiple_of3A_207 = tpu.assume_multiple %add3A_206, 8 : i32
    %add3A_208 = arith.constant 576 : i32
    %add3A_209 = arith.addi %add3A_168, %add3A_208 : i32
    %multiple_of3A_210 = tpu.assume_multiple %add3A_209, 8 : i32
    "tpu.region"() ({
      %run_scoped3A = tpu.sem_alloc : memref<!tpu.dma_semaphore, #tpu.memory_space<semaphore_mem>>
      %dma_start3A_216 = arith.constant 0 : i32
      %dma_start3A_217 = arith.constant 0 : i32
      %dma_start3A_218 = tpu.memref_slice %arg7[%dma_start3A_216, %dma_start3A_217] : memref<96x128xf32, #tpu.memory_space<vmem>> -> memref<48x128xf32, #tpu.memory_space<vmem>>
      %dma_start3A_219 = arith.constant 0 : i32
      %dma_start3A_220 = tpu.memref_slice %arg6[%multiple_of3A_207, %dma_start3A_219] : memref<10016x128xf32, #tpu.memory_space<vmem_shared>> -> memref<48x128xf32, #tpu.memory_space<vmem_shared>>
      %dma_start3A_221 = arith.constant 0 : i32
      %dma_start3A_222 = arith.constant 0 : i32
      %dma_start3A_223 = tpu.memref_slice %arg7[%dma_start3A_221, %dma_start3A_222] : memref<96x128xf32, #tpu.memory_space<vmem>> -> memref<48x128xf32, #tpu.memory_space<vmem>>
      %dma_start3A_224 = arith.constant 0 : i32
      %dma_start3A_225 = tpu.memref_slice %arg6[%multiple_of3A_207, %dma_start3A_224] : memref<10016x128xf32, #tpu.memory_space<vmem_shared>> -> memref<48x128xf32, #tpu.memory_space<vmem_shared>>
      tpu.enqueue_dma source(%dma_start3A_225 : memref<48x128xf32, #tpu.memory_space<vmem_shared>>) target(%dma_start3A_223 : memref<48x128xf32, #tpu.memory_space<vmem>>) target_semaphore(%run_scoped3A : memref<!tpu.dma_semaphore, #tpu.memory_space<semaphore_mem>>)
      %dma_wait3A_226 = arith.constant 0 : i32
      %dma_wait3A_227 = arith.constant 0 : i32
      %dma_wait3A_228 = tpu.memref_slice %arg7[%dma_wait3A_226, %dma_wait3A_227] : memref<96x128xf32, #tpu.memory_space<vmem>> -> memref<48x128xf32, #tpu.memory_space<vmem>>
      %dma_wait3A_229 = arith.constant 0 : i32
      %dma_wait3A_230 = tpu.memref_slice %arg6[%multiple_of3A_207, %dma_wait3A_229] : memref<10016x128xf32, #tpu.memory_space<vmem_shared>> -> memref<48x128xf32, #tpu.memory_space<vmem_shared>>
      %dma_wait3A_231 = arith.constant 0 : i32
      %dma_wait3A_232 = arith.constant 0 : i32
      %dma_wait3A_233 = tpu.memref_slice %arg7[%dma_wait3A_231, %dma_wait3A_232] : memref<96x128xf32, #tpu.memory_space<vmem>> -> memref<48x128xf32, #tpu.memory_space<vmem>>
      %dma_wait3A_234 = arith.constant 0 : i32
      %dma_wait3A_235 = tpu.memref_slice %arg6[%multiple_of3A_207, %dma_wait3A_234] : memref<10016x128xf32, #tpu.memory_space<vmem_shared>> -> memref<48x128xf32, #tpu.memory_space<vmem_shared>>
      tpu.wait_dma2 semaphore(%run_scoped3A : memref<!tpu.dma_semaphore, #tpu.memory_space<semaphore_mem>>) src(%dma_wait3A_235 : memref<48x128xf32, #tpu.memory_space<vmem_shared>>) dst(%dma_wait3A_233 : memref<48x128xf32, #tpu.memory_space<vmem>>)
      tpu.yield
    }) : () -> ()
    "tpu.region"() ({
      %run_scoped3A = tpu.sem_alloc : memref<!tpu.dma_semaphore, #tpu.memory_space<semaphore_mem>>
      %dma_start3A_216 = arith.constant 0 : i32
      %dma_start3A_217 = arith.constant 0 : i32
      %dma_start3A_218 = tpu.memref_slice %arg7[%dma_start3A_216, %dma_start3A_217] : memref<96x128xf32, #tpu.memory_space<vmem>> -> memref<48x128xf32, #tpu.memory_space<vmem>>
      %dma_start3A_219 = arith.constant 0 : i32
      %dma_start3A_220 = tpu.memref_slice %arg5[%multiple_of3A_210, %dma_start3A_219] : memref<20000x128xf32, #tpu.memory_space<hbm>> -> memref<48x128xf32, #tpu.memory_space<hbm>>
      %dma_start3A_221 = arith.constant 0 : i32
      %dma_start3A_222 = tpu.memref_slice %arg5[%multiple_of3A_210, %dma_start3A_221] : memref<20000x128xf32, #tpu.memory_space<hbm>> -> memref<48x128xf32, #tpu.memory_space<hbm>>
      %dma_start3A_223 = arith.constant 0 : i32
      %dma_start3A_224 = arith.constant 0 : i32
      %dma_start3A_225 = tpu.memref_slice %arg7[%dma_start3A_223, %dma_start3A_224] : memref<96x128xf32, #tpu.memory_space<vmem>> -> memref<48x128xf32, #tpu.memory_space<vmem>>
      tpu.enqueue_dma source(%dma_start3A_225 : memref<48x128xf32, #tpu.memory_space<vmem>>) target(%dma_start3A_222 : memref<48x128xf32, #tpu.memory_space<hbm>>) target_semaphore(%run_scoped3A : memref<!tpu.dma_semaphore, #tpu.memory_space<semaphore_mem>>)
      %dma_wait3A_226 = arith.constant 0 : i32
      %dma_wait3A_227 = arith.constant 0 : i32
      %dma_wait3A_228 = tpu.memref_slice %arg7[%dma_wait3A_226, %dma_wait3A_227] : memref<96x128xf32, #tpu.memory_space<vmem>> -> memref<48x128xf32, #tpu.memory_space<vmem>>
      %dma_wait3A_229 = arith.constant 0 : i32
      %dma_wait3A_230 = tpu.memref_slice %arg5[%multiple_of3A_210, %dma_wait3A_229] : memref<20000x128xf32, #tpu.memory_space<hbm>> -> memref<48x128xf32, #tpu.memory_space<hbm>>
      %dma_wait3A_231 = arith.constant 0 : i32
      %dma_wait3A_232 = tpu.memref_slice %arg5[%multiple_of3A_210, %dma_wait3A_231] : memref<20000x128xf32, #tpu.memory_space<hbm>> -> memref<48x128xf32, #tpu.memory_space<hbm>>
      %dma_wait3A_233 = arith.constant 0 : i32
      %dma_wait3A_234 = arith.constant 0 : i32
      %dma_wait3A_235 = tpu.memref_slice %arg7[%dma_wait3A_233, %dma_wait3A_234] : memref<96x128xf32, #tpu.memory_space<vmem>> -> memref<48x128xf32, #tpu.memory_space<vmem>>
      tpu.wait_dma2 semaphore(%run_scoped3A : memref<!tpu.dma_semaphore, #tpu.memory_space<semaphore_mem>>) src(%dma_wait3A_235 : memref<48x128xf32, #tpu.memory_space<vmem>>) dst(%dma_wait3A_232 : memref<48x128xf32, #tpu.memory_space<hbm>>)
      tpu.yield
    }) : () -> ()
    %eq3A_211 = arith.constant 15 : i32
    %eq3A_212 = arith.cmpi eq, %arg1, %eq3A_211 : i32
    %convert_element_type3A_213 = arith.extui %eq3A_212 : i1 to i32
    %cond3A_214 = arith.constant 0 : i32
    %cond3A_215 = arith.cmpi ne, %convert_element_type3A_213, %cond3A_214 : i32
    scf.if %cond3A_215 {
      "tpu.region"() ({
        %run_scoped3A = tpu.sem_alloc : memref<!tpu.dma_semaphore, #tpu.memory_space<semaphore_mem>>
        %dma_start3A_221 = arith.constant 0 : i32
        %dma_start3A_222 = arith.constant 0 : i32
        %dma_start3A_223 = tpu.memref_slice %arg7[%dma_start3A_221, %dma_start3A_222] : memref<96x128xf32, #tpu.memory_space<vmem>> -> memref<16x128xf32, #tpu.memory_space<vmem>>
        %dma_start3A_224 = arith.constant 9984 : i32
        %dma_start3A_225 = arith.constant 0 : i32
        %dma_start3A_226 = tpu.memref_slice %arg6[%dma_start3A_224, %dma_start3A_225] : memref<10016x128xf32, #tpu.memory_space<vmem_shared>> -> memref<16x128xf32, #tpu.memory_space<vmem_shared>>
        %dma_start3A_227 = arith.constant 0 : i32
        %dma_start3A_228 = arith.constant 0 : i32
        %dma_start3A_229 = tpu.memref_slice %arg7[%dma_start3A_227, %dma_start3A_228] : memref<96x128xf32, #tpu.memory_space<vmem>> -> memref<16x128xf32, #tpu.memory_space<vmem>>
        %dma_start3A_230 = arith.constant 9984 : i32
        %dma_start3A_231 = arith.constant 0 : i32
        %dma_start3A_232 = tpu.memref_slice %arg6[%dma_start3A_230, %dma_start3A_231] : memref<10016x128xf32, #tpu.memory_space<vmem_shared>> -> memref<16x128xf32, #tpu.memory_space<vmem_shared>>
        tpu.enqueue_dma source(%dma_start3A_232 : memref<16x128xf32, #tpu.memory_space<vmem_shared>>) target(%dma_start3A_229 : memref<16x128xf32, #tpu.memory_space<vmem>>) target_semaphore(%run_scoped3A : memref<!tpu.dma_semaphore, #tpu.memory_space<semaphore_mem>>)
        %dma_wait3A_233 = arith.constant 0 : i32
        %dma_wait3A_234 = arith.constant 0 : i32
        %dma_wait3A_235 = tpu.memref_slice %arg7[%dma_wait3A_233, %dma_wait3A_234] : memref<96x128xf32, #tpu.memory_space<vmem>> -> memref<16x128xf32, #tpu.memory_space<vmem>>
        %dma_wait3A_236 = arith.constant 9984 : i32
        %dma_wait3A_237 = arith.constant 0 : i32
        %dma_wait3A_238 = tpu.memref_slice %arg6[%dma_wait3A_236, %dma_wait3A_237] : memref<10016x128xf32, #tpu.memory_space<vmem_shared>> -> memref<16x128xf32, #tpu.memory_space<vmem_shared>>
        %dma_wait3A_239 = arith.constant 0 : i32
        %dma_wait3A_240 = arith.constant 0 : i32
        %dma_wait3A_241 = tpu.memref_slice %arg7[%dma_wait3A_239, %dma_wait3A_240] : memref<96x128xf32, #tpu.memory_space<vmem>> -> memref<16x128xf32, #tpu.memory_space<vmem>>
        %dma_wait3A_242 = arith.constant 9984 : i32
        %dma_wait3A_243 = arith.constant 0 : i32
        %dma_wait3A_244 = tpu.memref_slice %arg6[%dma_wait3A_242, %dma_wait3A_243] : memref<10016x128xf32, #tpu.memory_space<vmem_shared>> -> memref<16x128xf32, #tpu.memory_space<vmem_shared>>
        tpu.wait_dma2 semaphore(%run_scoped3A : memref<!tpu.dma_semaphore, #tpu.memory_space<semaphore_mem>>) src(%dma_wait3A_244 : memref<16x128xf32, #tpu.memory_space<vmem_shared>>) dst(%dma_wait3A_241 : memref<16x128xf32, #tpu.memory_space<vmem>>)
        tpu.yield
      }) : () -> ()
      %mul3A_216 = arith.constant 10000 : i32
      %mul3A_217 = arith.muli %arg0, %mul3A_216 : i32
      %add3A_218 = arith.constant 9984 : i32
      %add3A_219 = arith.addi %mul3A_217, %add3A_218 : i32
      %multiple_of3A_220 = tpu.assume_multiple %add3A_219, 8 : i32
      "tpu.region"() ({
        %run_scoped3A = tpu.sem_alloc : memref<!tpu.dma_semaphore, #tpu.memory_space<semaphore_mem>>
        %dma_start3A_221 = arith.constant 0 : i32
        %dma_start3A_222 = arith.constant 0 : i32
        %dma_start3A_223 = tpu.memref_slice %arg7[%dma_start3A_221, %dma_start3A_222] : memref<96x128xf32, #tpu.memory_space<vmem>> -> memref<16x128xf32, #tpu.memory_space<vmem>>
        %dma_start3A_224 = arith.constant 0 : i32
        %dma_start3A_225 = tpu.memref_slice %arg5[%multiple_of3A_220, %dma_start3A_224] : memref<20000x128xf32, #tpu.memory_space<hbm>> -> memref<16x128xf32, #tpu.memory_space<hbm>>
        %dma_start3A_226 = arith.constant 0 : i32
        %dma_start3A_227 = tpu.memref_slice %arg5[%multiple_of3A_220, %dma_start3A_226] : memref<20000x128xf32, #tpu.memory_space<hbm>> -> memref<16x128xf32, #tpu.memory_space<hbm>>
        %dma_start3A_228 = arith.constant 0 : i32
        %dma_start3A_229 = arith.constant 0 : i32
        %dma_start3A_230 = tpu.memref_slice %arg7[%dma_start3A_228, %dma_start3A_229] : memref<96x128xf32, #tpu.memory_space<vmem>> -> memref<16x128xf32, #tpu.memory_space<vmem>>
        tpu.enqueue_dma source(%dma_start3A_230 : memref<16x128xf32, #tpu.memory_space<vmem>>) target(%dma_start3A_227 : memref<16x128xf32, #tpu.memory_space<hbm>>) target_semaphore(%run_scoped3A : memref<!tpu.dma_semaphore, #tpu.memory_space<semaphore_mem>>)
        %dma_wait3A_231 = arith.constant 0 : i32
        %dma_wait3A_232 = arith.constant 0 : i32
        %dma_wait3A_233 = tpu.memref_slice %arg7[%dma_wait3A_231, %dma_wait3A_232] : memref<96x128xf32, #tpu.memory_space<vmem>> -> memref<16x128xf32, #tpu.memory_space<vmem>>
        %dma_wait3A_234 = arith.constant 0 : i32
        %dma_wait3A_235 = tpu.memref_slice %arg5[%multiple_of3A_220, %dma_wait3A_234] : memref<20000x128xf32, #tpu.memory_space<hbm>> -> memref<16x128xf32, #tpu.memory_space<hbm>>
        %dma_wait3A_236 = arith.constant 0 : i32
        %dma_wait3A_237 = tpu.memref_slice %arg5[%multiple_of3A_220, %dma_wait3A_236] : memref<20000x128xf32, #tpu.memory_space<hbm>> -> memref<16x128xf32, #tpu.memory_space<hbm>>
        %dma_wait3A_238 = arith.constant 0 : i32
        %dma_wait3A_239 = arith.constant 0 : i32
        %dma_wait3A_240 = tpu.memref_slice %arg7[%dma_wait3A_238, %dma_wait3A_239] : memref<96x128xf32, #tpu.memory_space<vmem>> -> memref<16x128xf32, #tpu.memory_space<vmem>>
        tpu.wait_dma2 semaphore(%run_scoped3A : memref<!tpu.dma_semaphore, #tpu.memory_space<semaphore_mem>>) src(%dma_wait3A_240 : memref<16x128xf32, #tpu.memory_space<vmem>>) dst(%dma_wait3A_237 : memref<16x128xf32, #tpu.memory_space<hbm>>)
        tpu.yield
      }) : () -> ()
    } else {
    }
    return
  }
}

#map = affine_map<(d0, d1) -> (0, 0)>
#map1 = affine_map<(d0, d1) -> (0)>
module attributes {stable_mosaic.version = 14 : i64} {
  func.func @_seg_body(%arg0: i32, %arg1: i32, %arg2: memref<10000x128xf32, #tpu.memory_space<hbm>>, %arg3: memref<332352xi32, #tpu.memory_space<hbm>>, %arg4: memref<332352xi32, #tpu.memory_space<hbm>>, %arg5: memref<20000x128xf32, #tpu.memory_space<hbm>>, %arg6: memref<10016x128xf32, #tpu.memory_space<vmem_shared>>, %arg7: memref<96x128xf32, #tpu.memory_space<vmem>>, %arg8: memref<96x128xf32, #tpu.memory_space<vmem>>, %arg9: memref<96x128xf32, #tpu.memory_space<vmem>>, %arg10: memref<!tpu.dma_semaphore, #tpu.memory_space<semaphore_mem>>, %arg11: memref<!tpu.dma_semaphore, #tpu.memory_space<semaphore_mem>>, %arg12: memref<!tpu.dma_semaphore, #tpu.memory_space<semaphore_mem>>, %arg13: memref<96xi32, #tpu.memory_space<vmem>>, %arg14: memref<96xi32, #tpu.memory_space<vmem>>, %arg15: memref<96xi32, #tpu.memory_space<vmem>>, %arg16: memref<96xi32, #tpu.memory_space<vmem>>, %arg17: memref<96xi32, #tpu.memory_space<vmem>>, %arg18: memref<96xi32, #tpu.memory_space<vmem>>, %arg19: memref<96xi32, #tpu.memory_space<vmem>>, %arg20: memref<96xi32, #tpu.memory_space<vmem>>, %arg21: memref<96xi32, #tpu.memory_space<vmem>>, %arg22: memref<96xi32, #tpu.memory_space<vmem>>, %arg23: memref<96xi32, #tpu.memory_space<vmem>>, %arg24: memref<96xi32, #tpu.memory_space<vmem>>, %arg25: memref<!tpu.dma_semaphore, #tpu.memory_space<semaphore_mem>>, %arg26: memref<!tpu.dma_semaphore, #tpu.memory_space<semaphore_mem>>, %arg27: memref<!tpu.dma_semaphore, #tpu.memory_space<semaphore_mem>>, %arg28: memref<!tpu.dma_semaphore, #tpu.memory_space<semaphore_mem>>, %arg29: memref<!tpu.dma_semaphore, #tpu.memory_space<semaphore_mem>>, %arg30: memref<!tpu.dma_semaphore, #tpu.memory_space<semaphore_mem>>) attributes {dimension_semantics = [#tpu.dimension_semantics<core_parallel>, #tpu.dimension_semantics<subcore_parallel>], iteration_bounds = array<i64: 2, 16>, scalar_prefetch = 0 : i64, scratch_operands = 25 : i64, tpu.core_type = #tpu.core_type<sc_vector_subcore>, window_params = [{transform_indices = #map}, {transform_indices = #map1}, {transform_indices = #map1}, {transform_indices = #map}]} {
    %mul3A = arith.constant 2 : i32
    %mul3A_0 = arith.muli %arg1, %mul3A : i32
    %add3A = arith.addi %mul3A_0, %arg0 : i32
    %mul3A_1 = arith.constant 10368 : i32
    %mul3A_2 = arith.muli %add3A, %mul3A_1 : i32
    %mul3A_3 = arith.constant 0 : i32
    %mul3A_4 = arith.constant 96 : i32
    %mul3A_5 = arith.muli %mul3A_3, %mul3A_4 : i32
    %add3A_6 = arith.addi %mul3A_2, %mul3A_5 : i32
    %multiple_of3A = tpu.assume_multiple %add3A_6, 8 : i32
    %dma_start3A = tpu.memref_slice %arg3[%multiple_of3A] : memref<332352xi32, #tpu.memory_space<hbm>> -> memref<96xi32, #tpu.memory_space<hbm>>
    %dma_start3A_7 = tpu.memref_slice %arg3[%multiple_of3A] : memref<332352xi32, #tpu.memory_space<hbm>> -> memref<96xi32, #tpu.memory_space<hbm>>
    tpu.enqueue_dma source(%dma_start3A_7 : memref<96xi32, #tpu.memory_space<hbm>>) target(%arg13 : memref<96xi32, #tpu.memory_space<vmem>>) target_semaphore(%arg25 : memref<!tpu.dma_semaphore, #tpu.memory_space<semaphore_mem>>)
    %dma_start3A_8 = tpu.memref_slice %arg4[%multiple_of3A] : memref<332352xi32, #tpu.memory_space<hbm>> -> memref<96xi32, #tpu.memory_space<hbm>>
    %dma_start3A_9 = tpu.memref_slice %arg4[%multiple_of3A] : memref<332352xi32, #tpu.memory_space<hbm>> -> memref<96xi32, #tpu.memory_space<hbm>>
    tpu.enqueue_dma source(%dma_start3A_9 : memref<96xi32, #tpu.memory_space<hbm>>) target(%arg19 : memref<96xi32, #tpu.memory_space<vmem>>) target_semaphore(%arg25 : memref<!tpu.dma_semaphore, #tpu.memory_space<semaphore_mem>>)
    %mul3A_10 = arith.constant 1 : i32
    %mul3A_11 = arith.constant 96 : i32
    %mul3A_12 = arith.muli %mul3A_10, %mul3A_11 : i32
    %add3A_13 = arith.addi %mul3A_2, %mul3A_12 : i32
    %multiple_of3A_14 = tpu.assume_multiple %add3A_13, 8 : i32
    %dma_start3A_15 = tpu.memref_slice %arg3[%multiple_of3A_14] : memref<332352xi32, #tpu.memory_space<hbm>> -> memref<96xi32, #tpu.memory_space<hbm>>
    %dma_start3A_16 = tpu.memref_slice %arg3[%multiple_of3A_14] : memref<332352xi32, #tpu.memory_space<hbm>> -> memref<96xi32, #tpu.memory_space<hbm>>
    tpu.enqueue_dma source(%dma_start3A_16 : memref<96xi32, #tpu.memory_space<hbm>>) target(%arg14 : memref<96xi32, #tpu.memory_space<vmem>>) target_semaphore(%arg26 : memref<!tpu.dma_semaphore, #tpu.memory_space<semaphore_mem>>)
    %dma_start3A_17 = tpu.memref_slice %arg4[%multiple_of3A_14] : memref<332352xi32, #tpu.memory_space<hbm>> -> memref<96xi32, #tpu.memory_space<hbm>>
    %dma_start3A_18 = tpu.memref_slice %arg4[%multiple_of3A_14] : memref<332352xi32, #tpu.memory_space<hbm>> -> memref<96xi32, #tpu.memory_space<hbm>>
    tpu.enqueue_dma source(%dma_start3A_18 : memref<96xi32, #tpu.memory_space<hbm>>) target(%arg20 : memref<96xi32, #tpu.memory_space<vmem>>) target_semaphore(%arg26 : memref<!tpu.dma_semaphore, #tpu.memory_space<semaphore_mem>>)
    %mul3A_19 = arith.constant 2 : i32
    %mul3A_20 = arith.constant 96 : i32
    %mul3A_21 = arith.muli %mul3A_19, %mul3A_20 : i32
    %add3A_22 = arith.addi %mul3A_2, %mul3A_21 : i32
    %multiple_of3A_23 = tpu.assume_multiple %add3A_22, 8 : i32
    %dma_start3A_24 = tpu.memref_slice %arg3[%multiple_of3A_23] : memref<332352xi32, #tpu.memory_space<hbm>> -> memref<96xi32, #tpu.memory_space<hbm>>
    %dma_start3A_25 = tpu.memref_slice %arg3[%multiple_of3A_23] : memref<332352xi32, #tpu.memory_space<hbm>> -> memref<96xi32, #tpu.memory_space<hbm>>
    tpu.enqueue_dma source(%dma_start3A_25 : memref<96xi32, #tpu.memory_space<hbm>>) target(%arg15 : memref<96xi32, #tpu.memory_space<vmem>>) target_semaphore(%arg27 : memref<!tpu.dma_semaphore, #tpu.memory_space<semaphore_mem>>)
    %dma_start3A_26 = tpu.memref_slice %arg4[%multiple_of3A_23] : memref<332352xi32, #tpu.memory_space<hbm>> -> memref<96xi32, #tpu.memory_space<hbm>>
    %dma_start3A_27 = tpu.memref_slice %arg4[%multiple_of3A_23] : memref<332352xi32, #tpu.memory_space<hbm>> -> memref<96xi32, #tpu.memory_space<hbm>>
    tpu.enqueue_dma source(%dma_start3A_27 : memref<96xi32, #tpu.memory_space<hbm>>) target(%arg21 : memref<96xi32, #tpu.memory_space<vmem>>) target_semaphore(%arg27 : memref<!tpu.dma_semaphore, #tpu.memory_space<semaphore_mem>>)
    %mul3A_28 = arith.constant 3 : i32
    %mul3A_29 = arith.constant 96 : i32
    %mul3A_30 = arith.muli %mul3A_28, %mul3A_29 : i32
    %add3A_31 = arith.addi %mul3A_2, %mul3A_30 : i32
    %multiple_of3A_32 = tpu.assume_multiple %add3A_31, 8 : i32
    %dma_start3A_33 = tpu.memref_slice %arg3[%multiple_of3A_32] : memref<332352xi32, #tpu.memory_space<hbm>> -> memref<96xi32, #tpu.memory_space<hbm>>
    %dma_start3A_34 = tpu.memref_slice %arg3[%multiple_of3A_32] : memref<332352xi32, #tpu.memory_space<hbm>> -> memref<96xi32, #tpu.memory_space<hbm>>
    tpu.enqueue_dma source(%dma_start3A_34 : memref<96xi32, #tpu.memory_space<hbm>>) target(%arg16 : memref<96xi32, #tpu.memory_space<vmem>>) target_semaphore(%arg28 : memref<!tpu.dma_semaphore, #tpu.memory_space<semaphore_mem>>)
    %dma_start3A_35 = tpu.memref_slice %arg4[%multiple_of3A_32] : memref<332352xi32, #tpu.memory_space<hbm>> -> memref<96xi32, #tpu.memory_space<hbm>>
    %dma_start3A_36 = tpu.memref_slice %arg4[%multiple_of3A_32] : memref<332352xi32, #tpu.memory_space<hbm>> -> memref<96xi32, #tpu.memory_space<hbm>>
    tpu.enqueue_dma source(%dma_start3A_36 : memref<96xi32, #tpu.memory_space<hbm>>) target(%arg22 : memref<96xi32, #tpu.memory_space<vmem>>) target_semaphore(%arg28 : memref<!tpu.dma_semaphore, #tpu.memory_space<semaphore_mem>>)
    %mul3A_37 = arith.constant 4 : i32
    %mul3A_38 = arith.constant 96 : i32
    %mul3A_39 = arith.muli %mul3A_37, %mul3A_38 : i32
    %add3A_40 = arith.addi %mul3A_2, %mul3A_39 : i32
    %multiple_of3A_41 = tpu.assume_multiple %add3A_40, 8 : i32
    %dma_start3A_42 = tpu.memref_slice %arg3[%multiple_of3A_41] : memref<332352xi32, #tpu.memory_space<hbm>> -> memref<96xi32, #tpu.memory_space<hbm>>
    %dma_start3A_43 = tpu.memref_slice %arg3[%multiple_of3A_41] : memref<332352xi32, #tpu.memory_space<hbm>> -> memref<96xi32, #tpu.memory_space<hbm>>
    tpu.enqueue_dma source(%dma_start3A_43 : memref<96xi32, #tpu.memory_space<hbm>>) target(%arg17 : memref<96xi32, #tpu.memory_space<vmem>>) target_semaphore(%arg29 : memref<!tpu.dma_semaphore, #tpu.memory_space<semaphore_mem>>)
    %dma_start3A_44 = tpu.memref_slice %arg4[%multiple_of3A_41] : memref<332352xi32, #tpu.memory_space<hbm>> -> memref<96xi32, #tpu.memory_space<hbm>>
    %dma_start3A_45 = tpu.memref_slice %arg4[%multiple_of3A_41] : memref<332352xi32, #tpu.memory_space<hbm>> -> memref<96xi32, #tpu.memory_space<hbm>>
    tpu.enqueue_dma source(%dma_start3A_45 : memref<96xi32, #tpu.memory_space<hbm>>) target(%arg23 : memref<96xi32, #tpu.memory_space<vmem>>) target_semaphore(%arg29 : memref<!tpu.dma_semaphore, #tpu.memory_space<semaphore_mem>>)
    %mul3A_46 = arith.constant 5 : i32
    %mul3A_47 = arith.constant 96 : i32
    %mul3A_48 = arith.muli %mul3A_46, %mul3A_47 : i32
    %add3A_49 = arith.addi %mul3A_2, %mul3A_48 : i32
    %multiple_of3A_50 = tpu.assume_multiple %add3A_49, 8 : i32
    %dma_start3A_51 = tpu.memref_slice %arg3[%multiple_of3A_50] : memref<332352xi32, #tpu.memory_space<hbm>> -> memref<96xi32, #tpu.memory_space<hbm>>
    %dma_start3A_52 = tpu.memref_slice %arg3[%multiple_of3A_50] : memref<332352xi32, #tpu.memory_space<hbm>> -> memref<96xi32, #tpu.memory_space<hbm>>
    tpu.enqueue_dma source(%dma_start3A_52 : memref<96xi32, #tpu.memory_space<hbm>>) target(%arg18 : memref<96xi32, #tpu.memory_space<vmem>>) target_semaphore(%arg30 : memref<!tpu.dma_semaphore, #tpu.memory_space<semaphore_mem>>)
    %dma_start3A_53 = tpu.memref_slice %arg4[%multiple_of3A_50] : memref<332352xi32, #tpu.memory_space<hbm>> -> memref<96xi32, #tpu.memory_space<hbm>>
    %dma_start3A_54 = tpu.memref_slice %arg4[%multiple_of3A_50] : memref<332352xi32, #tpu.memory_space<hbm>> -> memref<96xi32, #tpu.memory_space<hbm>>
    tpu.enqueue_dma source(%dma_start3A_54 : memref<96xi32, #tpu.memory_space<hbm>>) target(%arg24 : memref<96xi32, #tpu.memory_space<vmem>>) target_semaphore(%arg30 : memref<!tpu.dma_semaphore, #tpu.memory_space<semaphore_mem>>)
    %scan3A = arith.constant 0 : i32
    %scan3A_55 = arith.constant 0 : i32
    %scan3A_56 = arith.constant 96 : i32
    %scan3A_57 = arith.addi %scan3A_55, %scan3A_56 : i32
    %scan3A_58 = arith.constant 1 : i32
    scf.for %scan3A_216 = %scan3A_55 to %scan3A_57 step %scan3A_58  : i32 {
      %broadcast_in_dim3A = arith.constant 0.000000e+00 : f32
      %broadcast_in_dim3A_217 = vector.broadcast %broadcast_in_dim3A : f32 to vector<16xf32>
      %swap3A = arith.index_cast %scan3A_216 : i32 to index
      %swap3A_218 = arith.constant 0 : index
      %swap3A_219 = tpu.vector_load %arg7[%swap3A, %swap3A_218] {strides = array<i32>} : memref<96x128xf32, #tpu.memory_space<vmem>>, vector<1x16xf32>,
      %swap3A_220 = vector.shape_cast %swap3A_219 : vector<1x16xf32> to vector<16xf32>
      %swap3A_221 = vector.shape_cast %broadcast_in_dim3A_217 : vector<16xf32> to vector<1x16xf32>
      tpu.vector_store %arg7[%swap3A, %swap3A_218], %swap3A_221 {strides = array<i32>} : memref<96x128xf32, #tpu.memory_space<vmem>>, vector<1x16xf32>,
      %broadcast_in_dim3A_222 = arith.constant 0.000000e+00 : f32
      %broadcast_in_dim3A_223 = vector.broadcast %broadcast_in_dim3A_222 : f32 to vector<16xf32>
      %swap3A_224 = arith.index_cast %scan3A_216 : i32 to index
      %swap3A_225 = arith.constant 16 : index
      %swap3A_226 = tpu.vector_load %arg7[%swap3A_224, %swap3A_225] {strides = array<i32>} : memref<96x128xf32, #tpu.memory_space<vmem>>, vector<1x16xf32>,
      %swap3A_227 = vector.shape_cast %swap3A_226 : vector<1x16xf32> to vector<16xf32>
      %swap3A_228 = vector.shape_cast %broadcast_in_dim3A_223 : vector<16xf32> to vector<1x16xf32>
      tpu.vector_store %arg7[%swap3A_224, %swap3A_225], %swap3A_228 {strides = array<i32>} : memref<96x128xf32, #tpu.memory_space<vmem>>, vector<1x16xf32>,
      %broadcast_in_dim3A_229 = arith.constant 0.000000e+00 : f32
      %broadcast_in_dim3A_230 = vector.broadcast %broadcast_in_dim3A_229 : f32 to vector<16xf32>
      %swap3A_231 = arith.index_cast %scan3A_216 : i32 to index
      %swap3A_232 = arith.constant 32 : index
      %swap3A_233 = tpu.vector_load %arg7[%swap3A_231, %swap3A_232] {strides = array<i32>} : memref<96x128xf32, #tpu.memory_space<vmem>>, vector<1x16xf32>,
      %swap3A_234 = vector.shape_cast %swap3A_233 : vector<1x16xf32> to vector<16xf32>
      %swap3A_235 = vector.shape_cast %broadcast_in_dim3A_230 : vector<16xf32> to vector<1x16xf32>
      tpu.vector_store %arg7[%swap3A_231, %swap3A_232], %swap3A_235 {strides = array<i32>} : memref<96x128xf32, #tpu.memory_space<vmem>>, vector<1x16xf32>,
      %broadcast_in_dim3A_236 = arith.constant 0.000000e+00 : f32
      %broadcast_in_dim3A_237 = vector.broadcast %broadcast_in_dim3A_236 : f32 to vector<16xf32>
      %swap3A_238 = arith.index_cast %scan3A_216 : i32 to index
      %swap3A_239 = arith.constant 48 : index
      %swap3A_240 = tpu.vector_load %arg7[%swap3A_238, %swap3A_239] {strides = array<i32>} : memref<96x128xf32, #tpu.memory_space<vmem>>, vector<1x16xf32>,
      %swap3A_241 = vector.shape_cast %swap3A_240 : vector<1x16xf32> to vector<16xf32>
      %swap3A_242 = vector.shape_cast %broadcast_in_dim3A_237 : vector<16xf32> to vector<1x16xf32>
      tpu.vector_store %arg7[%swap3A_238, %swap3A_239], %swap3A_242 {strides = array<i32>} : memref<96x128xf32, #tpu.memory_space<vmem>>, vector<1x16xf32>,
      %broadcast_in_dim3A_243 = arith.constant 0.000000e+00 : f32
      %broadcast_in_dim3A_244 = vector.broadcast %broadcast_in_dim3A_243 : f32 to vector<16xf32>
      %swap3A_245 = arith.index_cast %scan3A_216 : i32 to index
      %swap3A_246 = arith.constant 64 : index
      %swap3A_247 = tpu.vector_load %arg7[%swap3A_245, %swap3A_246] {strides = array<i32>} : memref<96x128xf32, #tpu.memory_space<vmem>>, vector<1x16xf32>,
      %swap3A_248 = vector.shape_cast %swap3A_247 : vector<1x16xf32> to vector<16xf32>
      %swap3A_249 = vector.shape_cast %broadcast_in_dim3A_244 : vector<16xf32> to vector<1x16xf32>
      tpu.vector_store %arg7[%swap3A_245, %swap3A_246], %swap3A_249 {strides = array<i32>} : memref<96x128xf32, #tpu.memory_space<vmem>>, vector<1x16xf32>,
      %broadcast_in_dim3A_250 = arith.constant 0.000000e+00 : f32
      %broadcast_in_dim3A_251 = vector.broadcast %broadcast_in_dim3A_250 : f32 to vector<16xf32>
      %swap3A_252 = arith.index_cast %scan3A_216 : i32 to index
      %swap3A_253 = arith.constant 80 : index
      %swap3A_254 = tpu.vector_load %arg7[%swap3A_252, %swap3A_253] {strides = array<i32>} : memref<96x128xf32, #tpu.memory_space<vmem>>, vector<1x16xf32>,
      %swap3A_255 = vector.shape_cast %swap3A_254 : vector<1x16xf32> to vector<16xf32>
      %swap3A_256 = vector.shape_cast %broadcast_in_dim3A_251 : vector<16xf32> to vector<1x16xf32>
      tpu.vector_store %arg7[%swap3A_252, %swap3A_253], %swap3A_256 {strides = array<i32>} : memref<96x128xf32, #tpu.memory_space<vmem>>, vector<1x16xf32>,
      %broadcast_in_dim3A_257 = arith.constant 0.000000e+00 : f32
      %broadcast_in_dim3A_258 = vector.broadcast %broadcast_in_dim3A_257 : f32 to vector<16xf32>
      %swap3A_259 = arith.index_cast %scan3A_216 : i32 to index
      %swap3A_260 = arith.constant 96 : index
      %swap3A_261 = tpu.vector_load %arg7[%swap3A_259, %swap3A_260] {strides = array<i32>} : memref<96x128xf32, #tpu.memory_space<vmem>>, vector<1x16xf32>,
      %swap3A_262 = vector.shape_cast %swap3A_261 : vector<1x16xf32> to vector<16xf32>
      %swap3A_263 = vector.shape_cast %broadcast_in_dim3A_258 : vector<16xf32> to vector<1x16xf32>
      tpu.vector_store %arg7[%swap3A_259, %swap3A_260], %swap3A_263 {strides = array<i32>} : memref<96x128xf32, #tpu.memory_space<vmem>>, vector<1x16xf32>,
      %broadcast_in_dim3A_264 = arith.constant 0.000000e+00 : f32
      %broadcast_in_dim3A_265 = vector.broadcast %broadcast_in_dim3A_264 : f32 to vector<16xf32>
      %swap3A_266 = arith.index_cast %scan3A_216 : i32 to index
      %swap3A_267 = arith.constant 112 : index
      %swap3A_268 = tpu.vector_load %arg7[%swap3A_266, %swap3A_267] {strides = array<i32>} : memref<96x128xf32, #tpu.memory_space<vmem>>, vector<1x16xf32>,
      %swap3A_269 = vector.shape_cast %swap3A_268 : vector<1x16xf32> to vector<16xf32>
      %swap3A_270 = vector.shape_cast %broadcast_in_dim3A_265 : vector<16xf32> to vector<1x16xf32>
      tpu.vector_store %arg7[%swap3A_266, %swap3A_267], %swap3A_270 {strides = array<i32>} : memref<96x128xf32, #tpu.memory_space<vmem>>, vector<1x16xf32>,
    }
    %scan3A_59 = arith.constant 96 : i32
    %mul3A_60 = arith.constant 624 : i32
    %mul3A_61 = arith.muli %arg1, %mul3A_60 : i32
    %add3A_62 = arith.constant 0 : i32
    %add3A_63 = arith.addi %mul3A_61, %add3A_62 : i32
    %multiple_of3A_64 = tpu.assume_multiple %add3A_63, 8 : i32
    "tpu.region"() ({
      %run_scoped3A = tpu.sem_alloc : memref<!tpu.dma_semaphore, #tpu.memory_space<semaphore_mem>>
      %dma_start3A_216 = arith.constant 0 : i32
      %dma_start3A_217 = tpu.memref_slice %arg6[%multiple_of3A_64, %dma_start3A_216] : memref<10016x128xf32, #tpu.memory_space<vmem_shared>> -> memref<96x128xf32, #tpu.memory_space<vmem_shared>>
      %dma_start3A_218 = arith.constant 0 : i32
      %dma_start3A_219 = tpu.memref_slice %arg6[%multiple_of3A_64, %dma_start3A_218] : memref<10016x128xf32, #tpu.memory_space<vmem_shared>> -> memref<96x128xf32, #tpu.memory_space<vmem_shared>>
      tpu.enqueue_dma source(%arg7 : memref<96x128xf32, #tpu.memory_space<vmem>>) target(%dma_start3A_219 : memref<96x128xf32, #tpu.memory_space<vmem_shared>>) target_semaphore(%run_scoped3A : memref<!tpu.dma_semaphore, #tpu.memory_space<semaphore_mem>>)
      %dma_wait3A_220 = arith.constant 0 : i32
      %dma_wait3A_221 = tpu.memref_slice %arg6[%multiple_of3A_64, %dma_wait3A_220] : memref<10016x128xf32, #tpu.memory_space<vmem_shared>> -> memref<96x128xf32, #tpu.memory_space<vmem_shared>>
      %dma_wait3A_222 = arith.constant 0 : i32
      %dma_wait3A_223 = tpu.memref_slice %arg6[%multiple_of3A_64, %dma_wait3A_222] : memref<10016x128xf32, #tpu.memory_space<vmem_shared>> -> memref<96x128xf32, #tpu.memory_space<vmem_shared>>
      tpu.wait_dma2 semaphore(%run_scoped3A : memref<!tpu.dma_semaphore, #tpu.memory_space<semaphore_mem>>) src(%arg7 : memref<96x128xf32, #tpu.memory_space<vmem>>) dst(%dma_wait3A_223 : memref<96x128xf32, #tpu.memory_space<vmem_shared>>)
      tpu.yield
    }) : () -> ()
    %add3A_65 = arith.constant 96 : i32
    %add3A_66 = arith.addi %mul3A_61, %add3A_65 : i32
    %multiple_of3A_67 = tpu.assume_multiple %add3A_66, 8 : i32
    "tpu.region"() ({
      %run_scoped3A = tpu.sem_alloc : memref<!tpu.dma_semaphore, #tpu.memory_space<semaphore_mem>>
      %dma_start3A_216 = arith.constant 0 : i32
      %dma_start3A_217 = tpu.memref_slice %arg6[%multiple_of3A_67, %dma_start3A_216] : memref<10016x128xf32, #tpu.memory_space<vmem_shared>> -> memref<96x128xf32, #tpu.memory_space<vmem_shared>>
      %dma_start3A_218 = arith.constant 0 : i32
      %dma_start3A_219 = tpu.memref_slice %arg6[%multiple_of3A_67, %dma_start3A_218] : memref<10016x128xf32, #tpu.memory_space<vmem_shared>> -> memref<96x128xf32, #tpu.memory_space<vmem_shared>>
      tpu.enqueue_dma source(%arg7 : memref<96x128xf32, #tpu.memory_space<vmem>>) target(%dma_start3A_219 : memref<96x128xf32, #tpu.memory_space<vmem_shared>>) target_semaphore(%run_scoped3A : memref<!tpu.dma_semaphore, #tpu.memory_space<semaphore_mem>>)
      %dma_wait3A_220 = arith.constant 0 : i32
      %dma_wait3A_221 = tpu.memref_slice %arg6[%multiple_of3A_67, %dma_wait3A_220] : memref<10016x128xf32, #tpu.memory_space<vmem_shared>> -> memref<96x128xf32, #tpu.memory_space<vmem_shared>>
      %dma_wait3A_222 = arith.constant 0 : i32
      %dma_wait3A_223 = tpu.memref_slice %arg6[%multiple_of3A_67, %dma_wait3A_222] : memref<10016x128xf32, #tpu.memory_space<vmem_shared>> -> memref<96x128xf32, #tpu.memory_space<vmem_shared>>
      tpu.wait_dma2 semaphore(%run_scoped3A : memref<!tpu.dma_semaphore, #tpu.memory_space<semaphore_mem>>) src(%arg7 : memref<96x128xf32, #tpu.memory_space<vmem>>) dst(%dma_wait3A_223 : memref<96x128xf32, #tpu.memory_space<vmem_shared>>)
      tpu.yield
    }) : () -> ()
    %add3A_68 = arith.constant 192 : i32
    %add3A_69 = arith.addi %mul3A_61, %add3A_68 : i32
    %multiple_of3A_70 = tpu.assume_multiple %add3A_69, 8 : i32
    "tpu.region"() ({
      %run_scoped3A = tpu.sem_alloc : memref<!tpu.dma_semaphore, #tpu.memory_space<semaphore_mem>>
      %dma_start3A_216 = arith.constant 0 : i32
      %dma_start3A_217 = tpu.memref_slice %arg6[%multiple_of3A_70, %dma_start3A_216] : memref<10016x128xf32, #tpu.memory_space<vmem_shared>> -> memref<96x128xf32, #tpu.memory_space<vmem_shared>>
      %dma_start3A_218 = arith.constant 0 : i32
      %dma_start3A_219 = tpu.memref_slice %arg6[%multiple_of3A_70, %dma_start3A_218] : memref<10016x128xf32, #tpu.memory_space<vmem_shared>> -> memref<96x128xf32, #tpu.memory_space<vmem_shared>>
      tpu.enqueue_dma source(%arg7 : memref<96x128xf32, #tpu.memory_space<vmem>>) target(%dma_start3A_219 : memref<96x128xf32, #tpu.memory_space<vmem_shared>>) target_semaphore(%run_scoped3A : memref<!tpu.dma_semaphore, #tpu.memory_space<semaphore_mem>>)
      %dma_wait3A_220 = arith.constant 0 : i32
      %dma_wait3A_221 = tpu.memref_slice %arg6[%multiple_of3A_70, %dma_wait3A_220] : memref<10016x128xf32, #tpu.memory_space<vmem_shared>> -> memref<96x128xf32, #tpu.memory_space<vmem_shared>>
      %dma_wait3A_222 = arith.constant 0 : i32
      %dma_wait3A_223 = tpu.memref_slice %arg6[%multiple_of3A_70, %dma_wait3A_222] : memref<10016x128xf32, #tpu.memory_space<vmem_shared>> -> memref<96x128xf32, #tpu.memory_space<vmem_shared>>
      tpu.wait_dma2 semaphore(%run_scoped3A : memref<!tpu.dma_semaphore, #tpu.memory_space<semaphore_mem>>) src(%arg7 : memref<96x128xf32, #tpu.memory_space<vmem>>) dst(%dma_wait3A_223 : memref<96x128xf32, #tpu.memory_space<vmem_shared>>)
      tpu.yield
    }) : () -> ()
    %add3A_71 = arith.constant 288 : i32
    %add3A_72 = arith.addi %mul3A_61, %add3A_71 : i32
    %multiple_of3A_73 = tpu.assume_multiple %add3A_72, 8 : i32
    "tpu.region"() ({
      %run_scoped3A = tpu.sem_alloc : memref<!tpu.dma_semaphore, #tpu.memory_space<semaphore_mem>>
      %dma_start3A_216 = arith.constant 0 : i32
      %dma_start3A_217 = tpu.memref_slice %arg6[%multiple_of3A_73, %dma_start3A_216] : memref<10016x128xf32, #tpu.memory_space<vmem_shared>> -> memref<96x128xf32, #tpu.memory_space<vmem_shared>>
      %dma_start3A_218 = arith.constant 0 : i32
      %dma_start3A_219 = tpu.memref_slice %arg6[%multiple_of3A_73, %dma_start3A_218] : memref<10016x128xf32, #tpu.memory_space<vmem_shared>> -> memref<96x128xf32, #tpu.memory_space<vmem_shared>>
      tpu.enqueue_dma source(%arg7 : memref<96x128xf32, #tpu.memory_space<vmem>>) target(%dma_start3A_219 : memref<96x128xf32, #tpu.memory_space<vmem_shared>>) target_semaphore(%run_scoped3A : memref<!tpu.dma_semaphore, #tpu.memory_space<semaphore_mem>>)
      %dma_wait3A_220 = arith.constant 0 : i32
      %dma_wait3A_221 = tpu.memref_slice %arg6[%multiple_of3A_73, %dma_wait3A_220] : memref<10016x128xf32, #tpu.memory_space<vmem_shared>> -> memref<96x128xf32, #tpu.memory_space<vmem_shared>>
      %dma_wait3A_222 = arith.constant 0 : i32
      %dma_wait3A_223 = tpu.memref_slice %arg6[%multiple_of3A_73, %dma_wait3A_222] : memref<10016x128xf32, #tpu.memory_space<vmem_shared>> -> memref<96x128xf32, #tpu.memory_space<vmem_shared>>
      tpu.wait_dma2 semaphore(%run_scoped3A : memref<!tpu.dma_semaphore, #tpu.memory_space<semaphore_mem>>) src(%arg7 : memref<96x128xf32, #tpu.memory_space<vmem>>) dst(%dma_wait3A_223 : memref<96x128xf32, #tpu.memory_space<vmem_shared>>)
      tpu.yield
    }) : () -> ()
    %add3A_74 = arith.constant 384 : i32
    %add3A_75 = arith.addi %mul3A_61, %add3A_74 : i32
    %multiple_of3A_76 = tpu.assume_multiple %add3A_75, 8 : i32
    "tpu.region"() ({
      %run_scoped3A = tpu.sem_alloc : memref<!tpu.dma_semaphore, #tpu.memory_space<semaphore_mem>>
      %dma_start3A_216 = arith.constant 0 : i32
      %dma_start3A_217 = tpu.memref_slice %arg6[%multiple_of3A_76, %dma_start3A_216] : memref<10016x128xf32, #tpu.memory_space<vmem_shared>> -> memref<96x128xf32, #tpu.memory_space<vmem_shared>>
      %dma_start3A_218 = arith.constant 0 : i32
      %dma_start3A_219 = tpu.memref_slice %arg6[%multiple_of3A_76, %dma_start3A_218] : memref<10016x128xf32, #tpu.memory_space<vmem_shared>> -> memref<96x128xf32, #tpu.memory_space<vmem_shared>>
      tpu.enqueue_dma source(%arg7 : memref<96x128xf32, #tpu.memory_space<vmem>>) target(%dma_start3A_219 : memref<96x128xf32, #tpu.memory_space<vmem_shared>>) target_semaphore(%run_scoped3A : memref<!tpu.dma_semaphore, #tpu.memory_space<semaphore_mem>>)
      %dma_wait3A_220 = arith.constant 0 : i32
      %dma_wait3A_221 = tpu.memref_slice %arg6[%multiple_of3A_76, %dma_wait3A_220] : memref<10016x128xf32, #tpu.memory_space<vmem_shared>> -> memref<96x128xf32, #tpu.memory_space<vmem_shared>>
      %dma_wait3A_222 = arith.constant 0 : i32
      %dma_wait3A_223 = tpu.memref_slice %arg6[%multiple_of3A_76, %dma_wait3A_222] : memref<10016x128xf32, #tpu.memory_space<vmem_shared>> -> memref<96x128xf32, #tpu.memory_space<vmem_shared>>
      tpu.wait_dma2 semaphore(%run_scoped3A : memref<!tpu.dma_semaphore, #tpu.memory_space<semaphore_mem>>) src(%arg7 : memref<96x128xf32, #tpu.memory_space<vmem>>) dst(%dma_wait3A_223 : memref<96x128xf32, #tpu.memory_space<vmem_shared>>)
      tpu.yield
    }) : () -> ()
    %add3A_77 = arith.constant 480 : i32
    %add3A_78 = arith.addi %mul3A_61, %add3A_77 : i32
    %multiple_of3A_79 = tpu.assume_multiple %add3A_78, 8 : i32
    "tpu.region"() ({
      %run_scoped3A = tpu.sem_alloc : memref<!tpu.dma_semaphore, #tpu.memory_space<semaphore_mem>>
      %dma_start3A_216 = arith.constant 0 : i32
      %dma_start3A_217 = tpu.memref_slice %arg6[%multiple_of3A_79, %dma_start3A_216] : memref<10016x128xf32, #tpu.memory_space<vmem_shared>> -> memref<96x128xf32, #tpu.memory_space<vmem_shared>>
      %dma_start3A_218 = arith.constant 0 : i32
      %dma_start3A_219 = tpu.memref_slice %arg6[%multiple_of3A_79, %dma_start3A_218] : memref<10016x128xf32, #tpu.memory_space<vmem_shared>> -> memref<96x128xf32, #tpu.memory_space<vmem_shared>>
      tpu.enqueue_dma source(%arg7 : memref<96x128xf32, #tpu.memory_space<vmem>>) target(%dma_start3A_219 : memref<96x128xf32, #tpu.memory_space<vmem_shared>>) target_semaphore(%run_scoped3A : memref<!tpu.dma_semaphore, #tpu.memory_space<semaphore_mem>>)
      %dma_wait3A_220 = arith.constant 0 : i32
      %dma_wait3A_221 = tpu.memref_slice %arg6[%multiple_of3A_79, %dma_wait3A_220] : memref<10016x128xf32, #tpu.memory_space<vmem_shared>> -> memref<96x128xf32, #tpu.memory_space<vmem_shared>>
      %dma_wait3A_222 = arith.constant 0 : i32
      %dma_wait3A_223 = tpu.memref_slice %arg6[%multiple_of3A_79, %dma_wait3A_222] : memref<10016x128xf32, #tpu.memory_space<vmem_shared>> -> memref<96x128xf32, #tpu.memory_space<vmem_shared>>
      tpu.wait_dma2 semaphore(%run_scoped3A : memref<!tpu.dma_semaphore, #tpu.memory_space<semaphore_mem>>) src(%arg7 : memref<96x128xf32, #tpu.memory_space<vmem>>) dst(%dma_wait3A_223 : memref<96x128xf32, #tpu.memory_space<vmem_shared>>)
      tpu.yield
    }) : () -> ()
    %add3A_80 = arith.constant 576 : i32
    %add3A_81 = arith.addi %mul3A_61, %add3A_80 : i32
    %multiple_of3A_82 = tpu.assume_multiple %add3A_81, 8 : i32
    "tpu.region"() ({
      %run_scoped3A = tpu.sem_alloc : memref<!tpu.dma_semaphore, #tpu.memory_space<semaphore_mem>>
      %dma_start3A_216 = arith.constant 0 : i32
      %dma_start3A_217 = arith.constant 0 : i32
      %dma_start3A_218 = tpu.memref_slice %arg7[%dma_start3A_216, %dma_start3A_217] : memref<96x128xf32, #tpu.memory_space<vmem>> -> memref<48x128xf32, #tpu.memory_space<vmem>>
      %dma_start3A_219 = arith.constant 0 : i32
      %dma_start3A_220 = tpu.memref_slice %arg6[%multiple_of3A_82, %dma_start3A_219] : memref<10016x128xf32, #tpu.memory_space<vmem_shared>> -> memref<48x128xf32, #tpu.memory_space<vmem_shared>>
      %dma_start3A_221 = arith.constant 0 : i32
      %dma_start3A_222 = tpu.memref_slice %arg6[%multiple_of3A_82, %dma_start3A_221] : memref<10016x128xf32, #tpu.memory_space<vmem_shared>> -> memref<48x128xf32, #tpu.memory_space<vmem_shared>>
      %dma_start3A_223 = arith.constant 0 : i32
      %dma_start3A_224 = arith.constant 0 : i32
      %dma_start3A_225 = tpu.memref_slice %arg7[%dma_start3A_223, %dma_start3A_224] : memref<96x128xf32, #tpu.memory_space<vmem>> -> memref<48x128xf32, #tpu.memory_space<vmem>>
      tpu.enqueue_dma source(%dma_start3A_225 : memref<48x128xf32, #tpu.memory_space<vmem>>) target(%dma_start3A_222 : memref<48x128xf32, #tpu.memory_space<vmem_shared>>) target_semaphore(%run_scoped3A : memref<!tpu.dma_semaphore, #tpu.memory_space<semaphore_mem>>)
      %dma_wait3A_226 = arith.constant 0 : i32
      %dma_wait3A_227 = arith.constant 0 : i32
      %dma_wait3A_228 = tpu.memref_slice %arg7[%dma_wait3A_226, %dma_wait3A_227] : memref<96x128xf32, #tpu.memory_space<vmem>> -> memref<48x128xf32, #tpu.memory_space<vmem>>
      %dma_wait3A_229 = arith.constant 0 : i32
      %dma_wait3A_230 = tpu.memref_slice %arg6[%multiple_of3A_82, %dma_wait3A_229] : memref<10016x128xf32, #tpu.memory_space<vmem_shared>> -> memref<48x128xf32, #tpu.memory_space<vmem_shared>>
      %dma_wait3A_231 = arith.constant 0 : i32
      %dma_wait3A_232 = tpu.memref_slice %arg6[%multiple_of3A_82, %dma_wait3A_231] : memref<10016x128xf32, #tpu.memory_space<vmem_shared>> -> memref<48x128xf32, #tpu.memory_space<vmem_shared>>
      %dma_wait3A_233 = arith.constant 0 : i32
      %dma_wait3A_234 = arith.constant 0 : i32
      %dma_wait3A_235 = tpu.memref_slice %arg7[%dma_wait3A_233, %dma_wait3A_234] : memref<96x128xf32, #tpu.memory_space<vmem>> -> memref<48x128xf32, #tpu.memory_space<vmem>>
      tpu.wait_dma2 semaphore(%run_scoped3A : memref<!tpu.dma_semaphore, #tpu.memory_space<semaphore_mem>>) src(%dma_wait3A_235 : memref<48x128xf32, #tpu.memory_space<vmem>>) dst(%dma_wait3A_232 : memref<48x128xf32, #tpu.memory_space<vmem_shared>>)
      tpu.yield
    }) : () -> ()
    %eq3A = arith.constant 15 : i32
    %eq3A_83 = arith.cmpi eq, %arg1, %eq3A : i32
    %convert_element_type3A = arith.extui %eq3A_83 : i1 to i32
    %cond3A = arith.constant 0 : i32
    %cond3A_84 = arith.cmpi ne, %convert_element_type3A, %cond3A : i32
    scf.if %cond3A_84 {
      "tpu.region"() ({
        %run_scoped3A = tpu.sem_alloc : memref<!tpu.dma_semaphore, #tpu.memory_space<semaphore_mem>>
        %dma_start3A_216 = arith.constant 0 : i32
        %dma_start3A_217 = arith.constant 0 : i32
        %dma_start3A_218 = tpu.memref_slice %arg7[%dma_start3A_216, %dma_start3A_217] : memref<96x128xf32, #tpu.memory_space<vmem>> -> memref<16x128xf32, #tpu.memory_space<vmem>>
        %dma_start3A_219 = arith.constant 9984 : i32
        %dma_start3A_220 = arith.constant 0 : i32
        %dma_start3A_221 = tpu.memref_slice %arg6[%dma_start3A_219, %dma_start3A_220] : memref<10016x128xf32, #tpu.memory_space<vmem_shared>> -> memref<16x128xf32, #tpu.memory_space<vmem_shared>>
        %dma_start3A_222 = arith.constant 9984 : i32
        %dma_start3A_223 = arith.constant 0 : i32
        %dma_start3A_224 = tpu.memref_slice %arg6[%dma_start3A_222, %dma_start3A_223] : memref<10016x128xf32, #tpu.memory_space<vmem_shared>> -> memref<16x128xf32, #tpu.memory_space<vmem_shared>>
        %dma_start3A_225 = arith.constant 0 : i32
        %dma_start3A_226 = arith.constant 0 : i32
        %dma_start3A_227 = tpu.memref_slice %arg7[%dma_start3A_225, %dma_start3A_226] : memref<96x128xf32, #tpu.memory_space<vmem>> -> memref<16x128xf32, #tpu.memory_space<vmem>>
        tpu.enqueue_dma source(%dma_start3A_227 : memref<16x128xf32, #tpu.memory_space<vmem>>) target(%dma_start3A_224 : memref<16x128xf32, #tpu.memory_space<vmem_shared>>) target_semaphore(%run_scoped3A : memref<!tpu.dma_semaphore, #tpu.memory_space<semaphore_mem>>)
        %dma_wait3A_228 = arith.constant 0 : i32
        %dma_wait3A_229 = arith.constant 0 : i32
        %dma_wait3A_230 = tpu.memref_slice %arg7[%dma_wait3A_228, %dma_wait3A_229] : memref<96x128xf32, #tpu.memory_space<vmem>> -> memref<16x128xf32, #tpu.memory_space<vmem>>
        %dma_wait3A_231 = arith.constant 9984 : i32
        %dma_wait3A_232 = arith.constant 0 : i32
        %dma_wait3A_233 = tpu.memref_slice %arg6[%dma_wait3A_231, %dma_wait3A_232] : memref<10016x128xf32, #tpu.memory_space<vmem_shared>> -> memref<16x128xf32, #tpu.memory_space<vmem_shared>>
        %dma_wait3A_234 = arith.constant 9984 : i32
        %dma_wait3A_235 = arith.constant 0 : i32
        %dma_wait3A_236 = tpu.memref_slice %arg6[%dma_wait3A_234, %dma_wait3A_235] : memref<10016x128xf32, #tpu.memory_space<vmem_shared>> -> memref<16x128xf32, #tpu.memory_space<vmem_shared>>
        %dma_wait3A_237 = arith.constant 0 : i32
        %dma_wait3A_238 = arith.constant 0 : i32
        %dma_wait3A_239 = tpu.memref_slice %arg7[%dma_wait3A_237, %dma_wait3A_238] : memref<96x128xf32, #tpu.memory_space<vmem>> -> memref<16x128xf32, #tpu.memory_space<vmem>>
        tpu.wait_dma2 semaphore(%run_scoped3A : memref<!tpu.dma_semaphore, #tpu.memory_space<semaphore_mem>>) src(%dma_wait3A_239 : memref<16x128xf32, #tpu.memory_space<vmem>>) dst(%dma_wait3A_236 : memref<16x128xf32, #tpu.memory_space<vmem_shared>>)
        tpu.yield
      }) : () -> ()
    } else {
    }
    %dma_wait3A = arith.constant 0 : i32
    %dma_wait3A_85 = tpu.memref_slice %arg3[%dma_wait3A] : memref<332352xi32, #tpu.memory_space<hbm>> -> memref<96xi32, #tpu.memory_space<hbm>>
    %dma_wait3A_86 = arith.constant 0 : i32
    %dma_wait3A_87 = tpu.memref_slice %arg3[%dma_wait3A_86] : memref<332352xi32, #tpu.memory_space<hbm>> -> memref<96xi32, #tpu.memory_space<hbm>>
    tpu.wait_dma2 semaphore(%arg25 : memref<!tpu.dma_semaphore, #tpu.memory_space<semaphore_mem>>) src(%dma_wait3A_87 : memref<96xi32, #tpu.memory_space<hbm>>) dst(%arg13 : memref<96xi32, #tpu.memory_space<vmem>>)
    %dma_wait3A_88 = arith.constant 0 : i32
    %dma_wait3A_89 = tpu.memref_slice %arg3[%dma_wait3A_88] : memref<332352xi32, #tpu.memory_space<hbm>> -> memref<96xi32, #tpu.memory_space<hbm>>
    %dma_wait3A_90 = arith.constant 0 : i32
    %dma_wait3A_91 = tpu.memref_slice %arg3[%dma_wait3A_90] : memref<332352xi32, #tpu.memory_space<hbm>> -> memref<96xi32, #tpu.memory_space<hbm>>
    tpu.wait_dma2 semaphore(%arg25 : memref<!tpu.dma_semaphore, #tpu.memory_space<semaphore_mem>>) src(%dma_wait3A_91 : memref<96xi32, #tpu.memory_space<hbm>>) dst(%arg19 : memref<96xi32, #tpu.memory_space<vmem>>)
    %dma_start3A_92 = arith.constant 0 : i32
    %dma_start3A_93 = arith.constant 0 : i32
    %dma_start3A_94 = tpu.memref_slice %arg2[%dma_start3A_92, %dma_start3A_93] : memref<10000x128xf32, #tpu.memory_space<hbm>> -> memref<10000x128xf32, #tpu.memory_space<hbm>>
    tpu.enqueue_indirect_dma source(%dma_start3A_94 : memref<10000x128xf32, #tpu.memory_space<hbm>>) target(%arg7 : memref<96x128xf32, #tpu.memory_space<vmem>>) offsets(%arg13 : memref<96xi32, #tpu.memory_space<vmem>>) semaphore(%arg10 : memref<!tpu.dma_semaphore, #tpu.memory_space<semaphore_mem>>)
    %dma_wait3A_95 = arith.constant 0 : i32
    %dma_wait3A_96 = tpu.memref_slice %arg3[%dma_wait3A_95] : memref<332352xi32, #tpu.memory_space<hbm>> -> memref<96xi32, #tpu.memory_space<hbm>>
    %dma_wait3A_97 = arith.constant 0 : i32
    %dma_wait3A_98 = tpu.memref_slice %arg3[%dma_wait3A_97] : memref<332352xi32, #tpu.memory_space<hbm>> -> memref<96xi32, #tpu.memory_space<hbm>>
    tpu.wait_dma2 semaphore(%arg26 : memref<!tpu.dma_semaphore, #tpu.memory_space<semaphore_mem>>) src(%dma_wait3A_98 : memref<96xi32, #tpu.memory_space<hbm>>) dst(%arg14 : memref<96xi32, #tpu.memory_space<vmem>>)
    %dma_wait3A_99 = arith.constant 0 : i32
    %dma_wait3A_100 = tpu.memref_slice %arg3[%dma_wait3A_99] : memref<332352xi32, #tpu.memory_space<hbm>> -> memref<96xi32, #tpu.memory_space<hbm>>
    %dma_wait3A_101 = arith.constant 0 : i32
    %dma_wait3A_102 = tpu.memref_slice %arg3[%dma_wait3A_101] : memref<332352xi32, #tpu.memory_space<hbm>> -> memref<96xi32, #tpu.memory_space<hbm>>
    tpu.wait_dma2 semaphore(%arg26 : memref<!tpu.dma_semaphore, #tpu.memory_space<semaphore_mem>>) src(%dma_wait3A_102 : memref<96xi32, #tpu.memory_space<hbm>>) dst(%arg20 : memref<96xi32, #tpu.memory_space<vmem>>)
    %dma_start3A_103 = arith.constant 0 : i32
    %dma_start3A_104 = arith.constant 0 : i32
    %dma_start3A_105 = tpu.memref_slice %arg2[%dma_start3A_103, %dma_start3A_104] : memref<10000x128xf32, #tpu.memory_space<hbm>> -> memref<10000x128xf32, #tpu.memory_space<hbm>>
    tpu.enqueue_indirect_dma source(%dma_start3A_105 : memref<10000x128xf32, #tpu.memory_space<hbm>>) target(%arg8 : memref<96x128xf32, #tpu.memory_space<vmem>>) offsets(%arg14 : memref<96xi32, #tpu.memory_space<vmem>>) semaphore(%arg11 : memref<!tpu.dma_semaphore, #tpu.memory_space<semaphore_mem>>)
    %dma_wait3A_106 = arith.constant 0 : i32
    %dma_wait3A_107 = tpu.memref_slice %arg3[%dma_wait3A_106] : memref<332352xi32, #tpu.memory_space<hbm>> -> memref<96xi32, #tpu.memory_space<hbm>>
    %dma_wait3A_108 = arith.constant 0 : i32
    %dma_wait3A_109 = tpu.memref_slice %arg3[%dma_wait3A_108] : memref<332352xi32, #tpu.memory_space<hbm>> -> memref<96xi32, #tpu.memory_space<hbm>>
    tpu.wait_dma2 semaphore(%arg27 : memref<!tpu.dma_semaphore, #tpu.memory_space<semaphore_mem>>) src(%dma_wait3A_109 : memref<96xi32, #tpu.memory_space<hbm>>) dst(%arg15 : memref<96xi32, #tpu.memory_space<vmem>>)
    %dma_wait3A_110 = arith.constant 0 : i32
    %dma_wait3A_111 = tpu.memref_slice %arg3[%dma_wait3A_110] : memref<332352xi32, #tpu.memory_space<hbm>> -> memref<96xi32, #tpu.memory_space<hbm>>
    %dma_wait3A_112 = arith.constant 0 : i32
    %dma_wait3A_113 = tpu.memref_slice %arg3[%dma_wait3A_112] : memref<332352xi32, #tpu.memory_space<hbm>> -> memref<96xi32, #tpu.memory_space<hbm>>
    tpu.wait_dma2 semaphore(%arg27 : memref<!tpu.dma_semaphore, #tpu.memory_space<semaphore_mem>>) src(%dma_wait3A_113 : memref<96xi32, #tpu.memory_space<hbm>>) dst(%arg21 : memref<96xi32, #tpu.memory_space<vmem>>)
    %dma_start3A_114 = arith.constant 0 : i32
    %dma_start3A_115 = arith.constant 0 : i32
    %dma_start3A_116 = tpu.memref_slice %arg2[%dma_start3A_114, %dma_start3A_115] : memref<10000x128xf32, #tpu.memory_space<hbm>> -> memref<10000x128xf32, #tpu.memory_space<hbm>>
    tpu.enqueue_indirect_dma source(%dma_start3A_116 : memref<10000x128xf32, #tpu.memory_space<hbm>>) target(%arg9 : memref<96x128xf32, #tpu.memory_space<vmem>>) offsets(%arg15 : memref<96xi32, #tpu.memory_space<vmem>>) semaphore(%arg12 : memref<!tpu.dma_semaphore, #tpu.memory_space<semaphore_mem>>)
    %barrier3A = arith.constant 0 : index
    tpu.barrier barrier_id(%barrier3A)
    %scan3A_117 = arith.constant 0 : i32
    %scan3A_118 = arith.constant 0 : i32
    %scan3A_119 = arith.constant 18 : i32
    %scan3A_120 = arith.addi %scan3A_118, %scan3A_119 : i32
    %scan3A_121 = arith.constant 1 : i32
    scf.for %scan3A_216 = %scan3A_118 to %scan3A_120 step %scan3A_121  : i32 {
      %mul3A_217 = arith.constant 6 : i32
      %mul3A_218 = arith.muli %scan3A_216, %mul3A_217 : i32
      %add3A_219 = arith.constant 0 : i32
      %add3A_220 = arith.addi %mul3A_218, %add3A_219 : i32
      %dma_wait3A_221 = arith.constant 0 : i32
      %dma_wait3A_222 = arith.constant 0 : i32
      %dma_wait3A_223 = tpu.memref_slice %arg2[%dma_wait3A_221, %dma_wait3A_222] : memref<10000x128xf32, #tpu.memory_space<hbm>> -> memref<96x128xf32, #tpu.memory_space<hbm>>
      %dma_wait3A_224 = arith.constant 0 : i32
      %dma_wait3A_225 = arith.constant 0 : i32
      %dma_wait3A_226 = tpu.memref_slice %arg2[%dma_wait3A_224, %dma_wait3A_225] : memref<10000x128xf32, #tpu.memory_space<hbm>> -> memref<96x128xf32, #tpu.memory_space<hbm>>
      tpu.wait_dma2 semaphore(%arg10 : memref<!tpu.dma_semaphore, #tpu.memory_space<semaphore_mem>>) src(%dma_wait3A_226 : memref<96x128xf32, #tpu.memory_space<hbm>>) dst(%arg7 : memref<96x128xf32, #tpu.memory_space<vmem>>)
      "tpu.region"() ({
        %run_scoped3A = tpu.sem_alloc : memref<!tpu.dma_semaphore, #tpu.memory_space<semaphore_mem>>
        %dma_start3A_403 = arith.constant 0 : i32
        %dma_start3A_404 = arith.constant 0 : i32
        %dma_start3A_405 = tpu.memref_slice %arg6[%dma_start3A_403, %dma_start3A_404] : memref<10016x128xf32, #tpu.memory_space<vmem_shared>> -> memref<10016x128xf32, #tpu.memory_space<vmem_shared>>
        tpu.enqueue_indirect_dma source(%arg7 : memref<96x128xf32, #tpu.memory_space<vmem>>) target(%dma_start3A_405 : memref<10016x128xf32, #tpu.memory_space<vmem_shared>>) offsets(%arg19 : memref<96xi32, #tpu.memory_space<vmem>>) semaphore(%run_scoped3A : memref<!tpu.dma_semaphore, #tpu.memory_space<semaphore_mem>>) {add = true}
        %dma_wait3A_406 = arith.constant 0 : i32
        %dma_wait3A_407 = arith.constant 0 : i32
        %dma_wait3A_408 = tpu.memref_slice %arg6[%dma_wait3A_406, %dma_wait3A_407] : memref<10016x128xf32, #tpu.memory_space<vmem_shared>> -> memref<10016x128xf32, #tpu.memory_space<vmem_shared>>
        tpu.wait_indirect_dma semaphore(%run_scoped3A : memref<!tpu.dma_semaphore, #tpu.memory_space<semaphore_mem>>) src(%arg7 : memref<96x128xf32, #tpu.memory_space<vmem>>) dst(%dma_wait3A_408 : memref<10016x128xf32, #tpu.memory_space<vmem_shared>>)
        tpu.yield
      }) : () -> ()
      %dma_wait3A_227 = arith.constant 0 : i32
      %dma_wait3A_228 = tpu.memref_slice %arg3[%dma_wait3A_227] : memref<332352xi32, #tpu.memory_space<hbm>> -> memref<96xi32, #tpu.memory_space<hbm>>
      %dma_wait3A_229 = arith.constant 0 : i32
      %dma_wait3A_230 = tpu.memref_slice %arg3[%dma_wait3A_229] : memref<332352xi32, #tpu.memory_space<hbm>> -> memref<96xi32, #tpu.memory_space<hbm>>
      tpu.wait_dma2 semaphore(%arg28 : memref<!tpu.dma_semaphore, #tpu.memory_space<semaphore_mem>>) src(%dma_wait3A_230 : memref<96xi32, #tpu.memory_space<hbm>>) dst(%arg16 : memref<96xi32, #tpu.memory_space<vmem>>)
      %dma_wait3A_231 = arith.constant 0 : i32
      %dma_wait3A_232 = tpu.memref_slice %arg3[%dma_wait3A_231] : memref<332352xi32, #tpu.memory_space<hbm>> -> memref<96xi32, #tpu.memory_space<hbm>>
      %dma_wait3A_233 = arith.constant 0 : i32
      %dma_wait3A_234 = tpu.memref_slice %arg3[%dma_wait3A_233] : memref<332352xi32, #tpu.memory_space<hbm>> -> memref<96xi32, #tpu.memory_space<hbm>>
      tpu.wait_dma2 semaphore(%arg28 : memref<!tpu.dma_semaphore, #tpu.memory_space<semaphore_mem>>) src(%dma_wait3A_234 : memref<96xi32, #tpu.memory_space<hbm>>) dst(%arg22 : memref<96xi32, #tpu.memory_space<vmem>>)
      %dma_start3A_235 = arith.constant 0 : i32
      %dma_start3A_236 = arith.constant 0 : i32
      %dma_start3A_237 = tpu.memref_slice %arg2[%dma_start3A_235, %dma_start3A_236] : memref<10000x128xf32, #tpu.memory_space<hbm>> -> memref<10000x128xf32, #tpu.memory_space<hbm>>
      tpu.enqueue_indirect_dma source(%dma_start3A_237 : memref<10000x128xf32, #tpu.memory_space<hbm>>) target(%arg7 : memref<96x128xf32, #tpu.memory_space<vmem>>) offsets(%arg16 : memref<96xi32, #tpu.memory_space<vmem>>) semaphore(%arg10 : memref<!tpu.dma_semaphore, #tpu.memory_space<semaphore_mem>>)
      %add3A_238 = arith.constant 6 : i32
      %add3A_239 = arith.addi %add3A_220, %add3A_238 : i32
      %mul3A_240 = arith.constant 96 : i32
      %mul3A_241 = arith.muli %add3A_239, %mul3A_240 : i32
      %add3A_242 = arith.addi %mul3A_2, %mul3A_241 : i32
      %multiple_of3A_243 = tpu.assume_multiple %add3A_242, 8 : i32
      %dma_start3A_244 = tpu.memref_slice %arg3[%multiple_of3A_243] : memref<332352xi32, #tpu.memory_space<hbm>> -> memref<96xi32, #tpu.memory_space<hbm>>
      %dma_start3A_245 = tpu.memref_slice %arg3[%multiple_of3A_243] : memref<332352xi32, #tpu.memory_space<hbm>> -> memref<96xi32, #tpu.memory_space<hbm>>
      tpu.enqueue_dma source(%dma_start3A_245 : memref<96xi32, #tpu.memory_space<hbm>>) target(%arg13 : memref<96xi32, #tpu.memory_space<vmem>>) target_semaphore(%arg25 : memref<!tpu.dma_semaphore, #tpu.memory_space<semaphore_mem>>)
      %dma_start3A_246 = tpu.memref_slice %arg4[%multiple_of3A_243] : memref<332352xi32, #tpu.memory_space<hbm>> -> memref<96xi32, #tpu.memory_space<hbm>>
      %dma_start3A_247 = tpu.memref_slice %arg4[%multiple_of3A_243] : memref<332352xi32, #tpu.memory_space<hbm>> -> memref<96xi32, #tpu.memory_space<hbm>>
      tpu.enqueue_dma source(%dma_start3A_247 : memref<96xi32, #tpu.memory_space<hbm>>) target(%arg19 : memref<96xi32, #tpu.memory_space<vmem>>) target_semaphore(%arg25 : memref<!tpu.dma_semaphore, #tpu.memory_space<semaphore_mem>>)
      %mul3A_248 = arith.constant 6 : i32
      %mul3A_249 = arith.muli %scan3A_216, %mul3A_248 : i32
      %add3A_250 = arith.constant 1 : i32
      %add3A_251 = arith.addi %mul3A_249, %add3A_250 : i32
      %dma_wait3A_252 = arith.constant 0 : i32
      %dma_wait3A_253 = arith.constant 0 : i32
      %dma_wait3A_254 = tpu.memref_slice %arg2[%dma_wait3A_252, %dma_wait3A_253] : memref<10000x128xf32, #tpu.memory_space<hbm>> -> memref<96x128xf32, #tpu.memory_space<hbm>>
      %dma_wait3A_255 = arith.constant 0 : i32
      %dma_wait3A_256 = arith.constant 0 : i32
      %dma_wait3A_257 = tpu.memref_slice %arg2[%dma_wait3A_255, %dma_wait3A_256] : memref<10000x128xf32, #tpu.memory_space<hbm>> -> memref<96x128xf32, #tpu.memory_space<hbm>>
      tpu.wait_dma2 semaphore(%arg11 : memref<!tpu.dma_semaphore, #tpu.memory_space<semaphore_mem>>) src(%dma_wait3A_257 : memref<96x128xf32, #tpu.memory_space<hbm>>) dst(%arg8 : memref<96x128xf32, #tpu.memory_space<vmem>>)
      "tpu.region"() ({
        %run_scoped3A = tpu.sem_alloc : memref<!tpu.dma_semaphore, #tpu.memory_space<semaphore_mem>>
        %dma_start3A_403 = arith.constant 0 : i32
        %dma_start3A_404 = arith.constant 0 : i32
        %dma_start3A_405 = tpu.memref_slice %arg6[%dma_start3A_403, %dma_start3A_404] : memref<10016x128xf32, #tpu.memory_space<vmem_shared>> -> memref<10016x128xf32, #tpu.memory_space<vmem_shared>>
        tpu.enqueue_indirect_dma source(%arg8 : memref<96x128xf32, #tpu.memory_space<vmem>>) target(%dma_start3A_405 : memref<10016x128xf32, #tpu.memory_space<vmem_shared>>) offsets(%arg20 : memref<96xi32, #tpu.memory_space<vmem>>) semaphore(%run_scoped3A : memref<!tpu.dma_semaphore, #tpu.memory_space<semaphore_mem>>) {add = true}
        %dma_wait3A_406 = arith.constant 0 : i32
        %dma_wait3A_407 = arith.constant 0 : i32
        %dma_wait3A_408 = tpu.memref_slice %arg6[%dma_wait3A_406, %dma_wait3A_407] : memref<10016x128xf32, #tpu.memory_space<vmem_shared>> -> memref<10016x128xf32, #tpu.memory_space<vmem_shared>>
        tpu.wait_indirect_dma semaphore(%run_scoped3A : memref<!tpu.dma_semaphore, #tpu.memory_space<semaphore_mem>>) src(%arg8 : memref<96x128xf32, #tpu.memory_space<vmem>>) dst(%dma_wait3A_408 : memref<10016x128xf32, #tpu.memory_space<vmem_shared>>)
        tpu.yield
      }) : () -> ()
      %dma_wait3A_258 = arith.constant 0 : i32
      %dma_wait3A_259 = tpu.memref_slice %arg3[%dma_wait3A_258] : memref<332352xi32, #tpu.memory_space<hbm>> -> memref<96xi32, #tpu.memory_space<hbm>>
      %dma_wait3A_260 = arith.constant 0 : i32
      %dma_wait3A_261 = tpu.memref_slice %arg3[%dma_wait3A_260] : memref<332352xi32, #tpu.memory_space<hbm>> -> memref<96xi32, #tpu.memory_space<hbm>>
      tpu.wait_dma2 semaphore(%arg29 : memref<!tpu.dma_semaphore, #tpu.memory_space<semaphore_mem>>) src(%dma_wait3A_261 : memref<96xi32, #tpu.memory_space<hbm>>) dst(%arg17 : memref<96xi32, #tpu.memory_space<vmem>>)
      %dma_wait3A_262 = arith.constant 0 : i32
      %dma_wait3A_263 = tpu.memref_slice %arg3[%dma_wait3A_262] : memref<332352xi32, #tpu.memory_space<hbm>> -> memref<96xi32, #tpu.memory_space<hbm>>
      %dma_wait3A_264 = arith.constant 0 : i32
      %dma_wait3A_265 = tpu.memref_slice %arg3[%dma_wait3A_264] : memref<332352xi32, #tpu.memory_space<hbm>> -> memref<96xi32, #tpu.memory_space<hbm>>
      tpu.wait_dma2 semaphore(%arg29 : memref<!tpu.dma_semaphore, #tpu.memory_space<semaphore_mem>>) src(%dma_wait3A_265 : memref<96xi32, #tpu.memory_space<hbm>>) dst(%arg23 : memref<96xi32, #tpu.memory_space<vmem>>)
      %dma_start3A_266 = arith.constant 0 : i32
      %dma_start3A_267 = arith.constant 0 : i32
      %dma_start3A_268 = tpu.memref_slice %arg2[%dma_start3A_266, %dma_start3A_267] : memref<10000x128xf32, #tpu.memory_space<hbm>> -> memref<10000x128xf32, #tpu.memory_space<hbm>>
      tpu.enqueue_indirect_dma source(%dma_start3A_268 : memref<10000x128xf32, #tpu.memory_space<hbm>>) target(%arg8 : memref<96x128xf32, #tpu.memory_space<vmem>>) offsets(%arg17 : memref<96xi32, #tpu.memory_space<vmem>>) semaphore(%arg11 : memref<!tpu.dma_semaphore, #tpu.memory_space<semaphore_mem>>)
      %add3A_269 = arith.constant 6 : i32
      %add3A_270 = arith.addi %add3A_251, %add3A_269 : i32
      %mul3A_271 = arith.constant 96 : i32
      %mul3A_272 = arith.muli %add3A_270, %mul3A_271 : i32
      %add3A_273 = arith.addi %mul3A_2, %mul3A_272 : i32
      %multiple_of3A_274 = tpu.assume_multiple %add3A_273, 8 : i32
      %dma_start3A_275 = tpu.memref_slice %arg3[%multiple_of3A_274] : memref<332352xi32, #tpu.memory_space<hbm>> -> memref<96xi32, #tpu.memory_space<hbm>>
      %dma_start3A_276 = tpu.memref_slice %arg3[%multiple_of3A_274] : memref<332352xi32, #tpu.memory_space<hbm>> -> memref<96xi32, #tpu.memory_space<hbm>>
      tpu.enqueue_dma source(%dma_start3A_276 : memref<96xi32, #tpu.memory_space<hbm>>) target(%arg14 : memref<96xi32, #tpu.memory_space<vmem>>) target_semaphore(%arg26 : memref<!tpu.dma_semaphore, #tpu.memory_space<semaphore_mem>>)
      %dma_start3A_277 = tpu.memref_slice %arg4[%multiple_of3A_274] : memref<332352xi32, #tpu.memory_space<hbm>> -> memref<96xi32, #tpu.memory_space<hbm>>
      %dma_start3A_278 = tpu.memref_slice %arg4[%multiple_of3A_274] : memref<332352xi32, #tpu.memory_space<hbm>> -> memref<96xi32, #tpu.memory_space<hbm>>
      tpu.enqueue_dma source(%dma_start3A_278 : memref<96xi32, #tpu.memory_space<hbm>>) target(%arg20 : memref<96xi32, #tpu.memory_space<vmem>>) target_semaphore(%arg26 : memref<!tpu.dma_semaphore, #tpu.memory_space<semaphore_mem>>)
      %mul3A_279 = arith.constant 6 : i32
      %mul3A_280 = arith.muli %scan3A_216, %mul3A_279 : i32
      %add3A_281 = arith.constant 2 : i32
      %add3A_282 = arith.addi %mul3A_280, %add3A_281 : i32
      %dma_wait3A_283 = arith.constant 0 : i32
      %dma_wait3A_284 = arith.constant 0 : i32
      %dma_wait3A_285 = tpu.memref_slice %arg2[%dma_wait3A_283, %dma_wait3A_284] : memref<10000x128xf32, #tpu.memory_space<hbm>> -> memref<96x128xf32, #tpu.memory_space<hbm>>
      %dma_wait3A_286 = arith.constant 0 : i32
      %dma_wait3A_287 = arith.constant 0 : i32
      %dma_wait3A_288 = tpu.memref_slice %arg2[%dma_wait3A_286, %dma_wait3A_287] : memref<10000x128xf32, #tpu.memory_space<hbm>> -> memref<96x128xf32, #tpu.memory_space<hbm>>
      tpu.wait_dma2 semaphore(%arg12 : memref<!tpu.dma_semaphore, #tpu.memory_space<semaphore_mem>>) src(%dma_wait3A_288 : memref<96x128xf32, #tpu.memory_space<hbm>>) dst(%arg9 : memref<96x128xf32, #tpu.memory_space<vmem>>)
      "tpu.region"() ({
        %run_scoped3A = tpu.sem_alloc : memref<!tpu.dma_semaphore, #tpu.memory_space<semaphore_mem>>
        %dma_start3A_403 = arith.constant 0 : i32
        %dma_start3A_404 = arith.constant 0 : i32
        %dma_start3A_405 = tpu.memref_slice %arg6[%dma_start3A_403, %dma_start3A_404] : memref<10016x128xf32, #tpu.memory_space<vmem_shared>> -> memref<10016x128xf32, #tpu.memory_space<vmem_shared>>
        tpu.enqueue_indirect_dma source(%arg9 : memref<96x128xf32, #tpu.memory_space<vmem>>) target(%dma_start3A_405 : memref<10016x128xf32, #tpu.memory_space<vmem_shared>>) offsets(%arg21 : memref<96xi32, #tpu.memory_space<vmem>>) semaphore(%run_scoped3A : memref<!tpu.dma_semaphore, #tpu.memory_space<semaphore_mem>>) {add = true}
        %dma_wait3A_406 = arith.constant 0 : i32
        %dma_wait3A_407 = arith.constant 0 : i32
        %dma_wait3A_408 = tpu.memref_slice %arg6[%dma_wait3A_406, %dma_wait3A_407] : memref<10016x128xf32, #tpu.memory_space<vmem_shared>> -> memref<10016x128xf32, #tpu.memory_space<vmem_shared>>
        tpu.wait_indirect_dma semaphore(%run_scoped3A : memref<!tpu.dma_semaphore, #tpu.memory_space<semaphore_mem>>) src(%arg9 : memref<96x128xf32, #tpu.memory_space<vmem>>) dst(%dma_wait3A_408 : memref<10016x128xf32, #tpu.memory_space<vmem_shared>>)
        tpu.yield
      }) : () -> ()
      %dma_wait3A_289 = arith.constant 0 : i32
      %dma_wait3A_290 = tpu.memref_slice %arg3[%dma_wait3A_289] : memref<332352xi32, #tpu.memory_space<hbm>> -> memref<96xi32, #tpu.memory_space<hbm>>
      %dma_wait3A_291 = arith.constant 0 : i32
      %dma_wait3A_292 = tpu.memref_slice %arg3[%dma_wait3A_291] : memref<332352xi32, #tpu.memory_space<hbm>> -> memref<96xi32, #tpu.memory_space<hbm>>
      tpu.wait_dma2 semaphore(%arg30 : memref<!tpu.dma_semaphore, #tpu.memory_space<semaphore_mem>>) src(%dma_wait3A_292 : memref<96xi32, #tpu.memory_space<hbm>>) dst(%arg18 : memref<96xi32, #tpu.memory_space<vmem>>)
      %dma_wait3A_293 = arith.constant 0 : i32
      %dma_wait3A_294 = tpu.memref_slice %arg3[%dma_wait3A_293] : memref<332352xi32, #tpu.memory_space<hbm>> -> memref<96xi32, #tpu.memory_space<hbm>>
      %dma_wait3A_295 = arith.constant 0 : i32
      %dma_wait3A_296 = tpu.memref_slice %arg3[%dma_wait3A_295] : memref<332352xi32, #tpu.memory_space<hbm>> -> memref<96xi32, #tpu.memory_space<hbm>>
      tpu.wait_dma2 semaphore(%arg30 : memref<!tpu.dma_semaphore, #tpu.memory_space<semaphore_mem>>) src(%dma_wait3A_296 : memref<96xi32, #tpu.memory_space<hbm>>) dst(%arg24 : memref<96xi32, #tpu.memory_space<vmem>>)
      %dma_start3A_297 = arith.constant 0 : i32
      %dma_start3A_298 = arith.constant 0 : i32
      %dma_start3A_299 = tpu.memref_slice %arg2[%dma_start3A_297, %dma_start3A_298] : memref<10000x128xf32, #tpu.memory_space<hbm>> -> memref<10000x128xf32, #tpu.memory_space<hbm>>
      tpu.enqueue_indirect_dma source(%dma_start3A_299 : memref<10000x128xf32, #tpu.memory_space<hbm>>) target(%arg9 : memref<96x128xf32, #tpu.memory_space<vmem>>) offsets(%arg18 : memref<96xi32, #tpu.memory_space<vmem>>) semaphore(%arg12 : memref<!tpu.dma_semaphore, #tpu.memory_space<semaphore_mem>>)
      %add3A_300 = arith.constant 6 : i32
      %add3A_301 = arith.addi %add3A_282, %add3A_300 : i32
      %mul3A_302 = arith.constant 96 : i32
      %mul3A_303 = arith.muli %add3A_301, %mul3A_302 : i32
      %add3A_304 = arith.addi %mul3A_2, %mul3A_303 : i32
      %multiple_of3A_305 = tpu.assume_multiple %add3A_304, 8 : i32
      %dma_start3A_306 = tpu.memref_slice %arg3[%multiple_of3A_305] : memref<332352xi32, #tpu.memory_space<hbm>> -> memref<96xi32, #tpu.memory_space<hbm>>
      %dma_start3A_307 = tpu.memref_slice %arg3[%multiple_of3A_305] : memref<332352xi32, #tpu.memory_space<hbm>> -> memref<96xi32, #tpu.memory_space<hbm>>
      tpu.enqueue_dma source(%dma_start3A_307 : memref<96xi32, #tpu.memory_space<hbm>>) target(%arg15 : memref<96xi32, #tpu.memory_space<vmem>>) target_semaphore(%arg27 : memref<!tpu.dma_semaphore, #tpu.memory_space<semaphore_mem>>)
      %dma_start3A_308 = tpu.memref_slice %arg4[%multiple_of3A_305] : memref<332352xi32, #tpu.memory_space<hbm>> -> memref<96xi32, #tpu.memory_space<hbm>>
      %dma_start3A_309 = tpu.memref_slice %arg4[%multiple_of3A_305] : memref<332352xi32, #tpu.memory_space<hbm>> -> memref<96xi32, #tpu.memory_space<hbm>>
      tpu.enqueue_dma source(%dma_start3A_309 : memref<96xi32, #tpu.memory_space<hbm>>) target(%arg21 : memref<96xi32, #tpu.memory_space<vmem>>) target_semaphore(%arg27 : memref<!tpu.dma_semaphore, #tpu.memory_space<semaphore_mem>>)
      %mul3A_310 = arith.constant 6 : i32
      %mul3A_311 = arith.muli %scan3A_216, %mul3A_310 : i32
      %add3A_312 = arith.constant 3 : i32
      %add3A_313 = arith.addi %mul3A_311, %add3A_312 : i32
      %dma_wait3A_314 = arith.constant 0 : i32
      %dma_wait3A_315 = arith.constant 0 : i32
      %dma_wait3A_316 = tpu.memref_slice %arg2[%dma_wait3A_314, %dma_wait3A_315] : memref<10000x128xf32, #tpu.memory_space<hbm>> -> memref<96x128xf32, #tpu.memory_space<hbm>>
      %dma_wait3A_317 = arith.constant 0 : i32
      %dma_wait3A_318 = arith.constant 0 : i32
      %dma_wait3A_319 = tpu.memref_slice %arg2[%dma_wait3A_317, %dma_wait3A_318] : memref<10000x128xf32, #tpu.memory_space<hbm>> -> memref<96x128xf32, #tpu.memory_space<hbm>>
      tpu.wait_dma2 semaphore(%arg10 : memref<!tpu.dma_semaphore, #tpu.memory_space<semaphore_mem>>) src(%dma_wait3A_319 : memref<96x128xf32, #tpu.memory_space<hbm>>) dst(%arg7 : memref<96x128xf32, #tpu.memory_space<vmem>>)
      "tpu.region"() ({
        %run_scoped3A = tpu.sem_alloc : memref<!tpu.dma_semaphore, #tpu.memory_space<semaphore_mem>>
        %dma_start3A_403 = arith.constant 0 : i32
        %dma_start3A_404 = arith.constant 0 : i32
        %dma_start3A_405 = tpu.memref_slice %arg6[%dma_start3A_403, %dma_start3A_404] : memref<10016x128xf32, #tpu.memory_space<vmem_shared>> -> memref<10016x128xf32, #tpu.memory_space<vmem_shared>>
        tpu.enqueue_indirect_dma source(%arg7 : memref<96x128xf32, #tpu.memory_space<vmem>>) target(%dma_start3A_405 : memref<10016x128xf32, #tpu.memory_space<vmem_shared>>) offsets(%arg22 : memref<96xi32, #tpu.memory_space<vmem>>) semaphore(%run_scoped3A : memref<!tpu.dma_semaphore, #tpu.memory_space<semaphore_mem>>) {add = true}
        %dma_wait3A_406 = arith.constant 0 : i32
        %dma_wait3A_407 = arith.constant 0 : i32
        %dma_wait3A_408 = tpu.memref_slice %arg6[%dma_wait3A_406, %dma_wait3A_407] : memref<10016x128xf32, #tpu.memory_space<vmem_shared>> -> memref<10016x128xf32, #tpu.memory_space<vmem_shared>>
        tpu.wait_indirect_dma semaphore(%run_scoped3A : memref<!tpu.dma_semaphore, #tpu.memory_space<semaphore_mem>>) src(%arg7 : memref<96x128xf32, #tpu.memory_space<vmem>>) dst(%dma_wait3A_408 : memref<10016x128xf32, #tpu.memory_space<vmem_shared>>)
        tpu.yield
      }) : () -> ()
      %dma_wait3A_320 = arith.constant 0 : i32
      %dma_wait3A_321 = tpu.memref_slice %arg3[%dma_wait3A_320] : memref<332352xi32, #tpu.memory_space<hbm>> -> memref<96xi32, #tpu.memory_space<hbm>>
      %dma_wait3A_322 = arith.constant 0 : i32
      %dma_wait3A_323 = tpu.memref_slice %arg3[%dma_wait3A_322] : memref<332352xi32, #tpu.memory_space<hbm>> -> memref<96xi32, #tpu.memory_space<hbm>>
      tpu.wait_dma2 semaphore(%arg25 : memref<!tpu.dma_semaphore, #tpu.memory_space<semaphore_mem>>) src(%dma_wait3A_323 : memref<96xi32, #tpu.memory_space<hbm>>) dst(%arg13 : memref<96xi32, #tpu.memory_space<vmem>>)
      %dma_wait3A_324 = arith.constant 0 : i32
      %dma_wait3A_325 = tpu.memref_slice %arg3[%dma_wait3A_324] : memref<332352xi32, #tpu.memory_space<hbm>> -> memref<96xi32, #tpu.memory_space<hbm>>
      %dma_wait3A_326 = arith.constant 0 : i32
      %dma_wait3A_327 = tpu.memref_slice %arg3[%dma_wait3A_326] : memref<332352xi32, #tpu.memory_space<hbm>> -> memref<96xi32, #tpu.memory_space<hbm>>
      tpu.wait_dma2 semaphore(%arg25 : memref<!tpu.dma_semaphore, #tpu.memory_space<semaphore_mem>>) src(%dma_wait3A_327 : memref<96xi32, #tpu.memory_space<hbm>>) dst(%arg19 : memref<96xi32, #tpu.memory_space<vmem>>)
      %dma_start3A_328 = arith.constant 0 : i32
      %dma_start3A_329 = arith.constant 0 : i32
      %dma_start3A_330 = tpu.memref_slice %arg2[%dma_start3A_328, %dma_start3A_329] : memref<10000x128xf32, #tpu.memory_space<hbm>> -> memref<10000x128xf32, #tpu.memory_space<hbm>>
      tpu.enqueue_indirect_dma source(%dma_start3A_330 : memref<10000x128xf32, #tpu.memory_space<hbm>>) target(%arg7 : memref<96x128xf32, #tpu.memory_space<vmem>>) offsets(%arg13 : memref<96xi32, #tpu.memory_space<vmem>>) semaphore(%arg10 : memref<!tpu.dma_semaphore, #tpu.memory_space<semaphore_mem>>)
      %add3A_331 = arith.constant 6 : i32
      %add3A_332 = arith.addi %add3A_313, %add3A_331 : i32
      %mul3A_333 = arith.constant 96 : i32
      %mul3A_334 = arith.muli %add3A_332, %mul3A_333 : i32
      %add3A_335 = arith.addi %mul3A_2, %mul3A_334 : i32
      %multiple_of3A_336 = tpu.assume_multiple %add3A_335, 8 : i32
      %dma_start3A_337 = tpu.memref_slice %arg3[%multiple_of3A_336] : memref<332352xi32, #tpu.memory_space<hbm>> -> memref<96xi32, #tpu.memory_space<hbm>>
      %dma_start3A_338 = tpu.memref_slice %arg3[%multiple_of3A_336] : memref<332352xi32, #tpu.memory_space<hbm>> -> memref<96xi32, #tpu.memory_space<hbm>>
      tpu.enqueue_dma source(%dma_start3A_338 : memref<96xi32, #tpu.memory_space<hbm>>) target(%arg16 : memref<96xi32, #tpu.memory_space<vmem>>) target_semaphore(%arg28 : memref<!tpu.dma_semaphore, #tpu.memory_space<semaphore_mem>>)
      %dma_start3A_339 = tpu.memref_slice %arg4[%multiple_of3A_336] : memref<332352xi32, #tpu.memory_space<hbm>> -> memref<96xi32, #tpu.memory_space<hbm>>
      %dma_start3A_340 = tpu.memref_slice %arg4[%multiple_of3A_336] : memref<332352xi32, #tpu.memory_space<hbm>> -> memref<96xi32, #tpu.memory_space<hbm>>
      tpu.enqueue_dma source(%dma_start3A_340 : memref<96xi32, #tpu.memory_space<hbm>>) target(%arg22 : memref<96xi32, #tpu.memory_space<vmem>>) target_semaphore(%arg28 : memref<!tpu.dma_semaphore, #tpu.memory_space<semaphore_mem>>)
      %mul3A_341 = arith.constant 6 : i32
      %mul3A_342 = arith.muli %scan3A_216, %mul3A_341 : i32
      %add3A_343 = arith.constant 4 : i32
      %add3A_344 = arith.addi %mul3A_342, %add3A_343 : i32
      %dma_wait3A_345 = arith.constant 0 : i32
      %dma_wait3A_346 = arith.constant 0 : i32
      %dma_wait3A_347 = tpu.memref_slice %arg2[%dma_wait3A_345, %dma_wait3A_346] : memref<10000x128xf32, #tpu.memory_space<hbm>> -> memref<96x128xf32, #tpu.memory_space<hbm>>
      %dma_wait3A_348 = arith.constant 0 : i32
      %dma_wait3A_349 = arith.constant 0 : i32
      %dma_wait3A_350 = tpu.memref_slice %arg2[%dma_wait3A_348, %dma_wait3A_349] : memref<10000x128xf32, #tpu.memory_space<hbm>> -> memref<96x128xf32, #tpu.memory_space<hbm>>
      tpu.wait_dma2 semaphore(%arg11 : memref<!tpu.dma_semaphore, #tpu.memory_space<semaphore_mem>>) src(%dma_wait3A_350 : memref<96x128xf32, #tpu.memory_space<hbm>>) dst(%arg8 : memref<96x128xf32, #tpu.memory_space<vmem>>)
      "tpu.region"() ({
        %run_scoped3A = tpu.sem_alloc : memref<!tpu.dma_semaphore, #tpu.memory_space<semaphore_mem>>
        %dma_start3A_403 = arith.constant 0 : i32
        %dma_start3A_404 = arith.constant 0 : i32
        %dma_start3A_405 = tpu.memref_slice %arg6[%dma_start3A_403, %dma_start3A_404] : memref<10016x128xf32, #tpu.memory_space<vmem_shared>> -> memref<10016x128xf32, #tpu.memory_space<vmem_shared>>
        tpu.enqueue_indirect_dma source(%arg8 : memref<96x128xf32, #tpu.memory_space<vmem>>) target(%dma_start3A_405 : memref<10016x128xf32, #tpu.memory_space<vmem_shared>>) offsets(%arg23 : memref<96xi32, #tpu.memory_space<vmem>>) semaphore(%run_scoped3A : memref<!tpu.dma_semaphore, #tpu.memory_space<semaphore_mem>>) {add = true}
        %dma_wait3A_406 = arith.constant 0 : i32
        %dma_wait3A_407 = arith.constant 0 : i32
        %dma_wait3A_408 = tpu.memref_slice %arg6[%dma_wait3A_406, %dma_wait3A_407] : memref<10016x128xf32, #tpu.memory_space<vmem_shared>> -> memref<10016x128xf32, #tpu.memory_space<vmem_shared>>
        tpu.wait_indirect_dma semaphore(%run_scoped3A : memref<!tpu.dma_semaphore, #tpu.memory_space<semaphore_mem>>) src(%arg8 : memref<96x128xf32, #tpu.memory_space<vmem>>) dst(%dma_wait3A_408 : memref<10016x128xf32, #tpu.memory_space<vmem_shared>>)
        tpu.yield
      }) : () -> ()
      %dma_wait3A_351 = arith.constant 0 : i32
      %dma_wait3A_352 = tpu.memref_slice %arg3[%dma_wait3A_351] : memref<332352xi32, #tpu.memory_space<hbm>> -> memref<96xi32, #tpu.memory_space<hbm>>
      %dma_wait3A_353 = arith.constant 0 : i32
      %dma_wait3A_354 = tpu.memref_slice %arg3[%dma_wait3A_353] : memref<332352xi32, #tpu.memory_space<hbm>> -> memref<96xi32, #tpu.memory_space<hbm>>
      tpu.wait_dma2 semaphore(%arg26 : memref<!tpu.dma_semaphore, #tpu.memory_space<semaphore_mem>>) src(%dma_wait3A_354 : memref<96xi32, #tpu.memory_space<hbm>>) dst(%arg14 : memref<96xi32, #tpu.memory_space<vmem>>)
      %dma_wait3A_355 = arith.constant 0 : i32
      %dma_wait3A_356 = tpu.memref_slice %arg3[%dma_wait3A_355] : memref<332352xi32, #tpu.memory_space<hbm>> -> memref<96xi32, #tpu.memory_space<hbm>>
      %dma_wait3A_357 = arith.constant 0 : i32
      %dma_wait3A_358 = tpu.memref_slice %arg3[%dma_wait3A_357] : memref<332352xi32, #tpu.memory_space<hbm>> -> memref<96xi32, #tpu.memory_space<hbm>>
      tpu.wait_dma2 semaphore(%arg26 : memref<!tpu.dma_semaphore, #tpu.memory_space<semaphore_mem>>) src(%dma_wait3A_358 : memref<96xi32, #tpu.memory_space<hbm>>) dst(%arg20 : memref<96xi32, #tpu.memory_space<vmem>>)
      %dma_start3A_359 = arith.constant 0 : i32
      %dma_start3A_360 = arith.constant 0 : i32
      %dma_start3A_361 = tpu.memref_slice %arg2[%dma_start3A_359, %dma_start3A_360] : memref<10000x128xf32, #tpu.memory_space<hbm>> -> memref<10000x128xf32, #tpu.memory_space<hbm>>
      tpu.enqueue_indirect_dma source(%dma_start3A_361 : memref<10000x128xf32, #tpu.memory_space<hbm>>) target(%arg8 : memref<96x128xf32, #tpu.memory_space<vmem>>) offsets(%arg14 : memref<96xi32, #tpu.memory_space<vmem>>) semaphore(%arg11 : memref<!tpu.dma_semaphore, #tpu.memory_space<semaphore_mem>>)
      %add3A_362 = arith.constant 6 : i32
      %add3A_363 = arith.addi %add3A_344, %add3A_362 : i32
      %mul3A_364 = arith.constant 96 : i32
      %mul3A_365 = arith.muli %add3A_363, %mul3A_364 : i32
      %add3A_366 = arith.addi %mul3A_2, %mul3A_365 : i32
      %multiple_of3A_367 = tpu.assume_multiple %add3A_366, 8 : i32
      %dma_start3A_368 = tpu.memref_slice %arg3[%multiple_of3A_367] : memref<332352xi32, #tpu.memory_space<hbm>> -> memref<96xi32, #tpu.memory_space<hbm>>
      %dma_start3A_369 = tpu.memref_slice %arg3[%multiple_of3A_367] : memref<332352xi32, #tpu.memory_space<hbm>> -> memref<96xi32, #tpu.memory_space<hbm>>
      tpu.enqueue_dma source(%dma_start3A_369 : memref<96xi32, #tpu.memory_space<hbm>>) target(%arg17 : memref<96xi32, #tpu.memory_space<vmem>>) target_semaphore(%arg29 : memref<!tpu.dma_semaphore, #tpu.memory_space<semaphore_mem>>)
      %dma_start3A_370 = tpu.memref_slice %arg4[%multiple_of3A_367] : memref<332352xi32, #tpu.memory_space<hbm>> -> memref<96xi32, #tpu.memory_space<hbm>>
      %dma_start3A_371 = tpu.memref_slice %arg4[%multiple_of3A_367] : memref<332352xi32, #tpu.memory_space<hbm>> -> memref<96xi32, #tpu.memory_space<hbm>>
      tpu.enqueue_dma source(%dma_start3A_371 : memref<96xi32, #tpu.memory_space<hbm>>) target(%arg23 : memref<96xi32, #tpu.memory_space<vmem>>) target_semaphore(%arg29 : memref<!tpu.dma_semaphore, #tpu.memory_space<semaphore_mem>>)
      %mul3A_372 = arith.constant 6 : i32
      %mul3A_373 = arith.muli %scan3A_216, %mul3A_372 : i32
      %add3A_374 = arith.constant 5 : i32
      %add3A_375 = arith.addi %mul3A_373, %add3A_374 : i32
      %dma_wait3A_376 = arith.constant 0 : i32
      %dma_wait3A_377 = arith.constant 0 : i32
      %dma_wait3A_378 = tpu.memref_slice %arg2[%dma_wait3A_376, %dma_wait3A_377] : memref<10000x128xf32, #tpu.memory_space<hbm>> -> memref<96x128xf32, #tpu.memory_space<hbm>>
      %dma_wait3A_379 = arith.constant 0 : i32
      %dma_wait3A_380 = arith.constant 0 : i32
      %dma_wait3A_381 = tpu.memref_slice %arg2[%dma_wait3A_379, %dma_wait3A_380] : memref<10000x128xf32, #tpu.memory_space<hbm>> -> memref<96x128xf32, #tpu.memory_space<hbm>>
      tpu.wait_dma2 semaphore(%arg12 : memref<!tpu.dma_semaphore, #tpu.memory_space<semaphore_mem>>) src(%dma_wait3A_381 : memref<96x128xf32, #tpu.memory_space<hbm>>) dst(%arg9 : memref<96x128xf32, #tpu.memory_space<vmem>>)
      "tpu.region"() ({
        %run_scoped3A = tpu.sem_alloc : memref<!tpu.dma_semaphore, #tpu.memory_space<semaphore_mem>>
        %dma_start3A_403 = arith.constant 0 : i32
        %dma_start3A_404 = arith.constant 0 : i32
        %dma_start3A_405 = tpu.memref_slice %arg6[%dma_start3A_403, %dma_start3A_404] : memref<10016x128xf32, #tpu.memory_space<vmem_shared>> -> memref<10016x128xf32, #tpu.memory_space<vmem_shared>>
        tpu.enqueue_indirect_dma source(%arg9 : memref<96x128xf32, #tpu.memory_space<vmem>>) target(%dma_start3A_405 : memref<10016x128xf32, #tpu.memory_space<vmem_shared>>) offsets(%arg24 : memref<96xi32, #tpu.memory_space<vmem>>) semaphore(%run_scoped3A : memref<!tpu.dma_semaphore, #tpu.memory_space<semaphore_mem>>) {add = true}
        %dma_wait3A_406 = arith.constant 0 : i32
        %dma_wait3A_407 = arith.constant 0 : i32
        %dma_wait3A_408 = tpu.memref_slice %arg6[%dma_wait3A_406, %dma_wait3A_407] : memref<10016x128xf32, #tpu.memory_space<vmem_shared>> -> memref<10016x128xf32, #tpu.memory_space<vmem_shared>>
        tpu.wait_indirect_dma semaphore(%run_scoped3A : memref<!tpu.dma_semaphore, #tpu.memory_space<semaphore_mem>>) src(%arg9 : memref<96x128xf32, #tpu.memory_space<vmem>>) dst(%dma_wait3A_408 : memref<10016x128xf32, #tpu.memory_space<vmem_shared>>)
        tpu.yield
      }) : () -> ()
      %dma_wait3A_382 = arith.constant 0 : i32
      %dma_wait3A_383 = tpu.memref_slice %arg3[%dma_wait3A_382] : memref<332352xi32, #tpu.memory_space<hbm>> -> memref<96xi32, #tpu.memory_space<hbm>>
      %dma_wait3A_384 = arith.constant 0 : i32
      %dma_wait3A_385 = tpu.memref_slice %arg3[%dma_wait3A_384] : memref<332352xi32, #tpu.memory_space<hbm>> -> memref<96xi32, #tpu.memory_space<hbm>>
      tpu.wait_dma2 semaphore(%arg27 : memref<!tpu.dma_semaphore, #tpu.memory_space<semaphore_mem>>) src(%dma_wait3A_385 : memref<96xi32, #tpu.memory_space<hbm>>) dst(%arg15 : memref<96xi32, #tpu.memory_space<vmem>>)
      %dma_wait3A_386 = arith.constant 0 : i32
      %dma_wait3A_387 = tpu.memref_slice %arg3[%dma_wait3A_386] : memref<332352xi32, #tpu.memory_space<hbm>> -> memref<96xi32, #tpu.memory_space<hbm>>
      %dma_wait3A_388 = arith.constant 0 : i32
      %dma_wait3A_389 = tpu.memref_slice %arg3[%dma_wait3A_388] : memref<332352xi32, #tpu.memory_space<hbm>> -> memref<96xi32, #tpu.memory_space<hbm>>
      tpu.wait_dma2 semaphore(%arg27 : memref<!tpu.dma_semaphore, #tpu.memory_space<semaphore_mem>>) src(%dma_wait3A_389 : memref<96xi32, #tpu.memory_space<hbm>>) dst(%arg21 : memref<96xi32, #tpu.memory_space<vmem>>)
      %dma_start3A_390 = arith.constant 0 : i32
      %dma_start3A_391 = arith.constant 0 : i32
      %dma_start3A_392 = tpu.memref_slice %arg2[%dma_start3A_390, %dma_start3A_391] : memref<10000x128xf32, #tpu.memory_space<hbm>> -> memref<10000x128xf32, #tpu.memory_space<hbm>>
      tpu.enqueue_indirect_dma source(%dma_start3A_392 : memref<10000x128xf32, #tpu.memory_space<hbm>>) target(%arg9 : memref<96x128xf32, #tpu.memory_space<vmem>>) offsets(%arg15 : memref<96xi32, #tpu.memory_space<vmem>>) semaphore(%arg12 : memref<!tpu.dma_semaphore, #tpu.memory_space<semaphore_mem>>)
      %add3A_393 = arith.constant 6 : i32
      %add3A_394 = arith.addi %add3A_375, %add3A_393 : i32
      %mul3A_395 = arith.constant 96 : i32
      %mul3A_396 = arith.muli %add3A_394, %mul3A_395 : i32
      %add3A_397 = arith.addi %mul3A_2, %mul3A_396 : i32
      %multiple_of3A_398 = tpu.assume_multiple %add3A_397, 8 : i32
      %dma_start3A_399 = tpu.memref_slice %arg3[%multiple_of3A_398] : memref<332352xi32, #tpu.memory_space<hbm>> -> memref<96xi32, #tpu.memory_space<hbm>>
      %dma_start3A_400 = tpu.memref_slice %arg3[%multiple_of3A_398] : memref<332352xi32, #tpu.memory_space<hbm>> -> memref<96xi32, #tpu.memory_space<hbm>>
      tpu.enqueue_dma source(%dma_start3A_400 : memref<96xi32, #tpu.memory_space<hbm>>) target(%arg18 : memref<96xi32, #tpu.memory_space<vmem>>) target_semaphore(%arg30 : memref<!tpu.dma_semaphore, #tpu.memory_space<semaphore_mem>>)
      %dma_start3A_401 = tpu.memref_slice %arg4[%multiple_of3A_398] : memref<332352xi32, #tpu.memory_space<hbm>> -> memref<96xi32, #tpu.memory_space<hbm>>
      %dma_start3A_402 = tpu.memref_slice %arg4[%multiple_of3A_398] : memref<332352xi32, #tpu.memory_space<hbm>> -> memref<96xi32, #tpu.memory_space<hbm>>
      tpu.enqueue_dma source(%dma_start3A_402 : memref<96xi32, #tpu.memory_space<hbm>>) target(%arg24 : memref<96xi32, #tpu.memory_space<vmem>>) target_semaphore(%arg30 : memref<!tpu.dma_semaphore, #tpu.memory_space<semaphore_mem>>)
    }
    %scan3A_122 = arith.constant 18 : i32
    %dma_wait3A_123 = arith.constant 0 : i32
    %dma_wait3A_124 = tpu.memref_slice %arg3[%dma_wait3A_123] : memref<332352xi32, #tpu.memory_space<hbm>> -> memref<96xi32, #tpu.memory_space<hbm>>
    %dma_wait3A_125 = arith.constant 0 : i32
    %dma_wait3A_126 = tpu.memref_slice %arg3[%dma_wait3A_125] : memref<332352xi32, #tpu.memory_space<hbm>> -> memref<96xi32, #tpu.memory_space<hbm>>
    tpu.wait_dma2 semaphore(%arg28 : memref<!tpu.dma_semaphore, #tpu.memory_space<semaphore_mem>>) src(%dma_wait3A_126 : memref<96xi32, #tpu.memory_space<hbm>>) dst(%arg16 : memref<96xi32, #tpu.memory_space<vmem>>)
    %dma_wait3A_127 = arith.constant 0 : i32
    %dma_wait3A_128 = tpu.memref_slice %arg3[%dma_wait3A_127] : memref<332352xi32, #tpu.memory_space<hbm>> -> memref<96xi32, #tpu.memory_space<hbm>>
    %dma_wait3A_129 = arith.constant 0 : i32
    %dma_wait3A_130 = tpu.memref_slice %arg3[%dma_wait3A_129] : memref<332352xi32, #tpu.memory_space<hbm>> -> memref<96xi32, #tpu.memory_space<hbm>>
    tpu.wait_dma2 semaphore(%arg28 : memref<!tpu.dma_semaphore, #tpu.memory_space<semaphore_mem>>) src(%dma_wait3A_130 : memref<96xi32, #tpu.memory_space<hbm>>) dst(%arg22 : memref<96xi32, #tpu.memory_space<vmem>>)
    %dma_wait3A_131 = arith.constant 0 : i32
    %dma_wait3A_132 = arith.constant 0 : i32
    %dma_wait3A_133 = tpu.memref_slice %arg2[%dma_wait3A_131, %dma_wait3A_132] : memref<10000x128xf32, #tpu.memory_space<hbm>> -> memref<96x128xf32, #tpu.memory_space<hbm>>
    %dma_wait3A_134 = arith.constant 0 : i32
    %dma_wait3A_135 = arith.constant 0 : i32
    %dma_wait3A_136 = tpu.memref_slice %arg2[%dma_wait3A_134, %dma_wait3A_135] : memref<10000x128xf32, #tpu.memory_space<hbm>> -> memref<96x128xf32, #tpu.memory_space<hbm>>
    tpu.wait_dma2 semaphore(%arg10 : memref<!tpu.dma_semaphore, #tpu.memory_space<semaphore_mem>>) src(%dma_wait3A_136 : memref<96x128xf32, #tpu.memory_space<hbm>>) dst(%arg7 : memref<96x128xf32, #tpu.memory_space<vmem>>)
    %dma_wait3A_137 = arith.constant 0 : i32
    %dma_wait3A_138 = tpu.memref_slice %arg3[%dma_wait3A_137] : memref<332352xi32, #tpu.memory_space<hbm>> -> memref<96xi32, #tpu.memory_space<hbm>>
    %dma_wait3A_139 = arith.constant 0 : i32
    %dma_wait3A_140 = tpu.memref_slice %arg3[%dma_wait3A_139] : memref<332352xi32, #tpu.memory_space<hbm>> -> memref<96xi32, #tpu.memory_space<hbm>>
    tpu.wait_dma2 semaphore(%arg29 : memref<!tpu.dma_semaphore, #tpu.memory_space<semaphore_mem>>) src(%dma_wait3A_140 : memref<96xi32, #tpu.memory_space<hbm>>) dst(%arg17 : memref<96xi32, #tpu.memory_space<vmem>>)
    %dma_wait3A_141 = arith.constant 0 : i32
    %dma_wait3A_142 = tpu.memref_slice %arg3[%dma_wait3A_141] : memref<332352xi32, #tpu.memory_space<hbm>> -> memref<96xi32, #tpu.memory_space<hbm>>
    %dma_wait3A_143 = arith.constant 0 : i32
    %dma_wait3A_144 = tpu.memref_slice %arg3[%dma_wait3A_143] : memref<332352xi32, #tpu.memory_space<hbm>> -> memref<96xi32, #tpu.memory_space<hbm>>
    tpu.wait_dma2 semaphore(%arg29 : memref<!tpu.dma_semaphore, #tpu.memory_space<semaphore_mem>>) src(%dma_wait3A_144 : memref<96xi32, #tpu.memory_space<hbm>>) dst(%arg23 : memref<96xi32, #tpu.memory_space<vmem>>)
    %dma_wait3A_145 = arith.constant 0 : i32
    %dma_wait3A_146 = arith.constant 0 : i32
    %dma_wait3A_147 = tpu.memref_slice %arg2[%dma_wait3A_145, %dma_wait3A_146] : memref<10000x128xf32, #tpu.memory_space<hbm>> -> memref<96x128xf32, #tpu.memory_space<hbm>>
    %dma_wait3A_148 = arith.constant 0 : i32
    %dma_wait3A_149 = arith.constant 0 : i32
    %dma_wait3A_150 = tpu.memref_slice %arg2[%dma_wait3A_148, %dma_wait3A_149] : memref<10000x128xf32, #tpu.memory_space<hbm>> -> memref<96x128xf32, #tpu.memory_space<hbm>>
    tpu.wait_dma2 semaphore(%arg11 : memref<!tpu.dma_semaphore, #tpu.memory_space<semaphore_mem>>) src(%dma_wait3A_150 : memref<96x128xf32, #tpu.memory_space<hbm>>) dst(%arg8 : memref<96x128xf32, #tpu.memory_space<vmem>>)
    %dma_wait3A_151 = arith.constant 0 : i32
    %dma_wait3A_152 = tpu.memref_slice %arg3[%dma_wait3A_151] : memref<332352xi32, #tpu.memory_space<hbm>> -> memref<96xi32, #tpu.memory_space<hbm>>
    %dma_wait3A_153 = arith.constant 0 : i32
    %dma_wait3A_154 = tpu.memref_slice %arg3[%dma_wait3A_153] : memref<332352xi32, #tpu.memory_space<hbm>> -> memref<96xi32, #tpu.memory_space<hbm>>
    tpu.wait_dma2 semaphore(%arg30 : memref<!tpu.dma_semaphore, #tpu.memory_space<semaphore_mem>>) src(%dma_wait3A_154 : memref<96xi32, #tpu.memory_space<hbm>>) dst(%arg18 : memref<96xi32, #tpu.memory_space<vmem>>)
    %dma_wait3A_155 = arith.constant 0 : i32
    %dma_wait3A_156 = tpu.memref_slice %arg3[%dma_wait3A_155] : memref<332352xi32, #tpu.memory_space<hbm>> -> memref<96xi32, #tpu.memory_space<hbm>>
    %dma_wait3A_157 = arith.constant 0 : i32
    %dma_wait3A_158 = tpu.memref_slice %arg3[%dma_wait3A_157] : memref<332352xi32, #tpu.memory_space<hbm>> -> memref<96xi32, #tpu.memory_space<hbm>>
    tpu.wait_dma2 semaphore(%arg30 : memref<!tpu.dma_semaphore, #tpu.memory_space<semaphore_mem>>) src(%dma_wait3A_158 : memref<96xi32, #tpu.memory_space<hbm>>) dst(%arg24 : memref<96xi32, #tpu.memory_space<vmem>>)
    %dma_wait3A_159 = arith.constant 0 : i32
    %dma_wait3A_160 = arith.constant 0 : i32
    %dma_wait3A_161 = tpu.memref_slice %arg2[%dma_wait3A_159, %dma_wait3A_160] : memref<10000x128xf32, #tpu.memory_space<hbm>> -> memref<96x128xf32, #tpu.memory_space<hbm>>
    %dma_wait3A_162 = arith.constant 0 : i32
    %dma_wait3A_163 = arith.constant 0 : i32
    %dma_wait3A_164 = tpu.memref_slice %arg2[%dma_wait3A_162, %dma_wait3A_163] : memref<10000x128xf32, #tpu.memory_space<hbm>> -> memref<96x128xf32, #tpu.memory_space<hbm>>
    tpu.wait_dma2 semaphore(%arg12 : memref<!tpu.dma_semaphore, #tpu.memory_space<semaphore_mem>>) src(%dma_wait3A_164 : memref<96x128xf32, #tpu.memory_space<hbm>>) dst(%arg9 : memref<96x128xf32, #tpu.memory_space<vmem>>)
    %barrier3A_165 = arith.constant 0 : index
    tpu.barrier barrier_id(%barrier3A_165)
    %mul3A_166 = arith.constant 10000 : i32
    %mul3A_167 = arith.muli %arg0, %mul3A_166 : i32
    %add3A_168 = arith.addi %mul3A_167, %mul3A_61 : i32
    %add3A_169 = arith.constant 0 : i32
    %add3A_170 = arith.addi %mul3A_61, %add3A_169 : i32
    %multiple_of3A_171 = tpu.assume_multiple %add3A_170, 8 : i32
    %add3A_172 = arith.constant 0 : i32
    %add3A_173 = arith.addi %add3A_168, %add3A_172 : i32
    %multiple_of3A_174 = tpu.assume_multiple %add3A_173, 8 : i32
    "tpu.region"() ({
      %run_scoped3A = tpu.sem_alloc : memref<!tpu.dma_semaphore, #tpu.memory_space<semaphore_mem>>
      %dma_start3A_216 = arith.constant 0 : i32
      %dma_start3A_217 = arith.constant 0 : i32
      %dma_start3A_218 = tpu.memref_slice %arg7[%dma_start3A_216, %dma_start3A_217] : memref<96x128xf32, #tpu.memory_space<vmem>> -> memref<96x128xf32, #tpu.memory_space<vmem>>
      %dma_start3A_219 = arith.constant 0 : i32
      %dma_start3A_220 = tpu.memref_slice %arg6[%multiple_of3A_171, %dma_start3A_219] : memref<10016x128xf32, #tpu.memory_space<vmem_shared>> -> memref<96x128xf32, #tpu.memory_space<vmem_shared>>
      %dma_start3A_221 = arith.constant 0 : i32
      %dma_start3A_222 = arith.constant 0 : i32
      %dma_start3A_223 = tpu.memref_slice %arg7[%dma_start3A_221, %dma_start3A_222] : memref<96x128xf32, #tpu.memory_space<vmem>> -> memref<96x128xf32, #tpu.memory_space<vmem>>
      %dma_start3A_224 = arith.constant 0 : i32
      %dma_start3A_225 = tpu.memref_slice %arg6[%multiple_of3A_171, %dma_start3A_224] : memref<10016x128xf32, #tpu.memory_space<vmem_shared>> -> memref<96x128xf32, #tpu.memory_space<vmem_shared>>
      tpu.enqueue_dma source(%dma_start3A_225 : memref<96x128xf32, #tpu.memory_space<vmem_shared>>) target(%dma_start3A_223 : memref<96x128xf32, #tpu.memory_space<vmem>>) target_semaphore(%run_scoped3A : memref<!tpu.dma_semaphore, #tpu.memory_space<semaphore_mem>>)
      %dma_wait3A_226 = arith.constant 0 : i32
      %dma_wait3A_227 = arith.constant 0 : i32
      %dma_wait3A_228 = tpu.memref_slice %arg7[%dma_wait3A_226, %dma_wait3A_227] : memref<96x128xf32, #tpu.memory_space<vmem>> -> memref<96x128xf32, #tpu.memory_space<vmem>>
      %dma_wait3A_229 = arith.constant 0 : i32
      %dma_wait3A_230 = tpu.memref_slice %arg6[%multiple_of3A_171, %dma_wait3A_229] : memref<10016x128xf32, #tpu.memory_space<vmem_shared>> -> memref<96x128xf32, #tpu.memory_space<vmem_shared>>
      %dma_wait3A_231 = arith.constant 0 : i32
      %dma_wait3A_232 = arith.constant 0 : i32
      %dma_wait3A_233 = tpu.memref_slice %arg7[%dma_wait3A_231, %dma_wait3A_232] : memref<96x128xf32, #tpu.memory_space<vmem>> -> memref<96x128xf32, #tpu.memory_space<vmem>>
      %dma_wait3A_234 = arith.constant 0 : i32
      %dma_wait3A_235 = tpu.memref_slice %arg6[%multiple_of3A_171, %dma_wait3A_234] : memref<10016x128xf32, #tpu.memory_space<vmem_shared>> -> memref<96x128xf32, #tpu.memory_space<vmem_shared>>
      tpu.wait_dma2 semaphore(%run_scoped3A : memref<!tpu.dma_semaphore, #tpu.memory_space<semaphore_mem>>) src(%dma_wait3A_235 : memref<96x128xf32, #tpu.memory_space<vmem_shared>>) dst(%dma_wait3A_233 : memref<96x128xf32, #tpu.memory_space<vmem>>)
      tpu.yield
    }) : () -> ()
    "tpu.region"() ({
      %run_scoped3A = tpu.sem_alloc : memref<!tpu.dma_semaphore, #tpu.memory_space<semaphore_mem>>
      %dma_start3A_216 = arith.constant 0 : i32
      %dma_start3A_217 = arith.constant 0 : i32
      %dma_start3A_218 = tpu.memref_slice %arg7[%dma_start3A_216, %dma_start3A_217] : memref<96x128xf32, #tpu.memory_space<vmem>> -> memref<96x128xf32, #tpu.memory_space<vmem>>
      %dma_start3A_219 = arith.constant 0 : i32
      %dma_start3A_220 = tpu.memref_slice %arg5[%multiple_of3A_174, %dma_start3A_219] : memref<20000x128xf32, #tpu.memory_space<hbm>> -> memref<96x128xf32, #tpu.memory_space<hbm>>
      %dma_start3A_221 = arith.constant 0 : i32
      %dma_start3A_222 = tpu.memref_slice %arg5[%multiple_of3A_174, %dma_start3A_221] : memref<20000x128xf32, #tpu.memory_space<hbm>> -> memref<96x128xf32, #tpu.memory_space<hbm>>
      %dma_start3A_223 = arith.constant 0 : i32
      %dma_start3A_224 = arith.constant 0 : i32
      %dma_start3A_225 = tpu.memref_slice %arg7[%dma_start3A_223, %dma_start3A_224] : memref<96x128xf32, #tpu.memory_space<vmem>> -> memref<96x128xf32, #tpu.memory_space<vmem>>
      tpu.enqueue_dma source(%dma_start3A_225 : memref<96x128xf32, #tpu.memory_space<vmem>>) target(%dma_start3A_222 : memref<96x128xf32, #tpu.memory_space<hbm>>) target_semaphore(%run_scoped3A : memref<!tpu.dma_semaphore, #tpu.memory_space<semaphore_mem>>)
      %dma_wait3A_226 = arith.constant 0 : i32
      %dma_wait3A_227 = arith.constant 0 : i32
      %dma_wait3A_228 = tpu.memref_slice %arg7[%dma_wait3A_226, %dma_wait3A_227] : memref<96x128xf32, #tpu.memory_space<vmem>> -> memref<96x128xf32, #tpu.memory_space<vmem>>
      %dma_wait3A_229 = arith.constant 0 : i32
      %dma_wait3A_230 = tpu.memref_slice %arg5[%multiple_of3A_174, %dma_wait3A_229] : memref<20000x128xf32, #tpu.memory_space<hbm>> -> memref<96x128xf32, #tpu.memory_space<hbm>>
      %dma_wait3A_231 = arith.constant 0 : i32
      %dma_wait3A_232 = tpu.memref_slice %arg5[%multiple_of3A_174, %dma_wait3A_231] : memref<20000x128xf32, #tpu.memory_space<hbm>> -> memref<96x128xf32, #tpu.memory_space<hbm>>
      %dma_wait3A_233 = arith.constant 0 : i32
      %dma_wait3A_234 = arith.constant 0 : i32
      %dma_wait3A_235 = tpu.memref_slice %arg7[%dma_wait3A_233, %dma_wait3A_234] : memref<96x128xf32, #tpu.memory_space<vmem>> -> memref<96x128xf32, #tpu.memory_space<vmem>>
      tpu.wait_dma2 semaphore(%run_scoped3A : memref<!tpu.dma_semaphore, #tpu.memory_space<semaphore_mem>>) src(%dma_wait3A_235 : memref<96x128xf32, #tpu.memory_space<vmem>>) dst(%dma_wait3A_232 : memref<96x128xf32, #tpu.memory_space<hbm>>)
      tpu.yield
    }) : () -> ()
    %add3A_175 = arith.constant 96 : i32
    %add3A_176 = arith.addi %mul3A_61, %add3A_175 : i32
    %multiple_of3A_177 = tpu.assume_multiple %add3A_176, 8 : i32
    %add3A_178 = arith.constant 96 : i32
    %add3A_179 = arith.addi %add3A_168, %add3A_178 : i32
    %multiple_of3A_180 = tpu.assume_multiple %add3A_179, 8 : i32
    "tpu.region"() ({
      %run_scoped3A = tpu.sem_alloc : memref<!tpu.dma_semaphore, #tpu.memory_space<semaphore_mem>>
      %dma_start3A_216 = arith.constant 0 : i32
      %dma_start3A_217 = arith.constant 0 : i32
      %dma_start3A_218 = tpu.memref_slice %arg8[%dma_start3A_216, %dma_start3A_217] : memref<96x128xf32, #tpu.memory_space<vmem>> -> memref<96x128xf32, #tpu.memory_space<vmem>>
      %dma_start3A_219 = arith.constant 0 : i32
      %dma_start3A_220 = tpu.memref_slice %arg6[%multiple_of3A_177, %dma_start3A_219] : memref<10016x128xf32, #tpu.memory_space<vmem_shared>> -> memref<96x128xf32, #tpu.memory_space<vmem_shared>>
      %dma_start3A_221 = arith.constant 0 : i32
      %dma_start3A_222 = arith.constant 0 : i32
      %dma_start3A_223 = tpu.memref_slice %arg8[%dma_start3A_221, %dma_start3A_222] : memref<96x128xf32, #tpu.memory_space<vmem>> -> memref<96x128xf32, #tpu.memory_space<vmem>>
      %dma_start3A_224 = arith.constant 0 : i32
      %dma_start3A_225 = tpu.memref_slice %arg6[%multiple_of3A_177, %dma_start3A_224] : memref<10016x128xf32, #tpu.memory_space<vmem_shared>> -> memref<96x128xf32, #tpu.memory_space<vmem_shared>>
      tpu.enqueue_dma source(%dma_start3A_225 : memref<96x128xf32, #tpu.memory_space<vmem_shared>>) target(%dma_start3A_223 : memref<96x128xf32, #tpu.memory_space<vmem>>) target_semaphore(%run_scoped3A : memref<!tpu.dma_semaphore, #tpu.memory_space<semaphore_mem>>)
      %dma_wait3A_226 = arith.constant 0 : i32
      %dma_wait3A_227 = arith.constant 0 : i32
      %dma_wait3A_228 = tpu.memref_slice %arg8[%dma_wait3A_226, %dma_wait3A_227] : memref<96x128xf32, #tpu.memory_space<vmem>> -> memref<96x128xf32, #tpu.memory_space<vmem>>
      %dma_wait3A_229 = arith.constant 0 : i32
      %dma_wait3A_230 = tpu.memref_slice %arg6[%multiple_of3A_177, %dma_wait3A_229] : memref<10016x128xf32, #tpu.memory_space<vmem_shared>> -> memref<96x128xf32, #tpu.memory_space<vmem_shared>>
      %dma_wait3A_231 = arith.constant 0 : i32
      %dma_wait3A_232 = arith.constant 0 : i32
      %dma_wait3A_233 = tpu.memref_slice %arg8[%dma_wait3A_231, %dma_wait3A_232] : memref<96x128xf32, #tpu.memory_space<vmem>> -> memref<96x128xf32, #tpu.memory_space<vmem>>
      %dma_wait3A_234 = arith.constant 0 : i32
      %dma_wait3A_235 = tpu.memref_slice %arg6[%multiple_of3A_177, %dma_wait3A_234] : memref<10016x128xf32, #tpu.memory_space<vmem_shared>> -> memref<96x128xf32, #tpu.memory_space<vmem_shared>>
      tpu.wait_dma2 semaphore(%run_scoped3A : memref<!tpu.dma_semaphore, #tpu.memory_space<semaphore_mem>>) src(%dma_wait3A_235 : memref<96x128xf32, #tpu.memory_space<vmem_shared>>) dst(%dma_wait3A_233 : memref<96x128xf32, #tpu.memory_space<vmem>>)
      tpu.yield
    }) : () -> ()
    "tpu.region"() ({
      %run_scoped3A = tpu.sem_alloc : memref<!tpu.dma_semaphore, #tpu.memory_space<semaphore_mem>>
      %dma_start3A_216 = arith.constant 0 : i32
      %dma_start3A_217 = arith.constant 0 : i32
      %dma_start3A_218 = tpu.memref_slice %arg8[%dma_start3A_216, %dma_start3A_217] : memref<96x128xf32, #tpu.memory_space<vmem>> -> memref<96x128xf32, #tpu.memory_space<vmem>>
      %dma_start3A_219 = arith.constant 0 : i32
      %dma_start3A_220 = tpu.memref_slice %arg5[%multiple_of3A_180, %dma_start3A_219] : memref<20000x128xf32, #tpu.memory_space<hbm>> -> memref<96x128xf32, #tpu.memory_space<hbm>>
      %dma_start3A_221 = arith.constant 0 : i32
      %dma_start3A_222 = tpu.memref_slice %arg5[%multiple_of3A_180, %dma_start3A_221] : memref<20000x128xf32, #tpu.memory_space<hbm>> -> memref<96x128xf32, #tpu.memory_space<hbm>>
      %dma_start3A_223 = arith.constant 0 : i32
      %dma_start3A_224 = arith.constant 0 : i32
      %dma_start3A_225 = tpu.memref_slice %arg8[%dma_start3A_223, %dma_start3A_224] : memref<96x128xf32, #tpu.memory_space<vmem>> -> memref<96x128xf32, #tpu.memory_space<vmem>>
      tpu.enqueue_dma source(%dma_start3A_225 : memref<96x128xf32, #tpu.memory_space<vmem>>) target(%dma_start3A_222 : memref<96x128xf32, #tpu.memory_space<hbm>>) target_semaphore(%run_scoped3A : memref<!tpu.dma_semaphore, #tpu.memory_space<semaphore_mem>>)
      %dma_wait3A_226 = arith.constant 0 : i32
      %dma_wait3A_227 = arith.constant 0 : i32
      %dma_wait3A_228 = tpu.memref_slice %arg8[%dma_wait3A_226, %dma_wait3A_227] : memref<96x128xf32, #tpu.memory_space<vmem>> -> memref<96x128xf32, #tpu.memory_space<vmem>>
      %dma_wait3A_229 = arith.constant 0 : i32
      %dma_wait3A_230 = tpu.memref_slice %arg5[%multiple_of3A_180, %dma_wait3A_229] : memref<20000x128xf32, #tpu.memory_space<hbm>> -> memref<96x128xf32, #tpu.memory_space<hbm>>
      %dma_wait3A_231 = arith.constant 0 : i32
      %dma_wait3A_232 = tpu.memref_slice %arg5[%multiple_of3A_180, %dma_wait3A_231] : memref<20000x128xf32, #tpu.memory_space<hbm>> -> memref<96x128xf32, #tpu.memory_space<hbm>>
      %dma_wait3A_233 = arith.constant 0 : i32
      %dma_wait3A_234 = arith.constant 0 : i32
      %dma_wait3A_235 = tpu.memref_slice %arg8[%dma_wait3A_233, %dma_wait3A_234] : memref<96x128xf32, #tpu.memory_space<vmem>> -> memref<96x128xf32, #tpu.memory_space<vmem>>
      tpu.wait_dma2 semaphore(%run_scoped3A : memref<!tpu.dma_semaphore, #tpu.memory_space<semaphore_mem>>) src(%dma_wait3A_235 : memref<96x128xf32, #tpu.memory_space<vmem>>) dst(%dma_wait3A_232 : memref<96x128xf32, #tpu.memory_space<hbm>>)
      tpu.yield
    }) : () -> ()
    %add3A_181 = arith.constant 192 : i32
    %add3A_182 = arith.addi %mul3A_61, %add3A_181 : i32
    %multiple_of3A_183 = tpu.assume_multiple %add3A_182, 8 : i32
    %add3A_184 = arith.constant 192 : i32
    %add3A_185 = arith.addi %add3A_168, %add3A_184 : i32
    %multiple_of3A_186 = tpu.assume_multiple %add3A_185, 8 : i32
    "tpu.region"() ({
      %run_scoped3A = tpu.sem_alloc : memref<!tpu.dma_semaphore, #tpu.memory_space<semaphore_mem>>
      %dma_start3A_216 = arith.constant 0 : i32
      %dma_start3A_217 = arith.constant 0 : i32
      %dma_start3A_218 = tpu.memref_slice %arg9[%dma_start3A_216, %dma_start3A_217] : memref<96x128xf32, #tpu.memory_space<vmem>> -> memref<96x128xf32, #tpu.memory_space<vmem>>
      %dma_start3A_219 = arith.constant 0 : i32
      %dma_start3A_220 = tpu.memref_slice %arg6[%multiple_of3A_183, %dma_start3A_219] : memref<10016x128xf32, #tpu.memory_space<vmem_shared>> -> memref<96x128xf32, #tpu.memory_space<vmem_shared>>
      %dma_start3A_221 = arith.constant 0 : i32
      %dma_start3A_222 = arith.constant 0 : i32
      %dma_start3A_223 = tpu.memref_slice %arg9[%dma_start3A_221, %dma_start3A_222] : memref<96x128xf32, #tpu.memory_space<vmem>> -> memref<96x128xf32, #tpu.memory_space<vmem>>
      %dma_start3A_224 = arith.constant 0 : i32
      %dma_start3A_225 = tpu.memref_slice %arg6[%multiple_of3A_183, %dma_start3A_224] : memref<10016x128xf32, #tpu.memory_space<vmem_shared>> -> memref<96x128xf32, #tpu.memory_space<vmem_shared>>
      tpu.enqueue_dma source(%dma_start3A_225 : memref<96x128xf32, #tpu.memory_space<vmem_shared>>) target(%dma_start3A_223 : memref<96x128xf32, #tpu.memory_space<vmem>>) target_semaphore(%run_scoped3A : memref<!tpu.dma_semaphore, #tpu.memory_space<semaphore_mem>>)
      %dma_wait3A_226 = arith.constant 0 : i32
      %dma_wait3A_227 = arith.constant 0 : i32
      %dma_wait3A_228 = tpu.memref_slice %arg9[%dma_wait3A_226, %dma_wait3A_227] : memref<96x128xf32, #tpu.memory_space<vmem>> -> memref<96x128xf32, #tpu.memory_space<vmem>>
      %dma_wait3A_229 = arith.constant 0 : i32
      %dma_wait3A_230 = tpu.memref_slice %arg6[%multiple_of3A_183, %dma_wait3A_229] : memref<10016x128xf32, #tpu.memory_space<vmem_shared>> -> memref<96x128xf32, #tpu.memory_space<vmem_shared>>
      %dma_wait3A_231 = arith.constant 0 : i32
      %dma_wait3A_232 = arith.constant 0 : i32
      %dma_wait3A_233 = tpu.memref_slice %arg9[%dma_wait3A_231, %dma_wait3A_232] : memref<96x128xf32, #tpu.memory_space<vmem>> -> memref<96x128xf32, #tpu.memory_space<vmem>>
      %dma_wait3A_234 = arith.constant 0 : i32
      %dma_wait3A_235 = tpu.memref_slice %arg6[%multiple_of3A_183, %dma_wait3A_234] : memref<10016x128xf32, #tpu.memory_space<vmem_shared>> -> memref<96x128xf32, #tpu.memory_space<vmem_shared>>
      tpu.wait_dma2 semaphore(%run_scoped3A : memref<!tpu.dma_semaphore, #tpu.memory_space<semaphore_mem>>) src(%dma_wait3A_235 : memref<96x128xf32, #tpu.memory_space<vmem_shared>>) dst(%dma_wait3A_233 : memref<96x128xf32, #tpu.memory_space<vmem>>)
      tpu.yield
    }) : () -> ()
    "tpu.region"() ({
      %run_scoped3A = tpu.sem_alloc : memref<!tpu.dma_semaphore, #tpu.memory_space<semaphore_mem>>
      %dma_start3A_216 = arith.constant 0 : i32
      %dma_start3A_217 = arith.constant 0 : i32
      %dma_start3A_218 = tpu.memref_slice %arg9[%dma_start3A_216, %dma_start3A_217] : memref<96x128xf32, #tpu.memory_space<vmem>> -> memref<96x128xf32, #tpu.memory_space<vmem>>
      %dma_start3A_219 = arith.constant 0 : i32
      %dma_start3A_220 = tpu.memref_slice %arg5[%multiple_of3A_186, %dma_start3A_219] : memref<20000x128xf32, #tpu.memory_space<hbm>> -> memref<96x128xf32, #tpu.memory_space<hbm>>
      %dma_start3A_221 = arith.constant 0 : i32
      %dma_start3A_222 = tpu.memref_slice %arg5[%multiple_of3A_186, %dma_start3A_221] : memref<20000x128xf32, #tpu.memory_space<hbm>> -> memref<96x128xf32, #tpu.memory_space<hbm>>
      %dma_start3A_223 = arith.constant 0 : i32
      %dma_start3A_224 = arith.constant 0 : i32
      %dma_start3A_225 = tpu.memref_slice %arg9[%dma_start3A_223, %dma_start3A_224] : memref<96x128xf32, #tpu.memory_space<vmem>> -> memref<96x128xf32, #tpu.memory_space<vmem>>
      tpu.enqueue_dma source(%dma_start3A_225 : memref<96x128xf32, #tpu.memory_space<vmem>>) target(%dma_start3A_222 : memref<96x128xf32, #tpu.memory_space<hbm>>) target_semaphore(%run_scoped3A : memref<!tpu.dma_semaphore, #tpu.memory_space<semaphore_mem>>)
      %dma_wait3A_226 = arith.constant 0 : i32
      %dma_wait3A_227 = arith.constant 0 : i32
      %dma_wait3A_228 = tpu.memref_slice %arg9[%dma_wait3A_226, %dma_wait3A_227] : memref<96x128xf32, #tpu.memory_space<vmem>> -> memref<96x128xf32, #tpu.memory_space<vmem>>
      %dma_wait3A_229 = arith.constant 0 : i32
      %dma_wait3A_230 = tpu.memref_slice %arg5[%multiple_of3A_186, %dma_wait3A_229] : memref<20000x128xf32, #tpu.memory_space<hbm>> -> memref<96x128xf32, #tpu.memory_space<hbm>>
      %dma_wait3A_231 = arith.constant 0 : i32
      %dma_wait3A_232 = tpu.memref_slice %arg5[%multiple_of3A_186, %dma_wait3A_231] : memref<20000x128xf32, #tpu.memory_space<hbm>> -> memref<96x128xf32, #tpu.memory_space<hbm>>
      %dma_wait3A_233 = arith.constant 0 : i32
      %dma_wait3A_234 = arith.constant 0 : i32
      %dma_wait3A_235 = tpu.memref_slice %arg9[%dma_wait3A_233, %dma_wait3A_234] : memref<96x128xf32, #tpu.memory_space<vmem>> -> memref<96x128xf32, #tpu.memory_space<vmem>>
      tpu.wait_dma2 semaphore(%run_scoped3A : memref<!tpu.dma_semaphore, #tpu.memory_space<semaphore_mem>>) src(%dma_wait3A_235 : memref<96x128xf32, #tpu.memory_space<vmem>>) dst(%dma_wait3A_232 : memref<96x128xf32, #tpu.memory_space<hbm>>)
      tpu.yield
    }) : () -> ()
    %add3A_187 = arith.constant 288 : i32
    %add3A_188 = arith.addi %mul3A_61, %add3A_187 : i32
    %multiple_of3A_189 = tpu.assume_multiple %add3A_188, 8 : i32
    %add3A_190 = arith.constant 288 : i32
    %add3A_191 = arith.addi %add3A_168, %add3A_190 : i32
    %multiple_of3A_192 = tpu.assume_multiple %add3A_191, 8 : i32
    "tpu.region"() ({
      %run_scoped3A = tpu.sem_alloc : memref<!tpu.dma_semaphore, #tpu.memory_space<semaphore_mem>>
      %dma_start3A_216 = arith.constant 0 : i32
      %dma_start3A_217 = arith.constant 0 : i32
      %dma_start3A_218 = tpu.memref_slice %arg7[%dma_start3A_216, %dma_start3A_217] : memref<96x128xf32, #tpu.memory_space<vmem>> -> memref<96x128xf32, #tpu.memory_space<vmem>>
      %dma_start3A_219 = arith.constant 0 : i32
      %dma_start3A_220 = tpu.memref_slice %arg6[%multiple_of3A_189, %dma_start3A_219] : memref<10016x128xf32, #tpu.memory_space<vmem_shared>> -> memref<96x128xf32, #tpu.memory_space<vmem_shared>>
      %dma_start3A_221 = arith.constant 0 : i32
      %dma_start3A_222 = arith.constant 0 : i32
      %dma_start3A_223 = tpu.memref_slice %arg7[%dma_start3A_221, %dma_start3A_222] : memref<96x128xf32, #tpu.memory_space<vmem>> -> memref<96x128xf32, #tpu.memory_space<vmem>>
      %dma_start3A_224 = arith.constant 0 : i32
      %dma_start3A_225 = tpu.memref_slice %arg6[%multiple_of3A_189, %dma_start3A_224] : memref<10016x128xf32, #tpu.memory_space<vmem_shared>> -> memref<96x128xf32, #tpu.memory_space<vmem_shared>>
      tpu.enqueue_dma source(%dma_start3A_225 : memref<96x128xf32, #tpu.memory_space<vmem_shared>>) target(%dma_start3A_223 : memref<96x128xf32, #tpu.memory_space<vmem>>) target_semaphore(%run_scoped3A : memref<!tpu.dma_semaphore, #tpu.memory_space<semaphore_mem>>)
      %dma_wait3A_226 = arith.constant 0 : i32
      %dma_wait3A_227 = arith.constant 0 : i32
      %dma_wait3A_228 = tpu.memref_slice %arg7[%dma_wait3A_226, %dma_wait3A_227] : memref<96x128xf32, #tpu.memory_space<vmem>> -> memref<96x128xf32, #tpu.memory_space<vmem>>
      %dma_wait3A_229 = arith.constant 0 : i32
      %dma_wait3A_230 = tpu.memref_slice %arg6[%multiple_of3A_189, %dma_wait3A_229] : memref<10016x128xf32, #tpu.memory_space<vmem_shared>> -> memref<96x128xf32, #tpu.memory_space<vmem_shared>>
      %dma_wait3A_231 = arith.constant 0 : i32
      %dma_wait3A_232 = arith.constant 0 : i32
      %dma_wait3A_233 = tpu.memref_slice %arg7[%dma_wait3A_231, %dma_wait3A_232] : memref<96x128xf32, #tpu.memory_space<vmem>> -> memref<96x128xf32, #tpu.memory_space<vmem>>
      %dma_wait3A_234 = arith.constant 0 : i32
      %dma_wait3A_235 = tpu.memref_slice %arg6[%multiple_of3A_189, %dma_wait3A_234] : memref<10016x128xf32, #tpu.memory_space<vmem_shared>> -> memref<96x128xf32, #tpu.memory_space<vmem_shared>>
      tpu.wait_dma2 semaphore(%run_scoped3A : memref<!tpu.dma_semaphore, #tpu.memory_space<semaphore_mem>>) src(%dma_wait3A_235 : memref<96x128xf32, #tpu.memory_space<vmem_shared>>) dst(%dma_wait3A_233 : memref<96x128xf32, #tpu.memory_space<vmem>>)
      tpu.yield
    }) : () -> ()
    "tpu.region"() ({
      %run_scoped3A = tpu.sem_alloc : memref<!tpu.dma_semaphore, #tpu.memory_space<semaphore_mem>>
      %dma_start3A_216 = arith.constant 0 : i32
      %dma_start3A_217 = arith.constant 0 : i32
      %dma_start3A_218 = tpu.memref_slice %arg7[%dma_start3A_216, %dma_start3A_217] : memref<96x128xf32, #tpu.memory_space<vmem>> -> memref<96x128xf32, #tpu.memory_space<vmem>>
      %dma_start3A_219 = arith.constant 0 : i32
      %dma_start3A_220 = tpu.memref_slice %arg5[%multiple_of3A_192, %dma_start3A_219] : memref<20000x128xf32, #tpu.memory_space<hbm>> -> memref<96x128xf32, #tpu.memory_space<hbm>>
      %dma_start3A_221 = arith.constant 0 : i32
      %dma_start3A_222 = tpu.memref_slice %arg5[%multiple_of3A_192, %dma_start3A_221] : memref<20000x128xf32, #tpu.memory_space<hbm>> -> memref<96x128xf32, #tpu.memory_space<hbm>>
      %dma_start3A_223 = arith.constant 0 : i32
      %dma_start3A_224 = arith.constant 0 : i32
      %dma_start3A_225 = tpu.memref_slice %arg7[%dma_start3A_223, %dma_start3A_224] : memref<96x128xf32, #tpu.memory_space<vmem>> -> memref<96x128xf32, #tpu.memory_space<vmem>>
      tpu.enqueue_dma source(%dma_start3A_225 : memref<96x128xf32, #tpu.memory_space<vmem>>) target(%dma_start3A_222 : memref<96x128xf32, #tpu.memory_space<hbm>>) target_semaphore(%run_scoped3A : memref<!tpu.dma_semaphore, #tpu.memory_space<semaphore_mem>>)
      %dma_wait3A_226 = arith.constant 0 : i32
      %dma_wait3A_227 = arith.constant 0 : i32
      %dma_wait3A_228 = tpu.memref_slice %arg7[%dma_wait3A_226, %dma_wait3A_227] : memref<96x128xf32, #tpu.memory_space<vmem>> -> memref<96x128xf32, #tpu.memory_space<vmem>>
      %dma_wait3A_229 = arith.constant 0 : i32
      %dma_wait3A_230 = tpu.memref_slice %arg5[%multiple_of3A_192, %dma_wait3A_229] : memref<20000x128xf32, #tpu.memory_space<hbm>> -> memref<96x128xf32, #tpu.memory_space<hbm>>
      %dma_wait3A_231 = arith.constant 0 : i32
      %dma_wait3A_232 = tpu.memref_slice %arg5[%multiple_of3A_192, %dma_wait3A_231] : memref<20000x128xf32, #tpu.memory_space<hbm>> -> memref<96x128xf32, #tpu.memory_space<hbm>>
      %dma_wait3A_233 = arith.constant 0 : i32
      %dma_wait3A_234 = arith.constant 0 : i32
      %dma_wait3A_235 = tpu.memref_slice %arg7[%dma_wait3A_233, %dma_wait3A_234] : memref<96x128xf32, #tpu.memory_space<vmem>> -> memref<96x128xf32, #tpu.memory_space<vmem>>
      tpu.wait_dma2 semaphore(%run_scoped3A : memref<!tpu.dma_semaphore, #tpu.memory_space<semaphore_mem>>) src(%dma_wait3A_235 : memref<96x128xf32, #tpu.memory_space<vmem>>) dst(%dma_wait3A_232 : memref<96x128xf32, #tpu.memory_space<hbm>>)
      tpu.yield
    }) : () -> ()
    %add3A_193 = arith.constant 384 : i32
    %add3A_194 = arith.addi %mul3A_61, %add3A_193 : i32
    %multiple_of3A_195 = tpu.assume_multiple %add3A_194, 8 : i32
    %add3A_196 = arith.constant 384 : i32
    %add3A_197 = arith.addi %add3A_168, %add3A_196 : i32
    %multiple_of3A_198 = tpu.assume_multiple %add3A_197, 8 : i32
    "tpu.region"() ({
      %run_scoped3A = tpu.sem_alloc : memref<!tpu.dma_semaphore, #tpu.memory_space<semaphore_mem>>
      %dma_start3A_216 = arith.constant 0 : i32
      %dma_start3A_217 = arith.constant 0 : i32
      %dma_start3A_218 = tpu.memref_slice %arg8[%dma_start3A_216, %dma_start3A_217] : memref<96x128xf32, #tpu.memory_space<vmem>> -> memref<96x128xf32, #tpu.memory_space<vmem>>
      %dma_start3A_219 = arith.constant 0 : i32
      %dma_start3A_220 = tpu.memref_slice %arg6[%multiple_of3A_195, %dma_start3A_219] : memref<10016x128xf32, #tpu.memory_space<vmem_shared>> -> memref<96x128xf32, #tpu.memory_space<vmem_shared>>
      %dma_start3A_221 = arith.constant 0 : i32
      %dma_start3A_222 = arith.constant 0 : i32
      %dma_start3A_223 = tpu.memref_slice %arg8[%dma_start3A_221, %dma_start3A_222] : memref<96x128xf32, #tpu.memory_space<vmem>> -> memref<96x128xf32, #tpu.memory_space<vmem>>
      %dma_start3A_224 = arith.constant 0 : i32
      %dma_start3A_225 = tpu.memref_slice %arg6[%multiple_of3A_195, %dma_start3A_224] : memref<10016x128xf32, #tpu.memory_space<vmem_shared>> -> memref<96x128xf32, #tpu.memory_space<vmem_shared>>
      tpu.enqueue_dma source(%dma_start3A_225 : memref<96x128xf32, #tpu.memory_space<vmem_shared>>) target(%dma_start3A_223 : memref<96x128xf32, #tpu.memory_space<vmem>>) target_semaphore(%run_scoped3A : memref<!tpu.dma_semaphore, #tpu.memory_space<semaphore_mem>>)
      %dma_wait3A_226 = arith.constant 0 : i32
      %dma_wait3A_227 = arith.constant 0 : i32
      %dma_wait3A_228 = tpu.memref_slice %arg8[%dma_wait3A_226, %dma_wait3A_227] : memref<96x128xf32, #tpu.memory_space<vmem>> -> memref<96x128xf32, #tpu.memory_space<vmem>>
      %dma_wait3A_229 = arith.constant 0 : i32
      %dma_wait3A_230 = tpu.memref_slice %arg6[%multiple_of3A_195, %dma_wait3A_229] : memref<10016x128xf32, #tpu.memory_space<vmem_shared>> -> memref<96x128xf32, #tpu.memory_space<vmem_shared>>
      %dma_wait3A_231 = arith.constant 0 : i32
      %dma_wait3A_232 = arith.constant 0 : i32
      %dma_wait3A_233 = tpu.memref_slice %arg8[%dma_wait3A_231, %dma_wait3A_232] : memref<96x128xf32, #tpu.memory_space<vmem>> -> memref<96x128xf32, #tpu.memory_space<vmem>>
      %dma_wait3A_234 = arith.constant 0 : i32
      %dma_wait3A_235 = tpu.memref_slice %arg6[%multiple_of3A_195, %dma_wait3A_234] : memref<10016x128xf32, #tpu.memory_space<vmem_shared>> -> memref<96x128xf32, #tpu.memory_space<vmem_shared>>
      tpu.wait_dma2 semaphore(%run_scoped3A : memref<!tpu.dma_semaphore, #tpu.memory_space<semaphore_mem>>) src(%dma_wait3A_235 : memref<96x128xf32, #tpu.memory_space<vmem_shared>>) dst(%dma_wait3A_233 : memref<96x128xf32, #tpu.memory_space<vmem>>)
      tpu.yield
    }) : () -> ()
    "tpu.region"() ({
      %run_scoped3A = tpu.sem_alloc : memref<!tpu.dma_semaphore, #tpu.memory_space<semaphore_mem>>
      %dma_start3A_216 = arith.constant 0 : i32
      %dma_start3A_217 = arith.constant 0 : i32
      %dma_start3A_218 = tpu.memref_slice %arg8[%dma_start3A_216, %dma_start3A_217] : memref<96x128xf32, #tpu.memory_space<vmem>> -> memref<96x128xf32, #tpu.memory_space<vmem>>
      %dma_start3A_219 = arith.constant 0 : i32
      %dma_start3A_220 = tpu.memref_slice %arg5[%multiple_of3A_198, %dma_start3A_219] : memref<20000x128xf32, #tpu.memory_space<hbm>> -> memref<96x128xf32, #tpu.memory_space<hbm>>
      %dma_start3A_221 = arith.constant 0 : i32
      %dma_start3A_222 = tpu.memref_slice %arg5[%multiple_of3A_198, %dma_start3A_221] : memref<20000x128xf32, #tpu.memory_space<hbm>> -> memref<96x128xf32, #tpu.memory_space<hbm>>
      %dma_start3A_223 = arith.constant 0 : i32
      %dma_start3A_224 = arith.constant 0 : i32
      %dma_start3A_225 = tpu.memref_slice %arg8[%dma_start3A_223, %dma_start3A_224] : memref<96x128xf32, #tpu.memory_space<vmem>> -> memref<96x128xf32, #tpu.memory_space<vmem>>
      tpu.enqueue_dma source(%dma_start3A_225 : memref<96x128xf32, #tpu.memory_space<vmem>>) target(%dma_start3A_222 : memref<96x128xf32, #tpu.memory_space<hbm>>) target_semaphore(%run_scoped3A : memref<!tpu.dma_semaphore, #tpu.memory_space<semaphore_mem>>)
      %dma_wait3A_226 = arith.constant 0 : i32
      %dma_wait3A_227 = arith.constant 0 : i32
      %dma_wait3A_228 = tpu.memref_slice %arg8[%dma_wait3A_226, %dma_wait3A_227] : memref<96x128xf32, #tpu.memory_space<vmem>> -> memref<96x128xf32, #tpu.memory_space<vmem>>
      %dma_wait3A_229 = arith.constant 0 : i32
      %dma_wait3A_230 = tpu.memref_slice %arg5[%multiple_of3A_198, %dma_wait3A_229] : memref<20000x128xf32, #tpu.memory_space<hbm>> -> memref<96x128xf32, #tpu.memory_space<hbm>>
      %dma_wait3A_231 = arith.constant 0 : i32
      %dma_wait3A_232 = tpu.memref_slice %arg5[%multiple_of3A_198, %dma_wait3A_231] : memref<20000x128xf32, #tpu.memory_space<hbm>> -> memref<96x128xf32, #tpu.memory_space<hbm>>
      %dma_wait3A_233 = arith.constant 0 : i32
      %dma_wait3A_234 = arith.constant 0 : i32
      %dma_wait3A_235 = tpu.memref_slice %arg8[%dma_wait3A_233, %dma_wait3A_234] : memref<96x128xf32, #tpu.memory_space<vmem>> -> memref<96x128xf32, #tpu.memory_space<vmem>>
      tpu.wait_dma2 semaphore(%run_scoped3A : memref<!tpu.dma_semaphore, #tpu.memory_space<semaphore_mem>>) src(%dma_wait3A_235 : memref<96x128xf32, #tpu.memory_space<vmem>>) dst(%dma_wait3A_232 : memref<96x128xf32, #tpu.memory_space<hbm>>)
      tpu.yield
    }) : () -> ()
    %add3A_199 = arith.constant 480 : i32
    %add3A_200 = arith.addi %mul3A_61, %add3A_199 : i32
    %multiple_of3A_201 = tpu.assume_multiple %add3A_200, 8 : i32
    %add3A_202 = arith.constant 480 : i32
    %add3A_203 = arith.addi %add3A_168, %add3A_202 : i32
    %multiple_of3A_204 = tpu.assume_multiple %add3A_203, 8 : i32
    "tpu.region"() ({
      %run_scoped3A = tpu.sem_alloc : memref<!tpu.dma_semaphore, #tpu.memory_space<semaphore_mem>>
      %dma_start3A_216 = arith.constant 0 : i32
      %dma_start3A_217 = arith.constant 0 : i32
      %dma_start3A_218 = tpu.memref_slice %arg9[%dma_start3A_216, %dma_start3A_217] : memref<96x128xf32, #tpu.memory_space<vmem>> -> memref<96x128xf32, #tpu.memory_space<vmem>>
      %dma_start3A_219 = arith.constant 0 : i32
      %dma_start3A_220 = tpu.memref_slice %arg6[%multiple_of3A_201, %dma_start3A_219] : memref<10016x128xf32, #tpu.memory_space<vmem_shared>> -> memref<96x128xf32, #tpu.memory_space<vmem_shared>>
      %dma_start3A_221 = arith.constant 0 : i32
      %dma_start3A_222 = arith.constant 0 : i32
      %dma_start3A_223 = tpu.memref_slice %arg9[%dma_start3A_221, %dma_start3A_222] : memref<96x128xf32, #tpu.memory_space<vmem>> -> memref<96x128xf32, #tpu.memory_space<vmem>>
      %dma_start3A_224 = arith.constant 0 : i32
      %dma_start3A_225 = tpu.memref_slice %arg6[%multiple_of3A_201, %dma_start3A_224] : memref<10016x128xf32, #tpu.memory_space<vmem_shared>> -> memref<96x128xf32, #tpu.memory_space<vmem_shared>>
      tpu.enqueue_dma source(%dma_start3A_225 : memref<96x128xf32, #tpu.memory_space<vmem_shared>>) target(%dma_start3A_223 : memref<96x128xf32, #tpu.memory_space<vmem>>) target_semaphore(%run_scoped3A : memref<!tpu.dma_semaphore, #tpu.memory_space<semaphore_mem>>)
      %dma_wait3A_226 = arith.constant 0 : i32
      %dma_wait3A_227 = arith.constant 0 : i32
      %dma_wait3A_228 = tpu.memref_slice %arg9[%dma_wait3A_226, %dma_wait3A_227] : memref<96x128xf32, #tpu.memory_space<vmem>> -> memref<96x128xf32, #tpu.memory_space<vmem>>
      %dma_wait3A_229 = arith.constant 0 : i32
      %dma_wait3A_230 = tpu.memref_slice %arg6[%multiple_of3A_201, %dma_wait3A_229] : memref<10016x128xf32, #tpu.memory_space<vmem_shared>> -> memref<96x128xf32, #tpu.memory_space<vmem_shared>>
      %dma_wait3A_231 = arith.constant 0 : i32
      %dma_wait3A_232 = arith.constant 0 : i32
      %dma_wait3A_233 = tpu.memref_slice %arg9[%dma_wait3A_231, %dma_wait3A_232] : memref<96x128xf32, #tpu.memory_space<vmem>> -> memref<96x128xf32, #tpu.memory_space<vmem>>
      %dma_wait3A_234 = arith.constant 0 : i32
      %dma_wait3A_235 = tpu.memref_slice %arg6[%multiple_of3A_201, %dma_wait3A_234] : memref<10016x128xf32, #tpu.memory_space<vmem_shared>> -> memref<96x128xf32, #tpu.memory_space<vmem_shared>>
      tpu.wait_dma2 semaphore(%run_scoped3A : memref<!tpu.dma_semaphore, #tpu.memory_space<semaphore_mem>>) src(%dma_wait3A_235 : memref<96x128xf32, #tpu.memory_space<vmem_shared>>) dst(%dma_wait3A_233 : memref<96x128xf32, #tpu.memory_space<vmem>>)
      tpu.yield
    }) : () -> ()
    "tpu.region"() ({
      %run_scoped3A = tpu.sem_alloc : memref<!tpu.dma_semaphore, #tpu.memory_space<semaphore_mem>>
      %dma_start3A_216 = arith.constant 0 : i32
      %dma_start3A_217 = arith.constant 0 : i32
      %dma_start3A_218 = tpu.memref_slice %arg9[%dma_start3A_216, %dma_start3A_217] : memref<96x128xf32, #tpu.memory_space<vmem>> -> memref<96x128xf32, #tpu.memory_space<vmem>>
      %dma_start3A_219 = arith.constant 0 : i32
      %dma_start3A_220 = tpu.memref_slice %arg5[%multiple_of3A_204, %dma_start3A_219] : memref<20000x128xf32, #tpu.memory_space<hbm>> -> memref<96x128xf32, #tpu.memory_space<hbm>>
      %dma_start3A_221 = arith.constant 0 : i32
      %dma_start3A_222 = tpu.memref_slice %arg5[%multiple_of3A_204, %dma_start3A_221] : memref<20000x128xf32, #tpu.memory_space<hbm>> -> memref<96x128xf32, #tpu.memory_space<hbm>>
      %dma_start3A_223 = arith.constant 0 : i32
      %dma_start3A_224 = arith.constant 0 : i32
      %dma_start3A_225 = tpu.memref_slice %arg9[%dma_start3A_223, %dma_start3A_224] : memref<96x128xf32, #tpu.memory_space<vmem>> -> memref<96x128xf32, #tpu.memory_space<vmem>>
      tpu.enqueue_dma source(%dma_start3A_225 : memref<96x128xf32, #tpu.memory_space<vmem>>) target(%dma_start3A_222 : memref<96x128xf32, #tpu.memory_space<hbm>>) target_semaphore(%run_scoped3A : memref<!tpu.dma_semaphore, #tpu.memory_space<semaphore_mem>>)
      %dma_wait3A_226 = arith.constant 0 : i32
      %dma_wait3A_227 = arith.constant 0 : i32
      %dma_wait3A_228 = tpu.memref_slice %arg9[%dma_wait3A_226, %dma_wait3A_227] : memref<96x128xf32, #tpu.memory_space<vmem>> -> memref<96x128xf32, #tpu.memory_space<vmem>>
      %dma_wait3A_229 = arith.constant 0 : i32
      %dma_wait3A_230 = tpu.memref_slice %arg5[%multiple_of3A_204, %dma_wait3A_229] : memref<20000x128xf32, #tpu.memory_space<hbm>> -> memref<96x128xf32, #tpu.memory_space<hbm>>
      %dma_wait3A_231 = arith.constant 0 : i32
      %dma_wait3A_232 = tpu.memref_slice %arg5[%multiple_of3A_204, %dma_wait3A_231] : memref<20000x128xf32, #tpu.memory_space<hbm>> -> memref<96x128xf32, #tpu.memory_space<hbm>>
      %dma_wait3A_233 = arith.constant 0 : i32
      %dma_wait3A_234 = arith.constant 0 : i32
      %dma_wait3A_235 = tpu.memref_slice %arg9[%dma_wait3A_233, %dma_wait3A_234] : memref<96x128xf32, #tpu.memory_space<vmem>> -> memref<96x128xf32, #tpu.memory_space<vmem>>
      tpu.wait_dma2 semaphore(%run_scoped3A : memref<!tpu.dma_semaphore, #tpu.memory_space<semaphore_mem>>) src(%dma_wait3A_235 : memref<96x128xf32, #tpu.memory_space<vmem>>) dst(%dma_wait3A_232 : memref<96x128xf32, #tpu.memory_space<hbm>>)
      tpu.yield
    }) : () -> ()
    %add3A_205 = arith.constant 576 : i32
    %add3A_206 = arith.addi %mul3A_61, %add3A_205 : i32
    %multiple_of3A_207 = tpu.assume_multiple %add3A_206, 8 : i32
    %add3A_208 = arith.constant 576 : i32
    %add3A_209 = arith.addi %add3A_168, %add3A_208 : i32
    %multiple_of3A_210 = tpu.assume_multiple %add3A_209, 8 : i32
    "tpu.region"() ({
      %run_scoped3A = tpu.sem_alloc : memref<!tpu.dma_semaphore, #tpu.memory_space<semaphore_mem>>
      %dma_start3A_216 = arith.constant 0 : i32
      %dma_start3A_217 = arith.constant 0 : i32
      %dma_start3A_218 = tpu.memref_slice %arg7[%dma_start3A_216, %dma_start3A_217] : memref<96x128xf32, #tpu.memory_space<vmem>> -> memref<48x128xf32, #tpu.memory_space<vmem>>
      %dma_start3A_219 = arith.constant 0 : i32
      %dma_start3A_220 = tpu.memref_slice %arg6[%multiple_of3A_207, %dma_start3A_219] : memref<10016x128xf32, #tpu.memory_space<vmem_shared>> -> memref<48x128xf32, #tpu.memory_space<vmem_shared>>
      %dma_start3A_221 = arith.constant 0 : i32
      %dma_start3A_222 = arith.constant 0 : i32
      %dma_start3A_223 = tpu.memref_slice %arg7[%dma_start3A_221, %dma_start3A_222] : memref<96x128xf32, #tpu.memory_space<vmem>> -> memref<48x128xf32, #tpu.memory_space<vmem>>
      %dma_start3A_224 = arith.constant 0 : i32
      %dma_start3A_225 = tpu.memref_slice %arg6[%multiple_of3A_207, %dma_start3A_224] : memref<10016x128xf32, #tpu.memory_space<vmem_shared>> -> memref<48x128xf32, #tpu.memory_space<vmem_shared>>
      tpu.enqueue_dma source(%dma_start3A_225 : memref<48x128xf32, #tpu.memory_space<vmem_shared>>) target(%dma_start3A_223 : memref<48x128xf32, #tpu.memory_space<vmem>>) target_semaphore(%run_scoped3A : memref<!tpu.dma_semaphore, #tpu.memory_space<semaphore_mem>>)
      %dma_wait3A_226 = arith.constant 0 : i32
      %dma_wait3A_227 = arith.constant 0 : i32
      %dma_wait3A_228 = tpu.memref_slice %arg7[%dma_wait3A_226, %dma_wait3A_227] : memref<96x128xf32, #tpu.memory_space<vmem>> -> memref<48x128xf32, #tpu.memory_space<vmem>>
      %dma_wait3A_229 = arith.constant 0 : i32
      %dma_wait3A_230 = tpu.memref_slice %arg6[%multiple_of3A_207, %dma_wait3A_229] : memref<10016x128xf32, #tpu.memory_space<vmem_shared>> -> memref<48x128xf32, #tpu.memory_space<vmem_shared>>
      %dma_wait3A_231 = arith.constant 0 : i32
      %dma_wait3A_232 = arith.constant 0 : i32
      %dma_wait3A_233 = tpu.memref_slice %arg7[%dma_wait3A_231, %dma_wait3A_232] : memref<96x128xf32, #tpu.memory_space<vmem>> -> memref<48x128xf32, #tpu.memory_space<vmem>>
      %dma_wait3A_234 = arith.constant 0 : i32
      %dma_wait3A_235 = tpu.memref_slice %arg6[%multiple_of3A_207, %dma_wait3A_234] : memref<10016x128xf32, #tpu.memory_space<vmem_shared>> -> memref<48x128xf32, #tpu.memory_space<vmem_shared>>
      tpu.wait_dma2 semaphore(%run_scoped3A : memref<!tpu.dma_semaphore, #tpu.memory_space<semaphore_mem>>) src(%dma_wait3A_235 : memref<48x128xf32, #tpu.memory_space<vmem_shared>>) dst(%dma_wait3A_233 : memref<48x128xf32, #tpu.memory_space<vmem>>)
      tpu.yield
    }) : () -> ()
    "tpu.region"() ({
      %run_scoped3A = tpu.sem_alloc : memref<!tpu.dma_semaphore, #tpu.memory_space<semaphore_mem>>
      %dma_start3A_216 = arith.constant 0 : i32
      %dma_start3A_217 = arith.constant 0 : i32
      %dma_start3A_218 = tpu.memref_slice %arg7[%dma_start3A_216, %dma_start3A_217] : memref<96x128xf32, #tpu.memory_space<vmem>> -> memref<48x128xf32, #tpu.memory_space<vmem>>
      %dma_start3A_219 = arith.constant 0 : i32
      %dma_start3A_220 = tpu.memref_slice %arg5[%multiple_of3A_210, %dma_start3A_219] : memref<20000x128xf32, #tpu.memory_space<hbm>> -> memref<48x128xf32, #tpu.memory_space<hbm>>
      %dma_start3A_221 = arith.constant 0 : i32
      %dma_start3A_222 = tpu.memref_slice %arg5[%multiple_of3A_210, %dma_start3A_221] : memref<20000x128xf32, #tpu.memory_space<hbm>> -> memref<48x128xf32, #tpu.memory_space<hbm>>
      %dma_start3A_223 = arith.constant 0 : i32
      %dma_start3A_224 = arith.constant 0 : i32
      %dma_start3A_225 = tpu.memref_slice %arg7[%dma_start3A_223, %dma_start3A_224] : memref<96x128xf32, #tpu.memory_space<vmem>> -> memref<48x128xf32, #tpu.memory_space<vmem>>
      tpu.enqueue_dma source(%dma_start3A_225 : memref<48x128xf32, #tpu.memory_space<vmem>>) target(%dma_start3A_222 : memref<48x128xf32, #tpu.memory_space<hbm>>) target_semaphore(%run_scoped3A : memref<!tpu.dma_semaphore, #tpu.memory_space<semaphore_mem>>)
      %dma_wait3A_226 = arith.constant 0 : i32
      %dma_wait3A_227 = arith.constant 0 : i32
      %dma_wait3A_228 = tpu.memref_slice %arg7[%dma_wait3A_226, %dma_wait3A_227] : memref<96x128xf32, #tpu.memory_space<vmem>> -> memref<48x128xf32, #tpu.memory_space<vmem>>
      %dma_wait3A_229 = arith.constant 0 : i32
      %dma_wait3A_230 = tpu.memref_slice %arg5[%multiple_of3A_210, %dma_wait3A_229] : memref<20000x128xf32, #tpu.memory_space<hbm>> -> memref<48x128xf32, #tpu.memory_space<hbm>>
      %dma_wait3A_231 = arith.constant 0 : i32
      %dma_wait3A_232 = tpu.memref_slice %arg5[%multiple_of3A_210, %dma_wait3A_231] : memref<20000x128xf32, #tpu.memory_space<hbm>> -> memref<48x128xf32, #tpu.memory_space<hbm>>
      %dma_wait3A_233 = arith.constant 0 : i32
      %dma_wait3A_234 = arith.constant 0 : i32
      %dma_wait3A_235 = tpu.memref_slice %arg7[%dma_wait3A_233, %dma_wait3A_234] : memref<96x128xf32, #tpu.memory_space<vmem>> -> memref<48x128xf32, #tpu.memory_space<vmem>>
      tpu.wait_dma2 semaphore(%run_scoped3A : memref<!tpu.dma_semaphore, #tpu.memory_space<semaphore_mem>>) src(%dma_wait3A_235 : memref<48x128xf32, #tpu.memory_space<vmem>>) dst(%dma_wait3A_232 : memref<48x128xf32, #tpu.memory_space<hbm>>)
      tpu.yield
    }) : () -> ()
    %eq3A_211 = arith.constant 15 : i32
    %eq3A_212 = arith.cmpi eq, %arg1, %eq3A_211 : i32
    %convert_element_type3A_213 = arith.extui %eq3A_212 : i1 to i32
    %cond3A_214 = arith.constant 0 : i32
    %cond3A_215 = arith.cmpi ne, %convert_element_type3A_213, %cond3A_214 : i32
    scf.if %cond3A_215 {
      "tpu.region"() ({
        %run_scoped3A = tpu.sem_alloc : memref<!tpu.dma_semaphore, #tpu.memory_space<semaphore_mem>>
        %dma_start3A_221 = arith.constant 0 : i32
        %dma_start3A_222 = arith.constant 0 : i32
        %dma_start3A_223 = tpu.memref_slice %arg7[%dma_start3A_221, %dma_start3A_222] : memref<96x128xf32, #tpu.memory_space<vmem>> -> memref<16x128xf32, #tpu.memory_space<vmem>>
        %dma_start3A_224 = arith.constant 9984 : i32
        %dma_start3A_225 = arith.constant 0 : i32
        %dma_start3A_226 = tpu.memref_slice %arg6[%dma_start3A_224, %dma_start3A_225] : memref<10016x128xf32, #tpu.memory_space<vmem_shared>> -> memref<16x128xf32, #tpu.memory_space<vmem_shared>>
        %dma_start3A_227 = arith.constant 0 : i32
        %dma_start3A_228 = arith.constant 0 : i32
        %dma_start3A_229 = tpu.memref_slice %arg7[%dma_start3A_227, %dma_start3A_228] : memref<96x128xf32, #tpu.memory_space<vmem>> -> memref<16x128xf32, #tpu.memory_space<vmem>>
        %dma_start3A_230 = arith.constant 9984 : i32
        %dma_start3A_231 = arith.constant 0 : i32
        %dma_start3A_232 = tpu.memref_slice %arg6[%dma_start3A_230, %dma_start3A_231] : memref<10016x128xf32, #tpu.memory_space<vmem_shared>> -> memref<16x128xf32, #tpu.memory_space<vmem_shared>>
        tpu.enqueue_dma source(%dma_start3A_232 : memref<16x128xf32, #tpu.memory_space<vmem_shared>>) target(%dma_start3A_229 : memref<16x128xf32, #tpu.memory_space<vmem>>) target_semaphore(%run_scoped3A : memref<!tpu.dma_semaphore, #tpu.memory_space<semaphore_mem>>)
        %dma_wait3A_233 = arith.constant 0 : i32
        %dma_wait3A_234 = arith.constant 0 : i32
        %dma_wait3A_235 = tpu.memref_slice %arg7[%dma_wait3A_233, %dma_wait3A_234] : memref<96x128xf32, #tpu.memory_space<vmem>> -> memref<16x128xf32, #tpu.memory_space<vmem>>
        %dma_wait3A_236 = arith.constant 9984 : i32
        %dma_wait3A_237 = arith.constant 0 : i32
        %dma_wait3A_238 = tpu.memref_slice %arg6[%dma_wait3A_236, %dma_wait3A_237] : memref<10016x128xf32, #tpu.memory_space<vmem_shared>> -> memref<16x128xf32, #tpu.memory_space<vmem_shared>>
        %dma_wait3A_239 = arith.constant 0 : i32
        %dma_wait3A_240 = arith.constant 0 : i32
        %dma_wait3A_241 = tpu.memref_slice %arg7[%dma_wait3A_239, %dma_wait3A_240] : memref<96x128xf32, #tpu.memory_space<vmem>> -> memref<16x128xf32, #tpu.memory_space<vmem>>
        %dma_wait3A_242 = arith.constant 9984 : i32
        %dma_wait3A_243 = arith.constant 0 : i32
        %dma_wait3A_244 = tpu.memref_slice %arg6[%dma_wait3A_242, %dma_wait3A_243] : memref<10016x128xf32, #tpu.memory_space<vmem_shared>> -> memref<16x128xf32, #tpu.memory_space<vmem_shared>>
        tpu.wait_dma2 semaphore(%run_scoped3A : memref<!tpu.dma_semaphore, #tpu.memory_space<semaphore_mem>>) src(%dma_wait3A_244 : memref<16x128xf32, #tpu.memory_space<vmem_shared>>) dst(%dma_wait3A_241 : memref<16x128xf32, #tpu.memory_space<vmem>>)
        tpu.yield
      }) : () -> ()
      %mul3A_216 = arith.constant 10000 : i32
      %mul3A_217 = arith.muli %arg0, %mul3A_216 : i32
      %add3A_218 = arith.constant 9984 : i32
      %add3A_219 = arith.addi %mul3A_217, %add3A_218 : i32
      %multiple_of3A_220 = tpu.assume_multiple %add3A_219, 8 : i32
      "tpu.region"() ({
        %run_scoped3A = tpu.sem_alloc : memref<!tpu.dma_semaphore, #tpu.memory_space<semaphore_mem>>
        %dma_start3A_221 = arith.constant 0 : i32
        %dma_start3A_222 = arith.constant 0 : i32
        %dma_start3A_223 = tpu.memref_slice %arg7[%dma_start3A_221, %dma_start3A_222] : memref<96x128xf32, #tpu.memory_space<vmem>> -> memref<16x128xf32, #tpu.memory_space<vmem>>
        %dma_start3A_224 = arith.constant 0 : i32
        %dma_start3A_225 = tpu.memref_slice %arg5[%multiple_of3A_220, %dma_start3A_224] : memref<20000x128xf32, #tpu.memory_space<hbm>> -> memref<16x128xf32, #tpu.memory_space<hbm>>
        %dma_start3A_226 = arith.constant 0 : i32
        %dma_start3A_227 = tpu.memref_slice %arg5[%multiple_of3A_220, %dma_start3A_226] : memref<20000x128xf32, #tpu.memory_space<hbm>> -> memref<16x128xf32, #tpu.memory_space<hbm>>
        %dma_start3A_228 = arith.constant 0 : i32
        %dma_start3A_229 = arith.constant 0 : i32
        %dma_start3A_230 = tpu.memref_slice %arg7[%dma_start3A_228, %dma_start3A_229] : memref<96x128xf32, #tpu.memory_space<vmem>> -> memref<16x128xf32, #tpu.memory_space<vmem>>
        tpu.enqueue_dma source(%dma_start3A_230 : memref<16x128xf32, #tpu.memory_space<vmem>>) target(%dma_start3A_227 : memref<16x128xf32, #tpu.memory_space<hbm>>) target_semaphore(%run_scoped3A : memref<!tpu.dma_semaphore, #tpu.memory_space<semaphore_mem>>)
        %dma_wait3A_231 = arith.constant 0 : i32
        %dma_wait3A_232 = arith.constant 0 : i32
        %dma_wait3A_233 = tpu.memref_slice %arg7[%dma_wait3A_231, %dma_wait3A_232] : memref<96x128xf32, #tpu.memory_space<vmem>> -> memref<16x128xf32, #tpu.memory_space<vmem>>
        %dma_wait3A_234 = arith.constant 0 : i32
        %dma_wait3A_235 = tpu.memref_slice %arg5[%multiple_of3A_220, %dma_wait3A_234] : memref<20000x128xf32, #tpu.memory_space<hbm>> -> memref<16x128xf32, #tpu.memory_space<hbm>>
        %dma_wait3A_236 = arith.constant 0 : i32
        %dma_wait3A_237 = tpu.memref_slice %arg5[%multiple_of3A_220, %dma_wait3A_236] : memref<20000x128xf32, #tpu.memory_space<hbm>> -> memref<16x128xf32, #tpu.memory_space<hbm>>
        %dma_wait3A_238 = arith.constant 0 : i32
        %dma_wait3A_239 = arith.constant 0 : i32
        %dma_wait3A_240 = tpu.memref_slice %arg7[%dma_wait3A_238, %dma_wait3A_239] : memref<96x128xf32, #tpu.memory_space<vmem>> -> memref<16x128xf32, #tpu.memory_space<vmem>>
        tpu.wait_dma2 semaphore(%run_scoped3A : memref<!tpu.dma_semaphore, #tpu.memory_space<semaphore_mem>>) src(%dma_wait3A_240 : memref<16x128xf32, #tpu.memory_space<vmem>>) dst(%dma_wait3A_237 : memref<16x128xf32, #tpu.memory_space<hbm>>)
        tpu.yield
      }) : () -> ()
    } else {
    }
    return
  }
}

module attributes {stable_mosaic.version = 14 : i64} {
  func.func @_mlp1_body(%arg0: memref<1x1xf32, #tpu.memory_space<vmem>>, %arg1: memref<10000x128xf32, #tpu.memory_space<vmem>>, %arg2: memref<2x10000x128xf32, #tpu.memory_space<vmem>>, %arg3: memref<128x128xf32, #tpu.memory_space<vmem>>, %arg4: memref<1x128xf32, #tpu.memory_space<vmem>>, %arg5: memref<1x128xf32, #tpu.memory_space<vmem>>, %arg6: memref<1x128xf32, #tpu.memory_space<vmem>>, %arg7: memref<128x128xf32, #tpu.memory_space<vmem>>, %arg8: memref<1x128xf32, #tpu.memory_space<vmem>>, %arg9: memref<10000x128xf32, #tpu.memory_space<vmem>>) attributes {dimension_semantics = [], scalar_prefetch = 0 : i64, scratch_operands = 0 : i64, tpu.core_type = #tpu.core_type<tc>} {
    %get3A = arith.constant 0 : index
    %get3A_0 = arith.constant 0 : index
    %get3A_1 = vector.load %arg1[%get3A, %get3A_0] : memref<10000x128xf32, #tpu.memory_space<vmem>>, vector<10000x128xf32>
    %get3A_2 = arith.constant 0 : index
    %get3A_3 = arith.constant 0 : index
    %get3A_4 = vector.load %arg0[%get3A_2, %get3A_3] : memref<1x1xf32, #tpu.memory_space<vmem>>, vector<1x1xf32>
    %get3A_5 = vector.extract %get3A_4[0, 0] : f32 from vector<1x1xf32>
    %mul3A = vector.broadcast %get3A_5 : f32 to vector<10000x128xf32>
    %mul3A_6 = arith.mulf %get3A_1, %mul3A : vector<10000x128xf32>
    %get3A_7 = arith.constant 0 : index
    %get3A_8 = arith.constant 0 : index
    %get3A_9 = arith.constant 0 : index
    %get3A_10 = vector.load %arg2[%get3A_7, %get3A_8, %get3A_9] : memref<2x10000x128xf32, #tpu.memory_space<vmem>>, vector<1x10000x128xf32>
    %get3A_11 = vector.shape_cast %get3A_10 : vector<1x10000x128xf32> to vector<10000x128xf32>
    %add3A = arith.addf %mul3A_6, %get3A_11 : vector<10000x128xf32>
    %get3A_12 = arith.constant 1 : index
    %get3A_13 = arith.constant 0 : index
    %get3A_14 = arith.constant 0 : index
    %get3A_15 = vector.load %arg2[%get3A_12, %get3A_13, %get3A_14] : memref<2x10000x128xf32, #tpu.memory_space<vmem>>, vector<1x10000x128xf32>
    %get3A_16 = vector.shape_cast %get3A_15 : vector<1x10000x128xf32> to vector<10000x128xf32>
    %add3A_17 = arith.addf %add3A, %get3A_16 : vector<10000x128xf32>
    %get3A_18 = arith.constant 0 : index
    %get3A_19 = arith.constant 0 : index
    %get3A_20 = vector.load %arg3[%get3A_18, %get3A_19] : memref<128x128xf32, #tpu.memory_space<vmem>>, vector<128x128xf32>
    %dot_general3A = arith.constant dense<0.000000e+00> : vector<10000x128xf32>
    %dot_general3A_21 = tpu.matmul %add3A_17, %get3A_20, %dot_general3A {dimension_numbers = #tpu.dot_dimension_numbers<[1], [0], [0], [1], [0, 0, 1, 1], [], []>, transpose_lhs_hint = false} : vector<10000x128xf32>, vector<128x128xf32>, vector<10000x128xf32> -> vector<10000x128xf32>
    %get3A_22 = arith.constant 0 : index
    %get3A_23 = arith.constant 0 : index
    %get3A_24 = vector.load %arg4[%get3A_22, %get3A_23] : memref<1x128xf32, #tpu.memory_space<vmem>>, vector<1x128xf32>
    %add3A_25 = vector.broadcast %get3A_24 : vector<1x128xf32> to vector<10000x128xf32>
    %add3A_26 = arith.addf %dot_general3A_21, %add3A_25 : vector<10000x128xf32>
    %reduce_sum3A = arith.constant dense<0.000000e+00> : vector<128xf32>
    %reduce_sum3A_27 = vector.multi_reduction <add>, %add3A_26, %reduce_sum3A [0] : vector<10000x128xf32> to vector<128xf32>
    %broadcast_in_dim3A = vector.shape_cast %reduce_sum3A_27 : vector<128xf32> to vector<1x128xf32>
    %div3A = arith.constant 1.000000e+04 : f32
    %div3A_28 = vector.broadcast %div3A : f32 to vector<1x128xf32>
    %div3A_29 = arith.divf %broadcast_in_dim3A, %div3A_28 : vector<1x128xf32>
    %sub3A = vector.broadcast %div3A_29 : vector<1x128xf32> to vector<10000x128xf32>
    %sub3A_30 = arith.subf %add3A_26, %sub3A : vector<10000x128xf32>
    %mul3A_31 = arith.mulf %sub3A_30, %sub3A_30 : vector<10000x128xf32>
    %reduce_sum3A_32 = arith.constant dense<0.000000e+00> : vector<128xf32>
    %reduce_sum3A_33 = vector.multi_reduction <add>, %mul3A_31, %reduce_sum3A_32 [0] : vector<10000x128xf32> to vector<128xf32>
    %broadcast_in_dim3A_34 = vector.shape_cast %reduce_sum3A_33 : vector<128xf32> to vector<1x128xf32>
    %div3A_35 = arith.constant 1.000000e+04 : f32
    %div3A_36 = vector.broadcast %div3A_35 : f32 to vector<1x128xf32>
    %div3A_37 = arith.divf %broadcast_in_dim3A_34, %div3A_36 : vector<1x128xf32>
    %add3A_38 = arith.constant 9.99999974E-6 : f32
    %add3A_39 = vector.broadcast %add3A_38 : f32 to vector<1x128xf32>
    %add3A_40 = arith.addf %div3A_37, %add3A_39 : vector<1x128xf32>
    %rsqrt3A = math.rsqrt %add3A_40 : vector<1x128xf32>
    %mul3A_41 = vector.broadcast %rsqrt3A : vector<1x128xf32> to vector<10000x128xf32>
    %mul3A_42 = arith.mulf %sub3A_30, %mul3A_41 : vector<10000x128xf32>
    %get3A_43 = arith.constant 0 : index
    %get3A_44 = arith.constant 0 : index
    %get3A_45 = vector.load %arg5[%get3A_43, %get3A_44] : memref<1x128xf32, #tpu.memory_space<vmem>>, vector<1x128xf32>
    %mul3A_46 = vector.broadcast %get3A_45 : vector<1x128xf32> to vector<10000x128xf32>
    %mul3A_47 = arith.mulf %mul3A_42, %mul3A_46 : vector<10000x128xf32>
    %get3A_48 = arith.constant 0 : index
    %get3A_49 = arith.constant 0 : index
    %get3A_50 = vector.load %arg6[%get3A_48, %get3A_49] : memref<1x128xf32, #tpu.memory_space<vmem>>, vector<1x128xf32>
    %add3A_51 = vector.broadcast %get3A_50 : vector<1x128xf32> to vector<10000x128xf32>
    %add3A_52 = arith.addf %mul3A_47, %add3A_51 : vector<10000x128xf32>
    %max3A = arith.constant 0.000000e+00 : f32
    %max3A_53 = vector.broadcast %max3A : f32 to vector<10000x128xf32>
    %max3A_54 = arith.maximumf %add3A_52, %max3A_53 : vector<10000x128xf32>
    %get3A_55 = arith.constant 0 : index
    %get3A_56 = arith.constant 0 : index
    %get3A_57 = vector.load %arg7[%get3A_55, %get3A_56] : memref<128x128xf32, #tpu.memory_space<vmem>>, vector<128x128xf32>
    %dot_general3A_58 = arith.constant dense<0.000000e+00> : vector<10000x128xf32>
    %dot_general3A_59 = tpu.matmul %max3A_54, %get3A_57, %dot_general3A_58 {dimension_numbers = #tpu.dot_dimension_numbers<[1], [0], [0], [1], [0, 0, 1, 1], [], []>, transpose_lhs_hint = false} : vector<10000x128xf32>, vector<128x128xf32>, vector<10000x128xf32> -> vector<10000x128xf32>
    %get3A_60 = arith.constant 0 : index
    %get3A_61 = arith.constant 0 : index
    %get3A_62 = vector.load %arg8[%get3A_60, %get3A_61] : memref<1x128xf32, #tpu.memory_space<vmem>>, vector<1x128xf32>
    %add3A_63 = vector.broadcast %get3A_62 : vector<1x128xf32> to vector<10000x128xf32>
    %add3A_64 = arith.addf %dot_general3A_59, %add3A_63 : vector<10000x128xf32>
    %max3A_65 = arith.constant 0.000000e+00 : f32
    %max3A_66 = vector.broadcast %max3A_65 : f32 to vector<10000x128xf32>
    %max3A_67 = arith.maximumf %add3A_64, %max3A_66 : vector<10000x128xf32>
    %swap3A = arith.constant 0 : index
    %swap3A_68 = arith.constant 0 : index
    %swap3A_69 = vector.load %arg9[%swap3A, %swap3A_68] : memref<10000x128xf32, #tpu.memory_space<vmem>>, vector<10000x128xf32>
    tpu.vector_store %arg9[%swap3A, %swap3A_68], %max3A_67 {strides = array<i32>} : memref<10000x128xf32, #tpu.memory_space<vmem>>, vector<10000x128xf32>,
    return
  }
}

module attributes {stable_mosaic.version = 14 : i64} {
  func.func @_mlp2_body(%arg0: memref<1x1xf32, #tpu.memory_space<vmem>>, %arg1: memref<10000x128xf32, #tpu.memory_space<vmem>>, %arg2: memref<2x10000x128xf32, #tpu.memory_space<vmem>>, %arg3: memref<128x128xf32, #tpu.memory_space<vmem>>, %arg4: memref<1x128xf32, #tpu.memory_space<vmem>>, %arg5: memref<1x128xf32, #tpu.memory_space<vmem>>, %arg6: memref<1x128xf32, #tpu.memory_space<vmem>>, %arg7: memref<128x128xf32, #tpu.memory_space<vmem>>, %arg8: memref<1x128xf32, #tpu.memory_space<vmem>>, %arg9: memref<1x128xf32, #tpu.memory_space<vmem>>, %arg10: memref<1x128xf32, #tpu.memory_space<vmem>>, %arg11: memref<128x40xf32, #tpu.memory_space<vmem>>, %arg12: memref<1x40xf32, #tpu.memory_space<vmem>>, %arg13: memref<10000x40xf32, #tpu.memory_space<vmem>>) attributes {dimension_semantics = [], scalar_prefetch = 0 : i64, scratch_operands = 0 : i64, tpu.core_type = #tpu.core_type<tc>} {
    %get3A = arith.constant 0 : index
    %get3A_0 = arith.constant 0 : index
    %get3A_1 = vector.load %arg1[%get3A, %get3A_0] : memref<10000x128xf32, #tpu.memory_space<vmem>>, vector<10000x128xf32>
    %get3A_2 = arith.constant 0 : index
    %get3A_3 = arith.constant 0 : index
    %get3A_4 = vector.load %arg0[%get3A_2, %get3A_3] : memref<1x1xf32, #tpu.memory_space<vmem>>, vector<1x1xf32>
    %get3A_5 = vector.extract %get3A_4[0, 0] : f32 from vector<1x1xf32>
    %mul3A = vector.broadcast %get3A_5 : f32 to vector<10000x128xf32>
    %mul3A_6 = arith.mulf %get3A_1, %mul3A : vector<10000x128xf32>
    %get3A_7 = arith.constant 0 : index
    %get3A_8 = arith.constant 0 : index
    %get3A_9 = arith.constant 0 : index
    %get3A_10 = vector.load %arg2[%get3A_7, %get3A_8, %get3A_9] : memref<2x10000x128xf32, #tpu.memory_space<vmem>>, vector<1x10000x128xf32>
    %get3A_11 = vector.shape_cast %get3A_10 : vector<1x10000x128xf32> to vector<10000x128xf32>
    %add3A = arith.addf %mul3A_6, %get3A_11 : vector<10000x128xf32>
    %get3A_12 = arith.constant 1 : index
    %get3A_13 = arith.constant 0 : index
    %get3A_14 = arith.constant 0 : index
    %get3A_15 = vector.load %arg2[%get3A_12, %get3A_13, %get3A_14] : memref<2x10000x128xf32, #tpu.memory_space<vmem>>, vector<1x10000x128xf32>
    %get3A_16 = vector.shape_cast %get3A_15 : vector<1x10000x128xf32> to vector<10000x128xf32>
    %add3A_17 = arith.addf %add3A, %get3A_16 : vector<10000x128xf32>
    %get3A_18 = arith.constant 0 : index
    %get3A_19 = arith.constant 0 : index
    %get3A_20 = vector.load %arg3[%get3A_18, %get3A_19] : memref<128x128xf32, #tpu.memory_space<vmem>>, vector<128x128xf32>
    %dot_general3A = arith.constant dense<0.000000e+00> : vector<10000x128xf32>
    %dot_general3A_21 = tpu.matmul %add3A_17, %get3A_20, %dot_general3A {dimension_numbers = #tpu.dot_dimension_numbers<[1], [0], [0], [1], [0, 0, 1, 1], [], []>, transpose_lhs_hint = false} : vector<10000x128xf32>, vector<128x128xf32>, vector<10000x128xf32> -> vector<10000x128xf32>
    %get3A_22 = arith.constant 0 : index
    %get3A_23 = arith.constant 0 : index
    %get3A_24 = vector.load %arg4[%get3A_22, %get3A_23] : memref<1x128xf32, #tpu.memory_space<vmem>>, vector<1x128xf32>
    %add3A_25 = vector.broadcast %get3A_24 : vector<1x128xf32> to vector<10000x128xf32>
    %add3A_26 = arith.addf %dot_general3A_21, %add3A_25 : vector<10000x128xf32>
    %reduce_sum3A = arith.constant dense<0.000000e+00> : vector<128xf32>
    %reduce_sum3A_27 = vector.multi_reduction <add>, %add3A_26, %reduce_sum3A [0] : vector<10000x128xf32> to vector<128xf32>
    %broadcast_in_dim3A = vector.shape_cast %reduce_sum3A_27 : vector<128xf32> to vector<1x128xf32>
    %div3A = arith.constant 1.000000e+04 : f32
    %div3A_28 = vector.broadcast %div3A : f32 to vector<1x128xf32>
    %div3A_29 = arith.divf %broadcast_in_dim3A, %div3A_28 : vector<1x128xf32>
    %sub3A = vector.broadcast %div3A_29 : vector<1x128xf32> to vector<10000x128xf32>
    %sub3A_30 = arith.subf %add3A_26, %sub3A : vector<10000x128xf32>
    %mul3A_31 = arith.mulf %sub3A_30, %sub3A_30 : vector<10000x128xf32>
    %reduce_sum3A_32 = arith.constant dense<0.000000e+00> : vector<128xf32>
    %reduce_sum3A_33 = vector.multi_reduction <add>, %mul3A_31, %reduce_sum3A_32 [0] : vector<10000x128xf32> to vector<128xf32>
    %broadcast_in_dim3A_34 = vector.shape_cast %reduce_sum3A_33 : vector<128xf32> to vector<1x128xf32>
    %div3A_35 = arith.constant 1.000000e+04 : f32
    %div3A_36 = vector.broadcast %div3A_35 : f32 to vector<1x128xf32>
    %div3A_37 = arith.divf %broadcast_in_dim3A_34, %div3A_36 : vector<1x128xf32>
    %add3A_38 = arith.constant 9.99999974E-6 : f32
    %add3A_39 = vector.broadcast %add3A_38 : f32 to vector<1x128xf32>
    %add3A_40 = arith.addf %div3A_37, %add3A_39 : vector<1x128xf32>
    %rsqrt3A = math.rsqrt %add3A_40 : vector<1x128xf32>
    %mul3A_41 = vector.broadcast %rsqrt3A : vector<1x128xf32> to vector<10000x128xf32>
    %mul3A_42 = arith.mulf %sub3A_30, %mul3A_41 : vector<10000x128xf32>
    %get3A_43 = arith.constant 0 : index
    %get3A_44 = arith.constant 0 : index
    %get3A_45 = vector.load %arg5[%get3A_43, %get3A_44] : memref<1x128xf32, #tpu.memory_space<vmem>>, vector<1x128xf32>
    %mul3A_46 = vector.broadcast %get3A_45 : vector<1x128xf32> to vector<10000x128xf32>
    %mul3A_47 = arith.mulf %mul3A_42, %mul3A_46 : vector<10000x128xf32>
    %get3A_48 = arith.constant 0 : index
    %get3A_49 = arith.constant 0 : index
    %get3A_50 = vector.load %arg6[%get3A_48, %get3A_49] : memref<1x128xf32, #tpu.memory_space<vmem>>, vector<1x128xf32>
    %add3A_51 = vector.broadcast %get3A_50 : vector<1x128xf32> to vector<10000x128xf32>
    %add3A_52 = arith.addf %mul3A_47, %add3A_51 : vector<10000x128xf32>
    %max3A = arith.constant 0.000000e+00 : f32
    %max3A_53 = vector.broadcast %max3A : f32 to vector<10000x128xf32>
    %max3A_54 = arith.maximumf %add3A_52, %max3A_53 : vector<10000x128xf32>
    %get3A_55 = arith.constant 0 : index
    %get3A_56 = arith.constant 0 : index
    %get3A_57 = vector.load %arg7[%get3A_55, %get3A_56] : memref<128x128xf32, #tpu.memory_space<vmem>>, vector<128x128xf32>
    %dot_general3A_58 = arith.constant dense<0.000000e+00> : vector<10000x128xf32>
    %dot_general3A_59 = tpu.matmul %max3A_54, %get3A_57, %dot_general3A_58 {dimension_numbers = #tpu.dot_dimension_numbers<[1], [0], [0], [1], [0, 0, 1, 1], [], []>, transpose_lhs_hint = false} : vector<10000x128xf32>, vector<128x128xf32>, vector<10000x128xf32> -> vector<10000x128xf32>
    %get3A_60 = arith.constant 0 : index
    %get3A_61 = arith.constant 0 : index
    %get3A_62 = vector.load %arg8[%get3A_60, %get3A_61] : memref<1x128xf32, #tpu.memory_space<vmem>>, vector<1x128xf32>
    %add3A_63 = vector.broadcast %get3A_62 : vector<1x128xf32> to vector<10000x128xf32>
    %add3A_64 = arith.addf %dot_general3A_59, %add3A_63 : vector<10000x128xf32>
    %reduce_sum3A_65 = arith.constant dense<0.000000e+00> : vector<128xf32>
    %reduce_sum3A_66 = vector.multi_reduction <add>, %add3A_64, %reduce_sum3A_65 [0] : vector<10000x128xf32> to vector<128xf32>
    %broadcast_in_dim3A_67 = vector.shape_cast %reduce_sum3A_66 : vector<128xf32> to vector<1x128xf32>
    %div3A_68 = arith.constant 1.000000e+04 : f32
    %div3A_69 = vector.broadcast %div3A_68 : f32 to vector<1x128xf32>
    %div3A_70 = arith.divf %broadcast_in_dim3A_67, %div3A_69 : vector<1x128xf32>
    %sub3A_71 = vector.broadcast %div3A_70 : vector<1x128xf32> to vector<10000x128xf32>
    %sub3A_72 = arith.subf %add3A_64, %sub3A_71 : vector<10000x128xf32>
    %mul3A_73 = arith.mulf %sub3A_72, %sub3A_72 : vector<10000x128xf32>
    %reduce_sum3A_74 = arith.constant dense<0.000000e+00> : vector<128xf32>
    %reduce_sum3A_75 = vector.multi_reduction <add>, %mul3A_73, %reduce_sum3A_74 [0] : vector<10000x128xf32> to vector<128xf32>
    %broadcast_in_dim3A_76 = vector.shape_cast %reduce_sum3A_75 : vector<128xf32> to vector<1x128xf32>
    %div3A_77 = arith.constant 1.000000e+04 : f32
    %div3A_78 = vector.broadcast %div3A_77 : f32 to vector<1x128xf32>
    %div3A_79 = arith.divf %broadcast_in_dim3A_76, %div3A_78 : vector<1x128xf32>
    %add3A_80 = arith.constant 9.99999974E-6 : f32
    %add3A_81 = vector.broadcast %add3A_80 : f32 to vector<1x128xf32>
    %add3A_82 = arith.addf %div3A_79, %add3A_81 : vector<1x128xf32>
    %rsqrt3A_83 = math.rsqrt %add3A_82 : vector<1x128xf32>
    %mul3A_84 = vector.broadcast %rsqrt3A_83 : vector<1x128xf32> to vector<10000x128xf32>
    %mul3A_85 = arith.mulf %sub3A_72, %mul3A_84 : vector<10000x128xf32>
    %get3A_86 = arith.constant 0 : index
    %get3A_87 = arith.constant 0 : index
    %get3A_88 = vector.load %arg9[%get3A_86, %get3A_87] : memref<1x128xf32, #tpu.memory_space<vmem>>, vector<1x128xf32>
    %mul3A_89 = vector.broadcast %get3A_88 : vector<1x128xf32> to vector<10000x128xf32>
    %mul3A_90 = arith.mulf %mul3A_85, %mul3A_89 : vector<10000x128xf32>
    %get3A_91 = arith.constant 0 : index
    %get3A_92 = arith.constant 0 : index
    %get3A_93 = vector.load %arg10[%get3A_91, %get3A_92] : memref<1x128xf32, #tpu.memory_space<vmem>>, vector<1x128xf32>
    %add3A_94 = vector.broadcast %get3A_93 : vector<1x128xf32> to vector<10000x128xf32>
    %add3A_95 = arith.addf %mul3A_90, %add3A_94 : vector<10000x128xf32>
    %max3A_96 = arith.constant 0.000000e+00 : f32
    %max3A_97 = vector.broadcast %max3A_96 : f32 to vector<10000x128xf32>
    %max3A_98 = arith.maximumf %add3A_95, %max3A_97 : vector<10000x128xf32>
    %get3A_99 = arith.constant 0 : index
    %get3A_100 = arith.constant 0 : index
    %get3A_101 = vector.load %arg11[%get3A_99, %get3A_100] : memref<128x40xf32, #tpu.memory_space<vmem>>, vector<128x40xf32>
    %dot_general3A_102 = arith.constant dense<0.000000e+00> : vector<10000x40xf32>
    %dot_general3A_103 = tpu.matmul %max3A_98, %get3A_101, %dot_general3A_102 {dimension_numbers = #tpu.dot_dimension_numbers<[1], [0], [0], [1], [0, 0, 1, 1], [], []>, transpose_lhs_hint = false} : vector<10000x128xf32>, vector<128x40xf32>, vector<10000x40xf32> -> vector<10000x40xf32>
    %get3A_104 = arith.constant 0 : index
    %get3A_105 = arith.constant 0 : index
    %get3A_106 = vector.load %arg12[%get3A_104, %get3A_105] : memref<1x40xf32, #tpu.memory_space<vmem>>, vector<1x40xf32>
    %add3A_107 = vector.broadcast %get3A_106 : vector<1x40xf32> to vector<10000x40xf32>
    %add3A_108 = arith.addf %dot_general3A_103, %add3A_107 : vector<10000x40xf32>
    %swap3A = arith.constant 0 : index
    %swap3A_109 = arith.constant 0 : index
    %swap3A_110 = vector.load %arg13[%swap3A, %swap3A_109] : memref<10000x40xf32, #tpu.memory_space<vmem>>, vector<10000x40xf32>
    tpu.vector_store %arg13[%swap3A, %swap3A_109], %add3A_108 {strides = array<i32>} : memref<10000x40xf32, #tpu.memory_space<vmem>>, vector<10000x40xf32>,
    return
  }
}

</mosaic_0001>

<sc_bundles>
// kernel: kernel.6.cloned.1.call-start
scs
__scs_entry_jumppad:
0x0: {  	(pc) =	sbr.rel $0x88, $3  }
0x1: {  	(tag) =	ssettag $0x0;
	lr =	simm.s32 $0x1  }
0x2: {  	[smem:$0x3F8D] =	sst lr;
	_ =	strace $0xD0000000  }
0x3: {  	_ = 	snop  }
0x4: {  	_ = 	snop  }
0x5: {  	_ = 	snop  }
0x6: {  	_ = 	snop  }
0x7: {  	_ = 	snop  }
__scs_overlays_trampoline_lowered:
0x8: {  	[smem:$0x3F9C] =	sst s0  }
0x9: {  	[smem:$0x3F9D] =	sst s1  }
0xa: {  	[smem:$0x3F9E] =	sst s2  }
0xb: {  	[smem:$0x3F9F] =	sst s3  }
0xc: {  	[smem:$0x3FA0] =	sst s4  }
0xd: {  	[smem:$0x3FA1] =	sst s5  }
0xe: {  	[smem:$0x3FA2] =	sst s6  }
0xf: {  	[smem:$0x3FA3] =	sst s7  }
0x10: {  	[smem:$0x3FA4] =	sst s8  }
0x11: {  	[smem:$0x3FA5] =	sst s9;
	s0 =	simm.s32 @!p0 $0x0  }
0x12: {  	s1 =	sld [smem:$0x3F8B];
	s0 =	simm.s32 @p0 $0x1  }
0x13: {  	[smem:$0x3FA6] =	sst s0;
	s0 =	simm.s32 @!p1 $0x0  }
0x14: {  	s2 =	sld [smem:$0x3F8A];
	s0 =	simm.s32 @p1 $0x1  }
0x15: {  	[smem:$0x3FA7] =	sst s0;
	s0 =	simm.s32 @!p2 $0x0  }
0x16: {  	s3 =	sld [smem:$0x3FDB];
	s0 =	simm.s32 @p2 $0x1  }
0x17: {  	s4 =	simm.s32 $0x1BF5;
	[smem:$0x3FA9] =	sst s0  }
0x18: {  	s0 =	sld [smem:$0x3F8C];
	_ =	swait.ge [sflag:s4], $0x0  }
0x19: {  	s7 =	sld [smem:$0x3F8D]  }
0x1a: {  	s8 =	sadd.s32 $0xFFFFE003, lr  }
0x1b: {  	s9 =	sadd.s32 $0xFFFFFEF7, lr;
	s5 =	simm.s32 $0xFFFFFFFF;
	p2 =	slt.u32 s8, $0xFFFFF086  }
0x1c: {  	p1 =	slt.u32 s9, $0xF7A;
	s5 =	simm.s32 @!p2 $0x0  }
0x1d: {  	s5 =	simm.s32 @p1 $0x1;
	p0 =	seq.s32 s7, s2  }
0x1e: {  	s7 =	smul.u32 @!p0 $0xF7A, s2;
	p2 =	seq.s32 @!p0 s5, $0x0  }
0x1f: {  	s9 =	smul.u32 $0xF7A, s1;
	s8 =	simm.s32 @!p0 $0x1BF5;
	p2 =	por !p2, p0  }
0x20: {  	[sflag:s8] =	ssyncset.s32 @!p0 $0xFFFFF086;
	s6 =	sadd.s32 @!p0 s3, s7;
	s7 =	simm.s32 @!p0 $0x108  }
0x21: {  	s3 =	sadd.s32 s3, s9;
	s6 =	sadd.s32 @!p0 $0x88, s6;
	s7 =	simm.s32 @p2 $0x1082  }
0x22: {  	[simem:s7], [sflag:s8] =	dma.local @!p0 [hbm:s6], $0xF7A  }
0x23: {  	s9 =	sor.u32 $0xD0000000, s2;
	s6 =	simm.s32 $0x108;
	_ =	swait.ge @!p0 [sflag:s8], $0x0  }
0x24: {  	s3 =	sadd.s32 $0x88, s3;
	s6 =	simm.s32 @!p1 $0x1082;
	[sflag:s4] =	ssyncset.s32 $0xFFFFF086  }
0x25: {  	[simem:s6], [sflag:s4] =	dma.local [hbm:s3], $0xF7A  }
0x26: {  	[smem:$0x3F8D] =	sst s1;
	(tag) =	ssettag s2;
	_ =	strace s9  }
0x27: {  	s1 =	sld [smem:$0x3F9D]  }
0x28: {  	s2 =	sld [smem:$0x3F9E]  }
0x29: {  	s4 =	sld [smem:$0x3FA0]  }
0x2a: {  	p0 =	seq.s32 s5, $0x0;
	s5 =	sld [smem:$0x3FA1]  }
0x2b: {  	s6 =	sld [smem:$0x3FA2]  }
0x2c: {  	s7 =	sld [smem:$0x3FA3]  }
0x2d: {  	s3 =	simm.s32 $0x108;
	s8 =	sld [smem:$0x3FA4]  }
0x2e: {  	s3 =	simm.s32 @!p0 $0x1082;
	s9 =	sld [smem:$0x3FA5]  }
0x2f: {  	lr =	sadd.s32 s0, s3;
	s0 =	sld [smem:$0x3F9C]  }
0x30: {  	s3 =	sld [smem:$0x3F9F]  }
0x31: {  	[smem:$0x3FA8] =	sst s10  }
0x32: {  	s10 =	sld [smem:$0x3FA6];
	_ =	sdelay $0x3  }
0x33: {  	p0 =	seq.s32 s10, $0x1;
	s10 =	sld [smem:$0x3FA8];
	_ =	sdelay $0x3  }
0x34: {  	[smem:$0x3FA8] =	sst s10  }
0x35: {  	s10 =	sld [smem:$0x3FA7];
	_ =	sdelay $0x3  }
0x36: {  	p1 =	seq.s32 s10, $0x1;
	s10 =	sld [smem:$0x3FA8];
	_ =	sdelay $0x3  }
0x37: {  	[smem:$0x3FA8] =	sst s10  }
0x38: {  	s10 =	sld [smem:$0x3FA9]  }
0x39: {  	_ = 	snop;
	(pc) =	sbr.ind lr, $3  }
0x3a: {  	_ = 	snop  }
0x3b: {  	_ = 	snop  }
0x3c: {  	p2 =	seq.s32 s10, $0x1;
	s10 =	sld [smem:$0x3FA8]  }
0x3d: {  	_ =	shalt  }
0x3e: {  	_ =	shalt  }
0x3f: {  	_ =	shalt  }
0x40: {  	_ =	shalt  }
0x41: {  	_ =	shalt  }
0x42: {  	_ =	shalt  }
0x43: {  	_ =	shalt  }
0x44: {  	_ =	shalt  }
0x45: {  	_ =	shalt  }
0x46: {  	_ =	shalt  }
0x47: {  	_ =	shalt  }
0x48: {  	_ =	shalt  }
0x49: {  	_ =	shalt  }
0x4a: {  	_ =	shalt  }
0x4b: {  	_ =	shalt  }
0x4c: {  	_ =	shalt  }
0x4d: {  	_ =	shalt  }
0x4e: {  	_ =	shalt  }
0x4f: {  	_ =	shalt  }
0x50: {  	_ =	shalt  }
0x51: {  	_ =	shalt  }
0x52: {  	_ =	shalt  }
0x53: {  	_ =	shalt  }
0x54: {  	_ =	shalt  }
0x55: {  	_ =	shalt  }
0x56: {  	_ =	shalt  }
0x57: {  	_ =	shalt  }
0x58: {  	_ =	shalt  }
0x59: {  	_ =	shalt  }
0x5a: {  	_ =	shalt  }
0x5b: {  	_ =	shalt  }
0x5c: {  	_ =	shalt  }
0x5d: {  	_ =	shalt  }
0x5e: {  	_ =	shalt  }
0x5f: {  	_ =	shalt  }
0x60: {  	_ =	shalt  }
0x61: {  	_ =	shalt  }
0x62: {  	_ =	shalt  }
0x63: {  	_ =	shalt  }
0x64: {  	_ =	shalt  }
0x65: {  	_ =	shalt  }
0x66: {  	_ =	shalt  }
0x67: {  	_ =	shalt  }
0x68: {  	_ =	shalt  }
0x69: {  	_ =	shalt  }
0x6a: {  	_ =	shalt  }
0x6b: {  	_ =	shalt  }
0x6c: {  	_ =	shalt  }
0x6d: {  	_ =	shalt  }
0x6e: {  	_ =	shalt  }
0x6f: {  	_ =	shalt  }
0x70: {  	_ =	shalt  }
0x71: {  	_ =	shalt  }
0x72: {  	_ =	shalt  }
0x73: {  	_ =	shalt  }
0x74: {  	_ =	shalt  }
0x75: {  	_ =	shalt  }
0x76: {  	_ =	shalt  }
0x77: {  	_ =	shalt  }
0x78: {  	_ =	shalt  }
0x79: {  	_ =	shalt  }
0x7a: {  	_ =	shalt  }
0x7b: {  	_ =	shalt  }
0x7c: {  	_ =	shalt  }
0x7d: {  	_ =	shalt  }
0x7e: {  	_ =	shalt  }
0x7f: {  	_ =	shalt  }
0x80: {  	_ =	shalt  }
0x81: {  	_ =	shalt  }
0x82: {  	_ =	shalt  }
0x83: {  	_ =	shalt  }
0x84: {  	_ =	shalt  }
0x85: {  	_ =	shalt  }
0x86: {  	_ =	shalt  }
0x87: {  	_ =	shalt  }
.Lfunc_end0:
.L_simem_size_0:
called_computation_lowered:
.L_overlay_start_0:
0x88: {  	s2 =	sld [smem:$0x3FD9]  }
0x89: {  	s3 =	sld [smem:$0x3FFE];
	_ =	sdelay $0x1  }
0x8a: {  	s1 =	srdreg.scid  }
0x8b: {  	s0 =	sand.u32 $0x1, s1  }
0x8c: {  	s17 =	sshll.u32 s0, $0xA;
	s2 =	sadd.s32 s3, s2  }
0x8d: {  	s2 =	sadd.s32 s2, s17  }
0x8e: {  	[smem:$0x3FB4] =	sst s2  }
0x8f: {  	_ = 	snop  }
0x90: {  	s2 =	sld [smem:$0x3FC9]  }
0x91: {  	s18 =	sld [smem:$0x3FD0];
	(tm) =	ssettm $0x1  }
0x92: {  	s4 =	sld [smem:$0x3FFB];
	_ =	sdelay $0x3  }
0x93: {  	_ =	strace s4  }
0x94: {  	s4 =	sld [smem:$0x3FFC];
	_ =	sdelay $0x3  }
0x95: {  	_ =	strace s4  }
0x96: {  	s4 =	sld [smem:$0x3FFD];
	_ =	sdelay $0x3  }
0x97: {  	_ =	strace s4  }
0x98: {  	_ =	strace $0x8FFFFFFF  }
0x99: {  	s19 =	sld [smem:$0x3FDB];
	_ =	sdelay $0x1  }
0x9a: {  	s5 =	simm.s32 $_scs_section_size  }
0x9b: {  	s6 =	simm.s32 $_size__tile_overlayer_lowered;
	s7 =	simm.s32 $_tile_overlayer_lowered  }
0x9c: {  	s22 =	simm.s32 $0x1BFF;
	s21 =	sshll.u32 s7, $0x1;
	s4 =	sadd.s32 s5, s19  }
0x9d: {  	s8 =	simm.s32 $0x0;
	s20 =	sshll.u32 s6, $0x1;
	s6 =	sadd.s32 s21, s4  }
0x9e: {  	[timem:s8], [sflag:s22] =	dma.local [hbm:s6], s20  }
0x9f: {  	_ =	swait.ge [sflag:s22], s20  }
0xa0: {  	s5 =	ssub.s32 $0x0, s20;
	[sflag:s22] =	ssyncset.done $0x0  }
0xa1: {  	[sflag:s22] =	ssyncadd.s32 s5;
	_ =	sdelay $0x1  }
0xa2: {  	s23 =	simm.s32 $0x1B8B  }
0xa3: {  	_ =	swait.ge [sflag:s23], $0x1  }
0xa4: {  	[sflag:s23] =	ssyncset.done $0x0  }
0xa5: {  	s25 =	simm.s32 $0x1B8E;
	s24 =	sld [smem:$0x3FFE];
	[sflag:s23] =	ssyncadd.s32 $0xFFFFFFFF  }
0xa6: {  	s26 =	simm.s32 $execute0_lowered;
	[smem:$0x3FD2] =	sst s25  }
0xa7: {  	s6 =	sshll.u32 s26, $0x1;
	_ =	strace $0x80000046;
	[dreg:$0x1] =	wrdreg $0xFFFFFFFF  }
0xa8: {  	s28 =	simm.s32 $_size_execute0_lowered;
	s4 =	sadd.s32 s4, s6;
	[dreg:$0x0] =	wrdreg $0x0  }
0xa9: {  	s6 =	sshll.u32 s28, $0x1;
	[dreg:$0x2] =	wrdreg s4  }
0xaa: {  	[dreg:$0x3] =	wrdreg s6  }
0xab: {  	[dreg:$0x4] =	wrdreg $0xC0  }
0xac: {  	_ =	task [dreg:s8], $0x5FFFF  }
0xad: {  	[dreg:$0x1] =	wrdreg $0xFFFFFFFF  }
0xae: {  	[dreg:$0x0] =	wrdreg $0x60  }
0xaf: {  	[dreg:$0x2] =	wrdreg s2  }
0xb0: {  	[dreg:$0x3] =	wrdreg s18  }
0xb1: {  	[dreg:$0x4] =	wrdreg s24  }
0xb2: {  	[dreg:$0x5] =	wrdreg $0x0  }
0xb3: {  	[dreg:$0x6] =	wrdreg $0x9  }
0xb4: {  	_ =	task.clear_ibuf [dreg:s8], $0x7FFFF;
	_ =	strace $0x90000046  }
0xb5: {  	s29 =	simm.s32 $0x9;
	_ =	strace $0x80000048  }
0xb6: {  	_ =	swait.ge [sflag:s29], $0x1  }
0xb7: {  	[sflag:s29] =	ssyncadd.s32 $0xFFFFFFFF  }
0xb8: {  	_ =	strace $0x90000048  }
0xb9: {  	_ =	sfence  }
0xba: {  	s30 =	sld [smem:$0x0];
	_ =	sdelay $0x2  }
0xbb: {  	s31 =	sshll.u32 s1, $0xD;
	s1 =	sshrl.u32 s1, $0x2  }
0xbc: {  	s3 =	sand.u32 $0x4000, s31;
	s1 =	sadd.s32 s1, s30  }
0xbd: {  	s0 =	sor.u32 s3, s0;
	s1 =	sshll.u32 s1, $0x11  }
0xbe: {  	s0 =	sor.u32 s1, s0  }
0xbf: {  	s0 =	sadd.s32 $0x8F2B, s0  }
0xc0: {  	[sflag:s0] =	ssyncadd.remote.s32 $0x1  }
0xc1: {  	_ =	sfence.sel $0xFFFF  }
0xc2: {  	[dreg:$0x0] =	wrdreg $0xFFFFFFFF;
	(pc) =	sbr.abs _section_cstart, $3  }
0xc3: {  	[dreg:$0x1] =	wrdreg $0xFFFFFFFF  }
0xc4: {  	_ =	task.clear_ibuf [dreg:s8], $0x2FFFF;
	_ =	strace $0x9FFFFFFF  }
0xc5: {  	(tm) =	ssettm $0x7FFFFFFF  }
tec
execute0_lowered:
.L_overlay_start_1:
0x0: {  	(tag) =	ssettag $0x1  }
0x1: {  	s1 =	rddreg [dreg:$0x0]  }
0x2: {  	s13 =	rddreg [dreg:$0x1]  }
0x3: {  	s0 =	rddreg [dreg:$0x2];
	s2 =	srdreg.scid  }
0x4: {  	s12 =	stileid.u32;
	s4 =	rddreg [dreg:$0x3];
	s5 =	simm.s32 $0x0  }
0x5: {  	s28 =	simm.s32 $0x7;
	s2 =	sand.u32 $0x1, s2;
	s3 =	sshll.u32 s12, $0x1  }
0x6: {  	[smem:$0x7FF] =	sst s5;
	s16 =	sadd.s32 $0x3000, s0;
	s10 =	smul.u32 $0x2880, s2  }
0x7: {  	s3 =	sor.u32 s2, s3;
	s6 =	ssub.s32 $0x2, s2;
	s26 =	smul.u32 $0x2710, s2  }
0x8: {  	s8 =	sadd.s32 $0xD400, s0;
	s3 =	smul.u32 $0x2880, s3;
	s7 =	sshrl.u32 s6, $0x1  }
0x9: {  	_ =	strace $0x80000047;
	s2 =	smul.u32 $0x138800, s2;
	s0 =	ssub.s32 s6, s7  }
0xa: {  	[dreg:$0xf] =	wrdreg s16;
	s3 =	sshrl.u32 s3, $0x3;
	s0 =	smax.u32 s0, $0x1  }
0xb: {  	s2 =	sshrl.u32 s2, $0x3;
	s11 =	sadd.s32 s13, s3;
	[smem:$0x7F1] =	sst s0  }
0xc: {  	s2 =	sadd.s32 s8, s2;
	s14 =	sadd.s32 s16, s3;
	[dreg:$0x10] =	wrdreg s11  }
0xd: {  	s17 =	sor.u32 $0xC, s3;
	s2 =	sadd.s32 $0x27000, s2;
	[dreg:$0x11] =	wrdreg s14  }
0xe: {  	s15 =	smul.u32 $0x5100, s12;
	s11 =	sadd.s32 s13, s17;
	[smem:$0x7F0] =	sst s2  }
0xf: {  	s9 =	sadd.s32 $0x18, s3;
	s7 =	sadd.s32 s16, s17;
	[dreg:$0x12] =	wrdreg s11  }
0x10: {  	s6 =	sadd.s32 s10, s15;
	s18 =	sadd.s32 s13, s9;
	[dreg:$0x13] =	wrdreg s7  }
0x11: {  	s20 =	sadd.s32 $0x24, s3;
	s19 =	sadd.s32 s16, s9;
	[dreg:$0x14] =	wrdreg s18  }
0x12: {  	s22 =	sadd.s32 $0x30, s3;
	s21 =	sadd.s32 s13, s20;
	[dreg:$0x15] =	wrdreg s19  }
0x13: {  	s10 =	sadd.s32 $0x420, s6;
	s23 =	sadd.s32 s13, s22;
	[dreg:$0x16] =	wrdreg s21  }
0x14: {  	s24 =	sshrl.u32 s10, $0x3;
	s9 =	sadd.s32 s16, s22;
	[dreg:$0x18] =	wrdreg s23  }
0x15: {  	s3 =	sadd.s32 $0x3C, s3;
	s10 =	sadd.s32 s24, s16;
	[dreg:$0x19] =	wrdreg s9  }
0x16: {  	s29 =	simm.s32 $0x2;
	s17 =	sadd.s32 s13, s3;
	[dreg:$0x5] =	wrdreg s10  }
0x17: {  	s25 =	smul.u32 $0x270, s12;
	s3 =	sadd.s32 s16, s3;
	[dreg:$0x1a] =	wrdreg s17  }
0x18: {  	s14 =	sadd.s32 $0x3C0, s6;
	s7 =	sadd.s32 s16, s20;
	[dreg:$0x1c] =	wrdreg s3  }
0x19: {  	s10 =	sshrl.u32 s14, $0x3;
	s14 =	sadd.s32 $0x240, s6;
	[dreg:$0x17] =	wrdreg s7  }
0x1a: {  	s30 =	simm.s32 $0x8;
	s7 =	sadd.s32 s24, s13;
	[smem:$0x7F2] =	sst s14  }
0x1b: {  	s9 =	sadd.s32 s25, s26;
	s15 =	sadd.s32 s10, s16;
	[dreg:$0x6] =	wrdreg s7  }
0x1c: {  	s18 =	sadd.s32 $0x360, s6;
	s10 =	sadd.s32 s10, s13;
	[dreg:$0x7] =	wrdreg s15  }
0x1d: {  	s20 =	sadd.s32 $0x300, s6;
	s9 =	sshll.u32 s9, $0x4;
	[dreg:$0x8] =	wrdreg s10  }
0x1e: {  	s11 =	sadd.s32 s8, s9;
	s9 =	sshrl.u32 s20, $0x3;
	s20 =	sadd.s32 $0x138000, s4  }
0x1f: {  	s31 =	simm.s32 $0x3;
	s7 =	sshrl.u32 s18, $0x3;
	[smem:$0x7F7] =	sst s20  }
0x20: {  	p0 =	sne.s32 s12, $0xF;
	s19 =	sadd.s32 s7, s16;
	[dreg:$0x1b] =	wrdreg s11  }
0x21: {  	s22 =	smul.u32 $0x4E000, s12;
	s7 =	sadd.s32 s7, s13;
	[dreg:$0x9] =	wrdreg s19  }
0x22: {  	s0 =	simm.s32 $0x1CA80;
	s21 =	sadd.s32 s9, s16;
	[dreg:$0xa] =	wrdreg s7  }
0x23: {  	s8 =	sshrl.u32 s22, $0x2;
	s24 =	sadd.s32 s9, s13;
	[dreg:$0xb] =	wrdreg s21  }
0x24: {  	s12 =	simm.s32 $0x1CE80;
	s8 =	sadd.s32 s8, s4;
	[dreg:$0xc] =	wrdreg s24  }
0x25: {  	s23 =	sadd.s32 $0x2A0, s6;
	s22 =	sadd.s32 $0xC00, s11;
	[dreg:$0x1d] =	wrdreg s8  }
0x26: {  	s3 =	simm.s32 $0x1CD00;
	s9 =	sadd.s32 $0x3000, s8;
	[smem:$0x7F9] =	sst s22  }
0x27: {  	s6 =	simm.s32 $0x1CB80;
	s10 =	sadd.s32 $0x6000, s8;
	[dreg:$0x1e] =	wrdreg s9  }
0x28: {  	s14 =	simm.s32 $0x1CA00;
	s15 =	sadd.s32 $0x9000, s8;
	[dreg:$0x1f] =	wrdreg s10  }
0x29: {  	s20 =	simm.s32 $0x9;
	s17 =	sadd.s32 $0xC000, s8;
	[smem:$0x7F3] =	sst s15  }
0x2a: {  	s7 =	sshrl.u32 s23, $0x3;
	s18 =	sadd.s32 $0xF000, s8;
	[smem:$0x7F4] =	sst s17  }
0x2b: {  	s19 =	sadd.s32 $0x12000, s8;
	s21 =	sadd.s32 $0x600, s11;
	[smem:$0x7F5] =	sst s18  }
0x2c: {  	s23 =	sadd.s32 $0x1200, s11;
	s24 =	sadd.s32 $0x1800, s11;
	[smem:$0x7F6] =	sst s19  }
0x2d: {  	s8 =	simm.s32 $0xA;
	s22 =	simm.s32 $0x6;
	[smem:$0x7F8] =	sst s21  }
0x2e: {  	s25 =	sadd.s32 s7, s16;
	s26 =	sadd.s32 s7, s13;
	[smem:$0x7FA] =	sst s23  }
0x2f: {  	[smem:$0x7FB] =	sst s24;
	s15 =	simm.s32 $0x1CC00;
	s24 =	simm.s32 $0x1C980  }
0x30: {  	s17 =	simm.s32 $0x1CC80;
	s23 =	simm.s32 $0x1CD80;
	s21 =	simm.s32 $0x1CE00  }
0x31: {  	s9 =	simm.s32 $0x4;
	s10 =	simm.s32 $0x60;
	s18 =	simm.s32 $0x5  }
0x32: {  	s7 =	simm.s32 $0x0;
	s19 =	simm.s32 $0x13900;
	[dreg:$0xd] =	wrdreg s25  }
0x33: {  	s16 =	simm.s32 $0x19900;
	[dreg:$0xe] =	wrdreg s26;
	s25 =	sadd.s32 $0x1E00, s11  }
0x34: {  	s26 =	sadd.s32 $0x2400, s11;
	s11 =	simm.s32 $0x1C900;
	[smem:$0x7FC] =	sst s25  }
0x35: {  	v0 =	vimm.f32 $0.0e+00;
	[smem:$0x7FD] =	sst s26;
	s25 =	simm.s32 $0x1CB00;
	s26 =	simm.s32 $0x1  }
.LBB2_1:
0x36: {  	[smem:$0x7EF] =	sst s7  }
0x37: {  	s2 =	rddreg [dreg:$0x10]  }
0x38: {  	[tilespmem:s11], [sflag:$0x4] =	stream.linear.gather [hbm4b:s2+s5], $0x60, $0x38;
	[tilespmem:$0x1CF00] =	vst v63  }
0x39: {  	s7 =	rddreg [dreg:$0x11]  }
0x3a: {  	[tilespmem:s15], [sflag:$0x4] =	stream.linear.gather [hbm4b:s7+s5], $0x60, $0x38;
	[tilespmem:$0x1CF00] =	vst v63  }
0x3b: {  	s7 =	rddreg [dreg:$0x12]  }
0x3c: {  	[tilespmem:s24], [sflag:$0x5] =	stream.linear.gather [hbm4b:s7+s5], $0x60, $0x38;
	[tilespmem:$0x1CF00] =	vst v63  }
0x3d: {  	s7 =	rddreg [dreg:$0x13]  }
0x3e: {  	[tilespmem:s17], [sflag:$0x5] =	stream.linear.gather [hbm4b:s7+s5], $0x60, $0x38;
	[tilespmem:$0x1CF00] =	vst v63  }
0x3f: {  	s7 =	rddreg [dreg:$0x14]  }
0x40: {  	[tilespmem:s14], [sflag:$0x6] =	stream.linear.gather [hbm4b:s7+s5], $0x60, $0x38;
	[tilespmem:$0x1CF00] =	vst v63  }
0x41: {  	s7 =	rddreg [dreg:$0x15]  }
0x42: {  	[tilespmem:s3], [sflag:$0x6] =	stream.linear.gather [hbm4b:s7+s5], $0x60, $0x38;
	[tilespmem:$0x1CF00] =	vst v63  }
0x43: {  	s7 =	rddreg [dreg:$0x16]  }
0x44: {  	[tilespmem:s0], [sflag:$0x7] =	stream.linear.gather [hbm4b:s7+s5], $0x60, $0x38;
	[tilespmem:$0x1CF00] =	vst v63  }
0x45: {  	s7 =	rddreg [dreg:$0x17]  }
0x46: {  	[tilespmem:s23], [sflag:$0x7] =	stream.linear.gather [hbm4b:s7+s5], $0x60, $0x38;
	[tilespmem:$0x1CF00] =	vst v63  }
0x47: {  	s7 =	rddreg [dreg:$0x18]  }
0x48: {  	[tilespmem:s25], [sflag:$0x8] =	stream.linear.gather [hbm4b:s7+s5], $0x60, $0x38;
	[tilespmem:$0x1CF00] =	vst v63  }
0x49: {  	s7 =	rddreg [dreg:$0x19]  }
0x4a: {  	[tilespmem:s21], [sflag:$0x8] =	stream.linear.gather [hbm4b:s7+s5], $0x60, $0x38;
	[tilespmem:$0x1CF00] =	vst v63  }
0x4b: {  	s7 =	rddreg [dreg:$0x1a]  }
0x4c: {  	[tilespmem:s6], [sflag:$0x9] =	stream.linear.gather [hbm4b:s7+s5], $0x60, $0x38;
	[tilespmem:$0x1CF00] =	vst v63  }
0x4d: {  	s2 =	simm.s32 $0x0;
	s7 =	rddreg [dreg:$0x1c];
	s6 =	simm.s32 $0x200  }
0x4e: {  	[tilespmem:s12], [sflag:$0x9] =	stream.linear.gather [hbm4b:s7+s5], $0x60, $0x38;
	[tilespmem:$0x1CF00] =	vst v63  }
.LBB2_2:
0x4f: {  	p1 =	sne.s32 s6, $0xBE00;
	[tilespmem:s2+$0x13970] =	vst v0  }
0x50: {  	[tilespmem:s2+$0x13900] =	vst v0  }
0x51: {  	[tilespmem:s2+$0x13910] =	vst v0  }
.Ltmp0:
0x52: {  	[tilespmem:s2+$0x13920] =	vst v0;
	(pc) =	sbr.rel @p1 .LBB2_2-.Ltmp0, $4  }
0x53: {  	[tilespmem:s2+$0x13930] =	vst v0  }
0x54: {  	[tilespmem:s2+$0x13940] =	vst v0  }
0x55: {  	[tilespmem:s2+$0x13950] =	vst v0  }
0x56: {  	[tilespmem:s2+$0x13960] =	vst v0;
	s2 =	sshra.s32 s6, $0x2;
	s6 =	sadd.s32 $0x200, s6  }
0x57: {  	[tilespmem:s2+$0x13970] =	vst v0  }
0x58: {  	[tilespmem:s2+$0x13900] =	vst v0  }
0x59: {  	[tilespmem:s2+$0x13910] =	vst v0  }
0x5a: {  	[tilespmem:s2+$0x13920] =	vst v0  }
0x5b: {  	[tilespmem:s2+$0x13930] =	vst v0  }
0x5c: {  	[tilespmem:s2+$0x13940] =	vst v0  }
0x5d: {  	[tilespmem:s2+$0x13950] =	vst v0  }
0x5e: {  	[tilespmem:s2+$0x13960] =	vst v0;
	s12 =	rddreg [dreg:$0x1d]  }
0x5f: {  	[spmem:s12] =	stream.linear.scatter [tilespmem:s19], [sflag:$0xA], $0x3000, $0x38;
	[tilespmem:$0x1CF00] =	vst v63  }
0x60: {  	_ =	swait.ge [sflag:s8], $0x3000  }
0x61: {  	[sflag:s8] =	ssyncset.done $0x0  }
0x62: {  	s6 =	rddreg [dreg:$0x1e];
	[sflag:s8] =	ssyncadd.s32 $0xFFFFD000  }
0x63: {  	[spmem:s6] =	stream.linear.scatter [tilespmem:s19], [sflag:$0xA], $0x3000, $0x38;
	[tilespmem:$0x1CF00] =	vst v63  }
0x64: {  	_ =	swait.ge [sflag:s8], $0x3000  }
0x65: {  	[sflag:s8] =	ssyncset.done $0x0  }
0x66: {  	s7 =	rddreg [dreg:$0x1f];
	[sflag:s8] =	ssyncadd.s32 $0xFFFFD000  }
0x67: {  	[spmem:s7] =	stream.linear.scatter [tilespmem:s19], [sflag:$0xA], $0x3000, $0x38;
	[tilespmem:$0x1CF00] =	vst v63  }
0x68: {  	_ =	swait.ge [sflag:s8], $0x3000  }
0x69: {  	s12 =	sld [smem:$0x7F3]  }
0x6a: {  	[sflag:s8] =	ssyncset.done $0x0  }
0x6b: {  	[sflag:s8] =	ssyncadd.s32 $0xFFFFD000  }
0x6c: {  	[spmem:s12] =	stream.linear.scatter [tilespmem:s19], [sflag:$0xA], $0x3000, $0x38;
	[tilespmem:$0x1CF00] =	vst v63  }
0x6d: {  	_ =	swait.ge [sflag:s8], $0x3000  }
0x6e: {  	s6 =	sld [smem:$0x7F4]  }
0x6f: {  	[sflag:s8] =	ssyncset.done $0x0  }
0x70: {  	[sflag:s8] =	ssyncadd.s32 $0xFFFFD000  }
0x71: {  	[spmem:s6] =	stream.linear.scatter [tilespmem:s19], [sflag:$0xA], $0x3000, $0x38;
	[tilespmem:$0x1CF00] =	vst v63  }
0x72: {  	_ =	swait.ge [sflag:s8], $0x3000  }
0x73: {  	s7 =	sld [smem:$0x7F5]  }
0x74: {  	[sflag:s8] =	ssyncset.done $0x0  }
0x75: {  	[sflag:s8] =	ssyncadd.s32 $0xFFFFD000  }
0x76: {  	[spmem:s7] =	stream.linear.scatter [tilespmem:s19], [sflag:$0xA], $0x3000, $0x38;
	[tilespmem:$0x1CF00] =	vst v63  }
0x77: {  	_ =	swait.ge [sflag:s8], $0x3000  }
0x78: {  	s12 =	sld [smem:$0x7F6]  }
0x79: {  	[sflag:s8] =	ssyncset.done $0x0  }
0x7a: {  	[sflag:s8] =	ssyncadd.s32 $0xFFFFD000  }
0x7b: {  	[spmem:s12] =	stream.linear.scatter [tilespmem:s19], [sflag:$0xA], $0x1800, $0x38;
	[tilespmem:$0x1CF00] =	vst v63  }
0x7c: {  	_ =	swait.ge [sflag:s8], $0x1800  }
0x7d: {  	s6 =	sld [smem:$0x7F7]  }
0x7e: {  	[sflag:s8] =	ssyncset.done $0x0  }
0x7f: {  	s2 =	simm.s32 @!p0 $0x13900;
	[sflag:s8] =	ssyncadd.s32 $0xFFFFE800  }
0x80: {  	[spmem:s6] =	stream.linear.scatter @!p0 [tilespmem:s2], [sflag:$0xA], $0x800, $0x38;
	[tilespmem:$0x1CF00] =	vst v63  }
0x81: {  	s2 =	simm.s32 @!p0 $0xA  }
0x82: {  	_ =	swait.ge @!p0 [sflag:s2], $0x800  }
0x83: {  	[sflag:s2] =	ssyncset.done @!p0 $0x0  }
0x84: {  	[sflag:s2] =	ssyncadd.s32 @!p0 $0xFFFFF800  }
0x85: {  	_ =	swait.ge [sflag:s9], $0x60  }
0x86: {  	[sflag:s9] =	ssyncset.done $0x0  }
0x87: {  	[sflag:s9] =	ssyncadd.s32 $0xFFFFFFA0  }
0x88: {  	_ =	swait.ge [sflag:s9], $0x60  }
0x89: {  	[sflag:s9] =	ssyncset.done $0x0  }
0x8a: {  	[sflag:s9] =	ssyncadd.s32 $0xFFFFFFA0  }
0x8b: {  	[tilespmem:s19], [sflag:$0x1] =	stream.indirect.gather [hbm4b:s1+s10], $0x80, s11, s10, $0xb8;
	[tilespmem:$0x1CF00] =	vst v63  }
0x8c: {  	_ =	swait.ge [sflag:s18], $0x60  }
0x8d: {  	[sflag:s18] =	ssyncset.done $0x0  }
0x8e: {  	[sflag:s18] =	ssyncadd.s32 $0xFFFFFFA0  }
0x8f: {  	_ =	swait.ge [sflag:s18], $0x60  }
0x90: {  	[sflag:s18] =	ssyncset.done $0x0  }
0x91: {  	s7 =	simm.s32 $0x16900;
	[sflag:s18] =	ssyncadd.s32 $0xFFFFFFA0  }
0x92: {  	[tilespmem:s7], [sflag:$0x2] =	stream.indirect.gather [hbm4b:s1+s10], $0x80, s24, s10, $0xb8;
	[tilespmem:$0x1CF00] =	vst v63  }
0x93: {  	_ =	swait.ge [sflag:s22], $0x60  }
0x94: {  	[sflag:s22] =	ssyncset.done $0x0  }
0x95: {  	[sflag:s22] =	ssyncadd.s32 $0xFFFFFFA0  }
0x96: {  	_ =	swait.ge [sflag:s22], $0x60  }
0x97: {  	[sflag:s22] =	ssyncset.done $0x0  }
0x98: {  	[sflag:s22] =	ssyncadd.s32 $0xFFFFFFA0  }
0x99: {  	[tilespmem:s16], [sflag:$0x3] =	stream.indirect.gather [hbm4b:s1+s10], $0x80, s14, s10, $0xb8;
	[tilespmem:$0x1CF00] =	vst v63  }
0x9a: {  	[bflag:$0x0] =	sbarrier.arrive $0xFFFF  }
0x9b: {  	_ =	swait.ge [sflag:s26], $0x3000  }
0x9c: {  	[sflag:s26] =	ssyncset.done $0x0  }
0x9d: {  	[sflag:s26] =	ssyncadd.s32 $0xFFFFD000  }
0x9e: {  	[spmem:s4] =	stream.indirect.scatter.add.f32 [tilespmem:s19], [sflag:$0xA], $0x80, s15, s10, $0xb8;
	[tilespmem:$0x1CF00] =	vst v63  }
0x9f: {  	_ =	swait.ge [sflag:s8], $0x3000  }
0xa0: {  	[sflag:s8] =	ssyncset.done $0x0  }
0xa1: {  	[sflag:s8] =	ssyncadd.s32 $0xFFFFD000  }
0xa2: {  	_ =	swait.ge [sflag:s28], $0x60  }
0xa3: {  	[sflag:s28] =	ssyncset.done $0x0  }
0xa4: {  	[sflag:s28] =	ssyncadd.s32 $0xFFFFFFA0  }
0xa5: {  	_ =	swait.ge [sflag:s28], $0x60  }
0xa6: {  	[sflag:s28] =	ssyncset.done $0x0;
	s12 =	sld [smem:$0x7F2]  }
0xa7: {  	[sflag:s28] =	ssyncadd.s32 $0xFFFFFFA0  }
0xa8: {  	[tilespmem:s19], [sflag:$0x1] =	stream.indirect.gather [hbm4b:s1+s10], $0x80, s0, s10, $0xb8;
	[tilespmem:$0x1CF00] =	vst v63  }
0xa9: {  	s2 =	sshrl.u32 s12, $0x3  }
0xaa: {  	s6 =	sadd.s32 s13, s2  }
0xab: {  	[tilespmem:s11], [sflag:$0x4] =	stream.linear.gather [hbm4b:s6+s5], $0x60, $0x38;
	[tilespmem:$0x1CF00] =	vst v63  }
0xac: {  	s6 =	rddreg [dreg:$0xf]  }
0xad: {  	s2 =	sadd.s32 s6, s2  }
0xae: {  	[tilespmem:s15], [sflag:$0x4] =	stream.linear.gather [hbm4b:s2+s5], $0x60, $0x38;
	[tilespmem:$0x1CF00] =	vst v63  }
0xaf: {  	_ =	swait.ge [sflag:s29], $0x3000  }
0xb0: {  	[sflag:s29] =	ssyncset.done $0x0  }
0xb1: {  	[sflag:s29] =	ssyncadd.s32 $0xFFFFD000  }
0xb2: {  	[spmem:s4] =	stream.indirect.scatter.add.f32 [tilespmem:s7], [sflag:$0xA], $0x80, s17, s10, $0xb8;
	[tilespmem:$0x1CF00] =	vst v63  }
0xb3: {  	_ =	swait.ge [sflag:s8], $0x3000  }
0xb4: {  	[sflag:s8] =	ssyncset.done $0x0  }
0xb5: {  	[sflag:s8] =	ssyncadd.s32 $0xFFFFD000  }
0xb6: {  	_ =	swait.ge [sflag:s30], $0x60  }
0xb7: {  	[sflag:s30] =	ssyncset.done $0x0  }
0xb8: {  	[sflag:s30] =	ssyncadd.s32 $0xFFFFFFA0  }
0xb9: {  	_ =	swait.ge [sflag:s30], $0x60  }
0xba: {  	[sflag:s30] =	ssyncset.done $0x0  }
0xbb: {  	s6 =	rddreg [dreg:$0xe];
	[sflag:s30] =	ssyncadd.s32 $0xFFFFFFA0  }
0xbc: {  	[tilespmem:s7], [sflag:$0x2] =	stream.indirect.gather [hbm4b:s1+s10], $0x80, s25, s10, $0xb8;
	[tilespmem:$0x1CF00] =	vst v63  }
0xbd: {  	s15 =	rddreg [dreg:$0xd];
	s2 =	sadd.s32 $0x0, s6  }
0xbe: {  	[tilespmem:s24], [sflag:$0x5] =	stream.linear.gather [hbm4b:s2+s5], $0x60, $0x38;
	[tilespmem:$0x1CF00] =	vst v63  }
0xbf: {  	s15 =	sadd.s32 $0x0, s15  }
0xc0: {  	[tilespmem:s17], [sflag:$0x5] =	stream.linear.gather [hbm4b:s15+s5], $0x60, $0x38;
	[tilespmem:$0x1CF00] =	vst v63  }
0xc1: {  	_ =	swait.ge [sflag:s31], $0x3000  }
0xc2: {  	[sflag:s31] =	ssyncset.done $0x0  }
0xc3: {  	[sflag:s31] =	ssyncadd.s32 $0xFFFFD000  }
0xc4: {  	[spmem:s4] =	stream.indirect.scatter.add.f32 [tilespmem:s16], [sflag:$0xA], $0x80, s3, s10, $0xb8;
	[tilespmem:$0x1CF00] =	vst v63  }
0xc5: {  	_ =	swait.ge [sflag:s8], $0x3000  }
0xc6: {  	[sflag:s8] =	ssyncset.done $0x0  }
0xc7: {  	[sflag:s8] =	ssyncadd.s32 $0xFFFFD000  }
0xc8: {  	_ =	swait.ge [sflag:s20], $0x60  }
0xc9: {  	[sflag:s20] =	ssyncset.done $0x0  }
0xca: {  	[sflag:s20] =	ssyncadd.s32 $0xFFFFFFA0  }
0xcb: {  	_ =	swait.ge [sflag:s20], $0x60  }
0xcc: {  	[sflag:s20] =	ssyncset.done $0x0  }
0xcd: {  	s15 =	simm.s32 $0x1CB80;
	s6 =	rddreg [dreg:$0xc];
	[sflag:s20] =	ssyncadd.s32 $0xFFFFFFA0  }
0xce: {  	[tilespmem:s16], [sflag:$0x3] =	stream.indirect.gather [hbm4b:s1+s10], $0x80, s15, s10, $0xb8;
	[tilespmem:$0x1CF00] =	vst v63  }
0xcf: {  	s17 =	rddreg [dreg:$0xb];
	s2 =	sadd.s32 $0x0, s6  }
0xd0: {  	[tilespmem:s14], [sflag:$0x6] =	stream.linear.gather [hbm4b:s2+s5], $0x60, $0x38;
	[tilespmem:$0x1CF00] =	vst v63  }
0xd1: {  	s17 =	sadd.s32 $0x0, s17  }
0xd2: {  	[tilespmem:s3], [sflag:$0x6] =	stream.linear.gather [hbm4b:s17+s5], $0x60, $0x38;
	[tilespmem:$0x1CF00] =	vst v63  }
0xd3: {  	_ =	swait.ge [sflag:s26], $0x3000  }
0xd4: {  	[sflag:s26] =	ssyncset.done $0x0  }
0xd5: {  	[sflag:s26] =	ssyncadd.s32 $0xFFFFD000  }
0xd6: {  	[spmem:s4] =	stream.indirect.scatter.add.f32 [tilespmem:s19], [sflag:$0xA], $0x80, s23, s10, $0xb8;
	[tilespmem:$0x1CF00] =	vst v63  }
0xd7: {  	_ =	swait.ge [sflag:s8], $0x3000  }
0xd8: {  	[sflag:s8] =	ssyncset.done $0x0  }
0xd9: {  	[sflag:s8] =	ssyncadd.s32 $0xFFFFD000  }
0xda: {  	_ =	swait.ge [sflag:s9], $0x60  }
0xdb: {  	[sflag:s9] =	ssyncset.done $0x0  }
0xdc: {  	[sflag:s9] =	ssyncadd.s32 $0xFFFFFFA0  }
0xdd: {  	_ =	swait.ge [sflag:s9], $0x60  }
0xde: {  	[sflag:s9] =	ssyncset.done $0x0  }
0xdf: {  	s6 =	rddreg [dreg:$0xa];
	[sflag:s9] =	ssyncadd.s32 $0xFFFFFFA0  }
0xe0: {  	[tilespmem:s19], [sflag:$0x1] =	stream.indirect.gather [hbm4b:s1+s10], $0x80, s11, s10, $0xb8;
	[tilespmem:$0x1CF00] =	vst v63  }
0xe1: {  	s17 =	rddreg [dreg:$0x9];
	s2 =	sadd.s32 $0x0, s6  }
0xe2: {  	[tilespmem:s0], [sflag:$0x7] =	stream.linear.gather [hbm4b:s2+s5], $0x60, $0x38;
	[tilespmem:$0x1CF00] =	vst v63  }
0xe3: {  	s3 =	sadd.s32 $0x0, s17  }
0xe4: {  	[tilespmem:s23], [sflag:$0x7] =	stream.linear.gather [hbm4b:s3+s5], $0x60, $0x38;
	[tilespmem:$0x1CF00] =	vst v63  }
0xe5: {  	_ =	swait.ge [sflag:s29], $0x3000  }
0xe6: {  	[sflag:s29] =	ssyncset.done $0x0  }
0xe7: {  	[sflag:s29] =	ssyncadd.s32 $0xFFFFD000  }
0xe8: {  	[spmem:s4] =	stream.indirect.scatter.add.f32 [tilespmem:s7], [sflag:$0xA], $0x80, s21, s10, $0xb8;
	[tilespmem:$0x1CF00] =	vst v63  }
0xe9: {  	_ =	swait.ge [sflag:s8], $0x3000  }
0xea: {  	[sflag:s8] =	ssyncset.done $0x0  }
0xeb: {  	[sflag:s8] =	ssyncadd.s32 $0xFFFFD000  }
0xec: {  	_ =	swait.ge [sflag:s18], $0x60  }
0xed: {  	[sflag:s18] =	ssyncset.done $0x0  }
0xee: {  	[sflag:s18] =	ssyncadd.s32 $0xFFFFFFA0  }
0xef: {  	_ =	swait.ge [sflag:s18], $0x60  }
0xf0: {  	[sflag:s18] =	ssyncset.done $0x0  }
0xf1: {  	s6 =	rddreg [dreg:$0x8];
	[sflag:s18] =	ssyncadd.s32 $0xFFFFFFA0  }
0xf2: {  	[tilespmem:s7], [sflag:$0x2] =	stream.indirect.gather [hbm4b:s1+s10], $0x80, s24, s10, $0xb8;
	[tilespmem:$0x1CF00] =	vst v63  }
0xf3: {  	s11 =	rddreg [dreg:$0x7];
	s2 =	sadd.s32 $0x0, s6  }
0xf4: {  	[tilespmem:s25], [sflag:$0x8] =	stream.linear.gather [hbm4b:s2+s5], $0x60, $0x38;
	[tilespmem:$0x1CF00] =	vst v63  }
0xf5: {  	s17 =	sadd.s32 $0x0, s11  }
0xf6: {  	[tilespmem:s21], [sflag:$0x8] =	stream.linear.gather [hbm4b:s17+s5], $0x60, $0x38;
	[tilespmem:$0x1CF00] =	vst v63  }
0xf7: {  	_ =	swait.ge [sflag:s31], $0x3000  }
0xf8: {  	[sflag:s31] =	ssyncset.done $0x0  }
0xf9: {  	s23 =	simm.s32 $0x1CE80;
	[sflag:s31] =	ssyncadd.s32 $0xFFFFD000  }
0xfa: {  	[spmem:s4] =	stream.indirect.scatter.add.f32 [tilespmem:s16], [sflag:$0xA], $0x80, s23, s10, $0xb8;
	[tilespmem:$0x1CF00] =	vst v63  }
0xfb: {  	_ =	swait.ge [sflag:s8], $0x3000  }
0xfc: {  	[sflag:s8] =	ssyncset.done $0x0  }
0xfd: {  	[sflag:s8] =	ssyncadd.s32 $0xFFFFD000  }
0xfe: {  	_ =	swait.ge [sflag:s22], $0x60  }
0xff: {  	[sflag:s22] =	ssyncset.done $0x0  }
0x100: {  	[sflag:s22] =	ssyncadd.s32 $0xFFFFFFA0  }
0x101: {  	_ =	swait.ge [sflag:s22], $0x60  }
0x102: {  	[sflag:s22] =	ssyncset.done $0x0  }
0x103: {  	s24 =	rddreg [dreg:$0x6];
	[sflag:s22] =	ssyncadd.s32 $0xFFFFFFA0  }
0x104: {  	[tilespmem:s16], [sflag:$0x3] =	stream.indirect.gather [hbm4b:s1+s10], $0x80, s14, s10, $0xb8;
	[tilespmem:$0x1CF00] =	vst v63  }
0x105: {  	s25 =	rddreg [dreg:$0x5];
	s2 =	sadd.s32 $0x0, s24  }
0x106: {  	[tilespmem:s15], [sflag:$0x9] =	stream.linear.gather [hbm4b:s2+s5], $0x60, $0x38;
	[tilespmem:$0x1CF00] =	vst v63  }
0x107: {  	s6 =	sadd.s32 $0x240, s12;
	s11 =	sadd.s32 $0x0, s25;
	s2 =	simm.s32 $0x48  }
.LBB2_4:
0x108: {  	s24 =	simm.s32 $0x1CE80  }
0x109: {  	[tilespmem:s24], [sflag:$0x9] =	stream.linear.gather [hbm4b:s11+s5], $0x60, $0x38;
	[tilespmem:$0x1CF00] =	vst v63  }
0x10a: {  	_ =	swait.ge [sflag:s26], $0x3000  }
0x10b: {  	[sflag:s26] =	ssyncset.done $0x0  }
0x10c: {  	s0 =	simm.s32 $0x1CC00;
	[sflag:s26] =	ssyncadd.s32 $0xFFFFD000  }
0x10d: {  	[spmem:s4] =	stream.indirect.scatter.add.f32 [tilespmem:s19], [sflag:$0xA], $0x80, s0, s10, $0xb8;
	[tilespmem:$0x1CF00] =	vst v63  }
0x10e: {  	_ =	swait.ge [sflag:s8], $0x3000  }
0x10f: {  	[sflag:s8] =	ssyncset.done $0x0  }
0x110: {  	[sflag:s8] =	ssyncadd.s32 $0xFFFFD000  }
0x111: {  	_ =	swait.ge [sflag:s28], $0x60  }
0x112: {  	[sflag:s28] =	ssyncset.done $0x0  }
0x113: {  	[sflag:s28] =	ssyncadd.s32 $0xFFFFFFA0  }
0x114: {  	_ =	swait.ge [sflag:s28], $0x60  }
0x115: {  	[sflag:s28] =	ssyncset.done $0x0  }
0x116: {  	s12 =	sshrl.u32 s6, $0x3;
	s15 =	simm.s32 $0x1CA80;
	[sflag:s28] =	ssyncadd.s32 $0xFFFFFFA0  }
0x117: {  	[tilespmem:s19], [sflag:$0x1] =	stream.indirect.gather [hbm4b:s1+s10], $0x80, s15, s10, $0xb8;
	[tilespmem:$0x1CF00] =	vst v63  }
0x118: {  	s25 =	simm.s32 $0x1C900;
	s23 =	sadd.s32 s13, s12;
	s3 =	rddreg [dreg:$0xf]  }
0x119: {  	[tilespmem:s25], [sflag:$0x4] =	stream.linear.gather [hbm4b:s23+s5], $0x60, $0x38;
	[tilespmem:$0x1CF00] =	vst v63  }
0x11a: {  	s12 =	sadd.s32 s3, s12  }
0x11b: {  	[tilespmem:s0], [sflag:$0x4] =	stream.linear.gather [hbm4b:s12+s5], $0x60, $0x38;
	[tilespmem:$0x1CF00] =	vst v63  }
0x11c: {  	_ =	swait.ge [sflag:s29], $0x3000  }
0x11d: {  	[sflag:s29] =	ssyncset.done $0x0  }
0x11e: {  	s0 =	simm.s32 $0x1CC80;
	[sflag:s29] =	ssyncadd.s32 $0xFFFFD000  }
0x11f: {  	[spmem:s4] =	stream.indirect.scatter.add.f32 [tilespmem:s7], [sflag:$0xA], $0x80, s0, s10, $0xb8;
	[tilespmem:$0x1CF00] =	vst v63  }
0x120: {  	_ =	swait.ge [sflag:s8], $0x3000  }
0x121: {  	[sflag:s8] =	ssyncset.done $0x0  }
0x122: {  	[sflag:s8] =	ssyncadd.s32 $0xFFFFD000  }
0x123: {  	_ =	swait.ge [sflag:s30], $0x60  }
0x124: {  	[sflag:s30] =	ssyncset.done $0x0  }
0x125: {  	[sflag:s30] =	ssyncadd.s32 $0xFFFFFFA0  }
0x126: {  	_ =	swait.ge [sflag:s30], $0x60  }
0x127: {  	s21 =	simm.s32 $0x1CB00;
	[sflag:s30] =	ssyncset.done $0x0  }
0x128: {  	s11 =	smov.u32 s2;
	s17 =	rddreg [dreg:$0xe];
	[sflag:s30] =	ssyncadd.s32 $0xFFFFFFA0  }
0x129: {  	[tilespmem:s7], [sflag:$0x2] =	stream.indirect.gather [hbm4b:s1+s10], $0x80, s21, s10, $0xb8;
	[tilespmem:$0x1CF00] =	vst v63  }
0x12a: {  	s3 =	simm.s32 $0x1C980;
	s23 =	rddreg [dreg:$0xd];
	s12 =	sadd.s32 s11, s17  }
0x12b: {  	[tilespmem:s3], [sflag:$0x5] =	stream.linear.gather [hbm4b:s12+s5], $0x60, $0x38;
	[tilespmem:$0x1CF00] =	vst v63  }
0x12c: {  	s17 =	sadd.s32 s11, s23  }
0x12d: {  	[tilespmem:s0], [sflag:$0x5] =	stream.linear.gather [hbm4b:s17+s5], $0x60, $0x38;
	[tilespmem:$0x1CF00] =	vst v63  }
0x12e: {  	_ =	swait.ge [sflag:s31], $0x3000  }
0x12f: {  	[sflag:s31] =	ssyncset.done $0x0  }
0x130: {  	s0 =	simm.s32 $0x1CD00;
	[sflag:s31] =	ssyncadd.s32 $0xFFFFD000  }
0x131: {  	[spmem:s4] =	stream.indirect.scatter.add.f32 [tilespmem:s16], [sflag:$0xA], $0x80, s0, s10, $0xb8;
	[tilespmem:$0x1CF00] =	vst v63  }
0x132: {  	_ =	swait.ge [sflag:s8], $0x3000  }
0x133: {  	[sflag:s8] =	ssyncset.done $0x0  }
0x134: {  	[sflag:s8] =	ssyncadd.s32 $0xFFFFD000  }
0x135: {  	_ =	swait.ge [sflag:s20], $0x60  }
0x136: {  	[sflag:s20] =	ssyncset.done $0x0  }
0x137: {  	[sflag:s20] =	ssyncadd.s32 $0xFFFFFFA0  }
0x138: {  	_ =	swait.ge [sflag:s20], $0x60  }
0x139: {  	s14 =	smov.u32 s13;
	[sflag:s20] =	ssyncset.done $0x0  }
0x13a: {  	s17 =	simm.s32 $0x1CB80;
	s23 =	rddreg [dreg:$0xc];
	[sflag:s20] =	ssyncadd.s32 $0xFFFFFFA0  }
0x13b: {  	[tilespmem:s16], [sflag:$0x3] =	stream.indirect.gather [hbm4b:s1+s10], $0x80, s17, s10, $0xb8;
	[tilespmem:$0x1CF00] =	vst v63  }
0x13c: {  	s13 =	rddreg [dreg:$0xb];
	s12 =	sadd.s32 s11, s23;
	s23 =	simm.s32 $0x1CA00  }
0x13d: {  	[tilespmem:s23], [sflag:$0x6] =	stream.linear.gather [hbm4b:s12+s5], $0x60, $0x38;
	[tilespmem:$0x1CF00] =	vst v63  }
0x13e: {  	s13 =	sadd.s32 s11, s13  }
0x13f: {  	[tilespmem:s0], [sflag:$0x6] =	stream.linear.gather [hbm4b:s13+s5], $0x60, $0x38;
	[tilespmem:$0x1CF00] =	vst v63  }
0x140: {  	_ =	swait.ge [sflag:s26], $0x3000  }
0x141: {  	[sflag:s26] =	ssyncset.done $0x0  }
0x142: {  	s0 =	simm.s32 $0x1CD80;
	[sflag:s26] =	ssyncadd.s32 $0xFFFFD000  }
0x143: {  	[spmem:s4] =	stream.indirect.scatter.add.f32 [tilespmem:s19], [sflag:$0xA], $0x80, s0, s10, $0xb8;
	[tilespmem:$0x1CF00] =	vst v63  }
0x144: {  	_ =	swait.ge [sflag:s8], $0x3000  }
0x145: {  	[sflag:s8] =	ssyncset.done $0x0  }
0x146: {  	[sflag:s8] =	ssyncadd.s32 $0xFFFFD000  }
0x147: {  	_ =	swait.ge [sflag:s9], $0x60  }
0x148: {  	[sflag:s9] =	ssyncset.done $0x0  }
0x149: {  	[sflag:s9] =	ssyncadd.s32 $0xFFFFFFA0  }
0x14a: {  	_ =	swait.ge [sflag:s9], $0x60  }
0x14b: {  	[sflag:s9] =	ssyncset.done $0x0  }
0x14c: {  	s12 =	rddreg [dreg:$0xa];
	[sflag:s9] =	ssyncadd.s32 $0xFFFFFFA0  }
0x14d: {  	[tilespmem:s19], [sflag:$0x1] =	stream.indirect.gather [hbm4b:s1+s10], $0x80, s25, s10, $0xb8;
	[tilespmem:$0x1CF00] =	vst v63  }
0x14e: {  	s13 =	rddreg [dreg:$0x9];
	s12 =	sadd.s32 s11, s12  }
0x14f: {  	[tilespmem:s15], [sflag:$0x7] =	stream.linear.gather [hbm4b:s12+s5], $0x60, $0x38;
	[tilespmem:$0x1CF00] =	vst v63  }
0x150: {  	s25 =	sadd.s32 s11, s13  }
0x151: {  	[tilespmem:s0], [sflag:$0x7] =	stream.linear.gather [hbm4b:s25+s5], $0x60, $0x38;
	[tilespmem:$0x1CF00] =	vst v63  }
0x152: {  	_ =	swait.ge [sflag:s29], $0x3000  }
0x153: {  	[sflag:s29] =	ssyncset.done $0x0  }
0x154: {  	s0 =	simm.s32 $0x1CE00;
	[sflag:s29] =	ssyncadd.s32 $0xFFFFD000  }
0x155: {  	[spmem:s4] =	stream.indirect.scatter.add.f32 [tilespmem:s7], [sflag:$0xA], $0x80, s0, s10, $0xb8;
	[tilespmem:$0x1CF00] =	vst v63  }
0x156: {  	_ =	swait.ge [sflag:s8], $0x3000  }
0x157: {  	[sflag:s8] =	ssyncset.done $0x0  }
0x158: {  	[sflag:s8] =	ssyncadd.s32 $0xFFFFD000  }
0x159: {  	_ =	swait.ge [sflag:s18], $0x60  }
0x15a: {  	[sflag:s18] =	ssyncset.done $0x0  }
0x15b: {  	[sflag:s18] =	ssyncadd.s32 $0xFFFFFFA0  }
0x15c: {  	_ =	swait.ge [sflag:s18], $0x60  }
0x15d: {  	[sflag:s18] =	ssyncset.done $0x0  }
0x15e: {  	s13 =	rddreg [dreg:$0x8];
	[sflag:s18] =	ssyncadd.s32 $0xFFFFFFA0  }
0x15f: {  	[tilespmem:s7], [sflag:$0x2] =	stream.indirect.gather [hbm4b:s1+s10], $0x80, s3, s10, $0xb8;
	[tilespmem:$0x1CF00] =	vst v63  }
0x160: {  	s15 =	rddreg [dreg:$0x7];
	s12 =	sadd.s32 s11, s13  }
0x161: {  	[tilespmem:s21], [sflag:$0x8] =	stream.linear.gather [hbm4b:s12+s5], $0x60, $0x38;
	[tilespmem:$0x1CF00] =	vst v63  }
0x162: {  	s21 =	sadd.s32 s11, s15  }
0x163: {  	[tilespmem:s0], [sflag:$0x8] =	stream.linear.gather [hbm4b:s21+s5], $0x60, $0x38;
	[tilespmem:$0x1CF00] =	vst v63  }
0x164: {  	_ =	swait.ge [sflag:s31], $0x3000  }
0x165: {  	[sflag:s31] =	ssyncset.done $0x0  }
0x166: {  	[sflag:s31] =	ssyncadd.s32 $0xFFFFD000  }
0x167: {  	[spmem:s4] =	stream.indirect.scatter.add.f32 [tilespmem:s16], [sflag:$0xA], $0x80, s24, s10, $0xb8;
	[tilespmem:$0x1CF00] =	vst v63  }
0x168: {  	_ =	swait.ge [sflag:s8], $0x3000  }
0x169: {  	[sflag:s8] =	ssyncset.done $0x0  }
0x16a: {  	[sflag:s8] =	ssyncadd.s32 $0xFFFFD000  }
0x16b: {  	_ =	swait.ge [sflag:s22], $0x60  }
0x16c: {  	[sflag:s22] =	ssyncset.done $0x0  }
0x16d: {  	p1 =	sne.s32 s2, $0x4C8;
	[sflag:s22] =	ssyncadd.s32 $0xFFFFFFA0  }
0x16e: {  	s6 =	sadd.s32 $0x240, s6;
	s2 =	sadd.s32 $0x48, s2;
	_ =	swait.ge [sflag:s22], $0x60  }
.Ltmp1:
0x16f: {  	[sflag:s22] =	ssyncset.done $0x0;
	s24 =	rddreg [dreg:$0x6];
	(pc) =	sbr.rel @p1 .LBB2_4-.Ltmp1, $4  }
0x170: {  	s13 =	smov.u32 s14;
	s25 =	rddreg [dreg:$0x5];
	[sflag:s22] =	ssyncadd.s32 $0xFFFFFFA0  }
0x171: {  	[tilespmem:s16], [sflag:$0x3] =	stream.indirect.gather [hbm4b:s1+s10], $0x80, s23, s10, $0xb8;
	[tilespmem:$0x1CF00] =	vst v63  }
0x172: {  	s21 =	simm.s32 $0x1CE80;
	s12 =	sadd.s32 s11, s24;
	s11 =	sadd.s32 s11, s25  }
0x173: {  	[tilespmem:s17], [sflag:$0x9] =	stream.linear.gather [hbm4b:s12+s5], $0x60, $0x38;
	[tilespmem:$0x1CF00] =	vst v63  }
0x174: {  	[tilespmem:s21], [sflag:$0x9] =	stream.linear.gather [hbm4b:s11+s5], $0x60, $0x38;
	[tilespmem:$0x1CF00] =	vst v63  }
0x175: {  	_ =	swait.ge [sflag:s28], $0x60  }
0x176: {  	[sflag:s28] =	ssyncset.done $0x0  }
0x177: {  	[sflag:s28] =	ssyncadd.s32 $0xFFFFFFA0  }
0x178: {  	_ =	swait.ge [sflag:s28], $0x60  }
0x179: {  	[sflag:s28] =	ssyncset.done $0x0  }
0x17a: {  	[sflag:s28] =	ssyncadd.s32 $0xFFFFFFA0  }
0x17b: {  	_ =	swait.ge [sflag:s26], $0x3000  }
0x17c: {  	[sflag:s26] =	ssyncset.done $0x0  }
0x17d: {  	[sflag:s26] =	ssyncadd.s32 $0xFFFFD000  }
0x17e: {  	_ =	swait.ge [sflag:s30], $0x60  }
0x17f: {  	[sflag:s30] =	ssyncset.done $0x0  }
0x180: {  	[sflag:s30] =	ssyncadd.s32 $0xFFFFFFA0  }
0x181: {  	_ =	swait.ge [sflag:s30], $0x60  }
0x182: {  	[sflag:s30] =	ssyncset.done $0x0  }
0x183: {  	[sflag:s30] =	ssyncadd.s32 $0xFFFFFFA0  }
0x184: {  	_ =	swait.ge [sflag:s29], $0x3000  }
0x185: {  	[sflag:s29] =	ssyncset.done $0x0  }
0x186: {  	[sflag:s29] =	ssyncadd.s32 $0xFFFFD000  }
0x187: {  	_ =	swait.ge [sflag:s20], $0x60  }
0x188: {  	[sflag:s20] =	ssyncset.done $0x0  }
0x189: {  	[sflag:s20] =	ssyncadd.s32 $0xFFFFFFA0  }
0x18a: {  	_ =	swait.ge [sflag:s20], $0x60  }
0x18b: {  	[sflag:s20] =	ssyncset.done $0x0  }
0x18c: {  	[sflag:s20] =	ssyncadd.s32 $0xFFFFFFA0  }
0x18d: {  	_ =	swait.ge [sflag:s31], $0x3000  }
0x18e: {  	[sflag:s31] =	ssyncset.done $0x0  }
0x18f: {  	[sflag:s31] =	ssyncadd.s32 $0xFFFFD000  }
0x190: {  	[bflag:$0x0] =	sbarrier.arrive $0xFFFF  }
0x191: {  	s2 =	rddreg [dreg:$0x1d]  }
0x192: {  	[tilespmem:s19], [sflag:$0xA] =	stream.linear.gather [spmem:s2], $0x3000, $0x38;
	[tilespmem:$0x1CF00] =	vst v63  }
0x193: {  	_ =	swait.ge [sflag:s8], $0x3000  }
0x194: {  	[sflag:s8] =	ssyncset.done $0x0  }
0x195: {  	s23 =	rddreg [dreg:$0x1b];
	[sflag:s8] =	ssyncadd.s32 $0xFFFFD000  }
0x196: {  	[hbm4b:s23+s5] =	stream.linear.scatter [tilespmem:s19], [sflag:$0xA], $0x3000, $0x38;
	[tilespmem:$0x1CF00] =	vst v63  }
0x197: {  	_ =	swait.ge [sflag:s8], $0x3000  }
0x198: {  	[sflag:s8] =	ssyncset.done $0x0  }
0x199: {  	s24 =	rddreg [dreg:$0x1e];
	[sflag:s8] =	ssyncadd.s32 $0xFFFFD000  }
0x19a: {  	[tilespmem:s7], [sflag:$0xA] =	stream.linear.gather [spmem:s24], $0x3000, $0x38;
	[tilespmem:$0x1CF00] =	vst v63  }
0x19b: {  	_ =	swait.ge [sflag:s8], $0x3000  }
0x19c: {  	s25 =	sld [smem:$0x7F8]  }
0x19d: {  	[sflag:s8] =	ssyncset.done $0x0  }
0x19e: {  	[sflag:s8] =	ssyncadd.s32 $0xFFFFD000  }
0x19f: {  	[hbm4b:s25+s5] =	stream.linear.scatter [tilespmem:s7], [sflag:$0xA], $0x3000, $0x38;
	[tilespmem:$0x1CF00] =	vst v63  }
0x1a0: {  	_ =	swait.ge [sflag:s8], $0x3000  }
0x1a1: {  	[sflag:s8] =	ssyncset.done $0x0  }
0x1a2: {  	s0 =	rddreg [dreg:$0x1f];
	[sflag:s8] =	ssyncadd.s32 $0xFFFFD000  }
0x1a3: {  	[tilespmem:s16], [sflag:$0xA] =	stream.linear.gather [spmem:s0], $0x3000, $0x38;
	[tilespmem:$0x1CF00] =	vst v63  }
0x1a4: {  	_ =	swait.ge [sflag:s8], $0x3000  }
0x1a5: {  	s3 =	sld [smem:$0x7F9]  }
0x1a6: {  	[sflag:s8] =	ssyncset.done $0x0  }
0x1a7: {  	[sflag:s8] =	ssyncadd.s32 $0xFFFFD000  }
0x1a8: {  	[hbm4b:s3+s5] =	stream.linear.scatter [tilespmem:s16], [sflag:$0xA], $0x3000, $0x38;
	[tilespmem:$0x1CF00] =	vst v63  }
0x1a9: {  	_ =	swait.ge [sflag:s8], $0x3000  }
0x1aa: {  	s6 =	sld [smem:$0x7F3]  }
0x1ab: {  	[sflag:s8] =	ssyncset.done $0x0  }
0x1ac: {  	[sflag:s8] =	ssyncadd.s32 $0xFFFFD000  }
0x1ad: {  	[tilespmem:s19], [sflag:$0xA] =	stream.linear.gather [spmem:s6], $0x3000, $0x38;
	[tilespmem:$0x1CF00] =	vst v63  }
0x1ae: {  	_ =	swait.ge [sflag:s8], $0x3000  }
0x1af: {  	s11 =	sld [smem:$0x7FA]  }
0x1b0: {  	[sflag:s8] =	ssyncset.done $0x0  }
0x1b1: {  	[sflag:s8] =	ssyncadd.s32 $0xFFFFD000  }
0x1b2: {  	[hbm4b:s11+s5] =	stream.linear.scatter [tilespmem:s19], [sflag:$0xA], $0x3000, $0x38;
	[tilespmem:$0x1CF00] =	vst v63  }
0x1b3: {  	_ =	swait.ge [sflag:s8], $0x3000  }
0x1b4: {  	s12 =	sld [smem:$0x7F4]  }
0x1b5: {  	[sflag:s8] =	ssyncset.done $0x0  }
0x1b6: {  	[sflag:s8] =	ssyncadd.s32 $0xFFFFD000  }
0x1b7: {  	[tilespmem:s7], [sflag:$0xA] =	stream.linear.gather [spmem:s12], $0x3000, $0x38;
	[tilespmem:$0x1CF00] =	vst v63  }
0x1b8: {  	_ =	swait.ge [sflag:s8], $0x3000  }
0x1b9: {  	s14 =	sld [smem:$0x7FB]  }
0x1ba: {  	[sflag:s8] =	ssyncset.done $0x0  }
0x1bb: {  	[sflag:s8] =	ssyncadd.s32 $0xFFFFD000  }
0x1bc: {  	[hbm4b:s14+s5] =	stream.linear.scatter [tilespmem:s7], [sflag:$0xA], $0x3000, $0x38;
	[tilespmem:$0x1CF00] =	vst v63  }
0x1bd: {  	_ =	swait.ge [sflag:s8], $0x3000  }
0x1be: {  	s15 =	sld [smem:$0x7F5]  }
0x1bf: {  	[sflag:s8] =	ssyncset.done $0x0  }
0x1c0: {  	[sflag:s8] =	ssyncadd.s32 $0xFFFFD000  }
0x1c1: {  	[tilespmem:s16], [sflag:$0xA] =	stream.linear.gather [spmem:s15], $0x3000, $0x38;
	[tilespmem:$0x1CF00] =	vst v63  }
0x1c2: {  	_ =	swait.ge [sflag:s8], $0x3000  }
0x1c3: {  	s17 =	sld [smem:$0x7FC]  }
0x1c4: {  	[sflag:s8] =	ssyncset.done $0x0  }
0x1c5: {  	[sflag:s8] =	ssyncadd.s32 $0xFFFFD000  }
0x1c6: {  	[hbm4b:s17+s5] =	stream.linear.scatter [tilespmem:s16], [sflag:$0xA], $0x3000, $0x38;
	[tilespmem:$0x1CF00] =	vst v63  }
0x1c7: {  	_ =	swait.ge [sflag:s8], $0x3000  }
0x1c8: {  	s21 =	sld [smem:$0x7F6]  }
0x1c9: {  	[sflag:s8] =	ssyncset.done $0x0  }
0x1ca: {  	[sflag:s8] =	ssyncadd.s32 $0xFFFFD000  }
0x1cb: {  	[tilespmem:s19], [sflag:$0xA] =	stream.linear.gather [spmem:s21], $0x1800, $0x38;
	[tilespmem:$0x1CF00] =	vst v63  }
0x1cc: {  	_ =	swait.ge [sflag:s8], $0x1800  }
0x1cd: {  	s23 =	sld [smem:$0x7FD]  }
0x1ce: {  	[sflag:s8] =	ssyncset.done $0x0  }
0x1cf: {  	[sflag:s8] =	ssyncadd.s32 $0xFFFFE800  }
0x1d0: {  	[hbm4b:s23+s5] =	stream.linear.scatter [tilespmem:s19], [sflag:$0xA], $0x1800, $0x38;
	[tilespmem:$0x1CF00] =	vst v63  }
0x1d1: {  	_ =	swait.ge [sflag:s8], $0x1800  }
0x1d2: {  	s6 =	sld [smem:$0x7F7]  }
0x1d3: {  	[sflag:s8] =	ssyncset.done $0x0  }
0x1d4: {  	s2 =	simm.s32 @!p0 $0x13900;
	[sflag:s8] =	ssyncadd.s32 $0xFFFFE800  }
0x1d5: {  	[tilespmem:s2], [sflag:$0xA] =	stream.linear.gather @!p0 [spmem:s6], $0x800, $0x38;
	[tilespmem:$0x1CF00] =	vst v63  }
0x1d6: {  	s6 =	simm.s32 @!p0 $0xA  }
0x1d7: {  	_ =	swait.ge @!p0 [sflag:s6], $0x800  }
0x1d8: {  	s12 =	sld [smem:$0x7F0]  }
0x1d9: {  	[sflag:s6] =	ssyncset.done @!p0 $0x0  }
0x1da: {  	s11 =	simm.s32 @!p0 $0x0;
	[sflag:s6] =	ssyncadd.s32 @!p0 $0xFFFFF800  }
0x1db: {  	[hbm4b:s12+s11] =	stream.linear.scatter @!p0 [tilespmem:s2], [sflag:$0xA], $0x800, $0x38;
	[tilespmem:$0x1CF00] =	vst v63  }
0x1dc: {  	_ =	swait.ge @!p0 [sflag:s6], $0x800  }
0x1dd: {  	s24 =	sld [smem:$0x7EF]  }
0x1de: {  	s25 =	sld [smem:$0x7F1];
	_ =	sdelay $0x1  }
0x1df: {  	s7 =	sadd.s32 $0x1, s24  }
0x1e0: {  	p1 =	sne.s32 s7, s25  }
.Ltmp2:
0x1e1: {  	s0 =	simm.s32 $0x1CA80;
	s3 =	simm.s32 $0x1CD00;
	(pc) =	sbr.rel @p1 .LBB2_1-.Ltmp2, $4  }
0x1e2: {  	s14 =	simm.s32 $0x1CA00;
	s15 =	simm.s32 $0x1CC00;
	s17 =	simm.s32 $0x1CC80  }
0x1e3: {  	s21 =	simm.s32 $0x1CE00;
	s23 =	simm.s32 $0x1CD80;
	[sflag:s6] =	ssyncset.done @!p0 $0x0  }
0x1e4: {  	s11 =	simm.s32 $0x1C900;
	s12 =	simm.s32 $0x1CE80;
	[sflag:s6] =	ssyncadd.s32 @!p0 $0xFFFFF800  }
0x1e5: {  	s6 =	simm.s32 $0x1CB80;
	s24 =	simm.s32 $0x1C980;
	s25 =	simm.s32 $0x1CB00  }
0x1e6: {  	_ =	sfence.sel $0x180000  }
0x1e7: {  	[bflag:$0x0] =	sbarrier.arrive $0xFFFF  }
0x1e8: {  	_ =	strace $0x90000047  }
0x1e9: {  	s0 =	stileid.u32;
	[bflag:$0x2] =	sbarrier.arrive $0xFFFF  }
0x1ea: {  	p0 =	sne.s32 s0, $0x0;
	s0 =	rddreg [dreg:$0x4]  }
0x1eb: {  	s0 =	sadd.s32 @!p0 $0x100000, s0  }
0x1ec: {  	[sflag:s0] =	ssyncadd.tile.s32 @!p0 $0x1;
	_ =	shalt  }
.Lfunc_end2:
_tile_overlayer_lowered:
.L_overlay_start_2:
0x1ed: {  	(tag) =	ssettag $0x2  }
0x1ee: {  	s0 =	rddreg [dreg:$0x0];
	s2 =	stileid.u32  }
0x1ef: {  	s1 =	rddreg [dreg:$0x1];
	p0 =	sne.s32 s2, $0x0  }
0x1f0: {  	s3 =	rddreg [dreg:$0x2];
	[bflag:$0x3] =	sbarrier.arrive $0xFFFF;
	s2 =	simm.s32 @!p0 $0x1C0A  }
0x1f1: {  	[timem:s3], [sflag:s2] =	dma.local @!p0 [hbm:s0], s1  }
0x1f2: {  	s0 =	simm.s32 @!p0 $0xA  }
0x1f3: {  	_ =	swait.ge @!p0 [sflag:s0], s1  }
0x1f4: {  	s1 =	ssub.s32 @!p0 $0x0, s1;
	[sflag:s0] =	ssyncset.done @!p0 $0x0  }
0x1f5: {  	[sflag:s0] =	ssyncadd.s32 @!p0 s1  }
0x1f6: {  	[bflag:$0x3] =	sbarrier.arrive $0xFFFF  }
0x1f7: {  	_ =	shalt  }

// kernel: kernel.9.cloned.1.call-start
scs
__scs_entry_jumppad:
0x0: {  	(pc) =	sbr.rel $0x88, $3  }
0x1: {  	(tag) =	ssettag $0x0;
	lr =	simm.s32 $0x1  }
0x2: {  	[smem:$0x3F8D] =	sst lr;
	_ =	strace $0xD0000000  }
0x3: {  	_ = 	snop  }
0x4: {  	_ = 	snop  }
0x5: {  	_ = 	snop  }
0x6: {  	_ = 	snop  }
0x7: {  	_ = 	snop  }
__scs_overlays_trampoline_lowered:
0x8: {  	[smem:$0x3F9C] =	sst s0  }
0x9: {  	[smem:$0x3F9D] =	sst s1  }
0xa: {  	[smem:$0x3F9E] =	sst s2  }
0xb: {  	[smem:$0x3F9F] =	sst s3  }
0xc: {  	[smem:$0x3FA0] =	sst s4  }
0xd: {  	[smem:$0x3FA1] =	sst s5  }
0xe: {  	[smem:$0x3FA2] =	sst s6  }
0xf: {  	[smem:$0x3FA3] =	sst s7  }
0x10: {  	[smem:$0x3FA4] =	sst s8  }
0x11: {  	[smem:$0x3FA5] =	sst s9;
	s0 =	simm.s32 @!p0 $0x0  }
0x12: {  	s1 =	sld [smem:$0x3F8B];
	s0 =	simm.s32 @p0 $0x1  }
0x13: {  	[smem:$0x3FA6] =	sst s0;
	s0 =	simm.s32 @!p1 $0x0  }
0x14: {  	s2 =	sld [smem:$0x3F8A];
	s0 =	simm.s32 @p1 $0x1  }
0x15: {  	[smem:$0x3FA7] =	sst s0;
	s0 =	simm.s32 @!p2 $0x0  }
0x16: {  	s3 =	sld [smem:$0x3FDB];
	s0 =	simm.s32 @p2 $0x1  }
0x17: {  	s4 =	simm.s32 $0x1BF5;
	[smem:$0x3FA9] =	sst s0  }
0x18: {  	s0 =	sld [smem:$0x3F8C];
	_ =	swait.ge [sflag:s4], $0x0  }
0x19: {  	s7 =	sld [smem:$0x3F8D]  }
0x1a: {  	s8 =	sadd.s32 $0xFFFFE003, lr  }
0x1b: {  	s9 =	sadd.s32 $0xFFFFFEF7, lr;
	s5 =	simm.s32 $0xFFFFFFFF;
	p2 =	slt.u32 s8, $0xFFFFF086  }
0x1c: {  	p1 =	slt.u32 s9, $0xF7A;
	s5 =	simm.s32 @!p2 $0x0  }
0x1d: {  	s5 =	simm.s32 @p1 $0x1;
	p0 =	seq.s32 s7, s2  }
0x1e: {  	s7 =	smul.u32 @!p0 $0xF7A, s2;
	p2 =	seq.s32 @!p0 s5, $0x0  }
0x1f: {  	s9 =	smul.u32 $0xF7A, s1;
	s8 =	simm.s32 @!p0 $0x1BF5;
	p2 =	por !p2, p0  }
0x20: {  	[sflag:s8] =	ssyncset.s32 @!p0 $0xFFFFF086;
	s6 =	sadd.s32 @!p0 s3, s7;
	s7 =	simm.s32 @!p0 $0x108  }
0x21: {  	s3 =	sadd.s32 s3, s9;
	s6 =	sadd.s32 @!p0 $0x88, s6;
	s7 =	simm.s32 @p2 $0x1082  }
0x22: {  	[simem:s7], [sflag:s8] =	dma.local @!p0 [hbm:s6], $0xF7A  }
0x23: {  	s9 =	sor.u32 $0xD0000000, s2;
	s6 =	simm.s32 $0x108;
	_ =	swait.ge @!p0 [sflag:s8], $0x0  }
0x24: {  	s3 =	sadd.s32 $0x88, s3;
	s6 =	simm.s32 @!p1 $0x1082;
	[sflag:s4] =	ssyncset.s32 $0xFFFFF086  }
0x25: {  	[simem:s6], [sflag:s4] =	dma.local [hbm:s3], $0xF7A  }
0x26: {  	[smem:$0x3F8D] =	sst s1;
	(tag) =	ssettag s2;
	_ =	strace s9  }
0x27: {  	s1 =	sld [smem:$0x3F9D]  }
0x28: {  	s2 =	sld [smem:$0x3F9E]  }
0x29: {  	s4 =	sld [smem:$0x3FA0]  }
0x2a: {  	p0 =	seq.s32 s5, $0x0;
	s5 =	sld [smem:$0x3FA1]  }
0x2b: {  	s6 =	sld [smem:$0x3FA2]  }
0x2c: {  	s7 =	sld [smem:$0x3FA3]  }
0x2d: {  	s3 =	simm.s32 $0x108;
	s8 =	sld [smem:$0x3FA4]  }
0x2e: {  	s3 =	simm.s32 @!p0 $0x1082;
	s9 =	sld [smem:$0x3FA5]  }
0x2f: {  	lr =	sadd.s32 s0, s3;
	s0 =	sld [smem:$0x3F9C]  }
0x30: {  	s3 =	sld [smem:$0x3F9F]  }
0x31: {  	[smem:$0x3FA8] =	sst s10  }
0x32: {  	s10 =	sld [smem:$0x3FA6];
	_ =	sdelay $0x3  }
0x33: {  	p0 =	seq.s32 s10, $0x1;
	s10 =	sld [smem:$0x3FA8];
	_ =	sdelay $0x3  }
0x34: {  	[smem:$0x3FA8] =	sst s10  }
0x35: {  	s10 =	sld [smem:$0x3FA7];
	_ =	sdelay $0x3  }
0x36: {  	p1 =	seq.s32 s10, $0x1;
	s10 =	sld [smem:$0x3FA8];
	_ =	sdelay $0x3  }
0x37: {  	[smem:$0x3FA8] =	sst s10  }
0x38: {  	s10 =	sld [smem:$0x3FA9]  }
0x39: {  	_ = 	snop;
	(pc) =	sbr.ind lr, $3  }
0x3a: {  	_ = 	snop  }
0x3b: {  	_ = 	snop  }
0x3c: {  	p2 =	seq.s32 s10, $0x1;
	s10 =	sld [smem:$0x3FA8]  }
0x3d: {  	_ =	shalt  }
0x3e: {  	_ =	shalt  }
0x3f: {  	_ =	shalt  }
0x40: {  	_ =	shalt  }
0x41: {  	_ =	shalt  }
0x42: {  	_ =	shalt  }
0x43: {  	_ =	shalt  }
0x44: {  	_ =	shalt  }
0x45: {  	_ =	shalt  }
0x46: {  	_ =	shalt  }
0x47: {  	_ =	shalt  }
0x48: {  	_ =	shalt  }
0x49: {  	_ =	shalt  }
0x4a: {  	_ =	shalt  }
0x4b: {  	_ =	shalt  }
0x4c: {  	_ =	shalt  }
0x4d: {  	_ =	shalt  }
0x4e: {  	_ =	shalt  }
0x4f: {  	_ =	shalt  }
0x50: {  	_ =	shalt  }
0x51: {  	_ =	shalt  }
0x52: {  	_ =	shalt  }
0x53: {  	_ =	shalt  }
0x54: {  	_ =	shalt  }
0x55: {  	_ =	shalt  }
0x56: {  	_ =	shalt  }
0x57: {  	_ =	shalt  }
0x58: {  	_ =	shalt  }
0x59: {  	_ =	shalt  }
0x5a: {  	_ =	shalt  }
0x5b: {  	_ =	shalt  }
0x5c: {  	_ =	shalt  }
0x5d: {  	_ =	shalt  }
0x5e: {  	_ =	shalt  }
0x5f: {  	_ =	shalt  }
0x60: {  	_ =	shalt  }
0x61: {  	_ =	shalt  }
0x62: {  	_ =	shalt  }
0x63: {  	_ =	shalt  }
0x64: {  	_ =	shalt  }
0x65: {  	_ =	shalt  }
0x66: {  	_ =	shalt  }
0x67: {  	_ =	shalt  }
0x68: {  	_ =	shalt  }
0x69: {  	_ =	shalt  }
0x6a: {  	_ =	shalt  }
0x6b: {  	_ =	shalt  }
0x6c: {  	_ =	shalt  }
0x6d: {  	_ =	shalt  }
0x6e: {  	_ =	shalt  }
0x6f: {  	_ =	shalt  }
0x70: {  	_ =	shalt  }
0x71: {  	_ =	shalt  }
0x72: {  	_ =	shalt  }
0x73: {  	_ =	shalt  }
0x74: {  	_ =	shalt  }
0x75: {  	_ =	shalt  }
0x76: {  	_ =	shalt  }
0x77: {  	_ =	shalt  }
0x78: {  	_ =	shalt  }
0x79: {  	_ =	shalt  }
0x7a: {  	_ =	shalt  }
0x7b: {  	_ =	shalt  }
0x7c: {  	_ =	shalt  }
0x7d: {  	_ =	shalt  }
0x7e: {  	_ =	shalt  }
0x7f: {  	_ =	shalt  }
0x80: {  	_ =	shalt  }
0x81: {  	_ =	shalt  }
0x82: {  	_ =	shalt  }
0x83: {  	_ =	shalt  }
0x84: {  	_ =	shalt  }
0x85: {  	_ =	shalt  }
0x86: {  	_ =	shalt  }
0x87: {  	_ =	shalt  }
.Lfunc_end0:
.L_simem_size_0:
called_computation.1_lowered:
.L_overlay_start_0:
0x88: {  	s2 =	sld [smem:$0x3FD9]  }
0x89: {  	s3 =	sld [smem:$0x3FFE];
	_ =	sdelay $0x1  }
0x8a: {  	s1 =	srdreg.scid  }
0x8b: {  	s0 =	sand.u32 $0x1, s1  }
0x8c: {  	s17 =	sshll.u32 s0, $0xA;
	s2 =	sadd.s32 s3, s2  }
0x8d: {  	s2 =	sadd.s32 s2, s17  }
0x8e: {  	[smem:$0x3FB4] =	sst s2  }
0x8f: {  	_ = 	snop  }
0x90: {  	s2 =	sld [smem:$0x3FD0];
	(tm) =	ssettm $0x1  }
0x91: {  	s18 =	sld [smem:$0x3FFB];
	_ =	sdelay $0x3  }
0x92: {  	_ =	strace s18  }
0x93: {  	s3 =	sld [smem:$0x3FFC];
	_ =	sdelay $0x3  }
0x94: {  	_ =	strace s3  }
0x95: {  	s3 =	sld [smem:$0x3FFD];
	_ =	sdelay $0x3  }
0x96: {  	_ =	strace s3  }
0x97: {  	_ =	strace $0x8FFFFFFF  }
0x98: {  	s19 =	sld [smem:$0x3FDB];
	_ =	sdelay $0x1  }
0x99: {  	s4 =	simm.s32 $_scs_section_size  }
0x9a: {  	s5 =	simm.s32 $_size__tile_overlayer_lowered;
	s6 =	simm.s32 $_tile_overlayer_lowered  }
0x9b: {  	s22 =	simm.s32 $0x1BFF;
	s21 =	sshll.u32 s6, $0x1;
	s3 =	sadd.s32 s4, s19  }
0x9c: {  	s7 =	simm.s32 $0x0;
	s20 =	sshll.u32 s5, $0x1;
	s5 =	sadd.s32 s21, s3  }
0x9d: {  	[timem:s7], [sflag:s22] =	dma.local [hbm:s5], s20  }
0x9e: {  	_ =	swait.ge [sflag:s22], s20  }
0x9f: {  	s4 =	ssub.s32 $0x0, s20;
	[sflag:s22] =	ssyncset.done $0x0  }
0xa0: {  	[sflag:s22] =	ssyncadd.s32 s4;
	_ =	sdelay $0x1  }
0xa1: {  	s23 =	simm.s32 $0x1B8B  }
0xa2: {  	_ =	swait.ge [sflag:s23], $0x1  }
0xa3: {  	[sflag:s23] =	ssyncset.done $0x0  }
0xa4: {  	s25 =	simm.s32 $0x1B8E;
	s24 =	sld [smem:$0x3FFE];
	[sflag:s23] =	ssyncadd.s32 $0xFFFFFFFF  }
0xa5: {  	s26 =	simm.s32 $execute0_lowered;
	[smem:$0x3FD2] =	sst s25  }
0xa6: {  	s5 =	sshll.u32 s26, $0x1;
	_ =	strace $0x80000049;
	[dreg:$0x1] =	wrdreg $0xFFFFFFFF  }
0xa7: {  	s28 =	simm.s32 $_size_execute0_lowered;
	s3 =	sadd.s32 s3, s5;
	[dreg:$0x0] =	wrdreg $0x0  }
0xa8: {  	s5 =	sshll.u32 s28, $0x1;
	[dreg:$0x2] =	wrdreg s3  }
0xa9: {  	[dreg:$0x3] =	wrdreg s5  }
0xaa: {  	[dreg:$0x4] =	wrdreg $0xC0  }
0xab: {  	_ =	task [dreg:s7], $0x5FFFF  }
0xac: {  	[dreg:$0x1] =	wrdreg $0xFFFFFFFF  }
0xad: {  	[dreg:$0x0] =	wrdreg $0x60  }
0xae: {  	[dreg:$0x2] =	wrdreg s24  }
0xaf: {  	[dreg:$0x3] =	wrdreg s2  }
0xb0: {  	[dreg:$0x4] =	wrdreg $0x0  }
0xb1: {  	[dreg:$0x5] =	wrdreg $0x9  }
0xb2: {  	_ =	task.clear_ibuf [dreg:s7], $0x6FFFF;
	_ =	strace $0x90000049  }
0xb3: {  	s29 =	simm.s32 $0x9;
	_ =	strace $0x8000004B  }
0xb4: {  	_ =	swait.ge [sflag:s29], $0x1  }
0xb5: {  	[sflag:s29] =	ssyncadd.s32 $0xFFFFFFFF  }
0xb6: {  	_ =	strace $0x9000004B  }
0xb7: {  	_ =	sfence  }
0xb8: {  	s30 =	sld [smem:$0x0];
	_ =	sdelay $0x2  }
0xb9: {  	s31 =	sshll.u32 s1, $0xD;
	s1 =	sshrl.u32 s1, $0x2  }
0xba: {  	s3 =	sand.u32 $0x4000, s31;
	s1 =	sadd.s32 s1, s30  }
0xbb: {  	s0 =	sor.u32 s3, s0;
	s1 =	sshll.u32 s1, $0x11  }
0xbc: {  	s0 =	sor.u32 s1, s0  }
0xbd: {  	s0 =	sadd.s32 $0x8F2B, s0  }
0xbe: {  	[sflag:s0] =	ssyncadd.remote.s32 $0x1  }
0xbf: {  	_ =	sfence.sel $0xFFFF  }
0xc0: {  	[dreg:$0x0] =	wrdreg $0xFFFFFFFF;
	(pc) =	sbr.abs _section_cstart, $3  }
0xc1: {  	[dreg:$0x1] =	wrdreg $0xFFFFFFFF  }
0xc2: {  	_ =	task.clear_ibuf [dreg:s7], $0x2FFFF;
	_ =	strace $0x9FFFFFFF  }
0xc3: {  	(tm) =	ssettm $0x7FFFFFFF  }
tec
execute0_lowered:
.L_overlay_start_1:
0x0: {  	(tag) =	ssettag $0x1  }
0x1: {  	s0 =	rddreg [dreg:$0x0]  }
0x2: {  	s13 =	rddreg [dreg:$0x1]  }
0x3: {  	s3 =	rddreg [dreg:$0x2];
	s1 =	srdreg.scid  }
0x4: {  	s12 =	stileid.u32;
	s4 =	simm.s32 $0x0;
	s28 =	simm.s32 $0x7  }
0x5: {  	s1 =	sand.u32 $0x1, s1;
	s2 =	sshll.u32 s12, $0x1;
	[smem:$0x7FF] =	sst s4  }
0x6: {  	s5 =	sadd.s32 $0xD400, s0;
	s16 =	sadd.s32 $0x3000, s0;
	s10 =	smul.u32 $0x2880, s1  }
0x7: {  	s2 =	sor.u32 s1, s2;
	s6 =	ssub.s32 $0x2, s1;
	s26 =	smul.u32 $0x2710, s1  }
0x8: {  	s8 =	sadd.s32 $0x34600, s0;
	s2 =	smul.u32 $0x2880, s2;
	s7 =	sshrl.u32 s6, $0x1  }
0x9: {  	_ =	strace $0x8000004A;
	s1 =	smul.u32 $0x138800, s1;
	s0 =	ssub.s32 s6, s7  }
0xa: {  	[dreg:$0xe] =	wrdreg s16;
	s2 =	sshrl.u32 s2, $0x3;
	s0 =	smax.u32 s0, $0x1  }
0xb: {  	s1 =	sshrl.u32 s1, $0x3;
	s11 =	sadd.s32 s13, s2;
	[smem:$0x7F1] =	sst s0  }
0xc: {  	s1 =	sadd.s32 s8, s1;
	s14 =	sadd.s32 s16, s2;
	[dreg:$0xf] =	wrdreg s11  }
0xd: {  	s17 =	sor.u32 $0xC, s2;
	s1 =	sadd.s32 $0x27000, s1;
	[dreg:$0x10] =	wrdreg s14  }
0xe: {  	s15 =	smul.u32 $0x5100, s12;
	s11 =	sadd.s32 s13, s17;
	[dreg:$0x1f] =	wrdreg s1  }
0xf: {  	s9 =	sadd.s32 $0x18, s2;
	s7 =	sadd.s32 s16, s17;
	[dreg:$0x11] =	wrdreg s11  }
0x10: {  	s6 =	sadd.s32 s10, s15;
	s18 =	sadd.s32 s13, s9;
	[dreg:$0x12] =	wrdreg s7  }
0x11: {  	s20 =	sadd.s32 $0x24, s2;
	s19 =	sadd.s32 s16, s9;
	[dreg:$0x13] =	wrdreg s18  }
0x12: {  	s22 =	sadd.s32 $0x30, s2;
	s21 =	sadd.s32 s13, s20;
	[dreg:$0x14] =	wrdreg s19  }
0x13: {  	s10 =	sadd.s32 $0x420, s6;
	s23 =	sadd.s32 s13, s22;
	[dreg:$0x15] =	wrdreg s21  }
0x14: {  	s24 =	sshrl.u32 s10, $0x3;
	s9 =	sadd.s32 s16, s22;
	[dreg:$0x17] =	wrdreg s23  }
0x15: {  	s2 =	sadd.s32 $0x3C, s2;
	s10 =	sadd.s32 s24, s16;
	[dreg:$0x18] =	wrdreg s9  }
0x16: {  	s29 =	simm.s32 $0x2;
	s17 =	sadd.s32 s13, s2;
	[dreg:$0x4] =	wrdreg s10  }
0x17: {  	s25 =	smul.u32 $0x270, s12;
	s2 =	sadd.s32 s16, s2;
	[dreg:$0x19] =	wrdreg s17  }
0x18: {  	s14 =	sadd.s32 $0x3C0, s6;
	s7 =	sadd.s32 s16, s20;
	[dreg:$0x1b] =	wrdreg s2  }
0x19: {  	s10 =	sshrl.u32 s14, $0x3;
	s14 =	sadd.s32 $0x240, s6;
	[dreg:$0x16] =	wrdreg s7  }
0x1a: {  	s30 =	simm.s32 $0x8;
	s7 =	sadd.s32 s24, s13;
	[smem:$0x7F2] =	sst s14  }
0x1b: {  	s9 =	sadd.s32 s25, s26;
	s15 =	sadd.s32 s10, s16;
	[dreg:$0x5] =	wrdreg s7  }
0x1c: {  	s18 =	sadd.s32 $0x360, s6;
	s10 =	sadd.s32 s10, s13;
	[dreg:$0x6] =	wrdreg s15  }
0x1d: {  	s20 =	sadd.s32 $0x300, s6;
	s9 =	sshll.u32 s9, $0x4;
	[dreg:$0x7] =	wrdreg s10  }
0x1e: {  	s11 =	sadd.s32 s8, s9;
	s9 =	sshrl.u32 s20, $0x3;
	s20 =	sadd.s32 $0x138000, s3  }
0x1f: {  	s31 =	simm.s32 $0x3;
	s7 =	sshrl.u32 s18, $0x3;
	[smem:$0x7F7] =	sst s20  }
0x20: {  	p0 =	sne.s32 s12, $0xF;
	s19 =	sadd.s32 s7, s16;
	[dreg:$0x1a] =	wrdreg s11  }
0x21: {  	s22 =	smul.u32 $0x4E000, s12;
	s7 =	sadd.s32 s7, s13;
	[dreg:$0x8] =	wrdreg s19  }
0x22: {  	s0 =	simm.s32 $0x1CD00;
	s21 =	sadd.s32 s9, s16;
	[dreg:$0x9] =	wrdreg s7  }
0x23: {  	s8 =	sshrl.u32 s22, $0x2;
	s24 =	sadd.s32 s9, s13;
	[dreg:$0xa] =	wrdreg s21  }
0x24: {  	s1 =	simm.s32 $0x1CA80;
	s8 =	sadd.s32 s8, s3;
	[dreg:$0xb] =	wrdreg s24  }
0x25: {  	s12 =	simm.s32 $0x1CE80;
	s22 =	sadd.s32 $0xC00, s11;
	[dreg:$0x1c] =	wrdreg s8  }
0x26: {  	s23 =	sadd.s32 $0x2A0, s6;
	s9 =	sadd.s32 $0x3000, s8;
	[smem:$0x7F9] =	sst s22  }
0x27: {  	s6 =	simm.s32 $0x1CB80;
	s10 =	sadd.s32 $0x6000, s8;
	[dreg:$0x1d] =	wrdreg s9  }
0x28: {  	s14 =	simm.s32 $0x1CA00;
	s15 =	sadd.s32 $0x9000, s8;
	[dreg:$0x1e] =	wrdreg s10  }
0x29: {  	s20 =	simm.s32 $0x9;
	s17 =	sadd.s32 $0xC000, s8;
	[smem:$0x7F3] =	sst s15  }
0x2a: {  	s7 =	sshrl.u32 s23, $0x3;
	s18 =	sadd.s32 $0xF000, s8;
	[smem:$0x7F4] =	sst s17  }
0x2b: {  	s19 =	sadd.s32 $0x12000, s8;
	s21 =	sadd.s32 $0x600, s11;
	[smem:$0x7F5] =	sst s18  }
0x2c: {  	s23 =	sadd.s32 $0x1200, s11;
	s24 =	sadd.s32 $0x1800, s11;
	[smem:$0x7F6] =	sst s19  }
0x2d: {  	s8 =	simm.s32 $0xA;
	s22 =	simm.s32 $0x6;
	[smem:$0x7F8] =	sst s21  }
0x2e: {  	s25 =	sadd.s32 s7, s16;
	s26 =	sadd.s32 s7, s13;
	[smem:$0x7FA] =	sst s23  }
0x2f: {  	[smem:$0x7FB] =	sst s24;
	s15 =	simm.s32 $0x1CC00;
	s24 =	simm.s32 $0x1C980  }
0x30: {  	s17 =	simm.s32 $0x1CC80;
	s23 =	simm.s32 $0x1CD80;
	s21 =	simm.s32 $0x1CE00  }
0x31: {  	s9 =	simm.s32 $0x4;
	s10 =	simm.s32 $0x60;
	s18 =	simm.s32 $0x5  }
0x32: {  	s7 =	simm.s32 $0x0;
	s19 =	simm.s32 $0x13900;
	[dreg:$0xc] =	wrdreg s25  }
0x33: {  	s16 =	simm.s32 $0x19900;
	[dreg:$0xd] =	wrdreg s26;
	s25 =	sadd.s32 $0x1E00, s11  }
0x34: {  	s26 =	sadd.s32 $0x2400, s11;
	s11 =	simm.s32 $0x1C900;
	[smem:$0x7FC] =	sst s25  }
0x35: {  	v0 =	vimm.f32 $0.0e+00;
	[smem:$0x7FD] =	sst s26;
	s25 =	simm.s32 $0x1CB00;
	s26 =	simm.s32 $0x1  }
.LBB2_1:
0x36: {  	[smem:$0x7F0] =	sst s7  }
0x37: {  	s2 =	rddreg [dreg:$0xf]  }
0x38: {  	[tilespmem:s11], [sflag:$0x4] =	stream.linear.gather [hbm4b:s2+s4], $0x60, $0x38;
	[tilespmem:$0x1CF00] =	vst v63  }
0x39: {  	s7 =	rddreg [dreg:$0x10]  }
0x3a: {  	[tilespmem:s15], [sflag:$0x4] =	stream.linear.gather [hbm4b:s7+s4], $0x60, $0x38;
	[tilespmem:$0x1CF00] =	vst v63  }
0x3b: {  	s7 =	rddreg [dreg:$0x11]  }
0x3c: {  	[tilespmem:s24], [sflag:$0x5] =	stream.linear.gather [hbm4b:s7+s4], $0x60, $0x38;
	[tilespmem:$0x1CF00] =	vst v63  }
0x3d: {  	s7 =	rddreg [dreg:$0x12]  }
0x3e: {  	[tilespmem:s17], [sflag:$0x5] =	stream.linear.gather [hbm4b:s7+s4], $0x60, $0x38;
	[tilespmem:$0x1CF00] =	vst v63  }
0x3f: {  	s7 =	rddreg [dreg:$0x13]  }
0x40: {  	[tilespmem:s14], [sflag:$0x6] =	stream.linear.gather [hbm4b:s7+s4], $0x60, $0x38;
	[tilespmem:$0x1CF00] =	vst v63  }
0x41: {  	s7 =	rddreg [dreg:$0x14]  }
0x42: {  	[tilespmem:s0], [sflag:$0x6] =	stream.linear.gather [hbm4b:s7+s4], $0x60, $0x38;
	[tilespmem:$0x1CF00] =	vst v63  }
0x43: {  	s7 =	rddreg [dreg:$0x15]  }
0x44: {  	[tilespmem:s1], [sflag:$0x7] =	stream.linear.gather [hbm4b:s7+s4], $0x60, $0x38;
	[tilespmem:$0x1CF00] =	vst v63  }
0x45: {  	s7 =	rddreg [dreg:$0x16]  }
0x46: {  	[tilespmem:s23], [sflag:$0x7] =	stream.linear.gather [hbm4b:s7+s4], $0x60, $0x38;
	[tilespmem:$0x1CF00] =	vst v63  }
0x47: {  	s7 =	rddreg [dreg:$0x17]  }
0x48: {  	[tilespmem:s25], [sflag:$0x8] =	stream.linear.gather [hbm4b:s7+s4], $0x60, $0x38;
	[tilespmem:$0x1CF00] =	vst v63  }
0x49: {  	s7 =	rddreg [dreg:$0x18]  }
0x4a: {  	[tilespmem:s21], [sflag:$0x8] =	stream.linear.gather [hbm4b:s7+s4], $0x60, $0x38;
	[tilespmem:$0x1CF00] =	vst v63  }
0x4b: {  	s7 =	rddreg [dreg:$0x19]  }
0x4c: {  	[tilespmem:s6], [sflag:$0x9] =	stream.linear.gather [hbm4b:s7+s4], $0x60, $0x38;
	[tilespmem:$0x1CF00] =	vst v63  }
0x4d: {  	s2 =	simm.s32 $0x0;
	s7 =	rddreg [dreg:$0x1b];
	s6 =	simm.s32 $0x200  }
0x4e: {  	[tilespmem:s12], [sflag:$0x9] =	stream.linear.gather [hbm4b:s7+s4], $0x60, $0x38;
	[tilespmem:$0x1CF00] =	vst v63  }
.LBB2_2:
0x4f: {  	p1 =	sne.s32 s6, $0xBE00;
	[tilespmem:s2+$0x13970] =	vst v0  }
0x50: {  	[tilespmem:s2+$0x13900] =	vst v0  }
0x51: {  	[tilespmem:s2+$0x13910] =	vst v0  }
.Ltmp0:
0x52: {  	[tilespmem:s2+$0x13920] =	vst v0;
	(pc) =	sbr.rel @p1 .LBB2_2-.Ltmp0, $4  }
0x53: {  	[tilespmem:s2+$0x13930] =	vst v0  }
0x54: {  	[tilespmem:s2+$0x13940] =	vst v0  }
0x55: {  	[tilespmem:s2+$0x13950] =	vst v0  }
0x56: {  	[tilespmem:s2+$0x13960] =	vst v0;
	s2 =	sshra.s32 s6, $0x2;
	s6 =	sadd.s32 $0x200, s6  }
0x57: {  	[tilespmem:s2+$0x13970] =	vst v0  }
0x58: {  	[tilespmem:s2+$0x13900] =	vst v0  }
0x59: {  	[tilespmem:s2+$0x13910] =	vst v0  }
0x5a: {  	[tilespmem:s2+$0x13920] =	vst v0  }
0x5b: {  	[tilespmem:s2+$0x13930] =	vst v0  }
0x5c: {  	[tilespmem:s2+$0x13940] =	vst v0  }
0x5d: {  	[tilespmem:s2+$0x13950] =	vst v0  }
0x5e: {  	[tilespmem:s2+$0x13960] =	vst v0;
	s12 =	rddreg [dreg:$0x1c]  }
0x5f: {  	[spmem:s12] =	stream.linear.scatter [tilespmem:s19], [sflag:$0xA], $0x3000, $0x38;
	[tilespmem:$0x1CF00] =	vst v63  }
0x60: {  	_ =	swait.ge [sflag:s8], $0x3000  }
0x61: {  	[sflag:s8] =	ssyncset.done $0x0  }
0x62: {  	s6 =	rddreg [dreg:$0x1d];
	[sflag:s8] =	ssyncadd.s32 $0xFFFFD000  }
0x63: {  	[spmem:s6] =	stream.linear.scatter [tilespmem:s19], [sflag:$0xA], $0x3000, $0x38;
	[tilespmem:$0x1CF00] =	vst v63  }
0x64: {  	_ =	swait.ge [sflag:s8], $0x3000  }
0x65: {  	[sflag:s8] =	ssyncset.done $0x0  }
0x66: {  	s7 =	rddreg [dreg:$0x1e];
	[sflag:s8] =	ssyncadd.s32 $0xFFFFD000  }
0x67: {  	[spmem:s7] =	stream.linear.scatter [tilespmem:s19], [sflag:$0xA], $0x3000, $0x38;
	[tilespmem:$0x1CF00] =	vst v63  }
0x68: {  	_ =	swait.ge [sflag:s8], $0x3000  }
0x69: {  	s12 =	sld [smem:$0x7F3]  }
0x6a: {  	[sflag:s8] =	ssyncset.done $0x0  }
0x6b: {  	[sflag:s8] =	ssyncadd.s32 $0xFFFFD000  }
0x6c: {  	[spmem:s12] =	stream.linear.scatter [tilespmem:s19], [sflag:$0xA], $0x3000, $0x38;
	[tilespmem:$0x1CF00] =	vst v63  }
0x6d: {  	_ =	swait.ge [sflag:s8], $0x3000  }
0x6e: {  	s6 =	sld [smem:$0x7F4]  }
0x6f: {  	[sflag:s8] =	ssyncset.done $0x0  }
0x70: {  	[sflag:s8] =	ssyncadd.s32 $0xFFFFD000  }
0x71: {  	[spmem:s6] =	stream.linear.scatter [tilespmem:s19], [sflag:$0xA], $0x3000, $0x38;
	[tilespmem:$0x1CF00] =	vst v63  }
0x72: {  	_ =	swait.ge [sflag:s8], $0x3000  }
0x73: {  	s7 =	sld [smem:$0x7F5]  }
0x74: {  	[sflag:s8] =	ssyncset.done $0x0  }
0x75: {  	[sflag:s8] =	ssyncadd.s32 $0xFFFFD000  }
0x76: {  	[spmem:s7] =	stream.linear.scatter [tilespmem:s19], [sflag:$0xA], $0x3000, $0x38;
	[tilespmem:$0x1CF00] =	vst v63  }
0x77: {  	_ =	swait.ge [sflag:s8], $0x3000  }
0x78: {  	s12 =	sld [smem:$0x7F6]  }
0x79: {  	[sflag:s8] =	ssyncset.done $0x0  }
0x7a: {  	[sflag:s8] =	ssyncadd.s32 $0xFFFFD000  }
0x7b: {  	[spmem:s12] =	stream.linear.scatter [tilespmem:s19], [sflag:$0xA], $0x1800, $0x38;
	[tilespmem:$0x1CF00] =	vst v63  }
0x7c: {  	_ =	swait.ge [sflag:s8], $0x1800  }
0x7d: {  	s6 =	sld [smem:$0x7F7]  }
0x7e: {  	[sflag:s8] =	ssyncset.done $0x0  }
0x7f: {  	s2 =	simm.s32 @!p0 $0x13900;
	[sflag:s8] =	ssyncadd.s32 $0xFFFFE800  }
0x80: {  	[spmem:s6] =	stream.linear.scatter @!p0 [tilespmem:s2], [sflag:$0xA], $0x800, $0x38;
	[tilespmem:$0x1CF00] =	vst v63  }
0x81: {  	s2 =	simm.s32 @!p0 $0xA  }
0x82: {  	_ =	swait.ge @!p0 [sflag:s2], $0x800  }
0x83: {  	[sflag:s2] =	ssyncset.done @!p0 $0x0  }
0x84: {  	[sflag:s2] =	ssyncadd.s32 @!p0 $0xFFFFF800  }
0x85: {  	_ =	swait.ge [sflag:s9], $0x60  }
0x86: {  	[sflag:s9] =	ssyncset.done $0x0  }
0x87: {  	[sflag:s9] =	ssyncadd.s32 $0xFFFFFFA0  }
0x88: {  	_ =	swait.ge [sflag:s9], $0x60  }
0x89: {  	[sflag:s9] =	ssyncset.done $0x0  }
0x8a: {  	[sflag:s9] =	ssyncadd.s32 $0xFFFFFFA0  }
0x8b: {  	[tilespmem:s19], [sflag:$0x1] =	stream.indirect.gather [hbm4b:s5+s10], $0x80, s11, s10, $0xb8;
	[tilespmem:$0x1CF00] =	vst v63  }
0x8c: {  	_ =	swait.ge [sflag:s18], $0x60  }
0x8d: {  	[sflag:s18] =	ssyncset.done $0x0  }
0x8e: {  	[sflag:s18] =	ssyncadd.s32 $0xFFFFFFA0  }
0x8f: {  	_ =	swait.ge [sflag:s18], $0x60  }
0x90: {  	[sflag:s18] =	ssyncset.done $0x0  }
0x91: {  	s7 =	simm.s32 $0x16900;
	[sflag:s18] =	ssyncadd.s32 $0xFFFFFFA0  }
0x92: {  	[tilespmem:s7], [sflag:$0x2] =	stream.indirect.gather [hbm4b:s5+s10], $0x80, s24, s10, $0xb8;
	[tilespmem:$0x1CF00] =	vst v63  }
0x93: {  	_ =	swait.ge [sflag:s22], $0x60  }
0x94: {  	[sflag:s22] =	ssyncset.done $0x0  }
0x95: {  	[sflag:s22] =	ssyncadd.s32 $0xFFFFFFA0  }
0x96: {  	_ =	swait.ge [sflag:s22], $0x60  }
0x97: {  	[sflag:s22] =	ssyncset.done $0x0  }
0x98: {  	[sflag:s22] =	ssyncadd.s32 $0xFFFFFFA0  }
0x99: {  	[tilespmem:s16], [sflag:$0x3] =	stream.indirect.gather [hbm4b:s5+s10], $0x80, s14, s10, $0xb8;
	[tilespmem:$0x1CF00] =	vst v63  }
0x9a: {  	[bflag:$0x0] =	sbarrier.arrive $0xFFFF  }
0x9b: {  	_ =	swait.ge [sflag:s26], $0x3000  }
0x9c: {  	[sflag:s26] =	ssyncset.done $0x0  }
0x9d: {  	[sflag:s26] =	ssyncadd.s32 $0xFFFFD000  }
0x9e: {  	[spmem:s3] =	stream.indirect.scatter.add.f32 [tilespmem:s19], [sflag:$0xA], $0x80, s15, s10, $0xb8;
	[tilespmem:$0x1CF00] =	vst v63  }
0x9f: {  	_ =	swait.ge [sflag:s8], $0x3000  }
0xa0: {  	[sflag:s8] =	ssyncset.done $0x0  }
0xa1: {  	[sflag:s8] =	ssyncadd.s32 $0xFFFFD000  }
0xa2: {  	_ =	swait.ge [sflag:s28], $0x60  }
0xa3: {  	[sflag:s28] =	ssyncset.done $0x0  }
0xa4: {  	[sflag:s28] =	ssyncadd.s32 $0xFFFFFFA0  }
0xa5: {  	_ =	swait.ge [sflag:s28], $0x60  }
0xa6: {  	[sflag:s28] =	ssyncset.done $0x0;
	s12 =	sld [smem:$0x7F2]  }
0xa7: {  	[sflag:s28] =	ssyncadd.s32 $0xFFFFFFA0  }
0xa8: {  	[tilespmem:s19], [sflag:$0x1] =	stream.indirect.gather [hbm4b:s5+s10], $0x80, s1, s10, $0xb8;
	[tilespmem:$0x1CF00] =	vst v63  }
0xa9: {  	s2 =	sshrl.u32 s12, $0x3  }
0xaa: {  	s6 =	sadd.s32 s13, s2  }
0xab: {  	[tilespmem:s11], [sflag:$0x4] =	stream.linear.gather [hbm4b:s6+s4], $0x60, $0x38;
	[tilespmem:$0x1CF00] =	vst v63  }
0xac: {  	s6 =	rddreg [dreg:$0xe]  }
0xad: {  	s2 =	sadd.s32 s6, s2  }
0xae: {  	[tilespmem:s15], [sflag:$0x4] =	stream.linear.gather [hbm4b:s2+s4], $0x60, $0x38;
	[tilespmem:$0x1CF00] =	vst v63  }
0xaf: {  	_ =	swait.ge [sflag:s29], $0x3000  }
0xb0: {  	[sflag:s29] =	ssyncset.done $0x0  }
0xb1: {  	[sflag:s29] =	ssyncadd.s32 $0xFFFFD000  }
0xb2: {  	[spmem:s3] =	stream.indirect.scatter.add.f32 [tilespmem:s7], [sflag:$0xA], $0x80, s17, s10, $0xb8;
	[tilespmem:$0x1CF00] =	vst v63  }
0xb3: {  	_ =	swait.ge [sflag:s8], $0x3000  }
0xb4: {  	[sflag:s8] =	ssyncset.done $0x0  }
0xb5: {  	[sflag:s8] =	ssyncadd.s32 $0xFFFFD000  }
0xb6: {  	_ =	swait.ge [sflag:s30], $0x60  }
0xb7: {  	[sflag:s30] =	ssyncset.done $0x0  }
0xb8: {  	[sflag:s30] =	ssyncadd.s32 $0xFFFFFFA0  }
0xb9: {  	_ =	swait.ge [sflag:s30], $0x60  }
0xba: {  	[sflag:s30] =	ssyncset.done $0x0  }
0xbb: {  	s6 =	rddreg [dreg:$0xd];
	[sflag:s30] =	ssyncadd.s32 $0xFFFFFFA0  }
0xbc: {  	[tilespmem:s7], [sflag:$0x2] =	stream.indirect.gather [hbm4b:s5+s10], $0x80, s25, s10, $0xb8;
	[tilespmem:$0x1CF00] =	vst v63  }
0xbd: {  	s15 =	rddreg [dreg:$0xc];
	s2 =	sadd.s32 $0x0, s6  }
0xbe: {  	[tilespmem:s24], [sflag:$0x5] =	stream.linear.gather [hbm4b:s2+s4], $0x60, $0x38;
	[tilespmem:$0x1CF00] =	vst v63  }
0xbf: {  	s15 =	sadd.s32 $0x0, s15  }
0xc0: {  	[tilespmem:s17], [sflag:$0x5] =	stream.linear.gather [hbm4b:s15+s4], $0x60, $0x38;
	[tilespmem:$0x1CF00] =	vst v63  }
0xc1: {  	_ =	swait.ge [sflag:s31], $0x3000  }
0xc2: {  	[sflag:s31] =	ssyncset.done $0x0  }
0xc3: {  	[sflag:s31] =	ssyncadd.s32 $0xFFFFD000  }
0xc4: {  	[spmem:s3] =	stream.indirect.scatter.add.f32 [tilespmem:s16], [sflag:$0xA], $0x80, s0, s10, $0xb8;
	[tilespmem:$0x1CF00] =	vst v63  }
0xc5: {  	_ =	swait.ge [sflag:s8], $0x3000  }
0xc6: {  	[sflag:s8] =	ssyncset.done $0x0  }
0xc7: {  	[sflag:s8] =	ssyncadd.s32 $0xFFFFD000  }
0xc8: {  	_ =	swait.ge [sflag:s20], $0x60  }
0xc9: {  	[sflag:s20] =	ssyncset.done $0x0  }
0xca: {  	[sflag:s20] =	ssyncadd.s32 $0xFFFFFFA0  }
0xcb: {  	_ =	swait.ge [sflag:s20], $0x60  }
0xcc: {  	[sflag:s20] =	ssyncset.done $0x0  }
0xcd: {  	s15 =	simm.s32 $0x1CB80;
	s6 =	rddreg [dreg:$0xb];
	[sflag:s20] =	ssyncadd.s32 $0xFFFFFFA0  }
0xce: {  	[tilespmem:s16], [sflag:$0x3] =	stream.indirect.gather [hbm4b:s5+s10], $0x80, s15, s10, $0xb8;
	[tilespmem:$0x1CF00] =	vst v63  }
0xcf: {  	s17 =	rddreg [dreg:$0xa];
	s2 =	sadd.s32 $0x0, s6  }
0xd0: {  	[tilespmem:s14], [sflag:$0x6] =	stream.linear.gather [hbm4b:s2+s4], $0x60, $0x38;
	[tilespmem:$0x1CF00] =	vst v63  }
0xd1: {  	s6 =	sadd.s32 $0x0, s17  }
0xd2: {  	[tilespmem:s0], [sflag:$0x6] =	stream.linear.gather [hbm4b:s6+s4], $0x60, $0x38;
	[tilespmem:$0x1CF00] =	vst v63  }
0xd3: {  	_ =	swait.ge [sflag:s26], $0x3000  }
0xd4: {  	[sflag:s26] =	ssyncset.done $0x0  }
0xd5: {  	[sflag:s26] =	ssyncadd.s32 $0xFFFFD000  }
0xd6: {  	[spmem:s3] =	stream.indirect.scatter.add.f32 [tilespmem:s19], [sflag:$0xA], $0x80, s23, s10, $0xb8;
	[tilespmem:$0x1CF00] =	vst v63  }
0xd7: {  	_ =	swait.ge [sflag:s8], $0x3000  }
0xd8: {  	[sflag:s8] =	ssyncset.done $0x0  }
0xd9: {  	[sflag:s8] =	ssyncadd.s32 $0xFFFFD000  }
0xda: {  	_ =	swait.ge [sflag:s9], $0x60  }
0xdb: {  	[sflag:s9] =	ssyncset.done $0x0  }
0xdc: {  	[sflag:s9] =	ssyncadd.s32 $0xFFFFFFA0  }
0xdd: {  	_ =	swait.ge [sflag:s9], $0x60  }
0xde: {  	[sflag:s9] =	ssyncset.done $0x0  }
0xdf: {  	s17 =	rddreg [dreg:$0x9];
	[sflag:s9] =	ssyncadd.s32 $0xFFFFFFA0  }
0xe0: {  	[tilespmem:s19], [sflag:$0x1] =	stream.indirect.gather [hbm4b:s5+s10], $0x80, s11, s10, $0xb8;
	[tilespmem:$0x1CF00] =	vst v63  }
0xe1: {  	s0 =	rddreg [dreg:$0x8];
	s2 =	sadd.s32 $0x0, s17  }
0xe2: {  	[tilespmem:s1], [sflag:$0x7] =	stream.linear.gather [hbm4b:s2+s4], $0x60, $0x38;
	[tilespmem:$0x1CF00] =	vst v63  }
0xe3: {  	s1 =	sadd.s32 $0x0, s0  }
0xe4: {  	[tilespmem:s23], [sflag:$0x7] =	stream.linear.gather [hbm4b:s1+s4], $0x60, $0x38;
	[tilespmem:$0x1CF00] =	vst v63  }
0xe5: {  	_ =	swait.ge [sflag:s29], $0x3000  }
0xe6: {  	[sflag:s29] =	ssyncset.done $0x0  }
0xe7: {  	[sflag:s29] =	ssyncadd.s32 $0xFFFFD000  }
0xe8: {  	[spmem:s3] =	stream.indirect.scatter.add.f32 [tilespmem:s7], [sflag:$0xA], $0x80, s21, s10, $0xb8;
	[tilespmem:$0x1CF00] =	vst v63  }
0xe9: {  	_ =	swait.ge [sflag:s8], $0x3000  }
0xea: {  	[sflag:s8] =	ssyncset.done $0x0  }
0xeb: {  	[sflag:s8] =	ssyncadd.s32 $0xFFFFD000  }
0xec: {  	_ =	swait.ge [sflag:s18], $0x60  }
0xed: {  	[sflag:s18] =	ssyncset.done $0x0  }
0xee: {  	[sflag:s18] =	ssyncadd.s32 $0xFFFFFFA0  }
0xef: {  	_ =	swait.ge [sflag:s18], $0x60  }
0xf0: {  	[sflag:s18] =	ssyncset.done $0x0  }
0xf1: {  	s6 =	rddreg [dreg:$0x7];
	[sflag:s18] =	ssyncadd.s32 $0xFFFFFFA0  }
0xf2: {  	[tilespmem:s7], [sflag:$0x2] =	stream.indirect.gather [hbm4b:s5+s10], $0x80, s24, s10, $0xb8;
	[tilespmem:$0x1CF00] =	vst v63  }
0xf3: {  	s11 =	rddreg [dreg:$0x6];
	s2 =	sadd.s32 $0x0, s6  }
0xf4: {  	[tilespmem:s25], [sflag:$0x8] =	stream.linear.gather [hbm4b:s2+s4], $0x60, $0x38;
	[tilespmem:$0x1CF00] =	vst v63  }
0xf5: {  	s17 =	sadd.s32 $0x0, s11  }
0xf6: {  	[tilespmem:s21], [sflag:$0x8] =	stream.linear.gather [hbm4b:s17+s4], $0x60, $0x38;
	[tilespmem:$0x1CF00] =	vst v63  }
0xf7: {  	_ =	swait.ge [sflag:s31], $0x3000  }
0xf8: {  	[sflag:s31] =	ssyncset.done $0x0  }
0xf9: {  	s23 =	simm.s32 $0x1CE80;
	[sflag:s31] =	ssyncadd.s32 $0xFFFFD000  }
0xfa: {  	[spmem:s3] =	stream.indirect.scatter.add.f32 [tilespmem:s16], [sflag:$0xA], $0x80, s23, s10, $0xb8;
	[tilespmem:$0x1CF00] =	vst v63  }
0xfb: {  	_ =	swait.ge [sflag:s8], $0x3000  }
0xfc: {  	[sflag:s8] =	ssyncset.done $0x0  }
0xfd: {  	[sflag:s8] =	ssyncadd.s32 $0xFFFFD000  }
0xfe: {  	_ =	swait.ge [sflag:s22], $0x60  }
0xff: {  	[sflag:s22] =	ssyncset.done $0x0  }
0x100: {  	[sflag:s22] =	ssyncadd.s32 $0xFFFFFFA0  }
0x101: {  	_ =	swait.ge [sflag:s22], $0x60  }
0x102: {  	[sflag:s22] =	ssyncset.done $0x0  }
0x103: {  	s24 =	rddreg [dreg:$0x5];
	[sflag:s22] =	ssyncadd.s32 $0xFFFFFFA0  }
0x104: {  	[tilespmem:s16], [sflag:$0x3] =	stream.indirect.gather [hbm4b:s5+s10], $0x80, s14, s10, $0xb8;
	[tilespmem:$0x1CF00] =	vst v63  }
0x105: {  	s25 =	rddreg [dreg:$0x4];
	s2 =	sadd.s32 $0x0, s24  }
0x106: {  	[tilespmem:s15], [sflag:$0x9] =	stream.linear.gather [hbm4b:s2+s4], $0x60, $0x38;
	[tilespmem:$0x1CF00] =	vst v63  }
0x107: {  	s6 =	sadd.s32 $0x240, s12;
	s11 =	sadd.s32 $0x0, s25;
	s2 =	simm.s32 $0x48  }
.LBB2_4:
0x108: {  	s24 =	simm.s32 $0x1CE80  }
0x109: {  	[tilespmem:s24], [sflag:$0x9] =	stream.linear.gather [hbm4b:s11+s4], $0x60, $0x38;
	[tilespmem:$0x1CF00] =	vst v63  }
0x10a: {  	_ =	swait.ge [sflag:s26], $0x3000  }
0x10b: {  	[sflag:s26] =	ssyncset.done $0x0  }
0x10c: {  	s0 =	simm.s32 $0x1CC00;
	[sflag:s26] =	ssyncadd.s32 $0xFFFFD000  }
0x10d: {  	[spmem:s3] =	stream.indirect.scatter.add.f32 [tilespmem:s19], [sflag:$0xA], $0x80, s0, s10, $0xb8;
	[tilespmem:$0x1CF00] =	vst v63  }
0x10e: {  	_ =	swait.ge [sflag:s8], $0x3000  }
0x10f: {  	[sflag:s8] =	ssyncset.done $0x0  }
0x110: {  	[sflag:s8] =	ssyncadd.s32 $0xFFFFD000  }
0x111: {  	_ =	swait.ge [sflag:s28], $0x60  }
0x112: {  	[sflag:s28] =	ssyncset.done $0x0  }
0x113: {  	[sflag:s28] =	ssyncadd.s32 $0xFFFFFFA0  }
0x114: {  	_ =	swait.ge [sflag:s28], $0x60  }
0x115: {  	[sflag:s28] =	ssyncset.done $0x0  }
0x116: {  	s12 =	sshrl.u32 s6, $0x3;
	s15 =	simm.s32 $0x1CA80;
	[sflag:s28] =	ssyncadd.s32 $0xFFFFFFA0  }
0x117: {  	[tilespmem:s19], [sflag:$0x1] =	stream.indirect.gather [hbm4b:s5+s10], $0x80, s15, s10, $0xb8;
	[tilespmem:$0x1CF00] =	vst v63  }
0x118: {  	s25 =	simm.s32 $0x1C900;
	s23 =	sadd.s32 s13, s12;
	s1 =	rddreg [dreg:$0xe]  }
0x119: {  	[tilespmem:s25], [sflag:$0x4] =	stream.linear.gather [hbm4b:s23+s4], $0x60, $0x38;
	[tilespmem:$0x1CF00] =	vst v63  }
0x11a: {  	s12 =	sadd.s32 s1, s12  }
0x11b: {  	[tilespmem:s0], [sflag:$0x4] =	stream.linear.gather [hbm4b:s12+s4], $0x60, $0x38;
	[tilespmem:$0x1CF00] =	vst v63  }
0x11c: {  	_ =	swait.ge [sflag:s29], $0x3000  }
0x11d: {  	[sflag:s29] =	ssyncset.done $0x0  }
0x11e: {  	s1 =	simm.s32 $0x1CC80;
	[sflag:s29] =	ssyncadd.s32 $0xFFFFD000  }
0x11f: {  	[spmem:s3] =	stream.indirect.scatter.add.f32 [tilespmem:s7], [sflag:$0xA], $0x80, s1, s10, $0xb8;
	[tilespmem:$0x1CF00] =	vst v63  }
0x120: {  	_ =	swait.ge [sflag:s8], $0x3000  }
0x121: {  	[sflag:s8] =	ssyncset.done $0x0  }
0x122: {  	[sflag:s8] =	ssyncadd.s32 $0xFFFFD000  }
0x123: {  	_ =	swait.ge [sflag:s30], $0x60  }
0x124: {  	[sflag:s30] =	ssyncset.done $0x0  }
0x125: {  	[sflag:s30] =	ssyncadd.s32 $0xFFFFFFA0  }
0x126: {  	_ =	swait.ge [sflag:s30], $0x60  }
0x127: {  	s21 =	simm.s32 $0x1CB00;
	[sflag:s30] =	ssyncset.done $0x0  }
0x128: {  	s11 =	smov.u32 s2;
	s17 =	rddreg [dreg:$0xd];
	[sflag:s30] =	ssyncadd.s32 $0xFFFFFFA0  }
0x129: {  	[tilespmem:s7], [sflag:$0x2] =	stream.indirect.gather [hbm4b:s5+s10], $0x80, s21, s10, $0xb8;
	[tilespmem:$0x1CF00] =	vst v63  }
0x12a: {  	s0 =	simm.s32 $0x1C980;
	s23 =	rddreg [dreg:$0xc];
	s12 =	sadd.s32 s11, s17  }
0x12b: {  	[tilespmem:s0], [sflag:$0x5] =	stream.linear.gather [hbm4b:s12+s4], $0x60, $0x38;
	[tilespmem:$0x1CF00] =	vst v63  }
0x12c: {  	s17 =	sadd.s32 s11, s23  }
0x12d: {  	[tilespmem:s1], [sflag:$0x5] =	stream.linear.gather [hbm4b:s17+s4], $0x60, $0x38;
	[tilespmem:$0x1CF00] =	vst v63  }
0x12e: {  	_ =	swait.ge [sflag:s31], $0x3000  }
0x12f: {  	[sflag:s31] =	ssyncset.done $0x0  }
0x130: {  	s1 =	simm.s32 $0x1CD00;
	[sflag:s31] =	ssyncadd.s32 $0xFFFFD000  }
0x131: {  	[spmem:s3] =	stream.indirect.scatter.add.f32 [tilespmem:s16], [sflag:$0xA], $0x80, s1, s10, $0xb8;
	[tilespmem:$0x1CF00] =	vst v63  }
0x132: {  	_ =	swait.ge [sflag:s8], $0x3000  }
0x133: {  	[sflag:s8] =	ssyncset.done $0x0  }
0x134: {  	[sflag:s8] =	ssyncadd.s32 $0xFFFFD000  }
0x135: {  	_ =	swait.ge [sflag:s20], $0x60  }
0x136: {  	[sflag:s20] =	ssyncset.done $0x0  }
0x137: {  	[sflag:s20] =	ssyncadd.s32 $0xFFFFFFA0  }
0x138: {  	_ =	swait.ge [sflag:s20], $0x60  }
0x139: {  	s14 =	smov.u32 s13;
	[sflag:s20] =	ssyncset.done $0x0  }
0x13a: {  	s17 =	simm.s32 $0x1CB80;
	s23 =	rddreg [dreg:$0xb];
	[sflag:s20] =	ssyncadd.s32 $0xFFFFFFA0  }
0x13b: {  	[tilespmem:s16], [sflag:$0x3] =	stream.indirect.gather [hbm4b:s5+s10], $0x80, s17, s10, $0xb8;
	[tilespmem:$0x1CF00] =	vst v63  }
0x13c: {  	s13 =	rddreg [dreg:$0xa];
	s12 =	sadd.s32 s11, s23;
	s23 =	simm.s32 $0x1CA00  }
0x13d: {  	[tilespmem:s23], [sflag:$0x6] =	stream.linear.gather [hbm4b:s12+s4], $0x60, $0x38;
	[tilespmem:$0x1CF00] =	vst v63  }
0x13e: {  	s13 =	sadd.s32 s11, s13  }
0x13f: {  	[tilespmem:s1], [sflag:$0x6] =	stream.linear.gather [hbm4b:s13+s4], $0x60, $0x38;
	[tilespmem:$0x1CF00] =	vst v63  }
0x140: {  	_ =	swait.ge [sflag:s26], $0x3000  }
0x141: {  	[sflag:s26] =	ssyncset.done $0x0  }
0x142: {  	s1 =	simm.s32 $0x1CD80;
	[sflag:s26] =	ssyncadd.s32 $0xFFFFD000  }
0x143: {  	[spmem:s3] =	stream.indirect.scatter.add.f32 [tilespmem:s19], [sflag:$0xA], $0x80, s1, s10, $0xb8;
	[tilespmem:$0x1CF00] =	vst v63  }
0x144: {  	_ =	swait.ge [sflag:s8], $0x3000  }
0x145: {  	[sflag:s8] =	ssyncset.done $0x0  }
0x146: {  	[sflag:s8] =	ssyncadd.s32 $0xFFFFD000  }
0x147: {  	_ =	swait.ge [sflag:s9], $0x60  }
0x148: {  	[sflag:s9] =	ssyncset.done $0x0  }
0x149: {  	[sflag:s9] =	ssyncadd.s32 $0xFFFFFFA0  }
0x14a: {  	_ =	swait.ge [sflag:s9], $0x60  }
0x14b: {  	[sflag:s9] =	ssyncset.done $0x0  }
0x14c: {  	s12 =	rddreg [dreg:$0x9];
	[sflag:s9] =	ssyncadd.s32 $0xFFFFFFA0  }
0x14d: {  	[tilespmem:s19], [sflag:$0x1] =	stream.indirect.gather [hbm4b:s5+s10], $0x80, s25, s10, $0xb8;
	[tilespmem:$0x1CF00] =	vst v63  }
0x14e: {  	s13 =	rddreg [dreg:$0x8];
	s12 =	sadd.s32 s11, s12  }
0x14f: {  	[tilespmem:s15], [sflag:$0x7] =	stream.linear.gather [hbm4b:s12+s4], $0x60, $0x38;
	[tilespmem:$0x1CF00] =	vst v63  }
0x150: {  	s25 =	sadd.s32 s11, s13  }
0x151: {  	[tilespmem:s1], [sflag:$0x7] =	stream.linear.gather [hbm4b:s25+s4], $0x60, $0x38;
	[tilespmem:$0x1CF00] =	vst v63  }
0x152: {  	_ =	swait.ge [sflag:s29], $0x3000  }
0x153: {  	[sflag:s29] =	ssyncset.done $0x0  }
0x154: {  	s1 =	simm.s32 $0x1CE00;
	[sflag:s29] =	ssyncadd.s32 $0xFFFFD000  }
0x155: {  	[spmem:s3] =	stream.indirect.scatter.add.f32 [tilespmem:s7], [sflag:$0xA], $0x80, s1, s10, $0xb8;
	[tilespmem:$0x1CF00] =	vst v63  }
0x156: {  	_ =	swait.ge [sflag:s8], $0x3000  }
0x157: {  	[sflag:s8] =	ssyncset.done $0x0  }
0x158: {  	[sflag:s8] =	ssyncadd.s32 $0xFFFFD000  }
0x159: {  	_ =	swait.ge [sflag:s18], $0x60  }
0x15a: {  	[sflag:s18] =	ssyncset.done $0x0  }
0x15b: {  	[sflag:s18] =	ssyncadd.s32 $0xFFFFFFA0  }
0x15c: {  	_ =	swait.ge [sflag:s18], $0x60  }
0x15d: {  	[sflag:s18] =	ssyncset.done $0x0  }
0x15e: {  	s13 =	rddreg [dreg:$0x7];
	[sflag:s18] =	ssyncadd.s32 $0xFFFFFFA0  }
0x15f: {  	[tilespmem:s7], [sflag:$0x2] =	stream.indirect.gather [hbm4b:s5+s10], $0x80, s0, s10, $0xb8;
	[tilespmem:$0x1CF00] =	vst v63  }
0x160: {  	s15 =	rddreg [dreg:$0x6];
	s12 =	sadd.s32 s11, s13  }
0x161: {  	[tilespmem:s21], [sflag:$0x8] =	stream.linear.gather [hbm4b:s12+s4], $0x60, $0x38;
	[tilespmem:$0x1CF00] =	vst v63  }
0x162: {  	s21 =	sadd.s32 s11, s15  }
0x163: {  	[tilespmem:s1], [sflag:$0x8] =	stream.linear.gather [hbm4b:s21+s4], $0x60, $0x38;
	[tilespmem:$0x1CF00] =	vst v63  }
0x164: {  	_ =	swait.ge [sflag:s31], $0x3000  }
0x165: {  	[sflag:s31] =	ssyncset.done $0x0  }
0x166: {  	[sflag:s31] =	ssyncadd.s32 $0xFFFFD000  }
0x167: {  	[spmem:s3] =	stream.indirect.scatter.add.f32 [tilespmem:s16], [sflag:$0xA], $0x80, s24, s10, $0xb8;
	[tilespmem:$0x1CF00] =	vst v63  }
0x168: {  	_ =	swait.ge [sflag:s8], $0x3000  }
0x169: {  	[sflag:s8] =	ssyncset.done $0x0  }
0x16a: {  	[sflag:s8] =	ssyncadd.s32 $0xFFFFD000  }
0x16b: {  	_ =	swait.ge [sflag:s22], $0x60  }
0x16c: {  	[sflag:s22] =	ssyncset.done $0x0  }
0x16d: {  	p1 =	sne.s32 s2, $0x4C8;
	[sflag:s22] =	ssyncadd.s32 $0xFFFFFFA0  }
0x16e: {  	s6 =	sadd.s32 $0x240, s6;
	s2 =	sadd.s32 $0x48, s2;
	_ =	swait.ge [sflag:s22], $0x60  }
.Ltmp1:
0x16f: {  	[sflag:s22] =	ssyncset.done $0x0;
	s24 =	rddreg [dreg:$0x5];
	(pc) =	sbr.rel @p1 .LBB2_4-.Ltmp1, $4  }
0x170: {  	s13 =	smov.u32 s14;
	s25 =	rddreg [dreg:$0x4];
	[sflag:s22] =	ssyncadd.s32 $0xFFFFFFA0  }
0x171: {  	[tilespmem:s16], [sflag:$0x3] =	stream.indirect.gather [hbm4b:s5+s10], $0x80, s23, s10, $0xb8;
	[tilespmem:$0x1CF00] =	vst v63  }
0x172: {  	s21 =	simm.s32 $0x1CE80;
	s12 =	sadd.s32 s11, s24;
	s11 =	sadd.s32 s11, s25  }
0x173: {  	[tilespmem:s17], [sflag:$0x9] =	stream.linear.gather [hbm4b:s12+s4], $0x60, $0x38;
	[tilespmem:$0x1CF00] =	vst v63  }
0x174: {  	[tilespmem:s21], [sflag:$0x9] =	stream.linear.gather [hbm4b:s11+s4], $0x60, $0x38;
	[tilespmem:$0x1CF00] =	vst v63  }
0x175: {  	_ =	swait.ge [sflag:s28], $0x60  }
0x176: {  	[sflag:s28] =	ssyncset.done $0x0  }
0x177: {  	[sflag:s28] =	ssyncadd.s32 $0xFFFFFFA0  }
0x178: {  	_ =	swait.ge [sflag:s28], $0x60  }
0x179: {  	[sflag:s28] =	ssyncset.done $0x0  }
0x17a: {  	[sflag:s28] =	ssyncadd.s32 $0xFFFFFFA0  }
0x17b: {  	_ =	swait.ge [sflag:s26], $0x3000  }
0x17c: {  	[sflag:s26] =	ssyncset.done $0x0  }
0x17d: {  	[sflag:s26] =	ssyncadd.s32 $0xFFFFD000  }
0x17e: {  	_ =	swait.ge [sflag:s30], $0x60  }
0x17f: {  	[sflag:s30] =	ssyncset.done $0x0  }
0x180: {  	[sflag:s30] =	ssyncadd.s32 $0xFFFFFFA0  }
0x181: {  	_ =	swait.ge [sflag:s30], $0x60  }
0x182: {  	[sflag:s30] =	ssyncset.done $0x0  }
0x183: {  	[sflag:s30] =	ssyncadd.s32 $0xFFFFFFA0  }
0x184: {  	_ =	swait.ge [sflag:s29], $0x3000  }
0x185: {  	[sflag:s29] =	ssyncset.done $0x0  }
0x186: {  	[sflag:s29] =	ssyncadd.s32 $0xFFFFD000  }
0x187: {  	_ =	swait.ge [sflag:s20], $0x60  }
0x188: {  	[sflag:s20] =	ssyncset.done $0x0  }
0x189: {  	[sflag:s20] =	ssyncadd.s32 $0xFFFFFFA0  }
0x18a: {  	_ =	swait.ge [sflag:s20], $0x60  }
0x18b: {  	[sflag:s20] =	ssyncset.done $0x0  }
0x18c: {  	[sflag:s20] =	ssyncadd.s32 $0xFFFFFFA0  }
0x18d: {  	_ =	swait.ge [sflag:s31], $0x3000  }
0x18e: {  	[sflag:s31] =	ssyncset.done $0x0  }
0x18f: {  	[sflag:s31] =	ssyncadd.s32 $0xFFFFD000  }
0x190: {  	[bflag:$0x0] =	sbarrier.arrive $0xFFFF  }
0x191: {  	s2 =	rddreg [dreg:$0x1c]  }
0x192: {  	[tilespmem:s19], [sflag:$0xA] =	stream.linear.gather [spmem:s2], $0x3000, $0x38;
	[tilespmem:$0x1CF00] =	vst v63  }
0x193: {  	_ =	swait.ge [sflag:s8], $0x3000  }
0x194: {  	[sflag:s8] =	ssyncset.done $0x0  }
0x195: {  	s23 =	rddreg [dreg:$0x1a];
	[sflag:s8] =	ssyncadd.s32 $0xFFFFD000  }
0x196: {  	[hbm4b:s23+s4] =	stream.linear.scatter [tilespmem:s19], [sflag:$0xA], $0x3000, $0x38;
	[tilespmem:$0x1CF00] =	vst v63  }
0x197: {  	_ =	swait.ge [sflag:s8], $0x3000  }
0x198: {  	[sflag:s8] =	ssyncset.done $0x0  }
0x199: {  	s24 =	rddreg [dreg:$0x1d];
	[sflag:s8] =	ssyncadd.s32 $0xFFFFD000  }
0x19a: {  	[tilespmem:s7], [sflag:$0xA] =	stream.linear.gather [spmem:s24], $0x3000, $0x38;
	[tilespmem:$0x1CF00] =	vst v63  }
0x19b: {  	_ =	swait.ge [sflag:s8], $0x3000  }
0x19c: {  	s25 =	sld [smem:$0x7F8]  }
0x19d: {  	[sflag:s8] =	ssyncset.done $0x0  }
0x19e: {  	[sflag:s8] =	ssyncadd.s32 $0xFFFFD000  }
0x19f: {  	[hbm4b:s25+s4] =	stream.linear.scatter [tilespmem:s7], [sflag:$0xA], $0x3000, $0x38;
	[tilespmem:$0x1CF00] =	vst v63  }
0x1a0: {  	_ =	swait.ge [sflag:s8], $0x3000  }
0x1a1: {  	[sflag:s8] =	ssyncset.done $0x0  }
0x1a2: {  	s0 =	rddreg [dreg:$0x1e];
	[sflag:s8] =	ssyncadd.s32 $0xFFFFD000  }
0x1a3: {  	[tilespmem:s16], [sflag:$0xA] =	stream.linear.gather [spmem:s0], $0x3000, $0x38;
	[tilespmem:$0x1CF00] =	vst v63  }
0x1a4: {  	_ =	swait.ge [sflag:s8], $0x3000  }
0x1a5: {  	s1 =	sld [smem:$0x7F9]  }
0x1a6: {  	[sflag:s8] =	ssyncset.done $0x0  }
0x1a7: {  	[sflag:s8] =	ssyncadd.s32 $0xFFFFD000  }
0x1a8: {  	[hbm4b:s1+s4] =	stream.linear.scatter [tilespmem:s16], [sflag:$0xA], $0x3000, $0x38;
	[tilespmem:$0x1CF00] =	vst v63  }
0x1a9: {  	_ =	swait.ge [sflag:s8], $0x3000  }
0x1aa: {  	s6 =	sld [smem:$0x7F3]  }
0x1ab: {  	[sflag:s8] =	ssyncset.done $0x0  }
0x1ac: {  	[sflag:s8] =	ssyncadd.s32 $0xFFFFD000  }
0x1ad: {  	[tilespmem:s19], [sflag:$0xA] =	stream.linear.gather [spmem:s6], $0x3000, $0x38;
	[tilespmem:$0x1CF00] =	vst v63  }
0x1ae: {  	_ =	swait.ge [sflag:s8], $0x3000  }
0x1af: {  	s11 =	sld [smem:$0x7FA]  }
0x1b0: {  	[sflag:s8] =	ssyncset.done $0x0  }
0x1b1: {  	[sflag:s8] =	ssyncadd.s32 $0xFFFFD000  }
0x1b2: {  	[hbm4b:s11+s4] =	stream.linear.scatter [tilespmem:s19], [sflag:$0xA], $0x3000, $0x38;
	[tilespmem:$0x1CF00] =	vst v63  }
0x1b3: {  	_ =	swait.ge [sflag:s8], $0x3000  }
0x1b4: {  	s12 =	sld [smem:$0x7F4]  }
0x1b5: {  	[sflag:s8] =	ssyncset.done $0x0  }
0x1b6: {  	[sflag:s8] =	ssyncadd.s32 $0xFFFFD000  }
0x1b7: {  	[tilespmem:s7], [sflag:$0xA] =	stream.linear.gather [spmem:s12], $0x3000, $0x38;
	[tilespmem:$0x1CF00] =	vst v63  }
0x1b8: {  	_ =	swait.ge [sflag:s8], $0x3000  }
0x1b9: {  	s14 =	sld [smem:$0x7FB]  }
0x1ba: {  	[sflag:s8] =	ssyncset.done $0x0  }
0x1bb: {  	[sflag:s8] =	ssyncadd.s32 $0xFFFFD000  }
0x1bc: {  	[hbm4b:s14+s4] =	stream.linear.scatter [tilespmem:s7], [sflag:$0xA], $0x3000, $0x38;
	[tilespmem:$0x1CF00] =	vst v63  }
0x1bd: {  	_ =	swait.ge [sflag:s8], $0x3000  }
0x1be: {  	s15 =	sld [smem:$0x7F5]  }
0x1bf: {  	[sflag:s8] =	ssyncset.done $0x0  }
0x1c0: {  	[sflag:s8] =	ssyncadd.s32 $0xFFFFD000  }
0x1c1: {  	[tilespmem:s16], [sflag:$0xA] =	stream.linear.gather [spmem:s15], $0x3000, $0x38;
	[tilespmem:$0x1CF00] =	vst v63  }
0x1c2: {  	_ =	swait.ge [sflag:s8], $0x3000  }
0x1c3: {  	s17 =	sld [smem:$0x7FC]  }
0x1c4: {  	[sflag:s8] =	ssyncset.done $0x0  }
0x1c5: {  	[sflag:s8] =	ssyncadd.s32 $0xFFFFD000  }
0x1c6: {  	[hbm4b:s17+s4] =	stream.linear.scatter [tilespmem:s16], [sflag:$0xA], $0x3000, $0x38;
	[tilespmem:$0x1CF00] =	vst v63  }
0x1c7: {  	_ =	swait.ge [sflag:s8], $0x3000  }
0x1c8: {  	s21 =	sld [smem:$0x7F6]  }
0x1c9: {  	[sflag:s8] =	ssyncset.done $0x0  }
0x1ca: {  	[sflag:s8] =	ssyncadd.s32 $0xFFFFD000  }
0x1cb: {  	[tilespmem:s19], [sflag:$0xA] =	stream.linear.gather [spmem:s21], $0x1800, $0x38;
	[tilespmem:$0x1CF00] =	vst v63  }
0x1cc: {  	_ =	swait.ge [sflag:s8], $0x1800  }
0x1cd: {  	s23 =	sld [smem:$0x7FD]  }
0x1ce: {  	[sflag:s8] =	ssyncset.done $0x0  }
0x1cf: {  	[sflag:s8] =	ssyncadd.s32 $0xFFFFE800  }
0x1d0: {  	[hbm4b:s23+s4] =	stream.linear.scatter [tilespmem:s19], [sflag:$0xA], $0x1800, $0x38;
	[tilespmem:$0x1CF00] =	vst v63  }
0x1d1: {  	_ =	swait.ge [sflag:s8], $0x1800  }
0x1d2: {  	s6 =	sld [smem:$0x7F7]  }
0x1d3: {  	[sflag:s8] =	ssyncset.done $0x0  }
0x1d4: {  	s2 =	simm.s32 @!p0 $0x13900;
	[sflag:s8] =	ssyncadd.s32 $0xFFFFE800  }
0x1d5: {  	[tilespmem:s2], [sflag:$0xA] =	stream.linear.gather @!p0 [spmem:s6], $0x800, $0x38;
	[tilespmem:$0x1CF00] =	vst v63  }
0x1d6: {  	s6 =	simm.s32 @!p0 $0xA  }
0x1d7: {  	_ =	swait.ge @!p0 [sflag:s6], $0x800  }
0x1d8: {  	[sflag:s6] =	ssyncset.done @!p0 $0x0  }
0x1d9: {  	s11 =	simm.s32 @!p0 $0x0;
	s12 =	rddreg [dreg:$0x1f];
	[sflag:s6] =	ssyncadd.s32 @!p0 $0xFFFFF800  }
0x1da: {  	[hbm4b:s12+s11] =	stream.linear.scatter @!p0 [tilespmem:s2], [sflag:$0xA], $0x800, $0x38;
	[tilespmem:$0x1CF00] =	vst v63  }
0x1db: {  	_ =	swait.ge @!p0 [sflag:s6], $0x800  }
0x1dc: {  	s24 =	sld [smem:$0x7F0]  }
0x1dd: {  	s25 =	sld [smem:$0x7F1];
	_ =	sdelay $0x1  }
0x1de: {  	s7 =	sadd.s32 $0x1, s24  }
0x1df: {  	p1 =	sne.s32 s7, s25  }
.Ltmp2:
0x1e0: {  	s0 =	simm.s32 $0x1CD00;
	s1 =	simm.s32 $0x1CA80;
	(pc) =	sbr.rel @p1 .LBB2_1-.Ltmp2, $4  }
0x1e1: {  	s14 =	simm.s32 $0x1CA00;
	s15 =	simm.s32 $0x1CC00;
	s17 =	simm.s32 $0x1CC80  }
0x1e2: {  	s21 =	simm.s32 $0x1CE00;
	s23 =	simm.s32 $0x1CD80;
	[sflag:s6] =	ssyncset.done @!p0 $0x0  }
0x1e3: {  	s11 =	simm.s32 $0x1C900;
	s12 =	simm.s32 $0x1CE80;
	[sflag:s6] =	ssyncadd.s32 @!p0 $0xFFFFF800  }
0x1e4: {  	s6 =	simm.s32 $0x1CB80;
	s24 =	simm.s32 $0x1C980;
	s25 =	simm.s32 $0x1CB00  }
0x1e5: {  	_ =	sfence.sel $0x180000  }
0x1e6: {  	[bflag:$0x0] =	sbarrier.arrive $0xFFFF  }
0x1e7: {  	_ =	strace $0x9000004A  }
0x1e8: {  	s0 =	stileid.u32;
	[bflag:$0x2] =	sbarrier.arrive $0xFFFF  }
0x1e9: {  	p0 =	sne.s32 s0, $0x0;
	s0 =	rddreg [dreg:$0x3]  }
0x1ea: {  	s0 =	sadd.s32 @!p0 $0x100000, s0  }
0x1eb: {  	[sflag:s0] =	ssyncadd.tile.s32 @!p0 $0x1;
	_ =	shalt  }
.Lfunc_end2:
_tile_overlayer_lowered:
.L_overlay_start_2:
0x1ec: {  	(tag) =	ssettag $0x2  }
0x1ed: {  	s0 =	rddreg [dreg:$0x0];
	s2 =	stileid.u32  }
0x1ee: {  	s1 =	rddreg [dreg:$0x1];
	p0 =	sne.s32 s2, $0x0  }
0x1ef: {  	s3 =	rddreg [dreg:$0x2];
	[bflag:$0x3] =	sbarrier.arrive $0xFFFF;
	s2 =	simm.s32 @!p0 $0x1C0A  }
0x1f0: {  	[timem:s3], [sflag:s2] =	dma.local @!p0 [hbm:s0], s1  }
0x1f1: {  	s0 =	simm.s32 @!p0 $0xA  }
0x1f2: {  	_ =	swait.ge @!p0 [sflag:s0], s1  }
0x1f3: {  	s1 =	ssub.s32 @!p0 $0x0, s1;
	[sflag:s0] =	ssyncset.done @!p0 $0x0  }
0x1f4: {  	[sflag:s0] =	ssyncadd.s32 @!p0 s1  }
0x1f5: {  	[bflag:$0x3] =	sbarrier.arrive $0xFFFF  }
0x1f6: {  	_ =	shalt  }

</sc_bundles>
